<compile_context>
chip_gen: v7x
topology: tpu7x:2x2x1
jax: 0.10.2.dev20260603
libtpu: 0.0.44.dev20260713+nightly
codegen_flags: <defaults>
</compile_context>

<pallas_src>
import functools

import numpy as np

import jax
import jax.numpy as jnp
from jax import lax
from jax.experimental import pallas as pl
from jax.experimental.pallas import tpu as pltpu
from jax.experimental.pallas import tpu_sc as plsc

BATCH = 16384
NF = 100
NB = 256
NI = 10
XW = 100
L = 16
CH = 4
IDX_CHUNK = 128

_REV8 = np.array(
    [int("{:08b}".format(p)[::-1], 2) for p in range(256)], dtype=np.int32)
_BITS = (128, 64, 32, 16, 8, 4, 2, 1)
_REVB = tuple(int(_REV8[b]) for b in _BITS)
_REVC = tuple(int(_REV8[b - 1]) for b in _BITS)


def _search8(tbl_ref, base, v, need_idx):
    ridx = jnp.zeros((L,), jnp.int32)
    idx = jnp.zeros((L,), jnp.int32) if need_idx else None
    for k in range(8):
        e = plsc.load_gather(tbl_ref, [ridx | (base + _REVC[k])])
        acc = v >= e
        ridx = jnp.where(acc, ridx | _REVB[k], ridx)
        if need_idx:
            idx = jnp.where(acc, idx | _BITS[k], idx)
    return ridx, idx


def _sc_body(x_h, edges_h, scores_h, pair_h, tbl_h, pli_h, pri_h, bias_h,
             out_h,
             x_v, edges_v, scores_v, pair_v, pli_v, pri_v, bias_v,
             acc_v, idx_v, vals_v, sem, gsem):
    info = plsc.get_sparse_core_info()
    nc, ns = info.num_cores, info.num_subcores
    nw = nc * ns
    rw = BATCH // nw
    wid = lax.axis_index("s") * nc + lax.axis_index("c")
    base_row = wid * rw

    p1_copies = [
        pltpu.make_async_copy(x_h.at[pl.ds(base_row * XW, rw * XW)], x_v, sem),
        pltpu.make_async_copy(pair_h, pair_v, sem),
        pltpu.make_async_copy(pli_h, pli_v, sem),
        pltpu.make_async_copy(pri_h, pri_v, sem),
    ]
    p2_copies = [
        pltpu.make_async_copy(edges_h, edges_v, gsem),
        pltpu.make_async_copy(scores_h, scores_v, gsem),
        pltpu.make_async_copy(bias_h, bias_v, gsem),
    ]
    for cp in p1_copies + p2_copies:
        cp.start()
    for cp in p1_copies:
        cp.wait()

    iota = lax.iota(jnp.int32, L)
    pliv = pli_v[...]
    priv = pri_v[...]

    def rowoffs_for(b0):
        return [(b0 + j * L) * XW + iota * XW for j in range(CH)]

    def group_inter(g, _):
        b0 = g * (CH * L)
        rowoffs = rowoffs_for(b0)

        @plsc.parallel_loop(0, NI)
        def _(i):
            pli = jnp.sum(jnp.where(iota == i, pliv, 0))
            pri = jnp.sum(jnp.where(iota == i, priv, 0))
            for j in range(CH):
                xl = plsc.load_gather(x_v, [rowoffs[j] + pli])
                xr = plsc.load_gather(x_v, [rowoffs[j] + pri])
                _, li = _search8(pair_v, (2 * i) * NB, xl, True)
                _, ri = _search8(pair_v, (2 * i + 1) * NB, xr, True)
                ci = i * (NB * NB) + li * NB + ri
                idx_v[pl.ds(i * rw + b0 + j * L, L)] = ci
        return 0

    lax.fori_loop(0, rw // (CH * L), group_inter, 0)

    for cp in p2_copies:
        cp.wait()

    nchunk = (NI * rw) // IDX_CHUNK
    copies = [
        pltpu.make_async_copy(
            tbl_h.at[idx_v.at[pl.ds(c * IDX_CHUNK, IDX_CHUNK)]],
            vals_v.at[pl.ds(c * IDX_CHUNK, IDX_CHUNK)],
            gsem,
        )
        for c in range(nchunk)
    ]
    for cp in copies:
        cp.start()

    def group_main(g, _):
        b0 = g * (CH * L)
        rowoffs = rowoffs_for(b0)

        @plsc.parallel_loop(
            0, NF, unroll=2,
            carry=tuple(jnp.zeros((L,), jnp.float32) for _ in range(CH)))
        def accs(f, accs):
            out = []
            for j in range(CH):
                xv = plsc.load_gather(x_v, [rowoffs[j] + f])
                ridx, _ = _search8(edges_v, f * NB, xv, False)
                sc = plsc.load_gather(scores_v, [ridx + f * NB])
                out.append(accs[j] + sc)
            return tuple(out)

        for j in range(CH):
            acc_v[pl.ds(b0 + j * L, L)] = accs[j]
        return 0

    lax.fori_loop(0, rw // (CH * L), group_main, 0)

    for cp in copies:
        cp.wait()

    bias_reg = bias_v[...]

    def fin(b, _):
        a = acc_v[pl.ds(b * L, L)]

        def addi(i, a):
            return a + vals_v[pl.ds(i * rw + b * L, L)]

        a = lax.fori_loop(0, NI, addi, a)
        z = a + bias_reg
        acc_v[pl.ds(b * L, L)] = 1.0 / (1.0 + jnp.exp(-z))
        return 0

    lax.fori_loop(0, rw // L, fin, 0)
    pltpu.sync_copy(acc_v, out_h.at[pl.ds(base_row, rw)])


def kernel(x, bin_edges, scores, pair_bin_edges, inter_tables, inter_pairs, bias):
    rw = BATCH // 32
    sc_call = functools.partial(
        pl.kernel,
        out_type=jax.ShapeDtypeStruct((BATCH,), jnp.float32),
        mesh=plsc.VectorSubcoreMesh(core_axis_name="c", subcore_axis_name="s"),
        compiler_params=pltpu.CompilerParams(needs_layout_passes=False),
        scratch_types=[
            pltpu.VMEM((rw * XW,), jnp.float32),
            pltpu.VMEM((NF * NB,), jnp.float32),
            pltpu.VMEM((NF * NB,), jnp.float32),
            pltpu.VMEM((NI * 2 * NB,), jnp.float32),
            pltpu.VMEM((L,), jnp.int32),
            pltpu.VMEM((L,), jnp.int32),
            pltpu.VMEM((L,), jnp.float32),
            pltpu.VMEM((rw,), jnp.float32),
            pltpu.VMEM((NI * rw,), jnp.int32),
            pltpu.VMEM((NI * rw,), jnp.float32),
            pltpu.SemaphoreType.DMA,
            pltpu.SemaphoreType.DMA,
        ],
    )(_sc_body)

    perm = jnp.asarray(_REV8)
    edges_rev = jnp.pad(bin_edges, ((0, 0), (0, 1)))[:, perm]
    scores_rev = scores[:, perm]
    pair_rev = jnp.pad(pair_bin_edges, ((0, 0), (0, 0), (0, 1)))[:, :, perm]
    pairs = inter_pairs.astype(jnp.int32)
    pli = jnp.zeros((L,), jnp.int32).at[:NI].set(pairs[:, 0])
    pri = jnp.zeros((L,), jnp.int32).at[:NI].set(pairs[:, 1])
    return sc_call(
        x.reshape(-1),
        edges_rev.reshape(-1),
        scores_rev.reshape(-1),
        pair_rev.reshape(-1),
        inter_tables.reshape(-1),
        pli,
        pri,
        jnp.broadcast_to(bias, (L,)),
    )

# --- scband reference (transcript-rebuilt; emitter-appended) ---
"""Pipeline reference for scband-ebmmodel-33200097198578 (READ-ONLY COPY).

The authoritative reference and input builder live on the scoring server;
editing this copy changes nothing except your own understanding.
"""

import jax, jax.numpy as jnp
import numpy as np

BATCH = 16384
N_FEATURES = 100
N_BINS = 255
N_INTER = 10


def _bucketize(edges, col):
    # tf.keras.layers.Discretization semantics: bucket i iff edges[i-1] <= v < edges[i]
    return jnp.searchsorted(edges, col, side='right')


def setup_inputs(seed: int = 0) -> dict:
    key = jax.random.key(seed)
    ks = jax.random.split(key, 7)
    x = jax.random.uniform(ks[0], (BATCH, N_FEATURES), dtype=jnp.float32)
    # per-feature bin edges (Discretization boundaries), sorted along bin axis
    bin_edges = jnp.sort(jax.random.uniform(ks[1], (N_FEATURES, N_BINS), dtype=jnp.float32), axis=1)
    # per-feature additive-term scores: one-hot + Dense(1, use_bias=False) == score lookup per bin
    scores = jax.random.normal(ks[2], (N_FEATURES, N_BINS + 1), dtype=jnp.float32) * 0.1
    # pair_preprocessor_ bin edges for each side of each interaction
    pair_bin_edges = jnp.sort(jax.random.uniform(ks[3], (N_INTER, 2, N_BINS), dtype=jnp.float32), axis=-1)
    # InteractionLayer lookup tables, gathered via gather_nd on (left_bin, right_bin)
    inter_tables = jax.random.normal(ks[4], (N_INTER, N_BINS + 1, N_BINS + 1), dtype=jnp.float32) * 0.05
    inter_pairs = jax.random.randint(ks[5], (N_INTER, 2), 0, N_FEATURES)
    bias = jax.random.normal(ks[6], (1,), dtype=jnp.float32)
    return {
        'x': x,
        'bin_edges': bin_edges,
        'scores': scores,
        'pair_bin_edges': pair_bin_edges,
        'inter_tables': inter_tables,
        'inter_pairs': inter_pairs,
        'bias': bias,
    }


def reference(x, bin_edges, scores, pair_bin_edges, inter_tables, inter_pairs, bias):
    F = bin_edges.shape[0]
    I = inter_tables.shape[0]
    # main-effect features: Discretization -> IntegerLookup(one_hot) -> Dense(1) == table lookup
    idx = jax.vmap(_bucketize, in_axes=(0, 1), out_axes=1)(bin_edges, x)  # [B, F] int32
    feat_contrib = scores[jnp.arange(F)[None, :], idx]                    # [B, F] gather
    # interaction terms: per-side pair_preprocessor_ bucketize, then gather_nd into 2D table
    xl = x[:, inter_pairs[:, 0]]  # [B, I]
    xr = x[:, inter_pairs[:, 1]]  # [B, I]
    li = jax.vmap(_bucketize, in_axes=(0, 1), out_axes=1)(pair_bin_edges[:, 0, :], xl)
    ri = jax.vmap(_bucketize, in_axes=(0, 1), out_axes=1)(pair_bin_edges[:, 1, :], xr)
    inter_contrib = inter_tables[jnp.arange(I)[None, :], li, ri]          # [B, I] gather_nd
    # BiasLayer: reduce_sum over concatenated per-feature outputs + bias; then sigmoid
    logits = jnp.sum(feat_contrib, axis=1) + jnp.sum(inter_contrib, axis=1) + bias[0]
    return jax.nn.sigmoid(logits)

if __name__ == "__main__":
    import jax
    _d = setup_inputs()
    print(jax.jit(kernel)(*tuple(_d.values())))

</pallas_src>

<mosaic_0001>
#map = affine_map<(d0, d1) -> (0)>
module attributes {stable_mosaic.version = 14 : i64} {
  func.func @_sc_body(%arg0: i32, %arg1: i32, %arg2: memref<1638400xf32, #tpu.memory_space<hbm>>, %arg3: memref<25600xf32, #tpu.memory_space<hbm>>, %arg4: memref<25600xf32, #tpu.memory_space<hbm>>, %arg5: memref<5120xf32, #tpu.memory_space<hbm>>, %arg6: memref<655360xf32, #tpu.memory_space<hbm>>, %arg7: memref<16xi32, #tpu.memory_space<hbm>>, %arg8: memref<16xi32, #tpu.memory_space<hbm>>, %arg9: memref<16xf32, #tpu.memory_space<hbm>>, %arg10: memref<16384xf32, #tpu.memory_space<hbm>>, %arg11: memref<51200xf32, #tpu.memory_space<vmem>>, %arg12: memref<25600xf32, #tpu.memory_space<vmem>>, %arg13: memref<25600xf32, #tpu.memory_space<vmem>>, %arg14: memref<5120xf32, #tpu.memory_space<vmem>>, %arg15: memref<16xi32, #tpu.memory_space<vmem>>, %arg16: memref<16xi32, #tpu.memory_space<vmem>>, %arg17: memref<16xf32, #tpu.memory_space<vmem>>, %arg18: memref<512xf32, #tpu.memory_space<vmem>>, %arg19: memref<5120xi32, #tpu.memory_space<vmem>>, %arg20: memref<5120xf32, #tpu.memory_space<vmem>>, %arg21: memref<!tpu.dma_semaphore, #tpu.memory_space<semaphore_mem>>, %arg22: memref<!tpu.dma_semaphore, #tpu.memory_space<semaphore_mem>>) attributes {dimension_semantics = [#tpu.dimension_semantics<core_parallel>, #tpu.dimension_semantics<subcore_parallel>], iteration_bounds = array<i64: 2, 16>, scalar_prefetch = 0 : i64, scratch_operands = 12 : i64, tpu.core_type = #tpu.core_type<sc_vector_subcore>, window_params = [{transform_indices = #map}, {transform_indices = #map}, {transform_indices = #map}, {transform_indices = #map}, {transform_indices = #map}, {transform_indices = #map}, {transform_indices = #map}, {transform_indices = #map}, {transform_indices = #map}]} {
    %mul3A = arith.constant 2 : i32
    %mul3A_0 = arith.muli %arg1, %mul3A : i32
    %add3A = arith.addi %mul3A_0, %arg0 : i32
    %mul3A_1 = arith.constant 512 : i32
    %mul3A_2 = arith.muli %add3A, %mul3A_1 : i32
    %mul3A_3 = arith.constant 100 : i32
    %mul3A_4 = arith.muli %mul3A_2, %mul3A_3 : i32
    %dma_start3A = tpu.memref_slice %arg2[%mul3A_4] : memref<1638400xf32, #tpu.memory_space<hbm>> -> memref<51200xf32, #tpu.memory_space<hbm>>
    %dma_start3A_5 = tpu.memref_slice %arg2[%mul3A_4] : memref<1638400xf32, #tpu.memory_space<hbm>> -> memref<51200xf32, #tpu.memory_space<hbm>>
    tpu.enqueue_dma source(%dma_start3A_5 : memref<51200xf32, #tpu.memory_space<hbm>>) target(%arg11 : memref<51200xf32, #tpu.memory_space<vmem>>) target_semaphore(%arg21 : memref<!tpu.dma_semaphore, #tpu.memory_space<semaphore_mem>>)
    tpu.enqueue_dma source(%arg5 : memref<5120xf32, #tpu.memory_space<hbm>>) target(%arg14 : memref<5120xf32, #tpu.memory_space<vmem>>) target_semaphore(%arg21 : memref<!tpu.dma_semaphore, #tpu.memory_space<semaphore_mem>>)
    tpu.enqueue_dma source(%arg7 : memref<16xi32, #tpu.memory_space<hbm>>) target(%arg15 : memref<16xi32, #tpu.memory_space<vmem>>) target_semaphore(%arg21 : memref<!tpu.dma_semaphore, #tpu.memory_space<semaphore_mem>>)
    tpu.enqueue_dma source(%arg8 : memref<16xi32, #tpu.memory_space<hbm>>) target(%arg16 : memref<16xi32, #tpu.memory_space<vmem>>) target_semaphore(%arg21 : memref<!tpu.dma_semaphore, #tpu.memory_space<semaphore_mem>>)
    tpu.enqueue_dma source(%arg3 : memref<25600xf32, #tpu.memory_space<hbm>>) target(%arg12 : memref<25600xf32, #tpu.memory_space<vmem>>) target_semaphore(%arg22 : memref<!tpu.dma_semaphore, #tpu.memory_space<semaphore_mem>>)
    tpu.enqueue_dma source(%arg4 : memref<25600xf32, #tpu.memory_space<hbm>>) target(%arg13 : memref<25600xf32, #tpu.memory_space<vmem>>) target_semaphore(%arg22 : memref<!tpu.dma_semaphore, #tpu.memory_space<semaphore_mem>>)
    tpu.enqueue_dma source(%arg9 : memref<16xf32, #tpu.memory_space<hbm>>) target(%arg17 : memref<16xf32, #tpu.memory_space<vmem>>) target_semaphore(%arg22 : memref<!tpu.dma_semaphore, #tpu.memory_space<semaphore_mem>>)
    %dma_wait3A = tpu.memref_slice %arg2[%mul3A_4] : memref<1638400xf32, #tpu.memory_space<hbm>> -> memref<51200xf32, #tpu.memory_space<hbm>>
    %dma_wait3A_6 = tpu.memref_slice %arg2[%mul3A_4] : memref<1638400xf32, #tpu.memory_space<hbm>> -> memref<51200xf32, #tpu.memory_space<hbm>>
    tpu.wait_dma2 semaphore(%arg21 : memref<!tpu.dma_semaphore, #tpu.memory_space<semaphore_mem>>) src(%dma_wait3A_6 : memref<51200xf32, #tpu.memory_space<hbm>>) dst(%arg11 : memref<51200xf32, #tpu.memory_space<vmem>>)
    tpu.wait_dma2 semaphore(%arg21 : memref<!tpu.dma_semaphore, #tpu.memory_space<semaphore_mem>>) src(%arg5 : memref<5120xf32, #tpu.memory_space<hbm>>) dst(%arg14 : memref<5120xf32, #tpu.memory_space<vmem>>)
    tpu.wait_dma2 semaphore(%arg21 : memref<!tpu.dma_semaphore, #tpu.memory_space<semaphore_mem>>) src(%arg7 : memref<16xi32, #tpu.memory_space<hbm>>) dst(%arg15 : memref<16xi32, #tpu.memory_space<vmem>>)
    tpu.wait_dma2 semaphore(%arg21 : memref<!tpu.dma_semaphore, #tpu.memory_space<semaphore_mem>>) src(%arg8 : memref<16xi32, #tpu.memory_space<hbm>>) dst(%arg16 : memref<16xi32, #tpu.memory_space<vmem>>)
    %iota3A = tpu.iota {dimensions = array<i32: 0>} : vector<16xi32>
    %get3A = arith.constant 0 : index
    %get3A_7 = tpu.vector_load %arg15[%get3A] {strides = array<i32>} : memref<16xi32, #tpu.memory_space<vmem>>, vector<16xi32>,
    %get3A_8 = arith.constant 0 : index
    %get3A_9 = tpu.vector_load %arg16[%get3A_8] {strides = array<i32>} : memref<16xi32, #tpu.memory_space<vmem>>, vector<16xi32>,
    %scan3A = arith.constant 0 : i32
    %scan3A_10 = arith.constant 0 : i32
    %scan3A_11 = arith.constant 8 : i32
    %scan3A_12 = arith.addi %scan3A_10, %scan3A_11 : i32
    %scan3A_13 = arith.constant 1 : i32
    %scan3A_14 = scf.for %scan3A_512 = %scan3A_10 to %scan3A_12 step %scan3A_13 iter_args(%scan3A_513 = %scan3A) -> (i32)  : i32 {
      %mul3A_514 = arith.constant 64 : i32
      %mul3A_515 = arith.muli %scan3A_512, %mul3A_514 : i32
      %add3A_516 = arith.constant 0 : i32
      %add3A_517 = arith.addi %mul3A_515, %add3A_516 : i32
      %mul3A_518 = arith.constant 100 : i32
      %mul3A_519 = arith.muli %add3A_517, %mul3A_518 : i32
      %mul3A_520 = arith.constant 100 : i32
      %mul3A_521 = vector.broadcast %mul3A_520 : i32 to vector<16xi32>
      %mul3A_522 = arith.muli %iota3A, %mul3A_521 : vector<16xi32>
      %add3A_523 = vector.broadcast %mul3A_519 : i32 to vector<16xi32>
      %add3A_524 = arith.addi %add3A_523, %mul3A_522 : vector<16xi32>
      %add3A_525 = arith.constant 16 : i32
      %add3A_526 = arith.addi %mul3A_515, %add3A_525 : i32
      %mul3A_527 = arith.constant 100 : i32
      %mul3A_528 = arith.muli %add3A_526, %mul3A_527 : i32
      %mul3A_529 = arith.constant 100 : i32
      %mul3A_530 = vector.broadcast %mul3A_529 : i32 to vector<16xi32>
      %mul3A_531 = arith.muli %iota3A, %mul3A_530 : vector<16xi32>
      %add3A_532 = vector.broadcast %mul3A_528 : i32 to vector<16xi32>
      %add3A_533 = arith.addi %add3A_532, %mul3A_531 : vector<16xi32>
      %add3A_534 = arith.constant 32 : i32
      %add3A_535 = arith.addi %mul3A_515, %add3A_534 : i32
      %mul3A_536 = arith.constant 100 : i32
      %mul3A_537 = arith.muli %add3A_535, %mul3A_536 : i32
      %mul3A_538 = arith.constant 100 : i32
      %mul3A_539 = vector.broadcast %mul3A_538 : i32 to vector<16xi32>
      %mul3A_540 = arith.muli %iota3A, %mul3A_539 : vector<16xi32>
      %add3A_541 = vector.broadcast %mul3A_537 : i32 to vector<16xi32>
      %add3A_542 = arith.addi %add3A_541, %mul3A_540 : vector<16xi32>
      %add3A_543 = arith.constant 48 : i32
      %add3A_544 = arith.addi %mul3A_515, %add3A_543 : i32
      %mul3A_545 = arith.constant 100 : i32
      %mul3A_546 = arith.muli %add3A_544, %mul3A_545 : i32
      %mul3A_547 = arith.constant 100 : i32
      %mul3A_548 = vector.broadcast %mul3A_547 : i32 to vector<16xi32>
      %mul3A_549 = arith.muli %iota3A, %mul3A_548 : vector<16xi32>
      %add3A_550 = vector.broadcast %mul3A_546 : i32 to vector<16xi32>
      %add3A_551 = arith.addi %add3A_550, %mul3A_549 : vector<16xi32>
      %parallel_loop3A = arith.constant 0 : i32
      %parallel_loop3A_552 = arith.constant 10 : i32
      %parallel_loop3A_553 = arith.constant 1 : i32
      scf.for %parallel_loop3A_555 = %parallel_loop3A to %parallel_loop3A_552 step %parallel_loop3A_553  : i32 {
        %parallel_loop3A_556 = vector.broadcast %parallel_loop3A_555 : i32 to vector<16xi32>
        %parallel_loop3A_557 = arith.cmpi eq, %iota3A, %parallel_loop3A_556 : vector<16xi32>
        %parallel_loop3A_558 = arith.constant 0 : i32
        %parallel_loop3A_559 = vector.broadcast %parallel_loop3A_558 : i32 to vector<16xi32>
        %parallel_loop3A_560 = arith.select %parallel_loop3A_557, %get3A_7, %parallel_loop3A_559 : vector<16xi1>, vector<16xi32>
        %parallel_loop3A_561 = arith.constant true
        %parallel_loop3A_562 = vector.broadcast %parallel_loop3A_561 : i1 to vector<16xi1>
        %parallel_loop3A_563 = tpu.scan <sum>, %parallel_loop3A_560 masked %parallel_loop3A_562 : vector<16xi32>, vector<16xi1> -> vector<16xi32>
        %parallel_loop3A_564 = vector.extract %parallel_loop3A_563[15] : i32 from vector<16xi32>
        %parallel_loop3A_565 = vector.broadcast %parallel_loop3A_555 : i32 to vector<16xi32>
        %parallel_loop3A_566 = arith.cmpi eq, %iota3A, %parallel_loop3A_565 : vector<16xi32>
        %parallel_loop3A_567 = arith.constant 0 : i32
        %parallel_loop3A_568 = vector.broadcast %parallel_loop3A_567 : i32 to vector<16xi32>
        %parallel_loop3A_569 = arith.select %parallel_loop3A_566, %get3A_9, %parallel_loop3A_568 : vector<16xi1>, vector<16xi32>
        %parallel_loop3A_570 = arith.constant true
        %parallel_loop3A_571 = vector.broadcast %parallel_loop3A_570 : i1 to vector<16xi1>
        %parallel_loop3A_572 = tpu.scan <sum>, %parallel_loop3A_569 masked %parallel_loop3A_571 : vector<16xi32>, vector<16xi1> -> vector<16xi32>
        %parallel_loop3A_573 = vector.extract %parallel_loop3A_572[15] : i32 from vector<16xi32>
        %parallel_loop3A_574 = vector.broadcast %parallel_loop3A_564 : i32 to vector<16xi32>
        %parallel_loop3A_575 = arith.addi %add3A_524, %parallel_loop3A_574 : vector<16xi32>
        %parallel_loop3A_576 = tpu.vector_load_idx %arg11[%parallel_loop3A_575] : memref<51200xf32, #tpu.memory_space<vmem>>[vector<16xi32>], vector<16xf32>,
        %parallel_loop3A_577 = vector.broadcast %parallel_loop3A_573 : i32 to vector<16xi32>
        %parallel_loop3A_578 = arith.addi %add3A_524, %parallel_loop3A_577 : vector<16xi32>
        %parallel_loop3A_579 = tpu.vector_load_idx %arg11[%parallel_loop3A_578] : memref<51200xf32, #tpu.memory_space<vmem>>[vector<16xi32>], vector<16xf32>,
        %parallel_loop3A_580 = arith.constant 2 : i32
        %parallel_loop3A_581 = arith.muli %parallel_loop3A_580, %parallel_loop3A_555 : i32
        %parallel_loop3A_582 = arith.constant 256 : i32
        %parallel_loop3A_583 = arith.muli %parallel_loop3A_581, %parallel_loop3A_582 : i32
        %parallel_loop3A_584 = arith.constant 0 : i32
        %parallel_loop3A_585 = vector.broadcast %parallel_loop3A_584 : i32 to vector<16xi32>
        %parallel_loop3A_586 = arith.constant 0 : i32
        %parallel_loop3A_587 = vector.broadcast %parallel_loop3A_586 : i32 to vector<16xi32>
        %parallel_loop3A_588 = arith.constant 254 : i32
        %parallel_loop3A_589 = arith.addi %parallel_loop3A_583, %parallel_loop3A_588 : i32
        %parallel_loop3A_590 = vector.broadcast %parallel_loop3A_589 : i32 to vector<16xi32>
        %parallel_loop3A_591 = arith.ori %parallel_loop3A_585, %parallel_loop3A_590 : vector<16xi32>
        %parallel_loop3A_592 = tpu.vector_load_idx %arg14[%parallel_loop3A_591] : memref<5120xf32, #tpu.memory_space<vmem>>[vector<16xi32>], vector<16xf32>,
        %parallel_loop3A_593 = arith.cmpf oge, %parallel_loop3A_576, %parallel_loop3A_592 : vector<16xf32>
        %parallel_loop3A_594 = arith.constant 1 : i32
        %parallel_loop3A_595 = vector.broadcast %parallel_loop3A_594 : i32 to vector<16xi32>
        %parallel_loop3A_596 = arith.ori %parallel_loop3A_585, %parallel_loop3A_595 : vector<16xi32>
        %parallel_loop3A_597 = arith.select %parallel_loop3A_593, %parallel_loop3A_596, %parallel_loop3A_585 : vector<16xi1>, vector<16xi32>
        %parallel_loop3A_598 = arith.constant 128 : i32
        %parallel_loop3A_599 = vector.broadcast %parallel_loop3A_598 : i32 to vector<16xi32>
        %parallel_loop3A_600 = arith.ori %parallel_loop3A_587, %parallel_loop3A_599 : vector<16xi32>
        %parallel_loop3A_601 = arith.select %parallel_loop3A_593, %parallel_loop3A_600, %parallel_loop3A_587 : vector<16xi1>, vector<16xi32>
        %parallel_loop3A_602 = arith.constant 252 : i32
        %parallel_loop3A_603 = arith.addi %parallel_loop3A_583, %parallel_loop3A_602 : i32
        %parallel_loop3A_604 = vector.broadcast %parallel_loop3A_603 : i32 to vector<16xi32>
        %parallel_loop3A_605 = arith.ori %parallel_loop3A_597, %parallel_loop3A_604 : vector<16xi32>
        %parallel_loop3A_606 = tpu.vector_load_idx %arg14[%parallel_loop3A_605] : memref<5120xf32, #tpu.memory_space<vmem>>[vector<16xi32>], vector<16xf32>,
        %parallel_loop3A_607 = arith.cmpf oge, %parallel_loop3A_576, %parallel_loop3A_606 : vector<16xf32>
        %parallel_loop3A_608 = arith.constant 2 : i32
        %parallel_loop3A_609 = vector.broadcast %parallel_loop3A_608 : i32 to vector<16xi32>
        %parallel_loop3A_610 = arith.ori %parallel_loop3A_597, %parallel_loop3A_609 : vector<16xi32>
        %parallel_loop3A_611 = arith.select %parallel_loop3A_607, %parallel_loop3A_610, %parallel_loop3A_597 : vector<16xi1>, vector<16xi32>
        %parallel_loop3A_612 = arith.constant 64 : i32
        %parallel_loop3A_613 = vector.broadcast %parallel_loop3A_612 : i32 to vector<16xi32>
        %parallel_loop3A_614 = arith.ori %parallel_loop3A_601, %parallel_loop3A_613 : vector<16xi32>
        %parallel_loop3A_615 = arith.select %parallel_loop3A_607, %parallel_loop3A_614, %parallel_loop3A_601 : vector<16xi1>, vector<16xi32>
        %parallel_loop3A_616 = arith.constant 248 : i32
        %parallel_loop3A_617 = arith.addi %parallel_loop3A_583, %parallel_loop3A_616 : i32
        %parallel_loop3A_618 = vector.broadcast %parallel_loop3A_617 : i32 to vector<16xi32>
        %parallel_loop3A_619 = arith.ori %parallel_loop3A_611, %parallel_loop3A_618 : vector<16xi32>
        %parallel_loop3A_620 = tpu.vector_load_idx %arg14[%parallel_loop3A_619] : memref<5120xf32, #tpu.memory_space<vmem>>[vector<16xi32>], vector<16xf32>,
        %parallel_loop3A_621 = arith.cmpf oge, %parallel_loop3A_576, %parallel_loop3A_620 : vector<16xf32>
        %parallel_loop3A_622 = arith.constant 4 : i32
        %parallel_loop3A_623 = vector.broadcast %parallel_loop3A_622 : i32 to vector<16xi32>
        %parallel_loop3A_624 = arith.ori %parallel_loop3A_611, %parallel_loop3A_623 : vector<16xi32>
        %parallel_loop3A_625 = arith.select %parallel_loop3A_621, %parallel_loop3A_624, %parallel_loop3A_611 : vector<16xi1>, vector<16xi32>
        %parallel_loop3A_626 = arith.constant 32 : i32
        %parallel_loop3A_627 = vector.broadcast %parallel_loop3A_626 : i32 to vector<16xi32>
        %parallel_loop3A_628 = arith.ori %parallel_loop3A_615, %parallel_loop3A_627 : vector<16xi32>
        %parallel_loop3A_629 = arith.select %parallel_loop3A_621, %parallel_loop3A_628, %parallel_loop3A_615 : vector<16xi1>, vector<16xi32>
        %parallel_loop3A_630 = arith.constant 240 : i32
        %parallel_loop3A_631 = arith.addi %parallel_loop3A_583, %parallel_loop3A_630 : i32
        %parallel_loop3A_632 = vector.broadcast %parallel_loop3A_631 : i32 to vector<16xi32>
        %parallel_loop3A_633 = arith.ori %parallel_loop3A_625, %parallel_loop3A_632 : vector<16xi32>
        %parallel_loop3A_634 = tpu.vector_load_idx %arg14[%parallel_loop3A_633] : memref<5120xf32, #tpu.memory_space<vmem>>[vector<16xi32>], vector<16xf32>,
        %parallel_loop3A_635 = arith.cmpf oge, %parallel_loop3A_576, %parallel_loop3A_634 : vector<16xf32>
        %parallel_loop3A_636 = arith.constant 8 : i32
        %parallel_loop3A_637 = vector.broadcast %parallel_loop3A_636 : i32 to vector<16xi32>
        %parallel_loop3A_638 = arith.ori %parallel_loop3A_625, %parallel_loop3A_637 : vector<16xi32>
        %parallel_loop3A_639 = arith.select %parallel_loop3A_635, %parallel_loop3A_638, %parallel_loop3A_625 : vector<16xi1>, vector<16xi32>
        %parallel_loop3A_640 = arith.constant 16 : i32
        %parallel_loop3A_641 = vector.broadcast %parallel_loop3A_640 : i32 to vector<16xi32>
        %parallel_loop3A_642 = arith.ori %parallel_loop3A_629, %parallel_loop3A_641 : vector<16xi32>
        %parallel_loop3A_643 = arith.select %parallel_loop3A_635, %parallel_loop3A_642, %parallel_loop3A_629 : vector<16xi1>, vector<16xi32>
        %parallel_loop3A_644 = arith.constant 224 : i32
        %parallel_loop3A_645 = arith.addi %parallel_loop3A_583, %parallel_loop3A_644 : i32
        %parallel_loop3A_646 = vector.broadcast %parallel_loop3A_645 : i32 to vector<16xi32>
        %parallel_loop3A_647 = arith.ori %parallel_loop3A_639, %parallel_loop3A_646 : vector<16xi32>
        %parallel_loop3A_648 = tpu.vector_load_idx %arg14[%parallel_loop3A_647] : memref<5120xf32, #tpu.memory_space<vmem>>[vector<16xi32>], vector<16xf32>,
        %parallel_loop3A_649 = arith.cmpf oge, %parallel_loop3A_576, %parallel_loop3A_648 : vector<16xf32>
        %parallel_loop3A_650 = arith.constant 16 : i32
        %parallel_loop3A_651 = vector.broadcast %parallel_loop3A_650 : i32 to vector<16xi32>
        %parallel_loop3A_652 = arith.ori %parallel_loop3A_639, %parallel_loop3A_651 : vector<16xi32>
        %parallel_loop3A_653 = arith.select %parallel_loop3A_649, %parallel_loop3A_652, %parallel_loop3A_639 : vector<16xi1>, vector<16xi32>
        %parallel_loop3A_654 = arith.constant 8 : i32
        %parallel_loop3A_655 = vector.broadcast %parallel_loop3A_654 : i32 to vector<16xi32>
        %parallel_loop3A_656 = arith.ori %parallel_loop3A_643, %parallel_loop3A_655 : vector<16xi32>
        %parallel_loop3A_657 = arith.select %parallel_loop3A_649, %parallel_loop3A_656, %parallel_loop3A_643 : vector<16xi1>, vector<16xi32>
        %parallel_loop3A_658 = arith.constant 192 : i32
        %parallel_loop3A_659 = arith.addi %parallel_loop3A_583, %parallel_loop3A_658 : i32
        %parallel_loop3A_660 = vector.broadcast %parallel_loop3A_659 : i32 to vector<16xi32>
        %parallel_loop3A_661 = arith.ori %parallel_loop3A_653, %parallel_loop3A_660 : vector<16xi32>
        %parallel_loop3A_662 = tpu.vector_load_idx %arg14[%parallel_loop3A_661] : memref<5120xf32, #tpu.memory_space<vmem>>[vector<16xi32>], vector<16xf32>,
        %parallel_loop3A_663 = arith.cmpf oge, %parallel_loop3A_576, %parallel_loop3A_662 : vector<16xf32>
        %parallel_loop3A_664 = arith.constant 32 : i32
        %parallel_loop3A_665 = vector.broadcast %parallel_loop3A_664 : i32 to vector<16xi32>
        %parallel_loop3A_666 = arith.ori %parallel_loop3A_653, %parallel_loop3A_665 : vector<16xi32>
        %parallel_loop3A_667 = arith.select %parallel_loop3A_663, %parallel_loop3A_666, %parallel_loop3A_653 : vector<16xi1>, vector<16xi32>
        %parallel_loop3A_668 = arith.constant 4 : i32
        %parallel_loop3A_669 = vector.broadcast %parallel_loop3A_668 : i32 to vector<16xi32>
        %parallel_loop3A_670 = arith.ori %parallel_loop3A_657, %parallel_loop3A_669 : vector<16xi32>
        %parallel_loop3A_671 = arith.select %parallel_loop3A_663, %parallel_loop3A_670, %parallel_loop3A_657 : vector<16xi1>, vector<16xi32>
        %parallel_loop3A_672 = arith.constant 128 : i32
        %parallel_loop3A_673 = arith.addi %parallel_loop3A_583, %parallel_loop3A_672 : i32
        %parallel_loop3A_674 = vector.broadcast %parallel_loop3A_673 : i32 to vector<16xi32>
        %parallel_loop3A_675 = arith.ori %parallel_loop3A_667, %parallel_loop3A_674 : vector<16xi32>
        %parallel_loop3A_676 = tpu.vector_load_idx %arg14[%parallel_loop3A_675] : memref<5120xf32, #tpu.memory_space<vmem>>[vector<16xi32>], vector<16xf32>,
        %parallel_loop3A_677 = arith.cmpf oge, %parallel_loop3A_576, %parallel_loop3A_676 : vector<16xf32>
        %parallel_loop3A_678 = arith.constant 64 : i32
        %parallel_loop3A_679 = vector.broadcast %parallel_loop3A_678 : i32 to vector<16xi32>
        %parallel_loop3A_680 = arith.ori %parallel_loop3A_667, %parallel_loop3A_679 : vector<16xi32>
        %parallel_loop3A_681 = arith.select %parallel_loop3A_677, %parallel_loop3A_680, %parallel_loop3A_667 : vector<16xi1>, vector<16xi32>
        %parallel_loop3A_682 = arith.constant 2 : i32
        %parallel_loop3A_683 = vector.broadcast %parallel_loop3A_682 : i32 to vector<16xi32>
        %parallel_loop3A_684 = arith.ori %parallel_loop3A_671, %parallel_loop3A_683 : vector<16xi32>
        %parallel_loop3A_685 = arith.select %parallel_loop3A_677, %parallel_loop3A_684, %parallel_loop3A_671 : vector<16xi1>, vector<16xi32>
        %parallel_loop3A_686 = arith.constant 0 : i32
        %parallel_loop3A_687 = arith.addi %parallel_loop3A_583, %parallel_loop3A_686 : i32
        %parallel_loop3A_688 = vector.broadcast %parallel_loop3A_687 : i32 to vector<16xi32>
        %parallel_loop3A_689 = arith.ori %parallel_loop3A_681, %parallel_loop3A_688 : vector<16xi32>
        %parallel_loop3A_690 = tpu.vector_load_idx %arg14[%parallel_loop3A_689] : memref<5120xf32, #tpu.memory_space<vmem>>[vector<16xi32>], vector<16xf32>,
        %parallel_loop3A_691 = arith.cmpf oge, %parallel_loop3A_576, %parallel_loop3A_690 : vector<16xf32>
        %parallel_loop3A_692 = arith.constant 128 : i32
        %parallel_loop3A_693 = vector.broadcast %parallel_loop3A_692 : i32 to vector<16xi32>
        %parallel_loop3A_694 = arith.ori %parallel_loop3A_681, %parallel_loop3A_693 : vector<16xi32>
        %parallel_loop3A_695 = arith.select %parallel_loop3A_691, %parallel_loop3A_694, %parallel_loop3A_681 : vector<16xi1>, vector<16xi32>
        %parallel_loop3A_696 = arith.constant 1 : i32
        %parallel_loop3A_697 = vector.broadcast %parallel_loop3A_696 : i32 to vector<16xi32>
        %parallel_loop3A_698 = arith.ori %parallel_loop3A_685, %parallel_loop3A_697 : vector<16xi32>
        %parallel_loop3A_699 = arith.select %parallel_loop3A_691, %parallel_loop3A_698, %parallel_loop3A_685 : vector<16xi1>, vector<16xi32>
        %parallel_loop3A_700 = arith.constant 2 : i32
        %parallel_loop3A_701 = arith.muli %parallel_loop3A_700, %parallel_loop3A_555 : i32
        %parallel_loop3A_702 = arith.constant 1 : i32
        %parallel_loop3A_703 = arith.addi %parallel_loop3A_701, %parallel_loop3A_702 : i32
        %parallel_loop3A_704 = arith.constant 256 : i32
        %parallel_loop3A_705 = arith.muli %parallel_loop3A_703, %parallel_loop3A_704 : i32
        %parallel_loop3A_706 = arith.constant 0 : i32
        %parallel_loop3A_707 = vector.broadcast %parallel_loop3A_706 : i32 to vector<16xi32>
        %parallel_loop3A_708 = arith.constant 0 : i32
        %parallel_loop3A_709 = vector.broadcast %parallel_loop3A_708 : i32 to vector<16xi32>
        %parallel_loop3A_710 = arith.constant 254 : i32
        %parallel_loop3A_711 = arith.addi %parallel_loop3A_705, %parallel_loop3A_710 : i32
        %parallel_loop3A_712 = vector.broadcast %parallel_loop3A_711 : i32 to vector<16xi32>
        %parallel_loop3A_713 = arith.ori %parallel_loop3A_707, %parallel_loop3A_712 : vector<16xi32>
        %parallel_loop3A_714 = tpu.vector_load_idx %arg14[%parallel_loop3A_713] : memref<5120xf32, #tpu.memory_space<vmem>>[vector<16xi32>], vector<16xf32>,
        %parallel_loop3A_715 = arith.cmpf oge, %parallel_loop3A_579, %parallel_loop3A_714 : vector<16xf32>
        %parallel_loop3A_716 = arith.constant 1 : i32
        %parallel_loop3A_717 = vector.broadcast %parallel_loop3A_716 : i32 to vector<16xi32>
        %parallel_loop3A_718 = arith.ori %parallel_loop3A_707, %parallel_loop3A_717 : vector<16xi32>
        %parallel_loop3A_719 = arith.select %parallel_loop3A_715, %parallel_loop3A_718, %parallel_loop3A_707 : vector<16xi1>, vector<16xi32>
        %parallel_loop3A_720 = arith.constant 128 : i32
        %parallel_loop3A_721 = vector.broadcast %parallel_loop3A_720 : i32 to vector<16xi32>
        %parallel_loop3A_722 = arith.ori %parallel_loop3A_709, %parallel_loop3A_721 : vector<16xi32>
        %parallel_loop3A_723 = arith.select %parallel_loop3A_715, %parallel_loop3A_722, %parallel_loop3A_709 : vector<16xi1>, vector<16xi32>
        %parallel_loop3A_724 = arith.constant 252 : i32
        %parallel_loop3A_725 = arith.addi %parallel_loop3A_705, %parallel_loop3A_724 : i32
        %parallel_loop3A_726 = vector.broadcast %parallel_loop3A_725 : i32 to vector<16xi32>
        %parallel_loop3A_727 = arith.ori %parallel_loop3A_719, %parallel_loop3A_726 : vector<16xi32>
        %parallel_loop3A_728 = tpu.vector_load_idx %arg14[%parallel_loop3A_727] : memref<5120xf32, #tpu.memory_space<vmem>>[vector<16xi32>], vector<16xf32>,
        %parallel_loop3A_729 = arith.cmpf oge, %parallel_loop3A_579, %parallel_loop3A_728 : vector<16xf32>
        %parallel_loop3A_730 = arith.constant 2 : i32
        %parallel_loop3A_731 = vector.broadcast %parallel_loop3A_730 : i32 to vector<16xi32>
        %parallel_loop3A_732 = arith.ori %parallel_loop3A_719, %parallel_loop3A_731 : vector<16xi32>
        %parallel_loop3A_733 = arith.select %parallel_loop3A_729, %parallel_loop3A_732, %parallel_loop3A_719 : vector<16xi1>, vector<16xi32>
        %parallel_loop3A_734 = arith.constant 64 : i32
        %parallel_loop3A_735 = vector.broadcast %parallel_loop3A_734 : i32 to vector<16xi32>
        %parallel_loop3A_736 = arith.ori %parallel_loop3A_723, %parallel_loop3A_735 : vector<16xi32>
        %parallel_loop3A_737 = arith.select %parallel_loop3A_729, %parallel_loop3A_736, %parallel_loop3A_723 : vector<16xi1>, vector<16xi32>
        %parallel_loop3A_738 = arith.constant 248 : i32
        %parallel_loop3A_739 = arith.addi %parallel_loop3A_705, %parallel_loop3A_738 : i32
        %parallel_loop3A_740 = vector.broadcast %parallel_loop3A_739 : i32 to vector<16xi32>
        %parallel_loop3A_741 = arith.ori %parallel_loop3A_733, %parallel_loop3A_740 : vector<16xi32>
        %parallel_loop3A_742 = tpu.vector_load_idx %arg14[%parallel_loop3A_741] : memref<5120xf32, #tpu.memory_space<vmem>>[vector<16xi32>], vector<16xf32>,
        %parallel_loop3A_743 = arith.cmpf oge, %parallel_loop3A_579, %parallel_loop3A_742 : vector<16xf32>
        %parallel_loop3A_744 = arith.constant 4 : i32
        %parallel_loop3A_745 = vector.broadcast %parallel_loop3A_744 : i32 to vector<16xi32>
        %parallel_loop3A_746 = arith.ori %parallel_loop3A_733, %parallel_loop3A_745 : vector<16xi32>
        %parallel_loop3A_747 = arith.select %parallel_loop3A_743, %parallel_loop3A_746, %parallel_loop3A_733 : vector<16xi1>, vector<16xi32>
        %parallel_loop3A_748 = arith.constant 32 : i32
        %parallel_loop3A_749 = vector.broadcast %parallel_loop3A_748 : i32 to vector<16xi32>
        %parallel_loop3A_750 = arith.ori %parallel_loop3A_737, %parallel_loop3A_749 : vector<16xi32>
        %parallel_loop3A_751 = arith.select %parallel_loop3A_743, %parallel_loop3A_750, %parallel_loop3A_737 : vector<16xi1>, vector<16xi32>
        %parallel_loop3A_752 = arith.constant 240 : i32
        %parallel_loop3A_753 = arith.addi %parallel_loop3A_705, %parallel_loop3A_752 : i32
        %parallel_loop3A_754 = vector.broadcast %parallel_loop3A_753 : i32 to vector<16xi32>
        %parallel_loop3A_755 = arith.ori %parallel_loop3A_747, %parallel_loop3A_754 : vector<16xi32>
        %parallel_loop3A_756 = tpu.vector_load_idx %arg14[%parallel_loop3A_755] : memref<5120xf32, #tpu.memory_space<vmem>>[vector<16xi32>], vector<16xf32>,
        %parallel_loop3A_757 = arith.cmpf oge, %parallel_loop3A_579, %parallel_loop3A_756 : vector<16xf32>
        %parallel_loop3A_758 = arith.constant 8 : i32
        %parallel_loop3A_759 = vector.broadcast %parallel_loop3A_758 : i32 to vector<16xi32>
        %parallel_loop3A_760 = arith.ori %parallel_loop3A_747, %parallel_loop3A_759 : vector<16xi32>
        %parallel_loop3A_761 = arith.select %parallel_loop3A_757, %parallel_loop3A_760, %parallel_loop3A_747 : vector<16xi1>, vector<16xi32>
        %parallel_loop3A_762 = arith.constant 16 : i32
        %parallel_loop3A_763 = vector.broadcast %parallel_loop3A_762 : i32 to vector<16xi32>
        %parallel_loop3A_764 = arith.ori %parallel_loop3A_751, %parallel_loop3A_763 : vector<16xi32>
        %parallel_loop3A_765 = arith.select %parallel_loop3A_757, %parallel_loop3A_764, %parallel_loop3A_751 : vector<16xi1>, vector<16xi32>
        %parallel_loop3A_766 = arith.constant 224 : i32
        %parallel_loop3A_767 = arith.addi %parallel_loop3A_705, %parallel_loop3A_766 : i32
        %parallel_loop3A_768 = vector.broadcast %parallel_loop3A_767 : i32 to vector<16xi32>
        %parallel_loop3A_769 = arith.ori %parallel_loop3A_761, %parallel_loop3A_768 : vector<16xi32>
        %parallel_loop3A_770 = tpu.vector_load_idx %arg14[%parallel_loop3A_769] : memref<5120xf32, #tpu.memory_space<vmem>>[vector<16xi32>], vector<16xf32>,
        %parallel_loop3A_771 = arith.cmpf oge, %parallel_loop3A_579, %parallel_loop3A_770 : vector<16xf32>
        %parallel_loop3A_772 = arith.constant 16 : i32
        %parallel_loop3A_773 = vector.broadcast %parallel_loop3A_772 : i32 to vector<16xi32>
        %parallel_loop3A_774 = arith.ori %parallel_loop3A_761, %parallel_loop3A_773 : vector<16xi32>
        %parallel_loop3A_775 = arith.select %parallel_loop3A_771, %parallel_loop3A_774, %parallel_loop3A_761 : vector<16xi1>, vector<16xi32>
        %parallel_loop3A_776 = arith.constant 8 : i32
        %parallel_loop3A_777 = vector.broadcast %parallel_loop3A_776 : i32 to vector<16xi32>
        %parallel_loop3A_778 = arith.ori %parallel_loop3A_765, %parallel_loop3A_777 : vector<16xi32>
        %parallel_loop3A_779 = arith.select %parallel_loop3A_771, %parallel_loop3A_778, %parallel_loop3A_765 : vector<16xi1>, vector<16xi32>
        %parallel_loop3A_780 = arith.constant 192 : i32
        %parallel_loop3A_781 = arith.addi %parallel_loop3A_705, %parallel_loop3A_780 : i32
        %parallel_loop3A_782 = vector.broadcast %parallel_loop3A_781 : i32 to vector<16xi32>
        %parallel_loop3A_783 = arith.ori %parallel_loop3A_775, %parallel_loop3A_782 : vector<16xi32>
        %parallel_loop3A_784 = tpu.vector_load_idx %arg14[%parallel_loop3A_783] : memref<5120xf32, #tpu.memory_space<vmem>>[vector<16xi32>], vector<16xf32>,
        %parallel_loop3A_785 = arith.cmpf oge, %parallel_loop3A_579, %parallel_loop3A_784 : vector<16xf32>
        %parallel_loop3A_786 = arith.constant 32 : i32
        %parallel_loop3A_787 = vector.broadcast %parallel_loop3A_786 : i32 to vector<16xi32>
        %parallel_loop3A_788 = arith.ori %parallel_loop3A_775, %parallel_loop3A_787 : vector<16xi32>
        %parallel_loop3A_789 = arith.select %parallel_loop3A_785, %parallel_loop3A_788, %parallel_loop3A_775 : vector<16xi1>, vector<16xi32>
        %parallel_loop3A_790 = arith.constant 4 : i32
        %parallel_loop3A_791 = vector.broadcast %parallel_loop3A_790 : i32 to vector<16xi32>
        %parallel_loop3A_792 = arith.ori %parallel_loop3A_779, %parallel_loop3A_791 : vector<16xi32>
        %parallel_loop3A_793 = arith.select %parallel_loop3A_785, %parallel_loop3A_792, %parallel_loop3A_779 : vector<16xi1>, vector<16xi32>
        %parallel_loop3A_794 = arith.constant 128 : i32
        %parallel_loop3A_795 = arith.addi %parallel_loop3A_705, %parallel_loop3A_794 : i32
        %parallel_loop3A_796 = vector.broadcast %parallel_loop3A_795 : i32 to vector<16xi32>
        %parallel_loop3A_797 = arith.ori %parallel_loop3A_789, %parallel_loop3A_796 : vector<16xi32>
        %parallel_loop3A_798 = tpu.vector_load_idx %arg14[%parallel_loop3A_797] : memref<5120xf32, #tpu.memory_space<vmem>>[vector<16xi32>], vector<16xf32>,
        %parallel_loop3A_799 = arith.cmpf oge, %parallel_loop3A_579, %parallel_loop3A_798 : vector<16xf32>
        %parallel_loop3A_800 = arith.constant 64 : i32
        %parallel_loop3A_801 = vector.broadcast %parallel_loop3A_800 : i32 to vector<16xi32>
        %parallel_loop3A_802 = arith.ori %parallel_loop3A_789, %parallel_loop3A_801 : vector<16xi32>
        %parallel_loop3A_803 = arith.select %parallel_loop3A_799, %parallel_loop3A_802, %parallel_loop3A_789 : vector<16xi1>, vector<16xi32>
        %parallel_loop3A_804 = arith.constant 2 : i32
        %parallel_loop3A_805 = vector.broadcast %parallel_loop3A_804 : i32 to vector<16xi32>
        %parallel_loop3A_806 = arith.ori %parallel_loop3A_793, %parallel_loop3A_805 : vector<16xi32>
        %parallel_loop3A_807 = arith.select %parallel_loop3A_799, %parallel_loop3A_806, %parallel_loop3A_793 : vector<16xi1>, vector<16xi32>
        %parallel_loop3A_808 = arith.constant 0 : i32
        %parallel_loop3A_809 = arith.addi %parallel_loop3A_705, %parallel_loop3A_808 : i32
        %parallel_loop3A_810 = vector.broadcast %parallel_loop3A_809 : i32 to vector<16xi32>
        %parallel_loop3A_811 = arith.ori %parallel_loop3A_803, %parallel_loop3A_810 : vector<16xi32>
        %parallel_loop3A_812 = tpu.vector_load_idx %arg14[%parallel_loop3A_811] : memref<5120xf32, #tpu.memory_space<vmem>>[vector<16xi32>], vector<16xf32>,
        %parallel_loop3A_813 = arith.cmpf oge, %parallel_loop3A_579, %parallel_loop3A_812 : vector<16xf32>
        %parallel_loop3A_814 = arith.constant 128 : i32
        %parallel_loop3A_815 = vector.broadcast %parallel_loop3A_814 : i32 to vector<16xi32>
        %parallel_loop3A_816 = arith.ori %parallel_loop3A_803, %parallel_loop3A_815 : vector<16xi32>
        %parallel_loop3A_817 = arith.select %parallel_loop3A_813, %parallel_loop3A_816, %parallel_loop3A_803 : vector<16xi1>, vector<16xi32>
        %parallel_loop3A_818 = arith.constant 1 : i32
        %parallel_loop3A_819 = vector.broadcast %parallel_loop3A_818 : i32 to vector<16xi32>
        %parallel_loop3A_820 = arith.ori %parallel_loop3A_807, %parallel_loop3A_819 : vector<16xi32>
        %parallel_loop3A_821 = arith.select %parallel_loop3A_813, %parallel_loop3A_820, %parallel_loop3A_807 : vector<16xi1>, vector<16xi32>
        %parallel_loop3A_822 = arith.constant 65536 : i32
        %parallel_loop3A_823 = arith.muli %parallel_loop3A_555, %parallel_loop3A_822 : i32
        %parallel_loop3A_824 = arith.constant 256 : i32
        %parallel_loop3A_825 = vector.broadcast %parallel_loop3A_824 : i32 to vector<16xi32>
        %parallel_loop3A_826 = arith.muli %parallel_loop3A_699, %parallel_loop3A_825 : vector<16xi32>
        %parallel_loop3A_827 = vector.broadcast %parallel_loop3A_823 : i32 to vector<16xi32>
        %parallel_loop3A_828 = arith.addi %parallel_loop3A_827, %parallel_loop3A_826 : vector<16xi32>
        %parallel_loop3A_829 = arith.addi %parallel_loop3A_828, %parallel_loop3A_821 : vector<16xi32>
        %parallel_loop3A_830 = arith.constant 512 : i32
        %parallel_loop3A_831 = arith.muli %parallel_loop3A_555, %parallel_loop3A_830 : i32
        %parallel_loop3A_832 = arith.addi %parallel_loop3A_831, %mul3A_515 : i32
        %parallel_loop3A_833 = arith.constant 0 : i32
        %parallel_loop3A_834 = arith.addi %parallel_loop3A_832, %parallel_loop3A_833 : i32
        %parallel_loop3A_835 = arith.index_cast %parallel_loop3A_834 : i32 to index
        %parallel_loop3A_836 = tpu.vector_load %arg19[%parallel_loop3A_835] {strides = array<i32>} : memref<5120xi32, #tpu.memory_space<vmem>>, vector<16xi32>,
        tpu.vector_store %arg19[%parallel_loop3A_835], %parallel_loop3A_829 {strides = array<i32>} : memref<5120xi32, #tpu.memory_space<vmem>>, vector<16xi32>,
        %parallel_loop3A_837 = vector.broadcast %parallel_loop3A_564 : i32 to vector<16xi32>
        %parallel_loop3A_838 = arith.addi %add3A_533, %parallel_loop3A_837 : vector<16xi32>
        %parallel_loop3A_839 = tpu.vector_load_idx %arg11[%parallel_loop3A_838] : memref<51200xf32, #tpu.memory_space<vmem>>[vector<16xi32>], vector<16xf32>,
        %parallel_loop3A_840 = vector.broadcast %parallel_loop3A_573 : i32 to vector<16xi32>
        %parallel_loop3A_841 = arith.addi %add3A_533, %parallel_loop3A_840 : vector<16xi32>
        %parallel_loop3A_842 = tpu.vector_load_idx %arg11[%parallel_loop3A_841] : memref<51200xf32, #tpu.memory_space<vmem>>[vector<16xi32>], vector<16xf32>,
        %parallel_loop3A_843 = arith.constant 2 : i32
        %parallel_loop3A_844 = arith.muli %parallel_loop3A_843, %parallel_loop3A_555 : i32
        %parallel_loop3A_845 = arith.constant 256 : i32
        %parallel_loop3A_846 = arith.muli %parallel_loop3A_844, %parallel_loop3A_845 : i32
        %parallel_loop3A_847 = arith.constant 0 : i32
        %parallel_loop3A_848 = vector.broadcast %parallel_loop3A_847 : i32 to vector<16xi32>
        %parallel_loop3A_849 = arith.constant 0 : i32
        %parallel_loop3A_850 = vector.broadcast %parallel_loop3A_849 : i32 to vector<16xi32>
        %parallel_loop3A_851 = arith.constant 254 : i32
        %parallel_loop3A_852 = arith.addi %parallel_loop3A_846, %parallel_loop3A_851 : i32
        %parallel_loop3A_853 = vector.broadcast %parallel_loop3A_852 : i32 to vector<16xi32>
        %parallel_loop3A_854 = arith.ori %parallel_loop3A_848, %parallel_loop3A_853 : vector<16xi32>
        %parallel_loop3A_855 = tpu.vector_load_idx %arg14[%parallel_loop3A_854] : memref<5120xf32, #tpu.memory_space<vmem>>[vector<16xi32>], vector<16xf32>,
        %parallel_loop3A_856 = arith.cmpf oge, %parallel_loop3A_839, %parallel_loop3A_855 : vector<16xf32>
        %parallel_loop3A_857 = arith.constant 1 : i32
        %parallel_loop3A_858 = vector.broadcast %parallel_loop3A_857 : i32 to vector<16xi32>
        %parallel_loop3A_859 = arith.ori %parallel_loop3A_848, %parallel_loop3A_858 : vector<16xi32>
        %parallel_loop3A_860 = arith.select %parallel_loop3A_856, %parallel_loop3A_859, %parallel_loop3A_848 : vector<16xi1>, vector<16xi32>
        %parallel_loop3A_861 = arith.constant 128 : i32
        %parallel_loop3A_862 = vector.broadcast %parallel_loop3A_861 : i32 to vector<16xi32>
        %parallel_loop3A_863 = arith.ori %parallel_loop3A_850, %parallel_loop3A_862 : vector<16xi32>
        %parallel_loop3A_864 = arith.select %parallel_loop3A_856, %parallel_loop3A_863, %parallel_loop3A_850 : vector<16xi1>, vector<16xi32>
        %parallel_loop3A_865 = arith.constant 252 : i32
        %parallel_loop3A_866 = arith.addi %parallel_loop3A_846, %parallel_loop3A_865 : i32
        %parallel_loop3A_867 = vector.broadcast %parallel_loop3A_866 : i32 to vector<16xi32>
        %parallel_loop3A_868 = arith.ori %parallel_loop3A_860, %parallel_loop3A_867 : vector<16xi32>
        %parallel_loop3A_869 = tpu.vector_load_idx %arg14[%parallel_loop3A_868] : memref<5120xf32, #tpu.memory_space<vmem>>[vector<16xi32>], vector<16xf32>,
        %parallel_loop3A_870 = arith.cmpf oge, %parallel_loop3A_839, %parallel_loop3A_869 : vector<16xf32>
        %parallel_loop3A_871 = arith.constant 2 : i32
        %parallel_loop3A_872 = vector.broadcast %parallel_loop3A_871 : i32 to vector<16xi32>
        %parallel_loop3A_873 = arith.ori %parallel_loop3A_860, %parallel_loop3A_872 : vector<16xi32>
        %parallel_loop3A_874 = arith.select %parallel_loop3A_870, %parallel_loop3A_873, %parallel_loop3A_860 : vector<16xi1>, vector<16xi32>
        %parallel_loop3A_875 = arith.constant 64 : i32
        %parallel_loop3A_876 = vector.broadcast %parallel_loop3A_875 : i32 to vector<16xi32>
        %parallel_loop3A_877 = arith.ori %parallel_loop3A_864, %parallel_loop3A_876 : vector<16xi32>
        %parallel_loop3A_878 = arith.select %parallel_loop3A_870, %parallel_loop3A_877, %parallel_loop3A_864 : vector<16xi1>, vector<16xi32>
        %parallel_loop3A_879 = arith.constant 248 : i32
        %parallel_loop3A_880 = arith.addi %parallel_loop3A_846, %parallel_loop3A_879 : i32
        %parallel_loop3A_881 = vector.broadcast %parallel_loop3A_880 : i32 to vector<16xi32>
        %parallel_loop3A_882 = arith.ori %parallel_loop3A_874, %parallel_loop3A_881 : vector<16xi32>
        %parallel_loop3A_883 = tpu.vector_load_idx %arg14[%parallel_loop3A_882] : memref<5120xf32, #tpu.memory_space<vmem>>[vector<16xi32>], vector<16xf32>,
        %parallel_loop3A_884 = arith.cmpf oge, %parallel_loop3A_839, %parallel_loop3A_883 : vector<16xf32>
        %parallel_loop3A_885 = arith.constant 4 : i32
        %parallel_loop3A_886 = vector.broadcast %parallel_loop3A_885 : i32 to vector<16xi32>
        %parallel_loop3A_887 = arith.ori %parallel_loop3A_874, %parallel_loop3A_886 : vector<16xi32>
        %parallel_loop3A_888 = arith.select %parallel_loop3A_884, %parallel_loop3A_887, %parallel_loop3A_874 : vector<16xi1>, vector<16xi32>
        %parallel_loop3A_889 = arith.constant 32 : i32
        %parallel_loop3A_890 = vector.broadcast %parallel_loop3A_889 : i32 to vector<16xi32>
        %parallel_loop3A_891 = arith.ori %parallel_loop3A_878, %parallel_loop3A_890 : vector<16xi32>
        %parallel_loop3A_892 = arith.select %parallel_loop3A_884, %parallel_loop3A_891, %parallel_loop3A_878 : vector<16xi1>, vector<16xi32>
        %parallel_loop3A_893 = arith.constant 240 : i32
        %parallel_loop3A_894 = arith.addi %parallel_loop3A_846, %parallel_loop3A_893 : i32
        %parallel_loop3A_895 = vector.broadcast %parallel_loop3A_894 : i32 to vector<16xi32>
        %parallel_loop3A_896 = arith.ori %parallel_loop3A_888, %parallel_loop3A_895 : vector<16xi32>
        %parallel_loop3A_897 = tpu.vector_load_idx %arg14[%parallel_loop3A_896] : memref<5120xf32, #tpu.memory_space<vmem>>[vector<16xi32>], vector<16xf32>,
        %parallel_loop3A_898 = arith.cmpf oge, %parallel_loop3A_839, %parallel_loop3A_897 : vector<16xf32>
        %parallel_loop3A_899 = arith.constant 8 : i32
        %parallel_loop3A_900 = vector.broadcast %parallel_loop3A_899 : i32 to vector<16xi32>
        %parallel_loop3A_901 = arith.ori %parallel_loop3A_888, %parallel_loop3A_900 : vector<16xi32>
        %parallel_loop3A_902 = arith.select %parallel_loop3A_898, %parallel_loop3A_901, %parallel_loop3A_888 : vector<16xi1>, vector<16xi32>
        %parallel_loop3A_903 = arith.constant 16 : i32
        %parallel_loop3A_904 = vector.broadcast %parallel_loop3A_903 : i32 to vector<16xi32>
        %parallel_loop3A_905 = arith.ori %parallel_loop3A_892, %parallel_loop3A_904 : vector<16xi32>
        %parallel_loop3A_906 = arith.select %parallel_loop3A_898, %parallel_loop3A_905, %parallel_loop3A_892 : vector<16xi1>, vector<16xi32>
        %parallel_loop3A_907 = arith.constant 224 : i32
        %parallel_loop3A_908 = arith.addi %parallel_loop3A_846, %parallel_loop3A_907 : i32
        %parallel_loop3A_909 = vector.broadcast %parallel_loop3A_908 : i32 to vector<16xi32>
        %parallel_loop3A_910 = arith.ori %parallel_loop3A_902, %parallel_loop3A_909 : vector<16xi32>
        %parallel_loop3A_911 = tpu.vector_load_idx %arg14[%parallel_loop3A_910] : memref<5120xf32, #tpu.memory_space<vmem>>[vector<16xi32>], vector<16xf32>,
        %parallel_loop3A_912 = arith.cmpf oge, %parallel_loop3A_839, %parallel_loop3A_911 : vector<16xf32>
        %parallel_loop3A_913 = arith.constant 16 : i32
        %parallel_loop3A_914 = vector.broadcast %parallel_loop3A_913 : i32 to vector<16xi32>
        %parallel_loop3A_915 = arith.ori %parallel_loop3A_902, %parallel_loop3A_914 : vector<16xi32>
        %parallel_loop3A_916 = arith.select %parallel_loop3A_912, %parallel_loop3A_915, %parallel_loop3A_902 : vector<16xi1>, vector<16xi32>
        %parallel_loop3A_917 = arith.constant 8 : i32
        %parallel_loop3A_918 = vector.broadcast %parallel_loop3A_917 : i32 to vector<16xi32>
        %parallel_loop3A_919 = arith.ori %parallel_loop3A_906, %parallel_loop3A_918 : vector<16xi32>
        %parallel_loop3A_920 = arith.select %parallel_loop3A_912, %parallel_loop3A_919, %parallel_loop3A_906 : vector<16xi1>, vector<16xi32>
        %parallel_loop3A_921 = arith.constant 192 : i32
        %parallel_loop3A_922 = arith.addi %parallel_loop3A_846, %parallel_loop3A_921 : i32
        %parallel_loop3A_923 = vector.broadcast %parallel_loop3A_922 : i32 to vector<16xi32>
        %parallel_loop3A_924 = arith.ori %parallel_loop3A_916, %parallel_loop3A_923 : vector<16xi32>
        %parallel_loop3A_925 = tpu.vector_load_idx %arg14[%parallel_loop3A_924] : memref<5120xf32, #tpu.memory_space<vmem>>[vector<16xi32>], vector<16xf32>,
        %parallel_loop3A_926 = arith.cmpf oge, %parallel_loop3A_839, %parallel_loop3A_925 : vector<16xf32>
        %parallel_loop3A_927 = arith.constant 32 : i32
        %parallel_loop3A_928 = vector.broadcast %parallel_loop3A_927 : i32 to vector<16xi32>
        %parallel_loop3A_929 = arith.ori %parallel_loop3A_916, %parallel_loop3A_928 : vector<16xi32>
        %parallel_loop3A_930 = arith.select %parallel_loop3A_926, %parallel_loop3A_929, %parallel_loop3A_916 : vector<16xi1>, vector<16xi32>
        %parallel_loop3A_931 = arith.constant 4 : i32
        %parallel_loop3A_932 = vector.broadcast %parallel_loop3A_931 : i32 to vector<16xi32>
        %parallel_loop3A_933 = arith.ori %parallel_loop3A_920, %parallel_loop3A_932 : vector<16xi32>
        %parallel_loop3A_934 = arith.select %parallel_loop3A_926, %parallel_loop3A_933, %parallel_loop3A_920 : vector<16xi1>, vector<16xi32>
        %parallel_loop3A_935 = arith.constant 128 : i32
        %parallel_loop3A_936 = arith.addi %parallel_loop3A_846, %parallel_loop3A_935 : i32
        %parallel_loop3A_937 = vector.broadcast %parallel_loop3A_936 : i32 to vector<16xi32>
        %parallel_loop3A_938 = arith.ori %parallel_loop3A_930, %parallel_loop3A_937 : vector<16xi32>
        %parallel_loop3A_939 = tpu.vector_load_idx %arg14[%parallel_loop3A_938] : memref<5120xf32, #tpu.memory_space<vmem>>[vector<16xi32>], vector<16xf32>,
        %parallel_loop3A_940 = arith.cmpf oge, %parallel_loop3A_839, %parallel_loop3A_939 : vector<16xf32>
        %parallel_loop3A_941 = arith.constant 64 : i32
        %parallel_loop3A_942 = vector.broadcast %parallel_loop3A_941 : i32 to vector<16xi32>
        %parallel_loop3A_943 = arith.ori %parallel_loop3A_930, %parallel_loop3A_942 : vector<16xi32>
        %parallel_loop3A_944 = arith.select %parallel_loop3A_940, %parallel_loop3A_943, %parallel_loop3A_930 : vector<16xi1>, vector<16xi32>
        %parallel_loop3A_945 = arith.constant 2 : i32
        %parallel_loop3A_946 = vector.broadcast %parallel_loop3A_945 : i32 to vector<16xi32>
        %parallel_loop3A_947 = arith.ori %parallel_loop3A_934, %parallel_loop3A_946 : vector<16xi32>
        %parallel_loop3A_948 = arith.select %parallel_loop3A_940, %parallel_loop3A_947, %parallel_loop3A_934 : vector<16xi1>, vector<16xi32>
        %parallel_loop3A_949 = arith.constant 0 : i32
        %parallel_loop3A_950 = arith.addi %parallel_loop3A_846, %parallel_loop3A_949 : i32
        %parallel_loop3A_951 = vector.broadcast %parallel_loop3A_950 : i32 to vector<16xi32>
        %parallel_loop3A_952 = arith.ori %parallel_loop3A_944, %parallel_loop3A_951 : vector<16xi32>
        %parallel_loop3A_953 = tpu.vector_load_idx %arg14[%parallel_loop3A_952] : memref<5120xf32, #tpu.memory_space<vmem>>[vector<16xi32>], vector<16xf32>,
        %parallel_loop3A_954 = arith.cmpf oge, %parallel_loop3A_839, %parallel_loop3A_953 : vector<16xf32>
        %parallel_loop3A_955 = arith.constant 128 : i32
        %parallel_loop3A_956 = vector.broadcast %parallel_loop3A_955 : i32 to vector<16xi32>
        %parallel_loop3A_957 = arith.ori %parallel_loop3A_944, %parallel_loop3A_956 : vector<16xi32>
        %parallel_loop3A_958 = arith.select %parallel_loop3A_954, %parallel_loop3A_957, %parallel_loop3A_944 : vector<16xi1>, vector<16xi32>
        %parallel_loop3A_959 = arith.constant 1 : i32
        %parallel_loop3A_960 = vector.broadcast %parallel_loop3A_959 : i32 to vector<16xi32>
        %parallel_loop3A_961 = arith.ori %parallel_loop3A_948, %parallel_loop3A_960 : vector<16xi32>
        %parallel_loop3A_962 = arith.select %parallel_loop3A_954, %parallel_loop3A_961, %parallel_loop3A_948 : vector<16xi1>, vector<16xi32>
        %parallel_loop3A_963 = arith.constant 2 : i32
        %parallel_loop3A_964 = arith.muli %parallel_loop3A_963, %parallel_loop3A_555 : i32
        %parallel_loop3A_965 = arith.constant 1 : i32
        %parallel_loop3A_966 = arith.addi %parallel_loop3A_964, %parallel_loop3A_965 : i32
        %parallel_loop3A_967 = arith.constant 256 : i32
        %parallel_loop3A_968 = arith.muli %parallel_loop3A_966, %parallel_loop3A_967 : i32
        %parallel_loop3A_969 = arith.constant 0 : i32
        %parallel_loop3A_970 = vector.broadcast %parallel_loop3A_969 : i32 to vector<16xi32>
        %parallel_loop3A_971 = arith.constant 0 : i32
        %parallel_loop3A_972 = vector.broadcast %parallel_loop3A_971 : i32 to vector<16xi32>
        %parallel_loop3A_973 = arith.constant 254 : i32
        %parallel_loop3A_974 = arith.addi %parallel_loop3A_968, %parallel_loop3A_973 : i32
        %parallel_loop3A_975 = vector.broadcast %parallel_loop3A_974 : i32 to vector<16xi32>
        %parallel_loop3A_976 = arith.ori %parallel_loop3A_970, %parallel_loop3A_975 : vector<16xi32>
        %parallel_loop3A_977 = tpu.vector_load_idx %arg14[%parallel_loop3A_976] : memref<5120xf32, #tpu.memory_space<vmem>>[vector<16xi32>], vector<16xf32>,
        %parallel_loop3A_978 = arith.cmpf oge, %parallel_loop3A_842, %parallel_loop3A_977 : vector<16xf32>
        %parallel_loop3A_979 = arith.constant 1 : i32
        %parallel_loop3A_980 = vector.broadcast %parallel_loop3A_979 : i32 to vector<16xi32>
        %parallel_loop3A_981 = arith.ori %parallel_loop3A_970, %parallel_loop3A_980 : vector<16xi32>
        %parallel_loop3A_982 = arith.select %parallel_loop3A_978, %parallel_loop3A_981, %parallel_loop3A_970 : vector<16xi1>, vector<16xi32>
        %parallel_loop3A_983 = arith.constant 128 : i32
        %parallel_loop3A_984 = vector.broadcast %parallel_loop3A_983 : i32 to vector<16xi32>
        %parallel_loop3A_985 = arith.ori %parallel_loop3A_972, %parallel_loop3A_984 : vector<16xi32>
        %parallel_loop3A_986 = arith.select %parallel_loop3A_978, %parallel_loop3A_985, %parallel_loop3A_972 : vector<16xi1>, vector<16xi32>
        %parallel_loop3A_987 = arith.constant 252 : i32
        %parallel_loop3A_988 = arith.addi %parallel_loop3A_968, %parallel_loop3A_987 : i32
        %parallel_loop3A_989 = vector.broadcast %parallel_loop3A_988 : i32 to vector<16xi32>
        %parallel_loop3A_990 = arith.ori %parallel_loop3A_982, %parallel_loop3A_989 : vector<16xi32>
        %parallel_loop3A_991 = tpu.vector_load_idx %arg14[%parallel_loop3A_990] : memref<5120xf32, #tpu.memory_space<vmem>>[vector<16xi32>], vector<16xf32>,
        %parallel_loop3A_992 = arith.cmpf oge, %parallel_loop3A_842, %parallel_loop3A_991 : vector<16xf32>
        %parallel_loop3A_993 = arith.constant 2 : i32
        %parallel_loop3A_994 = vector.broadcast %parallel_loop3A_993 : i32 to vector<16xi32>
        %parallel_loop3A_995 = arith.ori %parallel_loop3A_982, %parallel_loop3A_994 : vector<16xi32>
        %parallel_loop3A_996 = arith.select %parallel_loop3A_992, %parallel_loop3A_995, %parallel_loop3A_982 : vector<16xi1>, vector<16xi32>
        %parallel_loop3A_997 = arith.constant 64 : i32
        %parallel_loop3A_998 = vector.broadcast %parallel_loop3A_997 : i32 to vector<16xi32>
        %parallel_loop3A_999 = arith.ori %parallel_loop3A_986, %parallel_loop3A_998 : vector<16xi32>
        %parallel_loop3A_1000 = arith.select %parallel_loop3A_992, %parallel_loop3A_999, %parallel_loop3A_986 : vector<16xi1>, vector<16xi32>
        %parallel_loop3A_1001 = arith.constant 248 : i32
        %parallel_loop3A_1002 = arith.addi %parallel_loop3A_968, %parallel_loop3A_1001 : i32
        %parallel_loop3A_1003 = vector.broadcast %parallel_loop3A_1002 : i32 to vector<16xi32>
        %parallel_loop3A_1004 = arith.ori %parallel_loop3A_996, %parallel_loop3A_1003 : vector<16xi32>
        %parallel_loop3A_1005 = tpu.vector_load_idx %arg14[%parallel_loop3A_1004] : memref<5120xf32, #tpu.memory_space<vmem>>[vector<16xi32>], vector<16xf32>,
        %parallel_loop3A_1006 = arith.cmpf oge, %parallel_loop3A_842, %parallel_loop3A_1005 : vector<16xf32>
        %parallel_loop3A_1007 = arith.constant 4 : i32
        %parallel_loop3A_1008 = vector.broadcast %parallel_loop3A_1007 : i32 to vector<16xi32>
        %parallel_loop3A_1009 = arith.ori %parallel_loop3A_996, %parallel_loop3A_1008 : vector<16xi32>
        %parallel_loop3A_1010 = arith.select %parallel_loop3A_1006, %parallel_loop3A_1009, %parallel_loop3A_996 : vector<16xi1>, vector<16xi32>
        %parallel_loop3A_1011 = arith.constant 32 : i32
        %parallel_loop3A_1012 = vector.broadcast %parallel_loop3A_1011 : i32 to vector<16xi32>
        %parallel_loop3A_1013 = arith.ori %parallel_loop3A_1000, %parallel_loop3A_1012 : vector<16xi32>
        %parallel_loop3A_1014 = arith.select %parallel_loop3A_1006, %parallel_loop3A_1013, %parallel_loop3A_1000 : vector<16xi1>, vector<16xi32>
        %parallel_loop3A_1015 = arith.constant 240 : i32
        %parallel_loop3A_1016 = arith.addi %parallel_loop3A_968, %parallel_loop3A_1015 : i32
        %parallel_loop3A_1017 = vector.broadcast %parallel_loop3A_1016 : i32 to vector<16xi32>
        %parallel_loop3A_1018 = arith.ori %parallel_loop3A_1010, %parallel_loop3A_1017 : vector<16xi32>
        %parallel_loop3A_1019 = tpu.vector_load_idx %arg14[%parallel_loop3A_1018] : memref<5120xf32, #tpu.memory_space<vmem>>[vector<16xi32>], vector<16xf32>,
        %parallel_loop3A_1020 = arith.cmpf oge, %parallel_loop3A_842, %parallel_loop3A_1019 : vector<16xf32>
        %parallel_loop3A_1021 = arith.constant 8 : i32
        %parallel_loop3A_1022 = vector.broadcast %parallel_loop3A_1021 : i32 to vector<16xi32>
        %parallel_loop3A_1023 = arith.ori %parallel_loop3A_1010, %parallel_loop3A_1022 : vector<16xi32>
        %parallel_loop3A_1024 = arith.select %parallel_loop3A_1020, %parallel_loop3A_1023, %parallel_loop3A_1010 : vector<16xi1>, vector<16xi32>
        %parallel_loop3A_1025 = arith.constant 16 : i32
        %parallel_loop3A_1026 = vector.broadcast %parallel_loop3A_1025 : i32 to vector<16xi32>
        %parallel_loop3A_1027 = arith.ori %parallel_loop3A_1014, %parallel_loop3A_1026 : vector<16xi32>
        %parallel_loop3A_1028 = arith.select %parallel_loop3A_1020, %parallel_loop3A_1027, %parallel_loop3A_1014 : vector<16xi1>, vector<16xi32>
        %parallel_loop3A_1029 = arith.constant 224 : i32
        %parallel_loop3A_1030 = arith.addi %parallel_loop3A_968, %parallel_loop3A_1029 : i32
        %parallel_loop3A_1031 = vector.broadcast %parallel_loop3A_1030 : i32 to vector<16xi32>
        %parallel_loop3A_1032 = arith.ori %parallel_loop3A_1024, %parallel_loop3A_1031 : vector<16xi32>
        %parallel_loop3A_1033 = tpu.vector_load_idx %arg14[%parallel_loop3A_1032] : memref<5120xf32, #tpu.memory_space<vmem>>[vector<16xi32>], vector<16xf32>,
        %parallel_loop3A_1034 = arith.cmpf oge, %parallel_loop3A_842, %parallel_loop3A_1033 : vector<16xf32>
        %parallel_loop3A_1035 = arith.constant 16 : i32
        %parallel_loop3A_1036 = vector.broadcast %parallel_loop3A_1035 : i32 to vector<16xi32>
        %parallel_loop3A_1037 = arith.ori %parallel_loop3A_1024, %parallel_loop3A_1036 : vector<16xi32>
        %parallel_loop3A_1038 = arith.select %parallel_loop3A_1034, %parallel_loop3A_1037, %parallel_loop3A_1024 : vector<16xi1>, vector<16xi32>
        %parallel_loop3A_1039 = arith.constant 8 : i32
        %parallel_loop3A_1040 = vector.broadcast %parallel_loop3A_1039 : i32 to vector<16xi32>
        %parallel_loop3A_1041 = arith.ori %parallel_loop3A_1028, %parallel_loop3A_1040 : vector<16xi32>
        %parallel_loop3A_1042 = arith.select %parallel_loop3A_1034, %parallel_loop3A_1041, %parallel_loop3A_1028 : vector<16xi1>, vector<16xi32>
        %parallel_loop3A_1043 = arith.constant 192 : i32
        %parallel_loop3A_1044 = arith.addi %parallel_loop3A_968, %parallel_loop3A_1043 : i32
        %parallel_loop3A_1045 = vector.broadcast %parallel_loop3A_1044 : i32 to vector<16xi32>
        %parallel_loop3A_1046 = arith.ori %parallel_loop3A_1038, %parallel_loop3A_1045 : vector<16xi32>
        %parallel_loop3A_1047 = tpu.vector_load_idx %arg14[%parallel_loop3A_1046] : memref<5120xf32, #tpu.memory_space<vmem>>[vector<16xi32>], vector<16xf32>,
        %parallel_loop3A_1048 = arith.cmpf oge, %parallel_loop3A_842, %parallel_loop3A_1047 : vector<16xf32>
        %parallel_loop3A_1049 = arith.constant 32 : i32
        %parallel_loop3A_1050 = vector.broadcast %parallel_loop3A_1049 : i32 to vector<16xi32>
        %parallel_loop3A_1051 = arith.ori %parallel_loop3A_1038, %parallel_loop3A_1050 : vector<16xi32>
        %parallel_loop3A_1052 = arith.select %parallel_loop3A_1048, %parallel_loop3A_1051, %parallel_loop3A_1038 : vector<16xi1>, vector<16xi32>
        %parallel_loop3A_1053 = arith.constant 4 : i32
        %parallel_loop3A_1054 = vector.broadcast %parallel_loop3A_1053 : i32 to vector<16xi32>
        %parallel_loop3A_1055 = arith.ori %parallel_loop3A_1042, %parallel_loop3A_1054 : vector<16xi32>
        %parallel_loop3A_1056 = arith.select %parallel_loop3A_1048, %parallel_loop3A_1055, %parallel_loop3A_1042 : vector<16xi1>, vector<16xi32>
        %parallel_loop3A_1057 = arith.constant 128 : i32
        %parallel_loop3A_1058 = arith.addi %parallel_loop3A_968, %parallel_loop3A_1057 : i32
        %parallel_loop3A_1059 = vector.broadcast %parallel_loop3A_1058 : i32 to vector<16xi32>
        %parallel_loop3A_1060 = arith.ori %parallel_loop3A_1052, %parallel_loop3A_1059 : vector<16xi32>
        %parallel_loop3A_1061 = tpu.vector_load_idx %arg14[%parallel_loop3A_1060] : memref<5120xf32, #tpu.memory_space<vmem>>[vector<16xi32>], vector<16xf32>,
        %parallel_loop3A_1062 = arith.cmpf oge, %parallel_loop3A_842, %parallel_loop3A_1061 : vector<16xf32>
        %parallel_loop3A_1063 = arith.constant 64 : i32
        %parallel_loop3A_1064 = vector.broadcast %parallel_loop3A_1063 : i32 to vector<16xi32>
        %parallel_loop3A_1065 = arith.ori %parallel_loop3A_1052, %parallel_loop3A_1064 : vector<16xi32>
        %parallel_loop3A_1066 = arith.select %parallel_loop3A_1062, %parallel_loop3A_1065, %parallel_loop3A_1052 : vector<16xi1>, vector<16xi32>
        %parallel_loop3A_1067 = arith.constant 2 : i32
        %parallel_loop3A_1068 = vector.broadcast %parallel_loop3A_1067 : i32 to vector<16xi32>
        %parallel_loop3A_1069 = arith.ori %parallel_loop3A_1056, %parallel_loop3A_1068 : vector<16xi32>
        %parallel_loop3A_1070 = arith.select %parallel_loop3A_1062, %parallel_loop3A_1069, %parallel_loop3A_1056 : vector<16xi1>, vector<16xi32>
        %parallel_loop3A_1071 = arith.constant 0 : i32
        %parallel_loop3A_1072 = arith.addi %parallel_loop3A_968, %parallel_loop3A_1071 : i32
        %parallel_loop3A_1073 = vector.broadcast %parallel_loop3A_1072 : i32 to vector<16xi32>
        %parallel_loop3A_1074 = arith.ori %parallel_loop3A_1066, %parallel_loop3A_1073 : vector<16xi32>
        %parallel_loop3A_1075 = tpu.vector_load_idx %arg14[%parallel_loop3A_1074] : memref<5120xf32, #tpu.memory_space<vmem>>[vector<16xi32>], vector<16xf32>,
        %parallel_loop3A_1076 = arith.cmpf oge, %parallel_loop3A_842, %parallel_loop3A_1075 : vector<16xf32>
        %parallel_loop3A_1077 = arith.constant 128 : i32
        %parallel_loop3A_1078 = vector.broadcast %parallel_loop3A_1077 : i32 to vector<16xi32>
        %parallel_loop3A_1079 = arith.ori %parallel_loop3A_1066, %parallel_loop3A_1078 : vector<16xi32>
        %parallel_loop3A_1080 = arith.select %parallel_loop3A_1076, %parallel_loop3A_1079, %parallel_loop3A_1066 : vector<16xi1>, vector<16xi32>
        %parallel_loop3A_1081 = arith.constant 1 : i32
        %parallel_loop3A_1082 = vector.broadcast %parallel_loop3A_1081 : i32 to vector<16xi32>
        %parallel_loop3A_1083 = arith.ori %parallel_loop3A_1070, %parallel_loop3A_1082 : vector<16xi32>
        %parallel_loop3A_1084 = arith.select %parallel_loop3A_1076, %parallel_loop3A_1083, %parallel_loop3A_1070 : vector<16xi1>, vector<16xi32>
        %parallel_loop3A_1085 = arith.constant 65536 : i32
        %parallel_loop3A_1086 = arith.muli %parallel_loop3A_555, %parallel_loop3A_1085 : i32
        %parallel_loop3A_1087 = arith.constant 256 : i32
        %parallel_loop3A_1088 = vector.broadcast %parallel_loop3A_1087 : i32 to vector<16xi32>
        %parallel_loop3A_1089 = arith.muli %parallel_loop3A_962, %parallel_loop3A_1088 : vector<16xi32>
        %parallel_loop3A_1090 = vector.broadcast %parallel_loop3A_1086 : i32 to vector<16xi32>
        %parallel_loop3A_1091 = arith.addi %parallel_loop3A_1090, %parallel_loop3A_1089 : vector<16xi32>
        %parallel_loop3A_1092 = arith.addi %parallel_loop3A_1091, %parallel_loop3A_1084 : vector<16xi32>
        %parallel_loop3A_1093 = arith.constant 512 : i32
        %parallel_loop3A_1094 = arith.muli %parallel_loop3A_555, %parallel_loop3A_1093 : i32
        %parallel_loop3A_1095 = arith.addi %parallel_loop3A_1094, %mul3A_515 : i32
        %parallel_loop3A_1096 = arith.constant 16 : i32
        %parallel_loop3A_1097 = arith.addi %parallel_loop3A_1095, %parallel_loop3A_1096 : i32
        %parallel_loop3A_1098 = arith.index_cast %parallel_loop3A_1097 : i32 to index
        %parallel_loop3A_1099 = tpu.vector_load %arg19[%parallel_loop3A_1098] {strides = array<i32>} : memref<5120xi32, #tpu.memory_space<vmem>>, vector<16xi32>,
        tpu.vector_store %arg19[%parallel_loop3A_1098], %parallel_loop3A_1092 {strides = array<i32>} : memref<5120xi32, #tpu.memory_space<vmem>>, vector<16xi32>,
        %parallel_loop3A_1100 = vector.broadcast %parallel_loop3A_564 : i32 to vector<16xi32>
        %parallel_loop3A_1101 = arith.addi %add3A_542, %parallel_loop3A_1100 : vector<16xi32>
        %parallel_loop3A_1102 = tpu.vector_load_idx %arg11[%parallel_loop3A_1101] : memref<51200xf32, #tpu.memory_space<vmem>>[vector<16xi32>], vector<16xf32>,
        %parallel_loop3A_1103 = vector.broadcast %parallel_loop3A_573 : i32 to vector<16xi32>
        %parallel_loop3A_1104 = arith.addi %add3A_542, %parallel_loop3A_1103 : vector<16xi32>
        %parallel_loop3A_1105 = tpu.vector_load_idx %arg11[%parallel_loop3A_1104] : memref<51200xf32, #tpu.memory_space<vmem>>[vector<16xi32>], vector<16xf32>,
        %parallel_loop3A_1106 = arith.constant 2 : i32
        %parallel_loop3A_1107 = arith.muli %parallel_loop3A_1106, %parallel_loop3A_555 : i32
        %parallel_loop3A_1108 = arith.constant 256 : i32
        %parallel_loop3A_1109 = arith.muli %parallel_loop3A_1107, %parallel_loop3A_1108 : i32
        %parallel_loop3A_1110 = arith.constant 0 : i32
        %parallel_loop3A_1111 = vector.broadcast %parallel_loop3A_1110 : i32 to vector<16xi32>
        %parallel_loop3A_1112 = arith.constant 0 : i32
        %parallel_loop3A_1113 = vector.broadcast %parallel_loop3A_1112 : i32 to vector<16xi32>
        %parallel_loop3A_1114 = arith.constant 254 : i32
        %parallel_loop3A_1115 = arith.addi %parallel_loop3A_1109, %parallel_loop3A_1114 : i32
        %parallel_loop3A_1116 = vector.broadcast %parallel_loop3A_1115 : i32 to vector<16xi32>
        %parallel_loop3A_1117 = arith.ori %parallel_loop3A_1111, %parallel_loop3A_1116 : vector<16xi32>
        %parallel_loop3A_1118 = tpu.vector_load_idx %arg14[%parallel_loop3A_1117] : memref<5120xf32, #tpu.memory_space<vmem>>[vector<16xi32>], vector<16xf32>,
        %parallel_loop3A_1119 = arith.cmpf oge, %parallel_loop3A_1102, %parallel_loop3A_1118 : vector<16xf32>
        %parallel_loop3A_1120 = arith.constant 1 : i32
        %parallel_loop3A_1121 = vector.broadcast %parallel_loop3A_1120 : i32 to vector<16xi32>
        %parallel_loop3A_1122 = arith.ori %parallel_loop3A_1111, %parallel_loop3A_1121 : vector<16xi32>
        %parallel_loop3A_1123 = arith.select %parallel_loop3A_1119, %parallel_loop3A_1122, %parallel_loop3A_1111 : vector<16xi1>, vector<16xi32>
        %parallel_loop3A_1124 = arith.constant 128 : i32
        %parallel_loop3A_1125 = vector.broadcast %parallel_loop3A_1124 : i32 to vector<16xi32>
        %parallel_loop3A_1126 = arith.ori %parallel_loop3A_1113, %parallel_loop3A_1125 : vector<16xi32>
        %parallel_loop3A_1127 = arith.select %parallel_loop3A_1119, %parallel_loop3A_1126, %parallel_loop3A_1113 : vector<16xi1>, vector<16xi32>
        %parallel_loop3A_1128 = arith.constant 252 : i32
        %parallel_loop3A_1129 = arith.addi %parallel_loop3A_1109, %parallel_loop3A_1128 : i32
        %parallel_loop3A_1130 = vector.broadcast %parallel_loop3A_1129 : i32 to vector<16xi32>
        %parallel_loop3A_1131 = arith.ori %parallel_loop3A_1123, %parallel_loop3A_1130 : vector<16xi32>
        %parallel_loop3A_1132 = tpu.vector_load_idx %arg14[%parallel_loop3A_1131] : memref<5120xf32, #tpu.memory_space<vmem>>[vector<16xi32>], vector<16xf32>,
        %parallel_loop3A_1133 = arith.cmpf oge, %parallel_loop3A_1102, %parallel_loop3A_1132 : vector<16xf32>
        %parallel_loop3A_1134 = arith.constant 2 : i32
        %parallel_loop3A_1135 = vector.broadcast %parallel_loop3A_1134 : i32 to vector<16xi32>
        %parallel_loop3A_1136 = arith.ori %parallel_loop3A_1123, %parallel_loop3A_1135 : vector<16xi32>
        %parallel_loop3A_1137 = arith.select %parallel_loop3A_1133, %parallel_loop3A_1136, %parallel_loop3A_1123 : vector<16xi1>, vector<16xi32>
        %parallel_loop3A_1138 = arith.constant 64 : i32
        %parallel_loop3A_1139 = vector.broadcast %parallel_loop3A_1138 : i32 to vector<16xi32>
        %parallel_loop3A_1140 = arith.ori %parallel_loop3A_1127, %parallel_loop3A_1139 : vector<16xi32>
        %parallel_loop3A_1141 = arith.select %parallel_loop3A_1133, %parallel_loop3A_1140, %parallel_loop3A_1127 : vector<16xi1>, vector<16xi32>
        %parallel_loop3A_1142 = arith.constant 248 : i32
        %parallel_loop3A_1143 = arith.addi %parallel_loop3A_1109, %parallel_loop3A_1142 : i32
        %parallel_loop3A_1144 = vector.broadcast %parallel_loop3A_1143 : i32 to vector<16xi32>
        %parallel_loop3A_1145 = arith.ori %parallel_loop3A_1137, %parallel_loop3A_1144 : vector<16xi32>
        %parallel_loop3A_1146 = tpu.vector_load_idx %arg14[%parallel_loop3A_1145] : memref<5120xf32, #tpu.memory_space<vmem>>[vector<16xi32>], vector<16xf32>,
        %parallel_loop3A_1147 = arith.cmpf oge, %parallel_loop3A_1102, %parallel_loop3A_1146 : vector<16xf32>
        %parallel_loop3A_1148 = arith.constant 4 : i32
        %parallel_loop3A_1149 = vector.broadcast %parallel_loop3A_1148 : i32 to vector<16xi32>
        %parallel_loop3A_1150 = arith.ori %parallel_loop3A_1137, %parallel_loop3A_1149 : vector<16xi32>
        %parallel_loop3A_1151 = arith.select %parallel_loop3A_1147, %parallel_loop3A_1150, %parallel_loop3A_1137 : vector<16xi1>, vector<16xi32>
        %parallel_loop3A_1152 = arith.constant 32 : i32
        %parallel_loop3A_1153 = vector.broadcast %parallel_loop3A_1152 : i32 to vector<16xi32>
        %parallel_loop3A_1154 = arith.ori %parallel_loop3A_1141, %parallel_loop3A_1153 : vector<16xi32>
        %parallel_loop3A_1155 = arith.select %parallel_loop3A_1147, %parallel_loop3A_1154, %parallel_loop3A_1141 : vector<16xi1>, vector<16xi32>
        %parallel_loop3A_1156 = arith.constant 240 : i32
        %parallel_loop3A_1157 = arith.addi %parallel_loop3A_1109, %parallel_loop3A_1156 : i32
        %parallel_loop3A_1158 = vector.broadcast %parallel_loop3A_1157 : i32 to vector<16xi32>
        %parallel_loop3A_1159 = arith.ori %parallel_loop3A_1151, %parallel_loop3A_1158 : vector<16xi32>
        %parallel_loop3A_1160 = tpu.vector_load_idx %arg14[%parallel_loop3A_1159] : memref<5120xf32, #tpu.memory_space<vmem>>[vector<16xi32>], vector<16xf32>,
        %parallel_loop3A_1161 = arith.cmpf oge, %parallel_loop3A_1102, %parallel_loop3A_1160 : vector<16xf32>
        %parallel_loop3A_1162 = arith.constant 8 : i32
        %parallel_loop3A_1163 = vector.broadcast %parallel_loop3A_1162 : i32 to vector<16xi32>
        %parallel_loop3A_1164 = arith.ori %parallel_loop3A_1151, %parallel_loop3A_1163 : vector<16xi32>
        %parallel_loop3A_1165 = arith.select %parallel_loop3A_1161, %parallel_loop3A_1164, %parallel_loop3A_1151 : vector<16xi1>, vector<16xi32>
        %parallel_loop3A_1166 = arith.constant 16 : i32
        %parallel_loop3A_1167 = vector.broadcast %parallel_loop3A_1166 : i32 to vector<16xi32>
        %parallel_loop3A_1168 = arith.ori %parallel_loop3A_1155, %parallel_loop3A_1167 : vector<16xi32>
        %parallel_loop3A_1169 = arith.select %parallel_loop3A_1161, %parallel_loop3A_1168, %parallel_loop3A_1155 : vector<16xi1>, vector<16xi32>
        %parallel_loop3A_1170 = arith.constant 224 : i32
        %parallel_loop3A_1171 = arith.addi %parallel_loop3A_1109, %parallel_loop3A_1170 : i32
        %parallel_loop3A_1172 = vector.broadcast %parallel_loop3A_1171 : i32 to vector<16xi32>
        %parallel_loop3A_1173 = arith.ori %parallel_loop3A_1165, %parallel_loop3A_1172 : vector<16xi32>
        %parallel_loop3A_1174 = tpu.vector_load_idx %arg14[%parallel_loop3A_1173] : memref<5120xf32, #tpu.memory_space<vmem>>[vector<16xi32>], vector<16xf32>,
        %parallel_loop3A_1175 = arith.cmpf oge, %parallel_loop3A_1102, %parallel_loop3A_1174 : vector<16xf32>
        %parallel_loop3A_1176 = arith.constant 16 : i32
        %parallel_loop3A_1177 = vector.broadcast %parallel_loop3A_1176 : i32 to vector<16xi32>
        %parallel_loop3A_1178 = arith.ori %parallel_loop3A_1165, %parallel_loop3A_1177 : vector<16xi32>
        %parallel_loop3A_1179 = arith.select %parallel_loop3A_1175, %parallel_loop3A_1178, %parallel_loop3A_1165 : vector<16xi1>, vector<16xi32>
        %parallel_loop3A_1180 = arith.constant 8 : i32
        %parallel_loop3A_1181 = vector.broadcast %parallel_loop3A_1180 : i32 to vector<16xi32>
        %parallel_loop3A_1182 = arith.ori %parallel_loop3A_1169, %parallel_loop3A_1181 : vector<16xi32>
        %parallel_loop3A_1183 = arith.select %parallel_loop3A_1175, %parallel_loop3A_1182, %parallel_loop3A_1169 : vector<16xi1>, vector<16xi32>
        %parallel_loop3A_1184 = arith.constant 192 : i32
        %parallel_loop3A_1185 = arith.addi %parallel_loop3A_1109, %parallel_loop3A_1184 : i32
        %parallel_loop3A_1186 = vector.broadcast %parallel_loop3A_1185 : i32 to vector<16xi32>
        %parallel_loop3A_1187 = arith.ori %parallel_loop3A_1179, %parallel_loop3A_1186 : vector<16xi32>
        %parallel_loop3A_1188 = tpu.vector_load_idx %arg14[%parallel_loop3A_1187] : memref<5120xf32, #tpu.memory_space<vmem>>[vector<16xi32>], vector<16xf32>,
        %parallel_loop3A_1189 = arith.cmpf oge, %parallel_loop3A_1102, %parallel_loop3A_1188 : vector<16xf32>
        %parallel_loop3A_1190 = arith.constant 32 : i32
        %parallel_loop3A_1191 = vector.broadcast %parallel_loop3A_1190 : i32 to vector<16xi32>
        %parallel_loop3A_1192 = arith.ori %parallel_loop3A_1179, %parallel_loop3A_1191 : vector<16xi32>
        %parallel_loop3A_1193 = arith.select %parallel_loop3A_1189, %parallel_loop3A_1192, %parallel_loop3A_1179 : vector<16xi1>, vector<16xi32>
        %parallel_loop3A_1194 = arith.constant 4 : i32
        %parallel_loop3A_1195 = vector.broadcast %parallel_loop3A_1194 : i32 to vector<16xi32>
        %parallel_loop3A_1196 = arith.ori %parallel_loop3A_1183, %parallel_loop3A_1195 : vector<16xi32>
        %parallel_loop3A_1197 = arith.select %parallel_loop3A_1189, %parallel_loop3A_1196, %parallel_loop3A_1183 : vector<16xi1>, vector<16xi32>
        %parallel_loop3A_1198 = arith.constant 128 : i32
        %parallel_loop3A_1199 = arith.addi %parallel_loop3A_1109, %parallel_loop3A_1198 : i32
        %parallel_loop3A_1200 = vector.broadcast %parallel_loop3A_1199 : i32 to vector<16xi32>
        %parallel_loop3A_1201 = arith.ori %parallel_loop3A_1193, %parallel_loop3A_1200 : vector<16xi32>
        %parallel_loop3A_1202 = tpu.vector_load_idx %arg14[%parallel_loop3A_1201] : memref<5120xf32, #tpu.memory_space<vmem>>[vector<16xi32>], vector<16xf32>,
        %parallel_loop3A_1203 = arith.cmpf oge, %parallel_loop3A_1102, %parallel_loop3A_1202 : vector<16xf32>
        %parallel_loop3A_1204 = arith.constant 64 : i32
        %parallel_loop3A_1205 = vector.broadcast %parallel_loop3A_1204 : i32 to vector<16xi32>
        %parallel_loop3A_1206 = arith.ori %parallel_loop3A_1193, %parallel_loop3A_1205 : vector<16xi32>
        %parallel_loop3A_1207 = arith.select %parallel_loop3A_1203, %parallel_loop3A_1206, %parallel_loop3A_1193 : vector<16xi1>, vector<16xi32>
        %parallel_loop3A_1208 = arith.constant 2 : i32
        %parallel_loop3A_1209 = vector.broadcast %parallel_loop3A_1208 : i32 to vector<16xi32>
        %parallel_loop3A_1210 = arith.ori %parallel_loop3A_1197, %parallel_loop3A_1209 : vector<16xi32>
        %parallel_loop3A_1211 = arith.select %parallel_loop3A_1203, %parallel_loop3A_1210, %parallel_loop3A_1197 : vector<16xi1>, vector<16xi32>
        %parallel_loop3A_1212 = arith.constant 0 : i32
        %parallel_loop3A_1213 = arith.addi %parallel_loop3A_1109, %parallel_loop3A_1212 : i32
        %parallel_loop3A_1214 = vector.broadcast %parallel_loop3A_1213 : i32 to vector<16xi32>
        %parallel_loop3A_1215 = arith.ori %parallel_loop3A_1207, %parallel_loop3A_1214 : vector<16xi32>
        %parallel_loop3A_1216 = tpu.vector_load_idx %arg14[%parallel_loop3A_1215] : memref<5120xf32, #tpu.memory_space<vmem>>[vector<16xi32>], vector<16xf32>,
        %parallel_loop3A_1217 = arith.cmpf oge, %parallel_loop3A_1102, %parallel_loop3A_1216 : vector<16xf32>
        %parallel_loop3A_1218 = arith.constant 128 : i32
        %parallel_loop3A_1219 = vector.broadcast %parallel_loop3A_1218 : i32 to vector<16xi32>
        %parallel_loop3A_1220 = arith.ori %parallel_loop3A_1207, %parallel_loop3A_1219 : vector<16xi32>
        %parallel_loop3A_1221 = arith.select %parallel_loop3A_1217, %parallel_loop3A_1220, %parallel_loop3A_1207 : vector<16xi1>, vector<16xi32>
        %parallel_loop3A_1222 = arith.constant 1 : i32
        %parallel_loop3A_1223 = vector.broadcast %parallel_loop3A_1222 : i32 to vector<16xi32>
        %parallel_loop3A_1224 = arith.ori %parallel_loop3A_1211, %parallel_loop3A_1223 : vector<16xi32>
        %parallel_loop3A_1225 = arith.select %parallel_loop3A_1217, %parallel_loop3A_1224, %parallel_loop3A_1211 : vector<16xi1>, vector<16xi32>
        %parallel_loop3A_1226 = arith.constant 2 : i32
        %parallel_loop3A_1227 = arith.muli %parallel_loop3A_1226, %parallel_loop3A_555 : i32
        %parallel_loop3A_1228 = arith.constant 1 : i32
        %parallel_loop3A_1229 = arith.addi %parallel_loop3A_1227, %parallel_loop3A_1228 : i32
        %parallel_loop3A_1230 = arith.constant 256 : i32
        %parallel_loop3A_1231 = arith.muli %parallel_loop3A_1229, %parallel_loop3A_1230 : i32
        %parallel_loop3A_1232 = arith.constant 0 : i32
        %parallel_loop3A_1233 = vector.broadcast %parallel_loop3A_1232 : i32 to vector<16xi32>
        %parallel_loop3A_1234 = arith.constant 0 : i32
        %parallel_loop3A_1235 = vector.broadcast %parallel_loop3A_1234 : i32 to vector<16xi32>
        %parallel_loop3A_1236 = arith.constant 254 : i32
        %parallel_loop3A_1237 = arith.addi %parallel_loop3A_1231, %parallel_loop3A_1236 : i32
        %parallel_loop3A_1238 = vector.broadcast %parallel_loop3A_1237 : i32 to vector<16xi32>
        %parallel_loop3A_1239 = arith.ori %parallel_loop3A_1233, %parallel_loop3A_1238 : vector<16xi32>
        %parallel_loop3A_1240 = tpu.vector_load_idx %arg14[%parallel_loop3A_1239] : memref<5120xf32, #tpu.memory_space<vmem>>[vector<16xi32>], vector<16xf32>,
        %parallel_loop3A_1241 = arith.cmpf oge, %parallel_loop3A_1105, %parallel_loop3A_1240 : vector<16xf32>
        %parallel_loop3A_1242 = arith.constant 1 : i32
        %parallel_loop3A_1243 = vector.broadcast %parallel_loop3A_1242 : i32 to vector<16xi32>
        %parallel_loop3A_1244 = arith.ori %parallel_loop3A_1233, %parallel_loop3A_1243 : vector<16xi32>
        %parallel_loop3A_1245 = arith.select %parallel_loop3A_1241, %parallel_loop3A_1244, %parallel_loop3A_1233 : vector<16xi1>, vector<16xi32>
        %parallel_loop3A_1246 = arith.constant 128 : i32
        %parallel_loop3A_1247 = vector.broadcast %parallel_loop3A_1246 : i32 to vector<16xi32>
        %parallel_loop3A_1248 = arith.ori %parallel_loop3A_1235, %parallel_loop3A_1247 : vector<16xi32>
        %parallel_loop3A_1249 = arith.select %parallel_loop3A_1241, %parallel_loop3A_1248, %parallel_loop3A_1235 : vector<16xi1>, vector<16xi32>
        %parallel_loop3A_1250 = arith.constant 252 : i32
        %parallel_loop3A_1251 = arith.addi %parallel_loop3A_1231, %parallel_loop3A_1250 : i32
        %parallel_loop3A_1252 = vector.broadcast %parallel_loop3A_1251 : i32 to vector<16xi32>
        %parallel_loop3A_1253 = arith.ori %parallel_loop3A_1245, %parallel_loop3A_1252 : vector<16xi32>
        %parallel_loop3A_1254 = tpu.vector_load_idx %arg14[%parallel_loop3A_1253] : memref<5120xf32, #tpu.memory_space<vmem>>[vector<16xi32>], vector<16xf32>,
        %parallel_loop3A_1255 = arith.cmpf oge, %parallel_loop3A_1105, %parallel_loop3A_1254 : vector<16xf32>
        %parallel_loop3A_1256 = arith.constant 2 : i32
        %parallel_loop3A_1257 = vector.broadcast %parallel_loop3A_1256 : i32 to vector<16xi32>
        %parallel_loop3A_1258 = arith.ori %parallel_loop3A_1245, %parallel_loop3A_1257 : vector<16xi32>
        %parallel_loop3A_1259 = arith.select %parallel_loop3A_1255, %parallel_loop3A_1258, %parallel_loop3A_1245 : vector<16xi1>, vector<16xi32>
        %parallel_loop3A_1260 = arith.constant 64 : i32
        %parallel_loop3A_1261 = vector.broadcast %parallel_loop3A_1260 : i32 to vector<16xi32>
        %parallel_loop3A_1262 = arith.ori %parallel_loop3A_1249, %parallel_loop3A_1261 : vector<16xi32>
        %parallel_loop3A_1263 = arith.select %parallel_loop3A_1255, %parallel_loop3A_1262, %parallel_loop3A_1249 : vector<16xi1>, vector<16xi32>
        %parallel_loop3A_1264 = arith.constant 248 : i32
        %parallel_loop3A_1265 = arith.addi %parallel_loop3A_1231, %parallel_loop3A_1264 : i32
        %parallel_loop3A_1266 = vector.broadcast %parallel_loop3A_1265 : i32 to vector<16xi32>
        %parallel_loop3A_1267 = arith.ori %parallel_loop3A_1259, %parallel_loop3A_1266 : vector<16xi32>
        %parallel_loop3A_1268 = tpu.vector_load_idx %arg14[%parallel_loop3A_1267] : memref<5120xf32, #tpu.memory_space<vmem>>[vector<16xi32>], vector<16xf32>,
        %parallel_loop3A_1269 = arith.cmpf oge, %parallel_loop3A_1105, %parallel_loop3A_1268 : vector<16xf32>
        %parallel_loop3A_1270 = arith.constant 4 : i32
        %parallel_loop3A_1271 = vector.broadcast %parallel_loop3A_1270 : i32 to vector<16xi32>
        %parallel_loop3A_1272 = arith.ori %parallel_loop3A_1259, %parallel_loop3A_1271 : vector<16xi32>
        %parallel_loop3A_1273 = arith.select %parallel_loop3A_1269, %parallel_loop3A_1272, %parallel_loop3A_1259 : vector<16xi1>, vector<16xi32>
        %parallel_loop3A_1274 = arith.constant 32 : i32
        %parallel_loop3A_1275 = vector.broadcast %parallel_loop3A_1274 : i32 to vector<16xi32>
        %parallel_loop3A_1276 = arith.ori %parallel_loop3A_1263, %parallel_loop3A_1275 : vector<16xi32>
        %parallel_loop3A_1277 = arith.select %parallel_loop3A_1269, %parallel_loop3A_1276, %parallel_loop3A_1263 : vector<16xi1>, vector<16xi32>
        %parallel_loop3A_1278 = arith.constant 240 : i32
        %parallel_loop3A_1279 = arith.addi %parallel_loop3A_1231, %parallel_loop3A_1278 : i32
        %parallel_loop3A_1280 = vector.broadcast %parallel_loop3A_1279 : i32 to vector<16xi32>
        %parallel_loop3A_1281 = arith.ori %parallel_loop3A_1273, %parallel_loop3A_1280 : vector<16xi32>
        %parallel_loop3A_1282 = tpu.vector_load_idx %arg14[%parallel_loop3A_1281] : memref<5120xf32, #tpu.memory_space<vmem>>[vector<16xi32>], vector<16xf32>,
        %parallel_loop3A_1283 = arith.cmpf oge, %parallel_loop3A_1105, %parallel_loop3A_1282 : vector<16xf32>
        %parallel_loop3A_1284 = arith.constant 8 : i32
        %parallel_loop3A_1285 = vector.broadcast %parallel_loop3A_1284 : i32 to vector<16xi32>
        %parallel_loop3A_1286 = arith.ori %parallel_loop3A_1273, %parallel_loop3A_1285 : vector<16xi32>
        %parallel_loop3A_1287 = arith.select %parallel_loop3A_1283, %parallel_loop3A_1286, %parallel_loop3A_1273 : vector<16xi1>, vector<16xi32>
        %parallel_loop3A_1288 = arith.constant 16 : i32
        %parallel_loop3A_1289 = vector.broadcast %parallel_loop3A_1288 : i32 to vector<16xi32>
        %parallel_loop3A_1290 = arith.ori %parallel_loop3A_1277, %parallel_loop3A_1289 : vector<16xi32>
        %parallel_loop3A_1291 = arith.select %parallel_loop3A_1283, %parallel_loop3A_1290, %parallel_loop3A_1277 : vector<16xi1>, vector<16xi32>
        %parallel_loop3A_1292 = arith.constant 224 : i32
        %parallel_loop3A_1293 = arith.addi %parallel_loop3A_1231, %parallel_loop3A_1292 : i32
        %parallel_loop3A_1294 = vector.broadcast %parallel_loop3A_1293 : i32 to vector<16xi32>
        %parallel_loop3A_1295 = arith.ori %parallel_loop3A_1287, %parallel_loop3A_1294 : vector<16xi32>
        %parallel_loop3A_1296 = tpu.vector_load_idx %arg14[%parallel_loop3A_1295] : memref<5120xf32, #tpu.memory_space<vmem>>[vector<16xi32>], vector<16xf32>,
        %parallel_loop3A_1297 = arith.cmpf oge, %parallel_loop3A_1105, %parallel_loop3A_1296 : vector<16xf32>
        %parallel_loop3A_1298 = arith.constant 16 : i32
        %parallel_loop3A_1299 = vector.broadcast %parallel_loop3A_1298 : i32 to vector<16xi32>
        %parallel_loop3A_1300 = arith.ori %parallel_loop3A_1287, %parallel_loop3A_1299 : vector<16xi32>
        %parallel_loop3A_1301 = arith.select %parallel_loop3A_1297, %parallel_loop3A_1300, %parallel_loop3A_1287 : vector<16xi1>, vector<16xi32>
        %parallel_loop3A_1302 = arith.constant 8 : i32
        %parallel_loop3A_1303 = vector.broadcast %parallel_loop3A_1302 : i32 to vector<16xi32>
        %parallel_loop3A_1304 = arith.ori %parallel_loop3A_1291, %parallel_loop3A_1303 : vector<16xi32>
        %parallel_loop3A_1305 = arith.select %parallel_loop3A_1297, %parallel_loop3A_1304, %parallel_loop3A_1291 : vector<16xi1>, vector<16xi32>
        %parallel_loop3A_1306 = arith.constant 192 : i32
        %parallel_loop3A_1307 = arith.addi %parallel_loop3A_1231, %parallel_loop3A_1306 : i32
        %parallel_loop3A_1308 = vector.broadcast %parallel_loop3A_1307 : i32 to vector<16xi32>
        %parallel_loop3A_1309 = arith.ori %parallel_loop3A_1301, %parallel_loop3A_1308 : vector<16xi32>
        %parallel_loop3A_1310 = tpu.vector_load_idx %arg14[%parallel_loop3A_1309] : memref<5120xf32, #tpu.memory_space<vmem>>[vector<16xi32>], vector<16xf32>,
        %parallel_loop3A_1311 = arith.cmpf oge, %parallel_loop3A_1105, %parallel_loop3A_1310 : vector<16xf32>
        %parallel_loop3A_1312 = arith.constant 32 : i32
        %parallel_loop3A_1313 = vector.broadcast %parallel_loop3A_1312 : i32 to vector<16xi32>
        %parallel_loop3A_1314 = arith.ori %parallel_loop3A_1301, %parallel_loop3A_1313 : vector<16xi32>
        %parallel_loop3A_1315 = arith.select %parallel_loop3A_1311, %parallel_loop3A_1314, %parallel_loop3A_1301 : vector<16xi1>, vector<16xi32>
        %parallel_loop3A_1316 = arith.constant 4 : i32
        %parallel_loop3A_1317 = vector.broadcast %parallel_loop3A_1316 : i32 to vector<16xi32>
        %parallel_loop3A_1318 = arith.ori %parallel_loop3A_1305, %parallel_loop3A_1317 : vector<16xi32>
        %parallel_loop3A_1319 = arith.select %parallel_loop3A_1311, %parallel_loop3A_1318, %parallel_loop3A_1305 : vector<16xi1>, vector<16xi32>
        %parallel_loop3A_1320 = arith.constant 128 : i32
        %parallel_loop3A_1321 = arith.addi %parallel_loop3A_1231, %parallel_loop3A_1320 : i32
        %parallel_loop3A_1322 = vector.broadcast %parallel_loop3A_1321 : i32 to vector<16xi32>
        %parallel_loop3A_1323 = arith.ori %parallel_loop3A_1315, %parallel_loop3A_1322 : vector<16xi32>
        %parallel_loop3A_1324 = tpu.vector_load_idx %arg14[%parallel_loop3A_1323] : memref<5120xf32, #tpu.memory_space<vmem>>[vector<16xi32>], vector<16xf32>,
        %parallel_loop3A_1325 = arith.cmpf oge, %parallel_loop3A_1105, %parallel_loop3A_1324 : vector<16xf32>
        %parallel_loop3A_1326 = arith.constant 64 : i32
        %parallel_loop3A_1327 = vector.broadcast %parallel_loop3A_1326 : i32 to vector<16xi32>
        %parallel_loop3A_1328 = arith.ori %parallel_loop3A_1315, %parallel_loop3A_1327 : vector<16xi32>
        %parallel_loop3A_1329 = arith.select %parallel_loop3A_1325, %parallel_loop3A_1328, %parallel_loop3A_1315 : vector<16xi1>, vector<16xi32>
        %parallel_loop3A_1330 = arith.constant 2 : i32
        %parallel_loop3A_1331 = vector.broadcast %parallel_loop3A_1330 : i32 to vector<16xi32>
        %parallel_loop3A_1332 = arith.ori %parallel_loop3A_1319, %parallel_loop3A_1331 : vector<16xi32>
        %parallel_loop3A_1333 = arith.select %parallel_loop3A_1325, %parallel_loop3A_1332, %parallel_loop3A_1319 : vector<16xi1>, vector<16xi32>
        %parallel_loop3A_1334 = arith.constant 0 : i32
        %parallel_loop3A_1335 = arith.addi %parallel_loop3A_1231, %parallel_loop3A_1334 : i32
        %parallel_loop3A_1336 = vector.broadcast %parallel_loop3A_1335 : i32 to vector<16xi32>
        %parallel_loop3A_1337 = arith.ori %parallel_loop3A_1329, %parallel_loop3A_1336 : vector<16xi32>
        %parallel_loop3A_1338 = tpu.vector_load_idx %arg14[%parallel_loop3A_1337] : memref<5120xf32, #tpu.memory_space<vmem>>[vector<16xi32>], vector<16xf32>,
        %parallel_loop3A_1339 = arith.cmpf oge, %parallel_loop3A_1105, %parallel_loop3A_1338 : vector<16xf32>
        %parallel_loop3A_1340 = arith.constant 128 : i32
        %parallel_loop3A_1341 = vector.broadcast %parallel_loop3A_1340 : i32 to vector<16xi32>
        %parallel_loop3A_1342 = arith.ori %parallel_loop3A_1329, %parallel_loop3A_1341 : vector<16xi32>
        %parallel_loop3A_1343 = arith.select %parallel_loop3A_1339, %parallel_loop3A_1342, %parallel_loop3A_1329 : vector<16xi1>, vector<16xi32>
        %parallel_loop3A_1344 = arith.constant 1 : i32
        %parallel_loop3A_1345 = vector.broadcast %parallel_loop3A_1344 : i32 to vector<16xi32>
        %parallel_loop3A_1346 = arith.ori %parallel_loop3A_1333, %parallel_loop3A_1345 : vector<16xi32>
        %parallel_loop3A_1347 = arith.select %parallel_loop3A_1339, %parallel_loop3A_1346, %parallel_loop3A_1333 : vector<16xi1>, vector<16xi32>
        %parallel_loop3A_1348 = arith.constant 65536 : i32
        %parallel_loop3A_1349 = arith.muli %parallel_loop3A_555, %parallel_loop3A_1348 : i32
        %parallel_loop3A_1350 = arith.constant 256 : i32
        %parallel_loop3A_1351 = vector.broadcast %parallel_loop3A_1350 : i32 to vector<16xi32>
        %parallel_loop3A_1352 = arith.muli %parallel_loop3A_1225, %parallel_loop3A_1351 : vector<16xi32>
        %parallel_loop3A_1353 = vector.broadcast %parallel_loop3A_1349 : i32 to vector<16xi32>
        %parallel_loop3A_1354 = arith.addi %parallel_loop3A_1353, %parallel_loop3A_1352 : vector<16xi32>
        %parallel_loop3A_1355 = arith.addi %parallel_loop3A_1354, %parallel_loop3A_1347 : vector<16xi32>
        %parallel_loop3A_1356 = arith.constant 512 : i32
        %parallel_loop3A_1357 = arith.muli %parallel_loop3A_555, %parallel_loop3A_1356 : i32
        %parallel_loop3A_1358 = arith.addi %parallel_loop3A_1357, %mul3A_515 : i32
        %parallel_loop3A_1359 = arith.constant 32 : i32
        %parallel_loop3A_1360 = arith.addi %parallel_loop3A_1358, %parallel_loop3A_1359 : i32
        %parallel_loop3A_1361 = arith.index_cast %parallel_loop3A_1360 : i32 to index
        %parallel_loop3A_1362 = tpu.vector_load %arg19[%parallel_loop3A_1361] {strides = array<i32>} : memref<5120xi32, #tpu.memory_space<vmem>>, vector<16xi32>,
        tpu.vector_store %arg19[%parallel_loop3A_1361], %parallel_loop3A_1355 {strides = array<i32>} : memref<5120xi32, #tpu.memory_space<vmem>>, vector<16xi32>,
        %parallel_loop3A_1363 = vector.broadcast %parallel_loop3A_564 : i32 to vector<16xi32>
        %parallel_loop3A_1364 = arith.addi %add3A_551, %parallel_loop3A_1363 : vector<16xi32>
        %parallel_loop3A_1365 = tpu.vector_load_idx %arg11[%parallel_loop3A_1364] : memref<51200xf32, #tpu.memory_space<vmem>>[vector<16xi32>], vector<16xf32>,
        %parallel_loop3A_1366 = vector.broadcast %parallel_loop3A_573 : i32 to vector<16xi32>
        %parallel_loop3A_1367 = arith.addi %add3A_551, %parallel_loop3A_1366 : vector<16xi32>
        %parallel_loop3A_1368 = tpu.vector_load_idx %arg11[%parallel_loop3A_1367] : memref<51200xf32, #tpu.memory_space<vmem>>[vector<16xi32>], vector<16xf32>,
        %parallel_loop3A_1369 = arith.constant 2 : i32
        %parallel_loop3A_1370 = arith.muli %parallel_loop3A_1369, %parallel_loop3A_555 : i32
        %parallel_loop3A_1371 = arith.constant 256 : i32
        %parallel_loop3A_1372 = arith.muli %parallel_loop3A_1370, %parallel_loop3A_1371 : i32
        %parallel_loop3A_1373 = arith.constant 0 : i32
        %parallel_loop3A_1374 = vector.broadcast %parallel_loop3A_1373 : i32 to vector<16xi32>
        %parallel_loop3A_1375 = arith.constant 0 : i32
        %parallel_loop3A_1376 = vector.broadcast %parallel_loop3A_1375 : i32 to vector<16xi32>
        %parallel_loop3A_1377 = arith.constant 254 : i32
        %parallel_loop3A_1378 = arith.addi %parallel_loop3A_1372, %parallel_loop3A_1377 : i32
        %parallel_loop3A_1379 = vector.broadcast %parallel_loop3A_1378 : i32 to vector<16xi32>
        %parallel_loop3A_1380 = arith.ori %parallel_loop3A_1374, %parallel_loop3A_1379 : vector<16xi32>
        %parallel_loop3A_1381 = tpu.vector_load_idx %arg14[%parallel_loop3A_1380] : memref<5120xf32, #tpu.memory_space<vmem>>[vector<16xi32>], vector<16xf32>,
        %parallel_loop3A_1382 = arith.cmpf oge, %parallel_loop3A_1365, %parallel_loop3A_1381 : vector<16xf32>
        %parallel_loop3A_1383 = arith.constant 1 : i32
        %parallel_loop3A_1384 = vector.broadcast %parallel_loop3A_1383 : i32 to vector<16xi32>
        %parallel_loop3A_1385 = arith.ori %parallel_loop3A_1374, %parallel_loop3A_1384 : vector<16xi32>
        %parallel_loop3A_1386 = arith.select %parallel_loop3A_1382, %parallel_loop3A_1385, %parallel_loop3A_1374 : vector<16xi1>, vector<16xi32>
        %parallel_loop3A_1387 = arith.constant 128 : i32
        %parallel_loop3A_1388 = vector.broadcast %parallel_loop3A_1387 : i32 to vector<16xi32>
        %parallel_loop3A_1389 = arith.ori %parallel_loop3A_1376, %parallel_loop3A_1388 : vector<16xi32>
        %parallel_loop3A_1390 = arith.select %parallel_loop3A_1382, %parallel_loop3A_1389, %parallel_loop3A_1376 : vector<16xi1>, vector<16xi32>
        %parallel_loop3A_1391 = arith.constant 252 : i32
        %parallel_loop3A_1392 = arith.addi %parallel_loop3A_1372, %parallel_loop3A_1391 : i32
        %parallel_loop3A_1393 = vector.broadcast %parallel_loop3A_1392 : i32 to vector<16xi32>
        %parallel_loop3A_1394 = arith.ori %parallel_loop3A_1386, %parallel_loop3A_1393 : vector<16xi32>
        %parallel_loop3A_1395 = tpu.vector_load_idx %arg14[%parallel_loop3A_1394] : memref<5120xf32, #tpu.memory_space<vmem>>[vector<16xi32>], vector<16xf32>,
        %parallel_loop3A_1396 = arith.cmpf oge, %parallel_loop3A_1365, %parallel_loop3A_1395 : vector<16xf32>
        %parallel_loop3A_1397 = arith.constant 2 : i32
        %parallel_loop3A_1398 = vector.broadcast %parallel_loop3A_1397 : i32 to vector<16xi32>
        %parallel_loop3A_1399 = arith.ori %parallel_loop3A_1386, %parallel_loop3A_1398 : vector<16xi32>
        %parallel_loop3A_1400 = arith.select %parallel_loop3A_1396, %parallel_loop3A_1399, %parallel_loop3A_1386 : vector<16xi1>, vector<16xi32>
        %parallel_loop3A_1401 = arith.constant 64 : i32
        %parallel_loop3A_1402 = vector.broadcast %parallel_loop3A_1401 : i32 to vector<16xi32>
        %parallel_loop3A_1403 = arith.ori %parallel_loop3A_1390, %parallel_loop3A_1402 : vector<16xi32>
        %parallel_loop3A_1404 = arith.select %parallel_loop3A_1396, %parallel_loop3A_1403, %parallel_loop3A_1390 : vector<16xi1>, vector<16xi32>
        %parallel_loop3A_1405 = arith.constant 248 : i32
        %parallel_loop3A_1406 = arith.addi %parallel_loop3A_1372, %parallel_loop3A_1405 : i32
        %parallel_loop3A_1407 = vector.broadcast %parallel_loop3A_1406 : i32 to vector<16xi32>
        %parallel_loop3A_1408 = arith.ori %parallel_loop3A_1400, %parallel_loop3A_1407 : vector<16xi32>
        %parallel_loop3A_1409 = tpu.vector_load_idx %arg14[%parallel_loop3A_1408] : memref<5120xf32, #tpu.memory_space<vmem>>[vector<16xi32>], vector<16xf32>,
        %parallel_loop3A_1410 = arith.cmpf oge, %parallel_loop3A_1365, %parallel_loop3A_1409 : vector<16xf32>
        %parallel_loop3A_1411 = arith.constant 4 : i32
        %parallel_loop3A_1412 = vector.broadcast %parallel_loop3A_1411 : i32 to vector<16xi32>
        %parallel_loop3A_1413 = arith.ori %parallel_loop3A_1400, %parallel_loop3A_1412 : vector<16xi32>
        %parallel_loop3A_1414 = arith.select %parallel_loop3A_1410, %parallel_loop3A_1413, %parallel_loop3A_1400 : vector<16xi1>, vector<16xi32>
        %parallel_loop3A_1415 = arith.constant 32 : i32
        %parallel_loop3A_1416 = vector.broadcast %parallel_loop3A_1415 : i32 to vector<16xi32>
        %parallel_loop3A_1417 = arith.ori %parallel_loop3A_1404, %parallel_loop3A_1416 : vector<16xi32>
        %parallel_loop3A_1418 = arith.select %parallel_loop3A_1410, %parallel_loop3A_1417, %parallel_loop3A_1404 : vector<16xi1>, vector<16xi32>
        %parallel_loop3A_1419 = arith.constant 240 : i32
        %parallel_loop3A_1420 = arith.addi %parallel_loop3A_1372, %parallel_loop3A_1419 : i32
        %parallel_loop3A_1421 = vector.broadcast %parallel_loop3A_1420 : i32 to vector<16xi32>
        %parallel_loop3A_1422 = arith.ori %parallel_loop3A_1414, %parallel_loop3A_1421 : vector<16xi32>
        %parallel_loop3A_1423 = tpu.vector_load_idx %arg14[%parallel_loop3A_1422] : memref<5120xf32, #tpu.memory_space<vmem>>[vector<16xi32>], vector<16xf32>,
        %parallel_loop3A_1424 = arith.cmpf oge, %parallel_loop3A_1365, %parallel_loop3A_1423 : vector<16xf32>
        %parallel_loop3A_1425 = arith.constant 8 : i32
        %parallel_loop3A_1426 = vector.broadcast %parallel_loop3A_1425 : i32 to vector<16xi32>
        %parallel_loop3A_1427 = arith.ori %parallel_loop3A_1414, %parallel_loop3A_1426 : vector<16xi32>
        %parallel_loop3A_1428 = arith.select %parallel_loop3A_1424, %parallel_loop3A_1427, %parallel_loop3A_1414 : vector<16xi1>, vector<16xi32>
        %parallel_loop3A_1429 = arith.constant 16 : i32
        %parallel_loop3A_1430 = vector.broadcast %parallel_loop3A_1429 : i32 to vector<16xi32>
        %parallel_loop3A_1431 = arith.ori %parallel_loop3A_1418, %parallel_loop3A_1430 : vector<16xi32>
        %parallel_loop3A_1432 = arith.select %parallel_loop3A_1424, %parallel_loop3A_1431, %parallel_loop3A_1418 : vector<16xi1>, vector<16xi32>
        %parallel_loop3A_1433 = arith.constant 224 : i32
        %parallel_loop3A_1434 = arith.addi %parallel_loop3A_1372, %parallel_loop3A_1433 : i32
        %parallel_loop3A_1435 = vector.broadcast %parallel_loop3A_1434 : i32 to vector<16xi32>
        %parallel_loop3A_1436 = arith.ori %parallel_loop3A_1428, %parallel_loop3A_1435 : vector<16xi32>
        %parallel_loop3A_1437 = tpu.vector_load_idx %arg14[%parallel_loop3A_1436] : memref<5120xf32, #tpu.memory_space<vmem>>[vector<16xi32>], vector<16xf32>,
        %parallel_loop3A_1438 = arith.cmpf oge, %parallel_loop3A_1365, %parallel_loop3A_1437 : vector<16xf32>
        %parallel_loop3A_1439 = arith.constant 16 : i32
        %parallel_loop3A_1440 = vector.broadcast %parallel_loop3A_1439 : i32 to vector<16xi32>
        %parallel_loop3A_1441 = arith.ori %parallel_loop3A_1428, %parallel_loop3A_1440 : vector<16xi32>
        %parallel_loop3A_1442 = arith.select %parallel_loop3A_1438, %parallel_loop3A_1441, %parallel_loop3A_1428 : vector<16xi1>, vector<16xi32>
        %parallel_loop3A_1443 = arith.constant 8 : i32
        %parallel_loop3A_1444 = vector.broadcast %parallel_loop3A_1443 : i32 to vector<16xi32>
        %parallel_loop3A_1445 = arith.ori %parallel_loop3A_1432, %parallel_loop3A_1444 : vector<16xi32>
        %parallel_loop3A_1446 = arith.select %parallel_loop3A_1438, %parallel_loop3A_1445, %parallel_loop3A_1432 : vector<16xi1>, vector<16xi32>
        %parallel_loop3A_1447 = arith.constant 192 : i32
        %parallel_loop3A_1448 = arith.addi %parallel_loop3A_1372, %parallel_loop3A_1447 : i32
        %parallel_loop3A_1449 = vector.broadcast %parallel_loop3A_1448 : i32 to vector<16xi32>
        %parallel_loop3A_1450 = arith.ori %parallel_loop3A_1442, %parallel_loop3A_1449 : vector<16xi32>
        %parallel_loop3A_1451 = tpu.vector_load_idx %arg14[%parallel_loop3A_1450] : memref<5120xf32, #tpu.memory_space<vmem>>[vector<16xi32>], vector<16xf32>,
        %parallel_loop3A_1452 = arith.cmpf oge, %parallel_loop3A_1365, %parallel_loop3A_1451 : vector<16xf32>
        %parallel_loop3A_1453 = arith.constant 32 : i32
        %parallel_loop3A_1454 = vector.broadcast %parallel_loop3A_1453 : i32 to vector<16xi32>
        %parallel_loop3A_1455 = arith.ori %parallel_loop3A_1442, %parallel_loop3A_1454 : vector<16xi32>
        %parallel_loop3A_1456 = arith.select %parallel_loop3A_1452, %parallel_loop3A_1455, %parallel_loop3A_1442 : vector<16xi1>, vector<16xi32>
        %parallel_loop3A_1457 = arith.constant 4 : i32
        %parallel_loop3A_1458 = vector.broadcast %parallel_loop3A_1457 : i32 to vector<16xi32>
        %parallel_loop3A_1459 = arith.ori %parallel_loop3A_1446, %parallel_loop3A_1458 : vector<16xi32>
        %parallel_loop3A_1460 = arith.select %parallel_loop3A_1452, %parallel_loop3A_1459, %parallel_loop3A_1446 : vector<16xi1>, vector<16xi32>
        %parallel_loop3A_1461 = arith.constant 128 : i32
        %parallel_loop3A_1462 = arith.addi %parallel_loop3A_1372, %parallel_loop3A_1461 : i32
        %parallel_loop3A_1463 = vector.broadcast %parallel_loop3A_1462 : i32 to vector<16xi32>
        %parallel_loop3A_1464 = arith.ori %parallel_loop3A_1456, %parallel_loop3A_1463 : vector<16xi32>
        %parallel_loop3A_1465 = tpu.vector_load_idx %arg14[%parallel_loop3A_1464] : memref<5120xf32, #tpu.memory_space<vmem>>[vector<16xi32>], vector<16xf32>,
        %parallel_loop3A_1466 = arith.cmpf oge, %parallel_loop3A_1365, %parallel_loop3A_1465 : vector<16xf32>
        %parallel_loop3A_1467 = arith.constant 64 : i32
        %parallel_loop3A_1468 = vector.broadcast %parallel_loop3A_1467 : i32 to vector<16xi32>
        %parallel_loop3A_1469 = arith.ori %parallel_loop3A_1456, %parallel_loop3A_1468 : vector<16xi32>
        %parallel_loop3A_1470 = arith.select %parallel_loop3A_1466, %parallel_loop3A_1469, %parallel_loop3A_1456 : vector<16xi1>, vector<16xi32>
        %parallel_loop3A_1471 = arith.constant 2 : i32
        %parallel_loop3A_1472 = vector.broadcast %parallel_loop3A_1471 : i32 to vector<16xi32>
        %parallel_loop3A_1473 = arith.ori %parallel_loop3A_1460, %parallel_loop3A_1472 : vector<16xi32>
        %parallel_loop3A_1474 = arith.select %parallel_loop3A_1466, %parallel_loop3A_1473, %parallel_loop3A_1460 : vector<16xi1>, vector<16xi32>
        %parallel_loop3A_1475 = arith.constant 0 : i32
        %parallel_loop3A_1476 = arith.addi %parallel_loop3A_1372, %parallel_loop3A_1475 : i32
        %parallel_loop3A_1477 = vector.broadcast %parallel_loop3A_1476 : i32 to vector<16xi32>
        %parallel_loop3A_1478 = arith.ori %parallel_loop3A_1470, %parallel_loop3A_1477 : vector<16xi32>
        %parallel_loop3A_1479 = tpu.vector_load_idx %arg14[%parallel_loop3A_1478] : memref<5120xf32, #tpu.memory_space<vmem>>[vector<16xi32>], vector<16xf32>,
        %parallel_loop3A_1480 = arith.cmpf oge, %parallel_loop3A_1365, %parallel_loop3A_1479 : vector<16xf32>
        %parallel_loop3A_1481 = arith.constant 128 : i32
        %parallel_loop3A_1482 = vector.broadcast %parallel_loop3A_1481 : i32 to vector<16xi32>
        %parallel_loop3A_1483 = arith.ori %parallel_loop3A_1470, %parallel_loop3A_1482 : vector<16xi32>
        %parallel_loop3A_1484 = arith.select %parallel_loop3A_1480, %parallel_loop3A_1483, %parallel_loop3A_1470 : vector<16xi1>, vector<16xi32>
        %parallel_loop3A_1485 = arith.constant 1 : i32
        %parallel_loop3A_1486 = vector.broadcast %parallel_loop3A_1485 : i32 to vector<16xi32>
        %parallel_loop3A_1487 = arith.ori %parallel_loop3A_1474, %parallel_loop3A_1486 : vector<16xi32>
        %parallel_loop3A_1488 = arith.select %parallel_loop3A_1480, %parallel_loop3A_1487, %parallel_loop3A_1474 : vector<16xi1>, vector<16xi32>
        %parallel_loop3A_1489 = arith.constant 2 : i32
        %parallel_loop3A_1490 = arith.muli %parallel_loop3A_1489, %parallel_loop3A_555 : i32
        %parallel_loop3A_1491 = arith.constant 1 : i32
        %parallel_loop3A_1492 = arith.addi %parallel_loop3A_1490, %parallel_loop3A_1491 : i32
        %parallel_loop3A_1493 = arith.constant 256 : i32
        %parallel_loop3A_1494 = arith.muli %parallel_loop3A_1492, %parallel_loop3A_1493 : i32
        %parallel_loop3A_1495 = arith.constant 0 : i32
        %parallel_loop3A_1496 = vector.broadcast %parallel_loop3A_1495 : i32 to vector<16xi32>
        %parallel_loop3A_1497 = arith.constant 0 : i32
        %parallel_loop3A_1498 = vector.broadcast %parallel_loop3A_1497 : i32 to vector<16xi32>
        %parallel_loop3A_1499 = arith.constant 254 : i32
        %parallel_loop3A_1500 = arith.addi %parallel_loop3A_1494, %parallel_loop3A_1499 : i32
        %parallel_loop3A_1501 = vector.broadcast %parallel_loop3A_1500 : i32 to vector<16xi32>
        %parallel_loop3A_1502 = arith.ori %parallel_loop3A_1496, %parallel_loop3A_1501 : vector<16xi32>
        %parallel_loop3A_1503 = tpu.vector_load_idx %arg14[%parallel_loop3A_1502] : memref<5120xf32, #tpu.memory_space<vmem>>[vector<16xi32>], vector<16xf32>,
        %parallel_loop3A_1504 = arith.cmpf oge, %parallel_loop3A_1368, %parallel_loop3A_1503 : vector<16xf32>
        %parallel_loop3A_1505 = arith.constant 1 : i32
        %parallel_loop3A_1506 = vector.broadcast %parallel_loop3A_1505 : i32 to vector<16xi32>
        %parallel_loop3A_1507 = arith.ori %parallel_loop3A_1496, %parallel_loop3A_1506 : vector<16xi32>
        %parallel_loop3A_1508 = arith.select %parallel_loop3A_1504, %parallel_loop3A_1507, %parallel_loop3A_1496 : vector<16xi1>, vector<16xi32>
        %parallel_loop3A_1509 = arith.constant 128 : i32
        %parallel_loop3A_1510 = vector.broadcast %parallel_loop3A_1509 : i32 to vector<16xi32>
        %parallel_loop3A_1511 = arith.ori %parallel_loop3A_1498, %parallel_loop3A_1510 : vector<16xi32>
        %parallel_loop3A_1512 = arith.select %parallel_loop3A_1504, %parallel_loop3A_1511, %parallel_loop3A_1498 : vector<16xi1>, vector<16xi32>
        %parallel_loop3A_1513 = arith.constant 252 : i32
        %parallel_loop3A_1514 = arith.addi %parallel_loop3A_1494, %parallel_loop3A_1513 : i32
        %parallel_loop3A_1515 = vector.broadcast %parallel_loop3A_1514 : i32 to vector<16xi32>
        %parallel_loop3A_1516 = arith.ori %parallel_loop3A_1508, %parallel_loop3A_1515 : vector<16xi32>
        %parallel_loop3A_1517 = tpu.vector_load_idx %arg14[%parallel_loop3A_1516] : memref<5120xf32, #tpu.memory_space<vmem>>[vector<16xi32>], vector<16xf32>,
        %parallel_loop3A_1518 = arith.cmpf oge, %parallel_loop3A_1368, %parallel_loop3A_1517 : vector<16xf32>
        %parallel_loop3A_1519 = arith.constant 2 : i32
        %parallel_loop3A_1520 = vector.broadcast %parallel_loop3A_1519 : i32 to vector<16xi32>
        %parallel_loop3A_1521 = arith.ori %parallel_loop3A_1508, %parallel_loop3A_1520 : vector<16xi32>
        %parallel_loop3A_1522 = arith.select %parallel_loop3A_1518, %parallel_loop3A_1521, %parallel_loop3A_1508 : vector<16xi1>, vector<16xi32>
        %parallel_loop3A_1523 = arith.constant 64 : i32
        %parallel_loop3A_1524 = vector.broadcast %parallel_loop3A_1523 : i32 to vector<16xi32>
        %parallel_loop3A_1525 = arith.ori %parallel_loop3A_1512, %parallel_loop3A_1524 : vector<16xi32>
        %parallel_loop3A_1526 = arith.select %parallel_loop3A_1518, %parallel_loop3A_1525, %parallel_loop3A_1512 : vector<16xi1>, vector<16xi32>
        %parallel_loop3A_1527 = arith.constant 248 : i32
        %parallel_loop3A_1528 = arith.addi %parallel_loop3A_1494, %parallel_loop3A_1527 : i32
        %parallel_loop3A_1529 = vector.broadcast %parallel_loop3A_1528 : i32 to vector<16xi32>
        %parallel_loop3A_1530 = arith.ori %parallel_loop3A_1522, %parallel_loop3A_1529 : vector<16xi32>
        %parallel_loop3A_1531 = tpu.vector_load_idx %arg14[%parallel_loop3A_1530] : memref<5120xf32, #tpu.memory_space<vmem>>[vector<16xi32>], vector<16xf32>,
        %parallel_loop3A_1532 = arith.cmpf oge, %parallel_loop3A_1368, %parallel_loop3A_1531 : vector<16xf32>
        %parallel_loop3A_1533 = arith.constant 4 : i32
        %parallel_loop3A_1534 = vector.broadcast %parallel_loop3A_1533 : i32 to vector<16xi32>
        %parallel_loop3A_1535 = arith.ori %parallel_loop3A_1522, %parallel_loop3A_1534 : vector<16xi32>
        %parallel_loop3A_1536 = arith.select %parallel_loop3A_1532, %parallel_loop3A_1535, %parallel_loop3A_1522 : vector<16xi1>, vector<16xi32>
        %parallel_loop3A_1537 = arith.constant 32 : i32
        %parallel_loop3A_1538 = vector.broadcast %parallel_loop3A_1537 : i32 to vector<16xi32>
        %parallel_loop3A_1539 = arith.ori %parallel_loop3A_1526, %parallel_loop3A_1538 : vector<16xi32>
        %parallel_loop3A_1540 = arith.select %parallel_loop3A_1532, %parallel_loop3A_1539, %parallel_loop3A_1526 : vector<16xi1>, vector<16xi32>
        %parallel_loop3A_1541 = arith.constant 240 : i32
        %parallel_loop3A_1542 = arith.addi %parallel_loop3A_1494, %parallel_loop3A_1541 : i32
        %parallel_loop3A_1543 = vector.broadcast %parallel_loop3A_1542 : i32 to vector<16xi32>
        %parallel_loop3A_1544 = arith.ori %parallel_loop3A_1536, %parallel_loop3A_1543 : vector<16xi32>
        %parallel_loop3A_1545 = tpu.vector_load_idx %arg14[%parallel_loop3A_1544] : memref<5120xf32, #tpu.memory_space<vmem>>[vector<16xi32>], vector<16xf32>,
        %parallel_loop3A_1546 = arith.cmpf oge, %parallel_loop3A_1368, %parallel_loop3A_1545 : vector<16xf32>
        %parallel_loop3A_1547 = arith.constant 8 : i32
        %parallel_loop3A_1548 = vector.broadcast %parallel_loop3A_1547 : i32 to vector<16xi32>
        %parallel_loop3A_1549 = arith.ori %parallel_loop3A_1536, %parallel_loop3A_1548 : vector<16xi32>
        %parallel_loop3A_1550 = arith.select %parallel_loop3A_1546, %parallel_loop3A_1549, %parallel_loop3A_1536 : vector<16xi1>, vector<16xi32>
        %parallel_loop3A_1551 = arith.constant 16 : i32
        %parallel_loop3A_1552 = vector.broadcast %parallel_loop3A_1551 : i32 to vector<16xi32>
        %parallel_loop3A_1553 = arith.ori %parallel_loop3A_1540, %parallel_loop3A_1552 : vector<16xi32>
        %parallel_loop3A_1554 = arith.select %parallel_loop3A_1546, %parallel_loop3A_1553, %parallel_loop3A_1540 : vector<16xi1>, vector<16xi32>
        %parallel_loop3A_1555 = arith.constant 224 : i32
        %parallel_loop3A_1556 = arith.addi %parallel_loop3A_1494, %parallel_loop3A_1555 : i32
        %parallel_loop3A_1557 = vector.broadcast %parallel_loop3A_1556 : i32 to vector<16xi32>
        %parallel_loop3A_1558 = arith.ori %parallel_loop3A_1550, %parallel_loop3A_1557 : vector<16xi32>
        %parallel_loop3A_1559 = tpu.vector_load_idx %arg14[%parallel_loop3A_1558] : memref<5120xf32, #tpu.memory_space<vmem>>[vector<16xi32>], vector<16xf32>,
        %parallel_loop3A_1560 = arith.cmpf oge, %parallel_loop3A_1368, %parallel_loop3A_1559 : vector<16xf32>
        %parallel_loop3A_1561 = arith.constant 16 : i32
        %parallel_loop3A_1562 = vector.broadcast %parallel_loop3A_1561 : i32 to vector<16xi32>
        %parallel_loop3A_1563 = arith.ori %parallel_loop3A_1550, %parallel_loop3A_1562 : vector<16xi32>
        %parallel_loop3A_1564 = arith.select %parallel_loop3A_1560, %parallel_loop3A_1563, %parallel_loop3A_1550 : vector<16xi1>, vector<16xi32>
        %parallel_loop3A_1565 = arith.constant 8 : i32
        %parallel_loop3A_1566 = vector.broadcast %parallel_loop3A_1565 : i32 to vector<16xi32>
        %parallel_loop3A_1567 = arith.ori %parallel_loop3A_1554, %parallel_loop3A_1566 : vector<16xi32>
        %parallel_loop3A_1568 = arith.select %parallel_loop3A_1560, %parallel_loop3A_1567, %parallel_loop3A_1554 : vector<16xi1>, vector<16xi32>
        %parallel_loop3A_1569 = arith.constant 192 : i32
        %parallel_loop3A_1570 = arith.addi %parallel_loop3A_1494, %parallel_loop3A_1569 : i32
        %parallel_loop3A_1571 = vector.broadcast %parallel_loop3A_1570 : i32 to vector<16xi32>
        %parallel_loop3A_1572 = arith.ori %parallel_loop3A_1564, %parallel_loop3A_1571 : vector<16xi32>
        %parallel_loop3A_1573 = tpu.vector_load_idx %arg14[%parallel_loop3A_1572] : memref<5120xf32, #tpu.memory_space<vmem>>[vector<16xi32>], vector<16xf32>,
        %parallel_loop3A_1574 = arith.cmpf oge, %parallel_loop3A_1368, %parallel_loop3A_1573 : vector<16xf32>
        %parallel_loop3A_1575 = arith.constant 32 : i32
        %parallel_loop3A_1576 = vector.broadcast %parallel_loop3A_1575 : i32 to vector<16xi32>
        %parallel_loop3A_1577 = arith.ori %parallel_loop3A_1564, %parallel_loop3A_1576 : vector<16xi32>
        %parallel_loop3A_1578 = arith.select %parallel_loop3A_1574, %parallel_loop3A_1577, %parallel_loop3A_1564 : vector<16xi1>, vector<16xi32>
        %parallel_loop3A_1579 = arith.constant 4 : i32
        %parallel_loop3A_1580 = vector.broadcast %parallel_loop3A_1579 : i32 to vector<16xi32>
        %parallel_loop3A_1581 = arith.ori %parallel_loop3A_1568, %parallel_loop3A_1580 : vector<16xi32>
        %parallel_loop3A_1582 = arith.select %parallel_loop3A_1574, %parallel_loop3A_1581, %parallel_loop3A_1568 : vector<16xi1>, vector<16xi32>
        %parallel_loop3A_1583 = arith.constant 128 : i32
        %parallel_loop3A_1584 = arith.addi %parallel_loop3A_1494, %parallel_loop3A_1583 : i32
        %parallel_loop3A_1585 = vector.broadcast %parallel_loop3A_1584 : i32 to vector<16xi32>
        %parallel_loop3A_1586 = arith.ori %parallel_loop3A_1578, %parallel_loop3A_1585 : vector<16xi32>
        %parallel_loop3A_1587 = tpu.vector_load_idx %arg14[%parallel_loop3A_1586] : memref<5120xf32, #tpu.memory_space<vmem>>[vector<16xi32>], vector<16xf32>,
        %parallel_loop3A_1588 = arith.cmpf oge, %parallel_loop3A_1368, %parallel_loop3A_1587 : vector<16xf32>
        %parallel_loop3A_1589 = arith.constant 64 : i32
        %parallel_loop3A_1590 = vector.broadcast %parallel_loop3A_1589 : i32 to vector<16xi32>
        %parallel_loop3A_1591 = arith.ori %parallel_loop3A_1578, %parallel_loop3A_1590 : vector<16xi32>
        %parallel_loop3A_1592 = arith.select %parallel_loop3A_1588, %parallel_loop3A_1591, %parallel_loop3A_1578 : vector<16xi1>, vector<16xi32>
        %parallel_loop3A_1593 = arith.constant 2 : i32
        %parallel_loop3A_1594 = vector.broadcast %parallel_loop3A_1593 : i32 to vector<16xi32>
        %parallel_loop3A_1595 = arith.ori %parallel_loop3A_1582, %parallel_loop3A_1594 : vector<16xi32>
        %parallel_loop3A_1596 = arith.select %parallel_loop3A_1588, %parallel_loop3A_1595, %parallel_loop3A_1582 : vector<16xi1>, vector<16xi32>
        %parallel_loop3A_1597 = arith.constant 0 : i32
        %parallel_loop3A_1598 = arith.addi %parallel_loop3A_1494, %parallel_loop3A_1597 : i32
        %parallel_loop3A_1599 = vector.broadcast %parallel_loop3A_1598 : i32 to vector<16xi32>
        %parallel_loop3A_1600 = arith.ori %parallel_loop3A_1592, %parallel_loop3A_1599 : vector<16xi32>
        %parallel_loop3A_1601 = tpu.vector_load_idx %arg14[%parallel_loop3A_1600] : memref<5120xf32, #tpu.memory_space<vmem>>[vector<16xi32>], vector<16xf32>,
        %parallel_loop3A_1602 = arith.cmpf oge, %parallel_loop3A_1368, %parallel_loop3A_1601 : vector<16xf32>
        %parallel_loop3A_1603 = arith.constant 128 : i32
        %parallel_loop3A_1604 = vector.broadcast %parallel_loop3A_1603 : i32 to vector<16xi32>
        %parallel_loop3A_1605 = arith.ori %parallel_loop3A_1592, %parallel_loop3A_1604 : vector<16xi32>
        %parallel_loop3A_1606 = arith.select %parallel_loop3A_1602, %parallel_loop3A_1605, %parallel_loop3A_1592 : vector<16xi1>, vector<16xi32>
        %parallel_loop3A_1607 = arith.constant 1 : i32
        %parallel_loop3A_1608 = vector.broadcast %parallel_loop3A_1607 : i32 to vector<16xi32>
        %parallel_loop3A_1609 = arith.ori %parallel_loop3A_1596, %parallel_loop3A_1608 : vector<16xi32>
        %parallel_loop3A_1610 = arith.select %parallel_loop3A_1602, %parallel_loop3A_1609, %parallel_loop3A_1596 : vector<16xi1>, vector<16xi32>
        %parallel_loop3A_1611 = arith.constant 65536 : i32
        %parallel_loop3A_1612 = arith.muli %parallel_loop3A_555, %parallel_loop3A_1611 : i32
        %parallel_loop3A_1613 = arith.constant 256 : i32
        %parallel_loop3A_1614 = vector.broadcast %parallel_loop3A_1613 : i32 to vector<16xi32>
        %parallel_loop3A_1615 = arith.muli %parallel_loop3A_1488, %parallel_loop3A_1614 : vector<16xi32>
        %parallel_loop3A_1616 = vector.broadcast %parallel_loop3A_1612 : i32 to vector<16xi32>
        %parallel_loop3A_1617 = arith.addi %parallel_loop3A_1616, %parallel_loop3A_1615 : vector<16xi32>
        %parallel_loop3A_1618 = arith.addi %parallel_loop3A_1617, %parallel_loop3A_1610 : vector<16xi32>
        %parallel_loop3A_1619 = arith.constant 512 : i32
        %parallel_loop3A_1620 = arith.muli %parallel_loop3A_555, %parallel_loop3A_1619 : i32
        %parallel_loop3A_1621 = arith.addi %parallel_loop3A_1620, %mul3A_515 : i32
        %parallel_loop3A_1622 = arith.constant 48 : i32
        %parallel_loop3A_1623 = arith.addi %parallel_loop3A_1621, %parallel_loop3A_1622 : i32
        %parallel_loop3A_1624 = arith.index_cast %parallel_loop3A_1623 : i32 to index
        %parallel_loop3A_1625 = tpu.vector_load %arg19[%parallel_loop3A_1624] {strides = array<i32>} : memref<5120xi32, #tpu.memory_space<vmem>>, vector<16xi32>,
        tpu.vector_store %arg19[%parallel_loop3A_1624], %parallel_loop3A_1618 {strides = array<i32>} : memref<5120xi32, #tpu.memory_space<vmem>>, vector<16xi32>,
      } {sc.loop_unroll_factor = 1 : i64, sc.parallel_access}
      %scan3A_554 = arith.constant 0 : i32
      scf.yield %scan3A_554 : i32
    }
    %scan3A_15 = arith.constant 8 : i32
    tpu.wait_dma2 semaphore(%arg22 : memref<!tpu.dma_semaphore, #tpu.memory_space<semaphore_mem>>) src(%arg3 : memref<25600xf32, #tpu.memory_space<hbm>>) dst(%arg12 : memref<25600xf32, #tpu.memory_space<vmem>>)
    tpu.wait_dma2 semaphore(%arg22 : memref<!tpu.dma_semaphore, #tpu.memory_space<semaphore_mem>>) src(%arg4 : memref<25600xf32, #tpu.memory_space<hbm>>) dst(%arg13 : memref<25600xf32, #tpu.memory_space<vmem>>)
    tpu.wait_dma2 semaphore(%arg22 : memref<!tpu.dma_semaphore, #tpu.memory_space<semaphore_mem>>) src(%arg9 : memref<16xf32, #tpu.memory_space<hbm>>) dst(%arg17 : memref<16xf32, #tpu.memory_space<vmem>>)
    %dma_start3A_16 = arith.constant 0 : i32
    %dma_start3A_17 = tpu.memref_slice %arg20[%dma_start3A_16] : memref<5120xf32, #tpu.memory_space<vmem>> -> memref<128xf32, #tpu.memory_space<vmem>>
    %dma_start3A_18 = arith.constant 0 : i32
    %dma_start3A_19 = tpu.memref_slice %arg19[%dma_start3A_18] : memref<5120xi32, #tpu.memory_space<vmem>> -> memref<128xi32, #tpu.memory_space<vmem>>
    %dma_start3A_20 = arith.constant 0 : i32
    %dma_start3A_21 = tpu.memref_slice %arg6[%dma_start3A_20] : memref<655360xf32, #tpu.memory_space<hbm>> -> memref<655360xf32, #tpu.memory_space<hbm>>
    tpu.enqueue_indirect_dma source(%dma_start3A_21 : memref<655360xf32, #tpu.memory_space<hbm>>) target(%dma_start3A_17 : memref<128xf32, #tpu.memory_space<vmem>>) offsets(%dma_start3A_19 : memref<128xi32, #tpu.memory_space<vmem>>) semaphore(%arg22 : memref<!tpu.dma_semaphore, #tpu.memory_space<semaphore_mem>>)
    %dma_start3A_22 = arith.constant 128 : i32
    %dma_start3A_23 = tpu.memref_slice %arg20[%dma_start3A_22] : memref<5120xf32, #tpu.memory_space<vmem>> -> memref<128xf32, #tpu.memory_space<vmem>>
    %dma_start3A_24 = arith.constant 128 : i32
    %dma_start3A_25 = tpu.memref_slice %arg19[%dma_start3A_24] : memref<5120xi32, #tpu.memory_space<vmem>> -> memref<128xi32, #tpu.memory_space<vmem>>
    %dma_start3A_26 = arith.constant 0 : i32
    %dma_start3A_27 = tpu.memref_slice %arg6[%dma_start3A_26] : memref<655360xf32, #tpu.memory_space<hbm>> -> memref<655360xf32, #tpu.memory_space<hbm>>
    tpu.enqueue_indirect_dma source(%dma_start3A_27 : memref<655360xf32, #tpu.memory_space<hbm>>) target(%dma_start3A_23 : memref<128xf32, #tpu.memory_space<vmem>>) offsets(%dma_start3A_25 : memref<128xi32, #tpu.memory_space<vmem>>) semaphore(%arg22 : memref<!tpu.dma_semaphore, #tpu.memory_space<semaphore_mem>>)
    %dma_start3A_28 = arith.constant 256 : i32
    %dma_start3A_29 = tpu.memref_slice %arg20[%dma_start3A_28] : memref<5120xf32, #tpu.memory_space<vmem>> -> memref<128xf32, #tpu.memory_space<vmem>>
    %dma_start3A_30 = arith.constant 256 : i32
    %dma_start3A_31 = tpu.memref_slice %arg19[%dma_start3A_30] : memref<5120xi32, #tpu.memory_space<vmem>> -> memref<128xi32, #tpu.memory_space<vmem>>
    %dma_start3A_32 = arith.constant 0 : i32
    %dma_start3A_33 = tpu.memref_slice %arg6[%dma_start3A_32] : memref<655360xf32, #tpu.memory_space<hbm>> -> memref<655360xf32, #tpu.memory_space<hbm>>
    tpu.enqueue_indirect_dma source(%dma_start3A_33 : memref<655360xf32, #tpu.memory_space<hbm>>) target(%dma_start3A_29 : memref<128xf32, #tpu.memory_space<vmem>>) offsets(%dma_start3A_31 : memref<128xi32, #tpu.memory_space<vmem>>) semaphore(%arg22 : memref<!tpu.dma_semaphore, #tpu.memory_space<semaphore_mem>>)
    %dma_start3A_34 = arith.constant 384 : i32
    %dma_start3A_35 = tpu.memref_slice %arg20[%dma_start3A_34] : memref<5120xf32, #tpu.memory_space<vmem>> -> memref<128xf32, #tpu.memory_space<vmem>>
    %dma_start3A_36 = arith.constant 384 : i32
    %dma_start3A_37 = tpu.memref_slice %arg19[%dma_start3A_36] : memref<5120xi32, #tpu.memory_space<vmem>> -> memref<128xi32, #tpu.memory_space<vmem>>
    %dma_start3A_38 = arith.constant 0 : i32
    %dma_start3A_39 = tpu.memref_slice %arg6[%dma_start3A_38] : memref<655360xf32, #tpu.memory_space<hbm>> -> memref<655360xf32, #tpu.memory_space<hbm>>
    tpu.enqueue_indirect_dma source(%dma_start3A_39 : memref<655360xf32, #tpu.memory_space<hbm>>) target(%dma_start3A_35 : memref<128xf32, #tpu.memory_space<vmem>>) offsets(%dma_start3A_37 : memref<128xi32, #tpu.memory_space<vmem>>) semaphore(%arg22 : memref<!tpu.dma_semaphore, #tpu.memory_space<semaphore_mem>>)
    %dma_start3A_40 = arith.constant 512 : i32
    %dma_start3A_41 = tpu.memref_slice %arg20[%dma_start3A_40] : memref<5120xf32, #tpu.memory_space<vmem>> -> memref<128xf32, #tpu.memory_space<vmem>>
    %dma_start3A_42 = arith.constant 512 : i32
    %dma_start3A_43 = tpu.memref_slice %arg19[%dma_start3A_42] : memref<5120xi32, #tpu.memory_space<vmem>> -> memref<128xi32, #tpu.memory_space<vmem>>
    %dma_start3A_44 = arith.constant 0 : i32
    %dma_start3A_45 = tpu.memref_slice %arg6[%dma_start3A_44] : memref<655360xf32, #tpu.memory_space<hbm>> -> memref<655360xf32, #tpu.memory_space<hbm>>
    tpu.enqueue_indirect_dma source(%dma_start3A_45 : memref<655360xf32, #tpu.memory_space<hbm>>) target(%dma_start3A_41 : memref<128xf32, #tpu.memory_space<vmem>>) offsets(%dma_start3A_43 : memref<128xi32, #tpu.memory_space<vmem>>) semaphore(%arg22 : memref<!tpu.dma_semaphore, #tpu.memory_space<semaphore_mem>>)
    %dma_start3A_46 = arith.constant 640 : i32
    %dma_start3A_47 = tpu.memref_slice %arg20[%dma_start3A_46] : memref<5120xf32, #tpu.memory_space<vmem>> -> memref<128xf32, #tpu.memory_space<vmem>>
    %dma_start3A_48 = arith.constant 640 : i32
    %dma_start3A_49 = tpu.memref_slice %arg19[%dma_start3A_48] : memref<5120xi32, #tpu.memory_space<vmem>> -> memref<128xi32, #tpu.memory_space<vmem>>
    %dma_start3A_50 = arith.constant 0 : i32
    %dma_start3A_51 = tpu.memref_slice %arg6[%dma_start3A_50] : memref<655360xf32, #tpu.memory_space<hbm>> -> memref<655360xf32, #tpu.memory_space<hbm>>
    tpu.enqueue_indirect_dma source(%dma_start3A_51 : memref<655360xf32, #tpu.memory_space<hbm>>) target(%dma_start3A_47 : memref<128xf32, #tpu.memory_space<vmem>>) offsets(%dma_start3A_49 : memref<128xi32, #tpu.memory_space<vmem>>) semaphore(%arg22 : memref<!tpu.dma_semaphore, #tpu.memory_space<semaphore_mem>>)
    %dma_start3A_52 = arith.constant 768 : i32
    %dma_start3A_53 = tpu.memref_slice %arg20[%dma_start3A_52] : memref<5120xf32, #tpu.memory_space<vmem>> -> memref<128xf32, #tpu.memory_space<vmem>>
    %dma_start3A_54 = arith.constant 768 : i32
    %dma_start3A_55 = tpu.memref_slice %arg19[%dma_start3A_54] : memref<5120xi32, #tpu.memory_space<vmem>> -> memref<128xi32, #tpu.memory_space<vmem>>
    %dma_start3A_56 = arith.constant 0 : i32
    %dma_start3A_57 = tpu.memref_slice %arg6[%dma_start3A_56] : memref<655360xf32, #tpu.memory_space<hbm>> -> memref<655360xf32, #tpu.memory_space<hbm>>
    tpu.enqueue_indirect_dma source(%dma_start3A_57 : memref<655360xf32, #tpu.memory_space<hbm>>) target(%dma_start3A_53 : memref<128xf32, #tpu.memory_space<vmem>>) offsets(%dma_start3A_55 : memref<128xi32, #tpu.memory_space<vmem>>) semaphore(%arg22 : memref<!tpu.dma_semaphore, #tpu.memory_space<semaphore_mem>>)
    %dma_start3A_58 = arith.constant 896 : i32
    %dma_start3A_59 = tpu.memref_slice %arg20[%dma_start3A_58] : memref<5120xf32, #tpu.memory_space<vmem>> -> memref<128xf32, #tpu.memory_space<vmem>>
    %dma_start3A_60 = arith.constant 896 : i32
    %dma_start3A_61 = tpu.memref_slice %arg19[%dma_start3A_60] : memref<5120xi32, #tpu.memory_space<vmem>> -> memref<128xi32, #tpu.memory_space<vmem>>
    %dma_start3A_62 = arith.constant 0 : i32
    %dma_start3A_63 = tpu.memref_slice %arg6[%dma_start3A_62] : memref<655360xf32, #tpu.memory_space<hbm>> -> memref<655360xf32, #tpu.memory_space<hbm>>
    tpu.enqueue_indirect_dma source(%dma_start3A_63 : memref<655360xf32, #tpu.memory_space<hbm>>) target(%dma_start3A_59 : memref<128xf32, #tpu.memory_space<vmem>>) offsets(%dma_start3A_61 : memref<128xi32, #tpu.memory_space<vmem>>) semaphore(%arg22 : memref<!tpu.dma_semaphore, #tpu.memory_space<semaphore_mem>>)
    %dma_start3A_64 = arith.constant 1024 : i32
    %dma_start3A_65 = tpu.memref_slice %arg20[%dma_start3A_64] : memref<5120xf32, #tpu.memory_space<vmem>> -> memref<128xf32, #tpu.memory_space<vmem>>
    %dma_start3A_66 = arith.constant 1024 : i32
    %dma_start3A_67 = tpu.memref_slice %arg19[%dma_start3A_66] : memref<5120xi32, #tpu.memory_space<vmem>> -> memref<128xi32, #tpu.memory_space<vmem>>
    %dma_start3A_68 = arith.constant 0 : i32
    %dma_start3A_69 = tpu.memref_slice %arg6[%dma_start3A_68] : memref<655360xf32, #tpu.memory_space<hbm>> -> memref<655360xf32, #tpu.memory_space<hbm>>
    tpu.enqueue_indirect_dma source(%dma_start3A_69 : memref<655360xf32, #tpu.memory_space<hbm>>) target(%dma_start3A_65 : memref<128xf32, #tpu.memory_space<vmem>>) offsets(%dma_start3A_67 : memref<128xi32, #tpu.memory_space<vmem>>) semaphore(%arg22 : memref<!tpu.dma_semaphore, #tpu.memory_space<semaphore_mem>>)
    %dma_start3A_70 = arith.constant 1152 : i32
    %dma_start3A_71 = tpu.memref_slice %arg20[%dma_start3A_70] : memref<5120xf32, #tpu.memory_space<vmem>> -> memref<128xf32, #tpu.memory_space<vmem>>
    %dma_start3A_72 = arith.constant 1152 : i32
    %dma_start3A_73 = tpu.memref_slice %arg19[%dma_start3A_72] : memref<5120xi32, #tpu.memory_space<vmem>> -> memref<128xi32, #tpu.memory_space<vmem>>
    %dma_start3A_74 = arith.constant 0 : i32
    %dma_start3A_75 = tpu.memref_slice %arg6[%dma_start3A_74] : memref<655360xf32, #tpu.memory_space<hbm>> -> memref<655360xf32, #tpu.memory_space<hbm>>
    tpu.enqueue_indirect_dma source(%dma_start3A_75 : memref<655360xf32, #tpu.memory_space<hbm>>) target(%dma_start3A_71 : memref<128xf32, #tpu.memory_space<vmem>>) offsets(%dma_start3A_73 : memref<128xi32, #tpu.memory_space<vmem>>) semaphore(%arg22 : memref<!tpu.dma_semaphore, #tpu.memory_space<semaphore_mem>>)
    %dma_start3A_76 = arith.constant 1280 : i32
    %dma_start3A_77 = tpu.memref_slice %arg20[%dma_start3A_76] : memref<5120xf32, #tpu.memory_space<vmem>> -> memref<128xf32, #tpu.memory_space<vmem>>
    %dma_start3A_78 = arith.constant 1280 : i32
    %dma_start3A_79 = tpu.memref_slice %arg19[%dma_start3A_78] : memref<5120xi32, #tpu.memory_space<vmem>> -> memref<128xi32, #tpu.memory_space<vmem>>
    %dma_start3A_80 = arith.constant 0 : i32
    %dma_start3A_81 = tpu.memref_slice %arg6[%dma_start3A_80] : memref<655360xf32, #tpu.memory_space<hbm>> -> memref<655360xf32, #tpu.memory_space<hbm>>
    tpu.enqueue_indirect_dma source(%dma_start3A_81 : memref<655360xf32, #tpu.memory_space<hbm>>) target(%dma_start3A_77 : memref<128xf32, #tpu.memory_space<vmem>>) offsets(%dma_start3A_79 : memref<128xi32, #tpu.memory_space<vmem>>) semaphore(%arg22 : memref<!tpu.dma_semaphore, #tpu.memory_space<semaphore_mem>>)
    %dma_start3A_82 = arith.constant 1408 : i32
    %dma_start3A_83 = tpu.memref_slice %arg20[%dma_start3A_82] : memref<5120xf32, #tpu.memory_space<vmem>> -> memref<128xf32, #tpu.memory_space<vmem>>
    %dma_start3A_84 = arith.constant 1408 : i32
    %dma_start3A_85 = tpu.memref_slice %arg19[%dma_start3A_84] : memref<5120xi32, #tpu.memory_space<vmem>> -> memref<128xi32, #tpu.memory_space<vmem>>
    %dma_start3A_86 = arith.constant 0 : i32
    %dma_start3A_87 = tpu.memref_slice %arg6[%dma_start3A_86] : memref<655360xf32, #tpu.memory_space<hbm>> -> memref<655360xf32, #tpu.memory_space<hbm>>
    tpu.enqueue_indirect_dma source(%dma_start3A_87 : memref<655360xf32, #tpu.memory_space<hbm>>) target(%dma_start3A_83 : memref<128xf32, #tpu.memory_space<vmem>>) offsets(%dma_start3A_85 : memref<128xi32, #tpu.memory_space<vmem>>) semaphore(%arg22 : memref<!tpu.dma_semaphore, #tpu.memory_space<semaphore_mem>>)
    %dma_start3A_88 = arith.constant 1536 : i32
    %dma_start3A_89 = tpu.memref_slice %arg20[%dma_start3A_88] : memref<5120xf32, #tpu.memory_space<vmem>> -> memref<128xf32, #tpu.memory_space<vmem>>
    %dma_start3A_90 = arith.constant 1536 : i32
    %dma_start3A_91 = tpu.memref_slice %arg19[%dma_start3A_90] : memref<5120xi32, #tpu.memory_space<vmem>> -> memref<128xi32, #tpu.memory_space<vmem>>
    %dma_start3A_92 = arith.constant 0 : i32
    %dma_start3A_93 = tpu.memref_slice %arg6[%dma_start3A_92] : memref<655360xf32, #tpu.memory_space<hbm>> -> memref<655360xf32, #tpu.memory_space<hbm>>
    tpu.enqueue_indirect_dma source(%dma_start3A_93 : memref<655360xf32, #tpu.memory_space<hbm>>) target(%dma_start3A_89 : memref<128xf32, #tpu.memory_space<vmem>>) offsets(%dma_start3A_91 : memref<128xi32, #tpu.memory_space<vmem>>) semaphore(%arg22 : memref<!tpu.dma_semaphore, #tpu.memory_space<semaphore_mem>>)
    %dma_start3A_94 = arith.constant 1664 : i32
    %dma_start3A_95 = tpu.memref_slice %arg20[%dma_start3A_94] : memref<5120xf32, #tpu.memory_space<vmem>> -> memref<128xf32, #tpu.memory_space<vmem>>
    %dma_start3A_96 = arith.constant 1664 : i32
    %dma_start3A_97 = tpu.memref_slice %arg19[%dma_start3A_96] : memref<5120xi32, #tpu.memory_space<vmem>> -> memref<128xi32, #tpu.memory_space<vmem>>
    %dma_start3A_98 = arith.constant 0 : i32
    %dma_start3A_99 = tpu.memref_slice %arg6[%dma_start3A_98] : memref<655360xf32, #tpu.memory_space<hbm>> -> memref<655360xf32, #tpu.memory_space<hbm>>
    tpu.enqueue_indirect_dma source(%dma_start3A_99 : memref<655360xf32, #tpu.memory_space<hbm>>) target(%dma_start3A_95 : memref<128xf32, #tpu.memory_space<vmem>>) offsets(%dma_start3A_97 : memref<128xi32, #tpu.memory_space<vmem>>) semaphore(%arg22 : memref<!tpu.dma_semaphore, #tpu.memory_space<semaphore_mem>>)
    %dma_start3A_100 = arith.constant 1792 : i32
    %dma_start3A_101 = tpu.memref_slice %arg20[%dma_start3A_100] : memref<5120xf32, #tpu.memory_space<vmem>> -> memref<128xf32, #tpu.memory_space<vmem>>
    %dma_start3A_102 = arith.constant 1792 : i32
    %dma_start3A_103 = tpu.memref_slice %arg19[%dma_start3A_102] : memref<5120xi32, #tpu.memory_space<vmem>> -> memref<128xi32, #tpu.memory_space<vmem>>
    %dma_start3A_104 = arith.constant 0 : i32
    %dma_start3A_105 = tpu.memref_slice %arg6[%dma_start3A_104] : memref<655360xf32, #tpu.memory_space<hbm>> -> memref<655360xf32, #tpu.memory_space<hbm>>
    tpu.enqueue_indirect_dma source(%dma_start3A_105 : memref<655360xf32, #tpu.memory_space<hbm>>) target(%dma_start3A_101 : memref<128xf32, #tpu.memory_space<vmem>>) offsets(%dma_start3A_103 : memref<128xi32, #tpu.memory_space<vmem>>) semaphore(%arg22 : memref<!tpu.dma_semaphore, #tpu.memory_space<semaphore_mem>>)
    %dma_start3A_106 = arith.constant 1920 : i32
    %dma_start3A_107 = tpu.memref_slice %arg20[%dma_start3A_106] : memref<5120xf32, #tpu.memory_space<vmem>> -> memref<128xf32, #tpu.memory_space<vmem>>
    %dma_start3A_108 = arith.constant 1920 : i32
    %dma_start3A_109 = tpu.memref_slice %arg19[%dma_start3A_108] : memref<5120xi32, #tpu.memory_space<vmem>> -> memref<128xi32, #tpu.memory_space<vmem>>
    %dma_start3A_110 = arith.constant 0 : i32
    %dma_start3A_111 = tpu.memref_slice %arg6[%dma_start3A_110] : memref<655360xf32, #tpu.memory_space<hbm>> -> memref<655360xf32, #tpu.memory_space<hbm>>
    tpu.enqueue_indirect_dma source(%dma_start3A_111 : memref<655360xf32, #tpu.memory_space<hbm>>) target(%dma_start3A_107 : memref<128xf32, #tpu.memory_space<vmem>>) offsets(%dma_start3A_109 : memref<128xi32, #tpu.memory_space<vmem>>) semaphore(%arg22 : memref<!tpu.dma_semaphore, #tpu.memory_space<semaphore_mem>>)
    %dma_start3A_112 = arith.constant 2048 : i32
    %dma_start3A_113 = tpu.memref_slice %arg20[%dma_start3A_112] : memref<5120xf32, #tpu.memory_space<vmem>> -> memref<128xf32, #tpu.memory_space<vmem>>
    %dma_start3A_114 = arith.constant 2048 : i32
    %dma_start3A_115 = tpu.memref_slice %arg19[%dma_start3A_114] : memref<5120xi32, #tpu.memory_space<vmem>> -> memref<128xi32, #tpu.memory_space<vmem>>
    %dma_start3A_116 = arith.constant 0 : i32
    %dma_start3A_117 = tpu.memref_slice %arg6[%dma_start3A_116] : memref<655360xf32, #tpu.memory_space<hbm>> -> memref<655360xf32, #tpu.memory_space<hbm>>
    tpu.enqueue_indirect_dma source(%dma_start3A_117 : memref<655360xf32, #tpu.memory_space<hbm>>) target(%dma_start3A_113 : memref<128xf32, #tpu.memory_space<vmem>>) offsets(%dma_start3A_115 : memref<128xi32, #tpu.memory_space<vmem>>) semaphore(%arg22 : memref<!tpu.dma_semaphore, #tpu.memory_space<semaphore_mem>>)
    %dma_start3A_118 = arith.constant 2176 : i32
    %dma_start3A_119 = tpu.memref_slice %arg20[%dma_start3A_118] : memref<5120xf32, #tpu.memory_space<vmem>> -> memref<128xf32, #tpu.memory_space<vmem>>
    %dma_start3A_120 = arith.constant 2176 : i32
    %dma_start3A_121 = tpu.memref_slice %arg19[%dma_start3A_120] : memref<5120xi32, #tpu.memory_space<vmem>> -> memref<128xi32, #tpu.memory_space<vmem>>
    %dma_start3A_122 = arith.constant 0 : i32
    %dma_start3A_123 = tpu.memref_slice %arg6[%dma_start3A_122] : memref<655360xf32, #tpu.memory_space<hbm>> -> memref<655360xf32, #tpu.memory_space<hbm>>
    tpu.enqueue_indirect_dma source(%dma_start3A_123 : memref<655360xf32, #tpu.memory_space<hbm>>) target(%dma_start3A_119 : memref<128xf32, #tpu.memory_space<vmem>>) offsets(%dma_start3A_121 : memref<128xi32, #tpu.memory_space<vmem>>) semaphore(%arg22 : memref<!tpu.dma_semaphore, #tpu.memory_space<semaphore_mem>>)
    %dma_start3A_124 = arith.constant 2304 : i32
    %dma_start3A_125 = tpu.memref_slice %arg20[%dma_start3A_124] : memref<5120xf32, #tpu.memory_space<vmem>> -> memref<128xf32, #tpu.memory_space<vmem>>
    %dma_start3A_126 = arith.constant 2304 : i32
    %dma_start3A_127 = tpu.memref_slice %arg19[%dma_start3A_126] : memref<5120xi32, #tpu.memory_space<vmem>> -> memref<128xi32, #tpu.memory_space<vmem>>
    %dma_start3A_128 = arith.constant 0 : i32
    %dma_start3A_129 = tpu.memref_slice %arg6[%dma_start3A_128] : memref<655360xf32, #tpu.memory_space<hbm>> -> memref<655360xf32, #tpu.memory_space<hbm>>
    tpu.enqueue_indirect_dma source(%dma_start3A_129 : memref<655360xf32, #tpu.memory_space<hbm>>) target(%dma_start3A_125 : memref<128xf32, #tpu.memory_space<vmem>>) offsets(%dma_start3A_127 : memref<128xi32, #tpu.memory_space<vmem>>) semaphore(%arg22 : memref<!tpu.dma_semaphore, #tpu.memory_space<semaphore_mem>>)
    %dma_start3A_130 = arith.constant 2432 : i32
    %dma_start3A_131 = tpu.memref_slice %arg20[%dma_start3A_130] : memref<5120xf32, #tpu.memory_space<vmem>> -> memref<128xf32, #tpu.memory_space<vmem>>
    %dma_start3A_132 = arith.constant 2432 : i32
    %dma_start3A_133 = tpu.memref_slice %arg19[%dma_start3A_132] : memref<5120xi32, #tpu.memory_space<vmem>> -> memref<128xi32, #tpu.memory_space<vmem>>
    %dma_start3A_134 = arith.constant 0 : i32
    %dma_start3A_135 = tpu.memref_slice %arg6[%dma_start3A_134] : memref<655360xf32, #tpu.memory_space<hbm>> -> memref<655360xf32, #tpu.memory_space<hbm>>
    tpu.enqueue_indirect_dma source(%dma_start3A_135 : memref<655360xf32, #tpu.memory_space<hbm>>) target(%dma_start3A_131 : memref<128xf32, #tpu.memory_space<vmem>>) offsets(%dma_start3A_133 : memref<128xi32, #tpu.memory_space<vmem>>) semaphore(%arg22 : memref<!tpu.dma_semaphore, #tpu.memory_space<semaphore_mem>>)
    %dma_start3A_136 = arith.constant 2560 : i32
    %dma_start3A_137 = tpu.memref_slice %arg20[%dma_start3A_136] : memref<5120xf32, #tpu.memory_space<vmem>> -> memref<128xf32, #tpu.memory_space<vmem>>
    %dma_start3A_138 = arith.constant 2560 : i32
    %dma_start3A_139 = tpu.memref_slice %arg19[%dma_start3A_138] : memref<5120xi32, #tpu.memory_space<vmem>> -> memref<128xi32, #tpu.memory_space<vmem>>
    %dma_start3A_140 = arith.constant 0 : i32
    %dma_start3A_141 = tpu.memref_slice %arg6[%dma_start3A_140] : memref<655360xf32, #tpu.memory_space<hbm>> -> memref<655360xf32, #tpu.memory_space<hbm>>
    tpu.enqueue_indirect_dma source(%dma_start3A_141 : memref<655360xf32, #tpu.memory_space<hbm>>) target(%dma_start3A_137 : memref<128xf32, #tpu.memory_space<vmem>>) offsets(%dma_start3A_139 : memref<128xi32, #tpu.memory_space<vmem>>) semaphore(%arg22 : memref<!tpu.dma_semaphore, #tpu.memory_space<semaphore_mem>>)
    %dma_start3A_142 = arith.constant 2688 : i32
    %dma_start3A_143 = tpu.memref_slice %arg20[%dma_start3A_142] : memref<5120xf32, #tpu.memory_space<vmem>> -> memref<128xf32, #tpu.memory_space<vmem>>
    %dma_start3A_144 = arith.constant 2688 : i32
    %dma_start3A_145 = tpu.memref_slice %arg19[%dma_start3A_144] : memref<5120xi32, #tpu.memory_space<vmem>> -> memref<128xi32, #tpu.memory_space<vmem>>
    %dma_start3A_146 = arith.constant 0 : i32
    %dma_start3A_147 = tpu.memref_slice %arg6[%dma_start3A_146] : memref<655360xf32, #tpu.memory_space<hbm>> -> memref<655360xf32, #tpu.memory_space<hbm>>
    tpu.enqueue_indirect_dma source(%dma_start3A_147 : memref<655360xf32, #tpu.memory_space<hbm>>) target(%dma_start3A_143 : memref<128xf32, #tpu.memory_space<vmem>>) offsets(%dma_start3A_145 : memref<128xi32, #tpu.memory_space<vmem>>) semaphore(%arg22 : memref<!tpu.dma_semaphore, #tpu.memory_space<semaphore_mem>>)
    %dma_start3A_148 = arith.constant 2816 : i32
    %dma_start3A_149 = tpu.memref_slice %arg20[%dma_start3A_148] : memref<5120xf32, #tpu.memory_space<vmem>> -> memref<128xf32, #tpu.memory_space<vmem>>
    %dma_start3A_150 = arith.constant 2816 : i32
    %dma_start3A_151 = tpu.memref_slice %arg19[%dma_start3A_150] : memref<5120xi32, #tpu.memory_space<vmem>> -> memref<128xi32, #tpu.memory_space<vmem>>
    %dma_start3A_152 = arith.constant 0 : i32
    %dma_start3A_153 = tpu.memref_slice %arg6[%dma_start3A_152] : memref<655360xf32, #tpu.memory_space<hbm>> -> memref<655360xf32, #tpu.memory_space<hbm>>
    tpu.enqueue_indirect_dma source(%dma_start3A_153 : memref<655360xf32, #tpu.memory_space<hbm>>) target(%dma_start3A_149 : memref<128xf32, #tpu.memory_space<vmem>>) offsets(%dma_start3A_151 : memref<128xi32, #tpu.memory_space<vmem>>) semaphore(%arg22 : memref<!tpu.dma_semaphore, #tpu.memory_space<semaphore_mem>>)
    %dma_start3A_154 = arith.constant 2944 : i32
    %dma_start3A_155 = tpu.memref_slice %arg20[%dma_start3A_154] : memref<5120xf32, #tpu.memory_space<vmem>> -> memref<128xf32, #tpu.memory_space<vmem>>
    %dma_start3A_156 = arith.constant 2944 : i32
    %dma_start3A_157 = tpu.memref_slice %arg19[%dma_start3A_156] : memref<5120xi32, #tpu.memory_space<vmem>> -> memref<128xi32, #tpu.memory_space<vmem>>
    %dma_start3A_158 = arith.constant 0 : i32
    %dma_start3A_159 = tpu.memref_slice %arg6[%dma_start3A_158] : memref<655360xf32, #tpu.memory_space<hbm>> -> memref<655360xf32, #tpu.memory_space<hbm>>
    tpu.enqueue_indirect_dma source(%dma_start3A_159 : memref<655360xf32, #tpu.memory_space<hbm>>) target(%dma_start3A_155 : memref<128xf32, #tpu.memory_space<vmem>>) offsets(%dma_start3A_157 : memref<128xi32, #tpu.memory_space<vmem>>) semaphore(%arg22 : memref<!tpu.dma_semaphore, #tpu.memory_space<semaphore_mem>>)
    %dma_start3A_160 = arith.constant 3072 : i32
    %dma_start3A_161 = tpu.memref_slice %arg20[%dma_start3A_160] : memref<5120xf32, #tpu.memory_space<vmem>> -> memref<128xf32, #tpu.memory_space<vmem>>
    %dma_start3A_162 = arith.constant 3072 : i32
    %dma_start3A_163 = tpu.memref_slice %arg19[%dma_start3A_162] : memref<5120xi32, #tpu.memory_space<vmem>> -> memref<128xi32, #tpu.memory_space<vmem>>
    %dma_start3A_164 = arith.constant 0 : i32
    %dma_start3A_165 = tpu.memref_slice %arg6[%dma_start3A_164] : memref<655360xf32, #tpu.memory_space<hbm>> -> memref<655360xf32, #tpu.memory_space<hbm>>
    tpu.enqueue_indirect_dma source(%dma_start3A_165 : memref<655360xf32, #tpu.memory_space<hbm>>) target(%dma_start3A_161 : memref<128xf32, #tpu.memory_space<vmem>>) offsets(%dma_start3A_163 : memref<128xi32, #tpu.memory_space<vmem>>) semaphore(%arg22 : memref<!tpu.dma_semaphore, #tpu.memory_space<semaphore_mem>>)
    %dma_start3A_166 = arith.constant 3200 : i32
    %dma_start3A_167 = tpu.memref_slice %arg20[%dma_start3A_166] : memref<5120xf32, #tpu.memory_space<vmem>> -> memref<128xf32, #tpu.memory_space<vmem>>
    %dma_start3A_168 = arith.constant 3200 : i32
    %dma_start3A_169 = tpu.memref_slice %arg19[%dma_start3A_168] : memref<5120xi32, #tpu.memory_space<vmem>> -> memref<128xi32, #tpu.memory_space<vmem>>
    %dma_start3A_170 = arith.constant 0 : i32
    %dma_start3A_171 = tpu.memref_slice %arg6[%dma_start3A_170] : memref<655360xf32, #tpu.memory_space<hbm>> -> memref<655360xf32, #tpu.memory_space<hbm>>
    tpu.enqueue_indirect_dma source(%dma_start3A_171 : memref<655360xf32, #tpu.memory_space<hbm>>) target(%dma_start3A_167 : memref<128xf32, #tpu.memory_space<vmem>>) offsets(%dma_start3A_169 : memref<128xi32, #tpu.memory_space<vmem>>) semaphore(%arg22 : memref<!tpu.dma_semaphore, #tpu.memory_space<semaphore_mem>>)
    %dma_start3A_172 = arith.constant 3328 : i32
    %dma_start3A_173 = tpu.memref_slice %arg20[%dma_start3A_172] : memref<5120xf32, #tpu.memory_space<vmem>> -> memref<128xf32, #tpu.memory_space<vmem>>
    %dma_start3A_174 = arith.constant 3328 : i32
    %dma_start3A_175 = tpu.memref_slice %arg19[%dma_start3A_174] : memref<5120xi32, #tpu.memory_space<vmem>> -> memref<128xi32, #tpu.memory_space<vmem>>
    %dma_start3A_176 = arith.constant 0 : i32
    %dma_start3A_177 = tpu.memref_slice %arg6[%dma_start3A_176] : memref<655360xf32, #tpu.memory_space<hbm>> -> memref<655360xf32, #tpu.memory_space<hbm>>
    tpu.enqueue_indirect_dma source(%dma_start3A_177 : memref<655360xf32, #tpu.memory_space<hbm>>) target(%dma_start3A_173 : memref<128xf32, #tpu.memory_space<vmem>>) offsets(%dma_start3A_175 : memref<128xi32, #tpu.memory_space<vmem>>) semaphore(%arg22 : memref<!tpu.dma_semaphore, #tpu.memory_space<semaphore_mem>>)
    %dma_start3A_178 = arith.constant 3456 : i32
    %dma_start3A_179 = tpu.memref_slice %arg20[%dma_start3A_178] : memref<5120xf32, #tpu.memory_space<vmem>> -> memref<128xf32, #tpu.memory_space<vmem>>
    %dma_start3A_180 = arith.constant 3456 : i32
    %dma_start3A_181 = tpu.memref_slice %arg19[%dma_start3A_180] : memref<5120xi32, #tpu.memory_space<vmem>> -> memref<128xi32, #tpu.memory_space<vmem>>
    %dma_start3A_182 = arith.constant 0 : i32
    %dma_start3A_183 = tpu.memref_slice %arg6[%dma_start3A_182] : memref<655360xf32, #tpu.memory_space<hbm>> -> memref<655360xf32, #tpu.memory_space<hbm>>
    tpu.enqueue_indirect_dma source(%dma_start3A_183 : memref<655360xf32, #tpu.memory_space<hbm>>) target(%dma_start3A_179 : memref<128xf32, #tpu.memory_space<vmem>>) offsets(%dma_start3A_181 : memref<128xi32, #tpu.memory_space<vmem>>) semaphore(%arg22 : memref<!tpu.dma_semaphore, #tpu.memory_space<semaphore_mem>>)
    %dma_start3A_184 = arith.constant 3584 : i32
    %dma_start3A_185 = tpu.memref_slice %arg20[%dma_start3A_184] : memref<5120xf32, #tpu.memory_space<vmem>> -> memref<128xf32, #tpu.memory_space<vmem>>
    %dma_start3A_186 = arith.constant 3584 : i32
    %dma_start3A_187 = tpu.memref_slice %arg19[%dma_start3A_186] : memref<5120xi32, #tpu.memory_space<vmem>> -> memref<128xi32, #tpu.memory_space<vmem>>
    %dma_start3A_188 = arith.constant 0 : i32
    %dma_start3A_189 = tpu.memref_slice %arg6[%dma_start3A_188] : memref<655360xf32, #tpu.memory_space<hbm>> -> memref<655360xf32, #tpu.memory_space<hbm>>
    tpu.enqueue_indirect_dma source(%dma_start3A_189 : memref<655360xf32, #tpu.memory_space<hbm>>) target(%dma_start3A_185 : memref<128xf32, #tpu.memory_space<vmem>>) offsets(%dma_start3A_187 : memref<128xi32, #tpu.memory_space<vmem>>) semaphore(%arg22 : memref<!tpu.dma_semaphore, #tpu.memory_space<semaphore_mem>>)
    %dma_start3A_190 = arith.constant 3712 : i32
    %dma_start3A_191 = tpu.memref_slice %arg20[%dma_start3A_190] : memref<5120xf32, #tpu.memory_space<vmem>> -> memref<128xf32, #tpu.memory_space<vmem>>
    %dma_start3A_192 = arith.constant 3712 : i32
    %dma_start3A_193 = tpu.memref_slice %arg19[%dma_start3A_192] : memref<5120xi32, #tpu.memory_space<vmem>> -> memref<128xi32, #tpu.memory_space<vmem>>
    %dma_start3A_194 = arith.constant 0 : i32
    %dma_start3A_195 = tpu.memref_slice %arg6[%dma_start3A_194] : memref<655360xf32, #tpu.memory_space<hbm>> -> memref<655360xf32, #tpu.memory_space<hbm>>
    tpu.enqueue_indirect_dma source(%dma_start3A_195 : memref<655360xf32, #tpu.memory_space<hbm>>) target(%dma_start3A_191 : memref<128xf32, #tpu.memory_space<vmem>>) offsets(%dma_start3A_193 : memref<128xi32, #tpu.memory_space<vmem>>) semaphore(%arg22 : memref<!tpu.dma_semaphore, #tpu.memory_space<semaphore_mem>>)
    %dma_start3A_196 = arith.constant 3840 : i32
    %dma_start3A_197 = tpu.memref_slice %arg20[%dma_start3A_196] : memref<5120xf32, #tpu.memory_space<vmem>> -> memref<128xf32, #tpu.memory_space<vmem>>
    %dma_start3A_198 = arith.constant 3840 : i32
    %dma_start3A_199 = tpu.memref_slice %arg19[%dma_start3A_198] : memref<5120xi32, #tpu.memory_space<vmem>> -> memref<128xi32, #tpu.memory_space<vmem>>
    %dma_start3A_200 = arith.constant 0 : i32
    %dma_start3A_201 = tpu.memref_slice %arg6[%dma_start3A_200] : memref<655360xf32, #tpu.memory_space<hbm>> -> memref<655360xf32, #tpu.memory_space<hbm>>
    tpu.enqueue_indirect_dma source(%dma_start3A_201 : memref<655360xf32, #tpu.memory_space<hbm>>) target(%dma_start3A_197 : memref<128xf32, #tpu.memory_space<vmem>>) offsets(%dma_start3A_199 : memref<128xi32, #tpu.memory_space<vmem>>) semaphore(%arg22 : memref<!tpu.dma_semaphore, #tpu.memory_space<semaphore_mem>>)
    %dma_start3A_202 = arith.constant 3968 : i32
    %dma_start3A_203 = tpu.memref_slice %arg20[%dma_start3A_202] : memref<5120xf32, #tpu.memory_space<vmem>> -> memref<128xf32, #tpu.memory_space<vmem>>
    %dma_start3A_204 = arith.constant 3968 : i32
    %dma_start3A_205 = tpu.memref_slice %arg19[%dma_start3A_204] : memref<5120xi32, #tpu.memory_space<vmem>> -> memref<128xi32, #tpu.memory_space<vmem>>
    %dma_start3A_206 = arith.constant 0 : i32
    %dma_start3A_207 = tpu.memref_slice %arg6[%dma_start3A_206] : memref<655360xf32, #tpu.memory_space<hbm>> -> memref<655360xf32, #tpu.memory_space<hbm>>
    tpu.enqueue_indirect_dma source(%dma_start3A_207 : memref<655360xf32, #tpu.memory_space<hbm>>) target(%dma_start3A_203 : memref<128xf32, #tpu.memory_space<vmem>>) offsets(%dma_start3A_205 : memref<128xi32, #tpu.memory_space<vmem>>) semaphore(%arg22 : memref<!tpu.dma_semaphore, #tpu.memory_space<semaphore_mem>>)
    %dma_start3A_208 = arith.constant 4096 : i32
    %dma_start3A_209 = tpu.memref_slice %arg20[%dma_start3A_208] : memref<5120xf32, #tpu.memory_space<vmem>> -> memref<128xf32, #tpu.memory_space<vmem>>
    %dma_start3A_210 = arith.constant 4096 : i32
    %dma_start3A_211 = tpu.memref_slice %arg19[%dma_start3A_210] : memref<5120xi32, #tpu.memory_space<vmem>> -> memref<128xi32, #tpu.memory_space<vmem>>
    %dma_start3A_212 = arith.constant 0 : i32
    %dma_start3A_213 = tpu.memref_slice %arg6[%dma_start3A_212] : memref<655360xf32, #tpu.memory_space<hbm>> -> memref<655360xf32, #tpu.memory_space<hbm>>
    tpu.enqueue_indirect_dma source(%dma_start3A_213 : memref<655360xf32, #tpu.memory_space<hbm>>) target(%dma_start3A_209 : memref<128xf32, #tpu.memory_space<vmem>>) offsets(%dma_start3A_211 : memref<128xi32, #tpu.memory_space<vmem>>) semaphore(%arg22 : memref<!tpu.dma_semaphore, #tpu.memory_space<semaphore_mem>>)
    %dma_start3A_214 = arith.constant 4224 : i32
    %dma_start3A_215 = tpu.memref_slice %arg20[%dma_start3A_214] : memref<5120xf32, #tpu.memory_space<vmem>> -> memref<128xf32, #tpu.memory_space<vmem>>
    %dma_start3A_216 = arith.constant 4224 : i32
    %dma_start3A_217 = tpu.memref_slice %arg19[%dma_start3A_216] : memref<5120xi32, #tpu.memory_space<vmem>> -> memref<128xi32, #tpu.memory_space<vmem>>
    %dma_start3A_218 = arith.constant 0 : i32
    %dma_start3A_219 = tpu.memref_slice %arg6[%dma_start3A_218] : memref<655360xf32, #tpu.memory_space<hbm>> -> memref<655360xf32, #tpu.memory_space<hbm>>
    tpu.enqueue_indirect_dma source(%dma_start3A_219 : memref<655360xf32, #tpu.memory_space<hbm>>) target(%dma_start3A_215 : memref<128xf32, #tpu.memory_space<vmem>>) offsets(%dma_start3A_217 : memref<128xi32, #tpu.memory_space<vmem>>) semaphore(%arg22 : memref<!tpu.dma_semaphore, #tpu.memory_space<semaphore_mem>>)
    %dma_start3A_220 = arith.constant 4352 : i32
    %dma_start3A_221 = tpu.memref_slice %arg20[%dma_start3A_220] : memref<5120xf32, #tpu.memory_space<vmem>> -> memref<128xf32, #tpu.memory_space<vmem>>
    %dma_start3A_222 = arith.constant 4352 : i32
    %dma_start3A_223 = tpu.memref_slice %arg19[%dma_start3A_222] : memref<5120xi32, #tpu.memory_space<vmem>> -> memref<128xi32, #tpu.memory_space<vmem>>
    %dma_start3A_224 = arith.constant 0 : i32
    %dma_start3A_225 = tpu.memref_slice %arg6[%dma_start3A_224] : memref<655360xf32, #tpu.memory_space<hbm>> -> memref<655360xf32, #tpu.memory_space<hbm>>
    tpu.enqueue_indirect_dma source(%dma_start3A_225 : memref<655360xf32, #tpu.memory_space<hbm>>) target(%dma_start3A_221 : memref<128xf32, #tpu.memory_space<vmem>>) offsets(%dma_start3A_223 : memref<128xi32, #tpu.memory_space<vmem>>) semaphore(%arg22 : memref<!tpu.dma_semaphore, #tpu.memory_space<semaphore_mem>>)
    %dma_start3A_226 = arith.constant 4480 : i32
    %dma_start3A_227 = tpu.memref_slice %arg20[%dma_start3A_226] : memref<5120xf32, #tpu.memory_space<vmem>> -> memref<128xf32, #tpu.memory_space<vmem>>
    %dma_start3A_228 = arith.constant 4480 : i32
    %dma_start3A_229 = tpu.memref_slice %arg19[%dma_start3A_228] : memref<5120xi32, #tpu.memory_space<vmem>> -> memref<128xi32, #tpu.memory_space<vmem>>
    %dma_start3A_230 = arith.constant 0 : i32
    %dma_start3A_231 = tpu.memref_slice %arg6[%dma_start3A_230] : memref<655360xf32, #tpu.memory_space<hbm>> -> memref<655360xf32, #tpu.memory_space<hbm>>
    tpu.enqueue_indirect_dma source(%dma_start3A_231 : memref<655360xf32, #tpu.memory_space<hbm>>) target(%dma_start3A_227 : memref<128xf32, #tpu.memory_space<vmem>>) offsets(%dma_start3A_229 : memref<128xi32, #tpu.memory_space<vmem>>) semaphore(%arg22 : memref<!tpu.dma_semaphore, #tpu.memory_space<semaphore_mem>>)
    %dma_start3A_232 = arith.constant 4608 : i32
    %dma_start3A_233 = tpu.memref_slice %arg20[%dma_start3A_232] : memref<5120xf32, #tpu.memory_space<vmem>> -> memref<128xf32, #tpu.memory_space<vmem>>
    %dma_start3A_234 = arith.constant 4608 : i32
    %dma_start3A_235 = tpu.memref_slice %arg19[%dma_start3A_234] : memref<5120xi32, #tpu.memory_space<vmem>> -> memref<128xi32, #tpu.memory_space<vmem>>
    %dma_start3A_236 = arith.constant 0 : i32
    %dma_start3A_237 = tpu.memref_slice %arg6[%dma_start3A_236] : memref<655360xf32, #tpu.memory_space<hbm>> -> memref<655360xf32, #tpu.memory_space<hbm>>
    tpu.enqueue_indirect_dma source(%dma_start3A_237 : memref<655360xf32, #tpu.memory_space<hbm>>) target(%dma_start3A_233 : memref<128xf32, #tpu.memory_space<vmem>>) offsets(%dma_start3A_235 : memref<128xi32, #tpu.memory_space<vmem>>) semaphore(%arg22 : memref<!tpu.dma_semaphore, #tpu.memory_space<semaphore_mem>>)
    %dma_start3A_238 = arith.constant 4736 : i32
    %dma_start3A_239 = tpu.memref_slice %arg20[%dma_start3A_238] : memref<5120xf32, #tpu.memory_space<vmem>> -> memref<128xf32, #tpu.memory_space<vmem>>
    %dma_start3A_240 = arith.constant 4736 : i32
    %dma_start3A_241 = tpu.memref_slice %arg19[%dma_start3A_240] : memref<5120xi32, #tpu.memory_space<vmem>> -> memref<128xi32, #tpu.memory_space<vmem>>
    %dma_start3A_242 = arith.constant 0 : i32
    %dma_start3A_243 = tpu.memref_slice %arg6[%dma_start3A_242] : memref<655360xf32, #tpu.memory_space<hbm>> -> memref<655360xf32, #tpu.memory_space<hbm>>
    tpu.enqueue_indirect_dma source(%dma_start3A_243 : memref<655360xf32, #tpu.memory_space<hbm>>) target(%dma_start3A_239 : memref<128xf32, #tpu.memory_space<vmem>>) offsets(%dma_start3A_241 : memref<128xi32, #tpu.memory_space<vmem>>) semaphore(%arg22 : memref<!tpu.dma_semaphore, #tpu.memory_space<semaphore_mem>>)
    %dma_start3A_244 = arith.constant 4864 : i32
    %dma_start3A_245 = tpu.memref_slice %arg20[%dma_start3A_244] : memref<5120xf32, #tpu.memory_space<vmem>> -> memref<128xf32, #tpu.memory_space<vmem>>
    %dma_start3A_246 = arith.constant 4864 : i32
    %dma_start3A_247 = tpu.memref_slice %arg19[%dma_start3A_246] : memref<5120xi32, #tpu.memory_space<vmem>> -> memref<128xi32, #tpu.memory_space<vmem>>
    %dma_start3A_248 = arith.constant 0 : i32
    %dma_start3A_249 = tpu.memref_slice %arg6[%dma_start3A_248] : memref<655360xf32, #tpu.memory_space<hbm>> -> memref<655360xf32, #tpu.memory_space<hbm>>
    tpu.enqueue_indirect_dma source(%dma_start3A_249 : memref<655360xf32, #tpu.memory_space<hbm>>) target(%dma_start3A_245 : memref<128xf32, #tpu.memory_space<vmem>>) offsets(%dma_start3A_247 : memref<128xi32, #tpu.memory_space<vmem>>) semaphore(%arg22 : memref<!tpu.dma_semaphore, #tpu.memory_space<semaphore_mem>>)
    %dma_start3A_250 = arith.constant 4992 : i32
    %dma_start3A_251 = tpu.memref_slice %arg20[%dma_start3A_250] : memref<5120xf32, #tpu.memory_space<vmem>> -> memref<128xf32, #tpu.memory_space<vmem>>
    %dma_start3A_252 = arith.constant 4992 : i32
    %dma_start3A_253 = tpu.memref_slice %arg19[%dma_start3A_252] : memref<5120xi32, #tpu.memory_space<vmem>> -> memref<128xi32, #tpu.memory_space<vmem>>
    %dma_start3A_254 = arith.constant 0 : i32
    %dma_start3A_255 = tpu.memref_slice %arg6[%dma_start3A_254] : memref<655360xf32, #tpu.memory_space<hbm>> -> memref<655360xf32, #tpu.memory_space<hbm>>
    tpu.enqueue_indirect_dma source(%dma_start3A_255 : memref<655360xf32, #tpu.memory_space<hbm>>) target(%dma_start3A_251 : memref<128xf32, #tpu.memory_space<vmem>>) offsets(%dma_start3A_253 : memref<128xi32, #tpu.memory_space<vmem>>) semaphore(%arg22 : memref<!tpu.dma_semaphore, #tpu.memory_space<semaphore_mem>>)
    %scan3A_256 = arith.constant 0 : i32
    %scan3A_257 = arith.constant 0 : i32
    %scan3A_258 = arith.constant 8 : i32
    %scan3A_259 = arith.addi %scan3A_257, %scan3A_258 : i32
    %scan3A_260 = arith.constant 1 : i32
    %scan3A_261 = scf.for %scan3A_512 = %scan3A_257 to %scan3A_259 step %scan3A_260 iter_args(%scan3A_513 = %scan3A_256) -> (i32)  : i32 {
      %mul3A_514 = arith.constant 64 : i32
      %mul3A_515 = arith.muli %scan3A_512, %mul3A_514 : i32
      %add3A_516 = arith.constant 0 : i32
      %add3A_517 = arith.addi %mul3A_515, %add3A_516 : i32
      %mul3A_518 = arith.constant 100 : i32
      %mul3A_519 = arith.muli %add3A_517, %mul3A_518 : i32
      %mul3A_520 = arith.constant 100 : i32
      %mul3A_521 = vector.broadcast %mul3A_520 : i32 to vector<16xi32>
      %mul3A_522 = arith.muli %iota3A, %mul3A_521 : vector<16xi32>
      %add3A_523 = vector.broadcast %mul3A_519 : i32 to vector<16xi32>
      %add3A_524 = arith.addi %add3A_523, %mul3A_522 : vector<16xi32>
      %add3A_525 = arith.constant 16 : i32
      %add3A_526 = arith.addi %mul3A_515, %add3A_525 : i32
      %mul3A_527 = arith.constant 100 : i32
      %mul3A_528 = arith.muli %add3A_526, %mul3A_527 : i32
      %mul3A_529 = arith.constant 100 : i32
      %mul3A_530 = vector.broadcast %mul3A_529 : i32 to vector<16xi32>
      %mul3A_531 = arith.muli %iota3A, %mul3A_530 : vector<16xi32>
      %add3A_532 = vector.broadcast %mul3A_528 : i32 to vector<16xi32>
      %add3A_533 = arith.addi %add3A_532, %mul3A_531 : vector<16xi32>
      %add3A_534 = arith.constant 32 : i32
      %add3A_535 = arith.addi %mul3A_515, %add3A_534 : i32
      %mul3A_536 = arith.constant 100 : i32
      %mul3A_537 = arith.muli %add3A_535, %mul3A_536 : i32
      %mul3A_538 = arith.constant 100 : i32
      %mul3A_539 = vector.broadcast %mul3A_538 : i32 to vector<16xi32>
      %mul3A_540 = arith.muli %iota3A, %mul3A_539 : vector<16xi32>
      %add3A_541 = vector.broadcast %mul3A_537 : i32 to vector<16xi32>
      %add3A_542 = arith.addi %add3A_541, %mul3A_540 : vector<16xi32>
      %add3A_543 = arith.constant 48 : i32
      %add3A_544 = arith.addi %mul3A_515, %add3A_543 : i32
      %mul3A_545 = arith.constant 100 : i32
      %mul3A_546 = arith.muli %add3A_544, %mul3A_545 : i32
      %mul3A_547 = arith.constant 100 : i32
      %mul3A_548 = vector.broadcast %mul3A_547 : i32 to vector<16xi32>
      %mul3A_549 = arith.muli %iota3A, %mul3A_548 : vector<16xi32>
      %add3A_550 = vector.broadcast %mul3A_546 : i32 to vector<16xi32>
      %add3A_551 = arith.addi %add3A_550, %mul3A_549 : vector<16xi32>
      %broadcast_in_dim3A = arith.constant 0.000000e+00 : f32
      %broadcast_in_dim3A_552 = vector.broadcast %broadcast_in_dim3A : f32 to vector<16xf32>
      %broadcast_in_dim3A_553 = arith.constant 0.000000e+00 : f32
      %broadcast_in_dim3A_554 = vector.broadcast %broadcast_in_dim3A_553 : f32 to vector<16xf32>
      %broadcast_in_dim3A_555 = arith.constant 0.000000e+00 : f32
      %broadcast_in_dim3A_556 = vector.broadcast %broadcast_in_dim3A_555 : f32 to vector<16xf32>
      %broadcast_in_dim3A_557 = arith.constant 0.000000e+00 : f32
      %broadcast_in_dim3A_558 = vector.broadcast %broadcast_in_dim3A_557 : f32 to vector<16xf32>
      %parallel_loop3A = arith.constant 0 : i32
      %parallel_loop3A_559 = arith.constant 100 : i32
      %parallel_loop3A_560 = arith.constant 1 : i32
      %parallel_loop3A_561:4 = scf.for %parallel_loop3A_578 = %parallel_loop3A to %parallel_loop3A_559 step %parallel_loop3A_560 iter_args(%parallel_loop3A_579 = %broadcast_in_dim3A_552, %parallel_loop3A_580 = %broadcast_in_dim3A_554, %parallel_loop3A_581 = %broadcast_in_dim3A_556, %parallel_loop3A_582 = %broadcast_in_dim3A_558) -> (vector<16xf32>, vector<16xf32>, vector<16xf32>, vector<16xf32>)  : i32 {
        %parallel_loop3A_583 = vector.broadcast %parallel_loop3A_578 : i32 to vector<16xi32>
        %parallel_loop3A_584 = arith.addi %add3A_524, %parallel_loop3A_583 : vector<16xi32>
        %parallel_loop3A_585 = tpu.vector_load_idx %arg11[%parallel_loop3A_584] : memref<51200xf32, #tpu.memory_space<vmem>>[vector<16xi32>], vector<16xf32>,
        %parallel_loop3A_586 = arith.constant 256 : i32
        %parallel_loop3A_587 = arith.muli %parallel_loop3A_578, %parallel_loop3A_586 : i32
        %parallel_loop3A_588 = arith.constant 0 : i32
        %parallel_loop3A_589 = vector.broadcast %parallel_loop3A_588 : i32 to vector<16xi32>
        %parallel_loop3A_590 = arith.constant 254 : i32
        %parallel_loop3A_591 = arith.addi %parallel_loop3A_587, %parallel_loop3A_590 : i32
        %parallel_loop3A_592 = vector.broadcast %parallel_loop3A_591 : i32 to vector<16xi32>
        %parallel_loop3A_593 = arith.ori %parallel_loop3A_589, %parallel_loop3A_592 : vector<16xi32>
        %parallel_loop3A_594 = tpu.vector_load_idx %arg12[%parallel_loop3A_593] : memref<25600xf32, #tpu.memory_space<vmem>>[vector<16xi32>], vector<16xf32>,
        %parallel_loop3A_595 = arith.cmpf oge, %parallel_loop3A_585, %parallel_loop3A_594 : vector<16xf32>
        %parallel_loop3A_596 = arith.constant 1 : i32
        %parallel_loop3A_597 = vector.broadcast %parallel_loop3A_596 : i32 to vector<16xi32>
        %parallel_loop3A_598 = arith.ori %parallel_loop3A_589, %parallel_loop3A_597 : vector<16xi32>
        %parallel_loop3A_599 = arith.select %parallel_loop3A_595, %parallel_loop3A_598, %parallel_loop3A_589 : vector<16xi1>, vector<16xi32>
        %parallel_loop3A_600 = arith.constant 252 : i32
        %parallel_loop3A_601 = arith.addi %parallel_loop3A_587, %parallel_loop3A_600 : i32
        %parallel_loop3A_602 = vector.broadcast %parallel_loop3A_601 : i32 to vector<16xi32>
        %parallel_loop3A_603 = arith.ori %parallel_loop3A_599, %parallel_loop3A_602 : vector<16xi32>
        %parallel_loop3A_604 = tpu.vector_load_idx %arg12[%parallel_loop3A_603] : memref<25600xf32, #tpu.memory_space<vmem>>[vector<16xi32>], vector<16xf32>,
        %parallel_loop3A_605 = arith.cmpf oge, %parallel_loop3A_585, %parallel_loop3A_604 : vector<16xf32>
        %parallel_loop3A_606 = arith.constant 2 : i32
        %parallel_loop3A_607 = vector.broadcast %parallel_loop3A_606 : i32 to vector<16xi32>
        %parallel_loop3A_608 = arith.ori %parallel_loop3A_599, %parallel_loop3A_607 : vector<16xi32>
        %parallel_loop3A_609 = arith.select %parallel_loop3A_605, %parallel_loop3A_608, %parallel_loop3A_599 : vector<16xi1>, vector<16xi32>
        %parallel_loop3A_610 = arith.constant 248 : i32
        %parallel_loop3A_611 = arith.addi %parallel_loop3A_587, %parallel_loop3A_610 : i32
        %parallel_loop3A_612 = vector.broadcast %parallel_loop3A_611 : i32 to vector<16xi32>
        %parallel_loop3A_613 = arith.ori %parallel_loop3A_609, %parallel_loop3A_612 : vector<16xi32>
        %parallel_loop3A_614 = tpu.vector_load_idx %arg12[%parallel_loop3A_613] : memref<25600xf32, #tpu.memory_space<vmem>>[vector<16xi32>], vector<16xf32>,
        %parallel_loop3A_615 = arith.cmpf oge, %parallel_loop3A_585, %parallel_loop3A_614 : vector<16xf32>
        %parallel_loop3A_616 = arith.constant 4 : i32
        %parallel_loop3A_617 = vector.broadcast %parallel_loop3A_616 : i32 to vector<16xi32>
        %parallel_loop3A_618 = arith.ori %parallel_loop3A_609, %parallel_loop3A_617 : vector<16xi32>
        %parallel_loop3A_619 = arith.select %parallel_loop3A_615, %parallel_loop3A_618, %parallel_loop3A_609 : vector<16xi1>, vector<16xi32>
        %parallel_loop3A_620 = arith.constant 240 : i32
        %parallel_loop3A_621 = arith.addi %parallel_loop3A_587, %parallel_loop3A_620 : i32
        %parallel_loop3A_622 = vector.broadcast %parallel_loop3A_621 : i32 to vector<16xi32>
        %parallel_loop3A_623 = arith.ori %parallel_loop3A_619, %parallel_loop3A_622 : vector<16xi32>
        %parallel_loop3A_624 = tpu.vector_load_idx %arg12[%parallel_loop3A_623] : memref<25600xf32, #tpu.memory_space<vmem>>[vector<16xi32>], vector<16xf32>,
        %parallel_loop3A_625 = arith.cmpf oge, %parallel_loop3A_585, %parallel_loop3A_624 : vector<16xf32>
        %parallel_loop3A_626 = arith.constant 8 : i32
        %parallel_loop3A_627 = vector.broadcast %parallel_loop3A_626 : i32 to vector<16xi32>
        %parallel_loop3A_628 = arith.ori %parallel_loop3A_619, %parallel_loop3A_627 : vector<16xi32>
        %parallel_loop3A_629 = arith.select %parallel_loop3A_625, %parallel_loop3A_628, %parallel_loop3A_619 : vector<16xi1>, vector<16xi32>
        %parallel_loop3A_630 = arith.constant 224 : i32
        %parallel_loop3A_631 = arith.addi %parallel_loop3A_587, %parallel_loop3A_630 : i32
        %parallel_loop3A_632 = vector.broadcast %parallel_loop3A_631 : i32 to vector<16xi32>
        %parallel_loop3A_633 = arith.ori %parallel_loop3A_629, %parallel_loop3A_632 : vector<16xi32>
        %parallel_loop3A_634 = tpu.vector_load_idx %arg12[%parallel_loop3A_633] : memref<25600xf32, #tpu.memory_space<vmem>>[vector<16xi32>], vector<16xf32>,
        %parallel_loop3A_635 = arith.cmpf oge, %parallel_loop3A_585, %parallel_loop3A_634 : vector<16xf32>
        %parallel_loop3A_636 = arith.constant 16 : i32
        %parallel_loop3A_637 = vector.broadcast %parallel_loop3A_636 : i32 to vector<16xi32>
        %parallel_loop3A_638 = arith.ori %parallel_loop3A_629, %parallel_loop3A_637 : vector<16xi32>
        %parallel_loop3A_639 = arith.select %parallel_loop3A_635, %parallel_loop3A_638, %parallel_loop3A_629 : vector<16xi1>, vector<16xi32>
        %parallel_loop3A_640 = arith.constant 192 : i32
        %parallel_loop3A_641 = arith.addi %parallel_loop3A_587, %parallel_loop3A_640 : i32
        %parallel_loop3A_642 = vector.broadcast %parallel_loop3A_641 : i32 to vector<16xi32>
        %parallel_loop3A_643 = arith.ori %parallel_loop3A_639, %parallel_loop3A_642 : vector<16xi32>
        %parallel_loop3A_644 = tpu.vector_load_idx %arg12[%parallel_loop3A_643] : memref<25600xf32, #tpu.memory_space<vmem>>[vector<16xi32>], vector<16xf32>,
        %parallel_loop3A_645 = arith.cmpf oge, %parallel_loop3A_585, %parallel_loop3A_644 : vector<16xf32>
        %parallel_loop3A_646 = arith.constant 32 : i32
        %parallel_loop3A_647 = vector.broadcast %parallel_loop3A_646 : i32 to vector<16xi32>
        %parallel_loop3A_648 = arith.ori %parallel_loop3A_639, %parallel_loop3A_647 : vector<16xi32>
        %parallel_loop3A_649 = arith.select %parallel_loop3A_645, %parallel_loop3A_648, %parallel_loop3A_639 : vector<16xi1>, vector<16xi32>
        %parallel_loop3A_650 = arith.constant 128 : i32
        %parallel_loop3A_651 = arith.addi %parallel_loop3A_587, %parallel_loop3A_650 : i32
        %parallel_loop3A_652 = vector.broadcast %parallel_loop3A_651 : i32 to vector<16xi32>
        %parallel_loop3A_653 = arith.ori %parallel_loop3A_649, %parallel_loop3A_652 : vector<16xi32>
        %parallel_loop3A_654 = tpu.vector_load_idx %arg12[%parallel_loop3A_653] : memref<25600xf32, #tpu.memory_space<vmem>>[vector<16xi32>], vector<16xf32>,
        %parallel_loop3A_655 = arith.cmpf oge, %parallel_loop3A_585, %parallel_loop3A_654 : vector<16xf32>
        %parallel_loop3A_656 = arith.constant 64 : i32
        %parallel_loop3A_657 = vector.broadcast %parallel_loop3A_656 : i32 to vector<16xi32>
        %parallel_loop3A_658 = arith.ori %parallel_loop3A_649, %parallel_loop3A_657 : vector<16xi32>
        %parallel_loop3A_659 = arith.select %parallel_loop3A_655, %parallel_loop3A_658, %parallel_loop3A_649 : vector<16xi1>, vector<16xi32>
        %parallel_loop3A_660 = arith.constant 0 : i32
        %parallel_loop3A_661 = arith.addi %parallel_loop3A_587, %parallel_loop3A_660 : i32
        %parallel_loop3A_662 = vector.broadcast %parallel_loop3A_661 : i32 to vector<16xi32>
        %parallel_loop3A_663 = arith.ori %parallel_loop3A_659, %parallel_loop3A_662 : vector<16xi32>
        %parallel_loop3A_664 = tpu.vector_load_idx %arg12[%parallel_loop3A_663] : memref<25600xf32, #tpu.memory_space<vmem>>[vector<16xi32>], vector<16xf32>,
        %parallel_loop3A_665 = arith.cmpf oge, %parallel_loop3A_585, %parallel_loop3A_664 : vector<16xf32>
        %parallel_loop3A_666 = arith.constant 128 : i32
        %parallel_loop3A_667 = vector.broadcast %parallel_loop3A_666 : i32 to vector<16xi32>
        %parallel_loop3A_668 = arith.ori %parallel_loop3A_659, %parallel_loop3A_667 : vector<16xi32>
        %parallel_loop3A_669 = arith.select %parallel_loop3A_665, %parallel_loop3A_668, %parallel_loop3A_659 : vector<16xi1>, vector<16xi32>
        %parallel_loop3A_670 = arith.constant 256 : i32
        %parallel_loop3A_671 = arith.muli %parallel_loop3A_578, %parallel_loop3A_670 : i32
        %parallel_loop3A_672 = vector.broadcast %parallel_loop3A_671 : i32 to vector<16xi32>
        %parallel_loop3A_673 = arith.addi %parallel_loop3A_669, %parallel_loop3A_672 : vector<16xi32>
        %parallel_loop3A_674 = tpu.vector_load_idx %arg13[%parallel_loop3A_673] : memref<25600xf32, #tpu.memory_space<vmem>>[vector<16xi32>], vector<16xf32>,
        %parallel_loop3A_675 = arith.addf %parallel_loop3A_579, %parallel_loop3A_674 : vector<16xf32>
        %parallel_loop3A_676 = vector.broadcast %parallel_loop3A_578 : i32 to vector<16xi32>
        %parallel_loop3A_677 = arith.addi %add3A_533, %parallel_loop3A_676 : vector<16xi32>
        %parallel_loop3A_678 = tpu.vector_load_idx %arg11[%parallel_loop3A_677] : memref<51200xf32, #tpu.memory_space<vmem>>[vector<16xi32>], vector<16xf32>,
        %parallel_loop3A_679 = arith.constant 256 : i32
        %parallel_loop3A_680 = arith.muli %parallel_loop3A_578, %parallel_loop3A_679 : i32
        %parallel_loop3A_681 = arith.constant 0 : i32
        %parallel_loop3A_682 = vector.broadcast %parallel_loop3A_681 : i32 to vector<16xi32>
        %parallel_loop3A_683 = arith.constant 254 : i32
        %parallel_loop3A_684 = arith.addi %parallel_loop3A_680, %parallel_loop3A_683 : i32
        %parallel_loop3A_685 = vector.broadcast %parallel_loop3A_684 : i32 to vector<16xi32>
        %parallel_loop3A_686 = arith.ori %parallel_loop3A_682, %parallel_loop3A_685 : vector<16xi32>
        %parallel_loop3A_687 = tpu.vector_load_idx %arg12[%parallel_loop3A_686] : memref<25600xf32, #tpu.memory_space<vmem>>[vector<16xi32>], vector<16xf32>,
        %parallel_loop3A_688 = arith.cmpf oge, %parallel_loop3A_678, %parallel_loop3A_687 : vector<16xf32>
        %parallel_loop3A_689 = arith.constant 1 : i32
        %parallel_loop3A_690 = vector.broadcast %parallel_loop3A_689 : i32 to vector<16xi32>
        %parallel_loop3A_691 = arith.ori %parallel_loop3A_682, %parallel_loop3A_690 : vector<16xi32>
        %parallel_loop3A_692 = arith.select %parallel_loop3A_688, %parallel_loop3A_691, %parallel_loop3A_682 : vector<16xi1>, vector<16xi32>
        %parallel_loop3A_693 = arith.constant 252 : i32
        %parallel_loop3A_694 = arith.addi %parallel_loop3A_680, %parallel_loop3A_693 : i32
        %parallel_loop3A_695 = vector.broadcast %parallel_loop3A_694 : i32 to vector<16xi32>
        %parallel_loop3A_696 = arith.ori %parallel_loop3A_692, %parallel_loop3A_695 : vector<16xi32>
        %parallel_loop3A_697 = tpu.vector_load_idx %arg12[%parallel_loop3A_696] : memref<25600xf32, #tpu.memory_space<vmem>>[vector<16xi32>], vector<16xf32>,
        %parallel_loop3A_698 = arith.cmpf oge, %parallel_loop3A_678, %parallel_loop3A_697 : vector<16xf32>
        %parallel_loop3A_699 = arith.constant 2 : i32
        %parallel_loop3A_700 = vector.broadcast %parallel_loop3A_699 : i32 to vector<16xi32>
        %parallel_loop3A_701 = arith.ori %parallel_loop3A_692, %parallel_loop3A_700 : vector<16xi32>
        %parallel_loop3A_702 = arith.select %parallel_loop3A_698, %parallel_loop3A_701, %parallel_loop3A_692 : vector<16xi1>, vector<16xi32>
        %parallel_loop3A_703 = arith.constant 248 : i32
        %parallel_loop3A_704 = arith.addi %parallel_loop3A_680, %parallel_loop3A_703 : i32
        %parallel_loop3A_705 = vector.broadcast %parallel_loop3A_704 : i32 to vector<16xi32>
        %parallel_loop3A_706 = arith.ori %parallel_loop3A_702, %parallel_loop3A_705 : vector<16xi32>
        %parallel_loop3A_707 = tpu.vector_load_idx %arg12[%parallel_loop3A_706] : memref<25600xf32, #tpu.memory_space<vmem>>[vector<16xi32>], vector<16xf32>,
        %parallel_loop3A_708 = arith.cmpf oge, %parallel_loop3A_678, %parallel_loop3A_707 : vector<16xf32>
        %parallel_loop3A_709 = arith.constant 4 : i32
        %parallel_loop3A_710 = vector.broadcast %parallel_loop3A_709 : i32 to vector<16xi32>
        %parallel_loop3A_711 = arith.ori %parallel_loop3A_702, %parallel_loop3A_710 : vector<16xi32>
        %parallel_loop3A_712 = arith.select %parallel_loop3A_708, %parallel_loop3A_711, %parallel_loop3A_702 : vector<16xi1>, vector<16xi32>
        %parallel_loop3A_713 = arith.constant 240 : i32
        %parallel_loop3A_714 = arith.addi %parallel_loop3A_680, %parallel_loop3A_713 : i32
        %parallel_loop3A_715 = vector.broadcast %parallel_loop3A_714 : i32 to vector<16xi32>
        %parallel_loop3A_716 = arith.ori %parallel_loop3A_712, %parallel_loop3A_715 : vector<16xi32>
        %parallel_loop3A_717 = tpu.vector_load_idx %arg12[%parallel_loop3A_716] : memref<25600xf32, #tpu.memory_space<vmem>>[vector<16xi32>], vector<16xf32>,
        %parallel_loop3A_718 = arith.cmpf oge, %parallel_loop3A_678, %parallel_loop3A_717 : vector<16xf32>
        %parallel_loop3A_719 = arith.constant 8 : i32
        %parallel_loop3A_720 = vector.broadcast %parallel_loop3A_719 : i32 to vector<16xi32>
        %parallel_loop3A_721 = arith.ori %parallel_loop3A_712, %parallel_loop3A_720 : vector<16xi32>
        %parallel_loop3A_722 = arith.select %parallel_loop3A_718, %parallel_loop3A_721, %parallel_loop3A_712 : vector<16xi1>, vector<16xi32>
        %parallel_loop3A_723 = arith.constant 224 : i32
        %parallel_loop3A_724 = arith.addi %parallel_loop3A_680, %parallel_loop3A_723 : i32
        %parallel_loop3A_725 = vector.broadcast %parallel_loop3A_724 : i32 to vector<16xi32>
        %parallel_loop3A_726 = arith.ori %parallel_loop3A_722, %parallel_loop3A_725 : vector<16xi32>
        %parallel_loop3A_727 = tpu.vector_load_idx %arg12[%parallel_loop3A_726] : memref<25600xf32, #tpu.memory_space<vmem>>[vector<16xi32>], vector<16xf32>,
        %parallel_loop3A_728 = arith.cmpf oge, %parallel_loop3A_678, %parallel_loop3A_727 : vector<16xf32>
        %parallel_loop3A_729 = arith.constant 16 : i32
        %parallel_loop3A_730 = vector.broadcast %parallel_loop3A_729 : i32 to vector<16xi32>
        %parallel_loop3A_731 = arith.ori %parallel_loop3A_722, %parallel_loop3A_730 : vector<16xi32>
        %parallel_loop3A_732 = arith.select %parallel_loop3A_728, %parallel_loop3A_731, %parallel_loop3A_722 : vector<16xi1>, vector<16xi32>
        %parallel_loop3A_733 = arith.constant 192 : i32
        %parallel_loop3A_734 = arith.addi %parallel_loop3A_680, %parallel_loop3A_733 : i32
        %parallel_loop3A_735 = vector.broadcast %parallel_loop3A_734 : i32 to vector<16xi32>
        %parallel_loop3A_736 = arith.ori %parallel_loop3A_732, %parallel_loop3A_735 : vector<16xi32>
        %parallel_loop3A_737 = tpu.vector_load_idx %arg12[%parallel_loop3A_736] : memref<25600xf32, #tpu.memory_space<vmem>>[vector<16xi32>], vector<16xf32>,
        %parallel_loop3A_738 = arith.cmpf oge, %parallel_loop3A_678, %parallel_loop3A_737 : vector<16xf32>
        %parallel_loop3A_739 = arith.constant 32 : i32
        %parallel_loop3A_740 = vector.broadcast %parallel_loop3A_739 : i32 to vector<16xi32>
        %parallel_loop3A_741 = arith.ori %parallel_loop3A_732, %parallel_loop3A_740 : vector<16xi32>
        %parallel_loop3A_742 = arith.select %parallel_loop3A_738, %parallel_loop3A_741, %parallel_loop3A_732 : vector<16xi1>, vector<16xi32>
        %parallel_loop3A_743 = arith.constant 128 : i32
        %parallel_loop3A_744 = arith.addi %parallel_loop3A_680, %parallel_loop3A_743 : i32
        %parallel_loop3A_745 = vector.broadcast %parallel_loop3A_744 : i32 to vector<16xi32>
        %parallel_loop3A_746 = arith.ori %parallel_loop3A_742, %parallel_loop3A_745 : vector<16xi32>
        %parallel_loop3A_747 = tpu.vector_load_idx %arg12[%parallel_loop3A_746] : memref<25600xf32, #tpu.memory_space<vmem>>[vector<16xi32>], vector<16xf32>,
        %parallel_loop3A_748 = arith.cmpf oge, %parallel_loop3A_678, %parallel_loop3A_747 : vector<16xf32>
        %parallel_loop3A_749 = arith.constant 64 : i32
        %parallel_loop3A_750 = vector.broadcast %parallel_loop3A_749 : i32 to vector<16xi32>
        %parallel_loop3A_751 = arith.ori %parallel_loop3A_742, %parallel_loop3A_750 : vector<16xi32>
        %parallel_loop3A_752 = arith.select %parallel_loop3A_748, %parallel_loop3A_751, %parallel_loop3A_742 : vector<16xi1>, vector<16xi32>
        %parallel_loop3A_753 = arith.constant 0 : i32
        %parallel_loop3A_754 = arith.addi %parallel_loop3A_680, %parallel_loop3A_753 : i32
        %parallel_loop3A_755 = vector.broadcast %parallel_loop3A_754 : i32 to vector<16xi32>
        %parallel_loop3A_756 = arith.ori %parallel_loop3A_752, %parallel_loop3A_755 : vector<16xi32>
        %parallel_loop3A_757 = tpu.vector_load_idx %arg12[%parallel_loop3A_756] : memref<25600xf32, #tpu.memory_space<vmem>>[vector<16xi32>], vector<16xf32>,
        %parallel_loop3A_758 = arith.cmpf oge, %parallel_loop3A_678, %parallel_loop3A_757 : vector<16xf32>
        %parallel_loop3A_759 = arith.constant 128 : i32
        %parallel_loop3A_760 = vector.broadcast %parallel_loop3A_759 : i32 to vector<16xi32>
        %parallel_loop3A_761 = arith.ori %parallel_loop3A_752, %parallel_loop3A_760 : vector<16xi32>
        %parallel_loop3A_762 = arith.select %parallel_loop3A_758, %parallel_loop3A_761, %parallel_loop3A_752 : vector<16xi1>, vector<16xi32>
        %parallel_loop3A_763 = arith.constant 256 : i32
        %parallel_loop3A_764 = arith.muli %parallel_loop3A_578, %parallel_loop3A_763 : i32
        %parallel_loop3A_765 = vector.broadcast %parallel_loop3A_764 : i32 to vector<16xi32>
        %parallel_loop3A_766 = arith.addi %parallel_loop3A_762, %parallel_loop3A_765 : vector<16xi32>
        %parallel_loop3A_767 = tpu.vector_load_idx %arg13[%parallel_loop3A_766] : memref<25600xf32, #tpu.memory_space<vmem>>[vector<16xi32>], vector<16xf32>,
        %parallel_loop3A_768 = arith.addf %parallel_loop3A_580, %parallel_loop3A_767 : vector<16xf32>
        %parallel_loop3A_769 = vector.broadcast %parallel_loop3A_578 : i32 to vector<16xi32>
        %parallel_loop3A_770 = arith.addi %add3A_542, %parallel_loop3A_769 : vector<16xi32>
        %parallel_loop3A_771 = tpu.vector_load_idx %arg11[%parallel_loop3A_770] : memref<51200xf32, #tpu.memory_space<vmem>>[vector<16xi32>], vector<16xf32>,
        %parallel_loop3A_772 = arith.constant 256 : i32
        %parallel_loop3A_773 = arith.muli %parallel_loop3A_578, %parallel_loop3A_772 : i32
        %parallel_loop3A_774 = arith.constant 0 : i32
        %parallel_loop3A_775 = vector.broadcast %parallel_loop3A_774 : i32 to vector<16xi32>
        %parallel_loop3A_776 = arith.constant 254 : i32
        %parallel_loop3A_777 = arith.addi %parallel_loop3A_773, %parallel_loop3A_776 : i32
        %parallel_loop3A_778 = vector.broadcast %parallel_loop3A_777 : i32 to vector<16xi32>
        %parallel_loop3A_779 = arith.ori %parallel_loop3A_775, %parallel_loop3A_778 : vector<16xi32>
        %parallel_loop3A_780 = tpu.vector_load_idx %arg12[%parallel_loop3A_779] : memref<25600xf32, #tpu.memory_space<vmem>>[vector<16xi32>], vector<16xf32>,
        %parallel_loop3A_781 = arith.cmpf oge, %parallel_loop3A_771, %parallel_loop3A_780 : vector<16xf32>
        %parallel_loop3A_782 = arith.constant 1 : i32
        %parallel_loop3A_783 = vector.broadcast %parallel_loop3A_782 : i32 to vector<16xi32>
        %parallel_loop3A_784 = arith.ori %parallel_loop3A_775, %parallel_loop3A_783 : vector<16xi32>
        %parallel_loop3A_785 = arith.select %parallel_loop3A_781, %parallel_loop3A_784, %parallel_loop3A_775 : vector<16xi1>, vector<16xi32>
        %parallel_loop3A_786 = arith.constant 252 : i32
        %parallel_loop3A_787 = arith.addi %parallel_loop3A_773, %parallel_loop3A_786 : i32
        %parallel_loop3A_788 = vector.broadcast %parallel_loop3A_787 : i32 to vector<16xi32>
        %parallel_loop3A_789 = arith.ori %parallel_loop3A_785, %parallel_loop3A_788 : vector<16xi32>
        %parallel_loop3A_790 = tpu.vector_load_idx %arg12[%parallel_loop3A_789] : memref<25600xf32, #tpu.memory_space<vmem>>[vector<16xi32>], vector<16xf32>,
        %parallel_loop3A_791 = arith.cmpf oge, %parallel_loop3A_771, %parallel_loop3A_790 : vector<16xf32>
        %parallel_loop3A_792 = arith.constant 2 : i32
        %parallel_loop3A_793 = vector.broadcast %parallel_loop3A_792 : i32 to vector<16xi32>
        %parallel_loop3A_794 = arith.ori %parallel_loop3A_785, %parallel_loop3A_793 : vector<16xi32>
        %parallel_loop3A_795 = arith.select %parallel_loop3A_791, %parallel_loop3A_794, %parallel_loop3A_785 : vector<16xi1>, vector<16xi32>
        %parallel_loop3A_796 = arith.constant 248 : i32
        %parallel_loop3A_797 = arith.addi %parallel_loop3A_773, %parallel_loop3A_796 : i32
        %parallel_loop3A_798 = vector.broadcast %parallel_loop3A_797 : i32 to vector<16xi32>
        %parallel_loop3A_799 = arith.ori %parallel_loop3A_795, %parallel_loop3A_798 : vector<16xi32>
        %parallel_loop3A_800 = tpu.vector_load_idx %arg12[%parallel_loop3A_799] : memref<25600xf32, #tpu.memory_space<vmem>>[vector<16xi32>], vector<16xf32>,
        %parallel_loop3A_801 = arith.cmpf oge, %parallel_loop3A_771, %parallel_loop3A_800 : vector<16xf32>
        %parallel_loop3A_802 = arith.constant 4 : i32
        %parallel_loop3A_803 = vector.broadcast %parallel_loop3A_802 : i32 to vector<16xi32>
        %parallel_loop3A_804 = arith.ori %parallel_loop3A_795, %parallel_loop3A_803 : vector<16xi32>
        %parallel_loop3A_805 = arith.select %parallel_loop3A_801, %parallel_loop3A_804, %parallel_loop3A_795 : vector<16xi1>, vector<16xi32>
        %parallel_loop3A_806 = arith.constant 240 : i32
        %parallel_loop3A_807 = arith.addi %parallel_loop3A_773, %parallel_loop3A_806 : i32
        %parallel_loop3A_808 = vector.broadcast %parallel_loop3A_807 : i32 to vector<16xi32>
        %parallel_loop3A_809 = arith.ori %parallel_loop3A_805, %parallel_loop3A_808 : vector<16xi32>
        %parallel_loop3A_810 = tpu.vector_load_idx %arg12[%parallel_loop3A_809] : memref<25600xf32, #tpu.memory_space<vmem>>[vector<16xi32>], vector<16xf32>,
        %parallel_loop3A_811 = arith.cmpf oge, %parallel_loop3A_771, %parallel_loop3A_810 : vector<16xf32>
        %parallel_loop3A_812 = arith.constant 8 : i32
        %parallel_loop3A_813 = vector.broadcast %parallel_loop3A_812 : i32 to vector<16xi32>
        %parallel_loop3A_814 = arith.ori %parallel_loop3A_805, %parallel_loop3A_813 : vector<16xi32>
        %parallel_loop3A_815 = arith.select %parallel_loop3A_811, %parallel_loop3A_814, %parallel_loop3A_805 : vector<16xi1>, vector<16xi32>
        %parallel_loop3A_816 = arith.constant 224 : i32
        %parallel_loop3A_817 = arith.addi %parallel_loop3A_773, %parallel_loop3A_816 : i32
        %parallel_loop3A_818 = vector.broadcast %parallel_loop3A_817 : i32 to vector<16xi32>
        %parallel_loop3A_819 = arith.ori %parallel_loop3A_815, %parallel_loop3A_818 : vector<16xi32>
        %parallel_loop3A_820 = tpu.vector_load_idx %arg12[%parallel_loop3A_819] : memref<25600xf32, #tpu.memory_space<vmem>>[vector<16xi32>], vector<16xf32>,
        %parallel_loop3A_821 = arith.cmpf oge, %parallel_loop3A_771, %parallel_loop3A_820 : vector<16xf32>
        %parallel_loop3A_822 = arith.constant 16 : i32
        %parallel_loop3A_823 = vector.broadcast %parallel_loop3A_822 : i32 to vector<16xi32>
        %parallel_loop3A_824 = arith.ori %parallel_loop3A_815, %parallel_loop3A_823 : vector<16xi32>
        %parallel_loop3A_825 = arith.select %parallel_loop3A_821, %parallel_loop3A_824, %parallel_loop3A_815 : vector<16xi1>, vector<16xi32>
        %parallel_loop3A_826 = arith.constant 192 : i32
        %parallel_loop3A_827 = arith.addi %parallel_loop3A_773, %parallel_loop3A_826 : i32
        %parallel_loop3A_828 = vector.broadcast %parallel_loop3A_827 : i32 to vector<16xi32>
        %parallel_loop3A_829 = arith.ori %parallel_loop3A_825, %parallel_loop3A_828 : vector<16xi32>
        %parallel_loop3A_830 = tpu.vector_load_idx %arg12[%parallel_loop3A_829] : memref<25600xf32, #tpu.memory_space<vmem>>[vector<16xi32>], vector<16xf32>,
        %parallel_loop3A_831 = arith.cmpf oge, %parallel_loop3A_771, %parallel_loop3A_830 : vector<16xf32>
        %parallel_loop3A_832 = arith.constant 32 : i32
        %parallel_loop3A_833 = vector.broadcast %parallel_loop3A_832 : i32 to vector<16xi32>
        %parallel_loop3A_834 = arith.ori %parallel_loop3A_825, %parallel_loop3A_833 : vector<16xi32>
        %parallel_loop3A_835 = arith.select %parallel_loop3A_831, %parallel_loop3A_834, %parallel_loop3A_825 : vector<16xi1>, vector<16xi32>
        %parallel_loop3A_836 = arith.constant 128 : i32
        %parallel_loop3A_837 = arith.addi %parallel_loop3A_773, %parallel_loop3A_836 : i32
        %parallel_loop3A_838 = vector.broadcast %parallel_loop3A_837 : i32 to vector<16xi32>
        %parallel_loop3A_839 = arith.ori %parallel_loop3A_835, %parallel_loop3A_838 : vector<16xi32>
        %parallel_loop3A_840 = tpu.vector_load_idx %arg12[%parallel_loop3A_839] : memref<25600xf32, #tpu.memory_space<vmem>>[vector<16xi32>], vector<16xf32>,
        %parallel_loop3A_841 = arith.cmpf oge, %parallel_loop3A_771, %parallel_loop3A_840 : vector<16xf32>
        %parallel_loop3A_842 = arith.constant 64 : i32
        %parallel_loop3A_843 = vector.broadcast %parallel_loop3A_842 : i32 to vector<16xi32>
        %parallel_loop3A_844 = arith.ori %parallel_loop3A_835, %parallel_loop3A_843 : vector<16xi32>
        %parallel_loop3A_845 = arith.select %parallel_loop3A_841, %parallel_loop3A_844, %parallel_loop3A_835 : vector<16xi1>, vector<16xi32>
        %parallel_loop3A_846 = arith.constant 0 : i32
        %parallel_loop3A_847 = arith.addi %parallel_loop3A_773, %parallel_loop3A_846 : i32
        %parallel_loop3A_848 = vector.broadcast %parallel_loop3A_847 : i32 to vector<16xi32>
        %parallel_loop3A_849 = arith.ori %parallel_loop3A_845, %parallel_loop3A_848 : vector<16xi32>
        %parallel_loop3A_850 = tpu.vector_load_idx %arg12[%parallel_loop3A_849] : memref<25600xf32, #tpu.memory_space<vmem>>[vector<16xi32>], vector<16xf32>,
        %parallel_loop3A_851 = arith.cmpf oge, %parallel_loop3A_771, %parallel_loop3A_850 : vector<16xf32>
        %parallel_loop3A_852 = arith.constant 128 : i32
        %parallel_loop3A_853 = vector.broadcast %parallel_loop3A_852 : i32 to vector<16xi32>
        %parallel_loop3A_854 = arith.ori %parallel_loop3A_845, %parallel_loop3A_853 : vector<16xi32>
        %parallel_loop3A_855 = arith.select %parallel_loop3A_851, %parallel_loop3A_854, %parallel_loop3A_845 : vector<16xi1>, vector<16xi32>
        %parallel_loop3A_856 = arith.constant 256 : i32
        %parallel_loop3A_857 = arith.muli %parallel_loop3A_578, %parallel_loop3A_856 : i32
        %parallel_loop3A_858 = vector.broadcast %parallel_loop3A_857 : i32 to vector<16xi32>
        %parallel_loop3A_859 = arith.addi %parallel_loop3A_855, %parallel_loop3A_858 : vector<16xi32>
        %parallel_loop3A_860 = tpu.vector_load_idx %arg13[%parallel_loop3A_859] : memref<25600xf32, #tpu.memory_space<vmem>>[vector<16xi32>], vector<16xf32>,
        %parallel_loop3A_861 = arith.addf %parallel_loop3A_581, %parallel_loop3A_860 : vector<16xf32>
        %parallel_loop3A_862 = vector.broadcast %parallel_loop3A_578 : i32 to vector<16xi32>
        %parallel_loop3A_863 = arith.addi %add3A_551, %parallel_loop3A_862 : vector<16xi32>
        %parallel_loop3A_864 = tpu.vector_load_idx %arg11[%parallel_loop3A_863] : memref<51200xf32, #tpu.memory_space<vmem>>[vector<16xi32>], vector<16xf32>,
        %parallel_loop3A_865 = arith.constant 256 : i32
        %parallel_loop3A_866 = arith.muli %parallel_loop3A_578, %parallel_loop3A_865 : i32
        %parallel_loop3A_867 = arith.constant 0 : i32
        %parallel_loop3A_868 = vector.broadcast %parallel_loop3A_867 : i32 to vector<16xi32>
        %parallel_loop3A_869 = arith.constant 254 : i32
        %parallel_loop3A_870 = arith.addi %parallel_loop3A_866, %parallel_loop3A_869 : i32
        %parallel_loop3A_871 = vector.broadcast %parallel_loop3A_870 : i32 to vector<16xi32>
        %parallel_loop3A_872 = arith.ori %parallel_loop3A_868, %parallel_loop3A_871 : vector<16xi32>
        %parallel_loop3A_873 = tpu.vector_load_idx %arg12[%parallel_loop3A_872] : memref<25600xf32, #tpu.memory_space<vmem>>[vector<16xi32>], vector<16xf32>,
        %parallel_loop3A_874 = arith.cmpf oge, %parallel_loop3A_864, %parallel_loop3A_873 : vector<16xf32>
        %parallel_loop3A_875 = arith.constant 1 : i32
        %parallel_loop3A_876 = vector.broadcast %parallel_loop3A_875 : i32 to vector<16xi32>
        %parallel_loop3A_877 = arith.ori %parallel_loop3A_868, %parallel_loop3A_876 : vector<16xi32>
        %parallel_loop3A_878 = arith.select %parallel_loop3A_874, %parallel_loop3A_877, %parallel_loop3A_868 : vector<16xi1>, vector<16xi32>
        %parallel_loop3A_879 = arith.constant 252 : i32
        %parallel_loop3A_880 = arith.addi %parallel_loop3A_866, %parallel_loop3A_879 : i32
        %parallel_loop3A_881 = vector.broadcast %parallel_loop3A_880 : i32 to vector<16xi32>
        %parallel_loop3A_882 = arith.ori %parallel_loop3A_878, %parallel_loop3A_881 : vector<16xi32>
        %parallel_loop3A_883 = tpu.vector_load_idx %arg12[%parallel_loop3A_882] : memref<25600xf32, #tpu.memory_space<vmem>>[vector<16xi32>], vector<16xf32>,
        %parallel_loop3A_884 = arith.cmpf oge, %parallel_loop3A_864, %parallel_loop3A_883 : vector<16xf32>
        %parallel_loop3A_885 = arith.constant 2 : i32
        %parallel_loop3A_886 = vector.broadcast %parallel_loop3A_885 : i32 to vector<16xi32>
        %parallel_loop3A_887 = arith.ori %parallel_loop3A_878, %parallel_loop3A_886 : vector<16xi32>
        %parallel_loop3A_888 = arith.select %parallel_loop3A_884, %parallel_loop3A_887, %parallel_loop3A_878 : vector<16xi1>, vector<16xi32>
        %parallel_loop3A_889 = arith.constant 248 : i32
        %parallel_loop3A_890 = arith.addi %parallel_loop3A_866, %parallel_loop3A_889 : i32
        %parallel_loop3A_891 = vector.broadcast %parallel_loop3A_890 : i32 to vector<16xi32>
        %parallel_loop3A_892 = arith.ori %parallel_loop3A_888, %parallel_loop3A_891 : vector<16xi32>
        %parallel_loop3A_893 = tpu.vector_load_idx %arg12[%parallel_loop3A_892] : memref<25600xf32, #tpu.memory_space<vmem>>[vector<16xi32>], vector<16xf32>,
        %parallel_loop3A_894 = arith.cmpf oge, %parallel_loop3A_864, %parallel_loop3A_893 : vector<16xf32>
        %parallel_loop3A_895 = arith.constant 4 : i32
        %parallel_loop3A_896 = vector.broadcast %parallel_loop3A_895 : i32 to vector<16xi32>
        %parallel_loop3A_897 = arith.ori %parallel_loop3A_888, %parallel_loop3A_896 : vector<16xi32>
        %parallel_loop3A_898 = arith.select %parallel_loop3A_894, %parallel_loop3A_897, %parallel_loop3A_888 : vector<16xi1>, vector<16xi32>
        %parallel_loop3A_899 = arith.constant 240 : i32
        %parallel_loop3A_900 = arith.addi %parallel_loop3A_866, %parallel_loop3A_899 : i32
        %parallel_loop3A_901 = vector.broadcast %parallel_loop3A_900 : i32 to vector<16xi32>
        %parallel_loop3A_902 = arith.ori %parallel_loop3A_898, %parallel_loop3A_901 : vector<16xi32>
        %parallel_loop3A_903 = tpu.vector_load_idx %arg12[%parallel_loop3A_902] : memref<25600xf32, #tpu.memory_space<vmem>>[vector<16xi32>], vector<16xf32>,
        %parallel_loop3A_904 = arith.cmpf oge, %parallel_loop3A_864, %parallel_loop3A_903 : vector<16xf32>
        %parallel_loop3A_905 = arith.constant 8 : i32
        %parallel_loop3A_906 = vector.broadcast %parallel_loop3A_905 : i32 to vector<16xi32>
        %parallel_loop3A_907 = arith.ori %parallel_loop3A_898, %parallel_loop3A_906 : vector<16xi32>
        %parallel_loop3A_908 = arith.select %parallel_loop3A_904, %parallel_loop3A_907, %parallel_loop3A_898 : vector<16xi1>, vector<16xi32>
        %parallel_loop3A_909 = arith.constant 224 : i32
        %parallel_loop3A_910 = arith.addi %parallel_loop3A_866, %parallel_loop3A_909 : i32
        %parallel_loop3A_911 = vector.broadcast %parallel_loop3A_910 : i32 to vector<16xi32>
        %parallel_loop3A_912 = arith.ori %parallel_loop3A_908, %parallel_loop3A_911 : vector<16xi32>
        %parallel_loop3A_913 = tpu.vector_load_idx %arg12[%parallel_loop3A_912] : memref<25600xf32, #tpu.memory_space<vmem>>[vector<16xi32>], vector<16xf32>,
        %parallel_loop3A_914 = arith.cmpf oge, %parallel_loop3A_864, %parallel_loop3A_913 : vector<16xf32>
        %parallel_loop3A_915 = arith.constant 16 : i32
        %parallel_loop3A_916 = vector.broadcast %parallel_loop3A_915 : i32 to vector<16xi32>
        %parallel_loop3A_917 = arith.ori %parallel_loop3A_908, %parallel_loop3A_916 : vector<16xi32>
        %parallel_loop3A_918 = arith.select %parallel_loop3A_914, %parallel_loop3A_917, %parallel_loop3A_908 : vector<16xi1>, vector<16xi32>
        %parallel_loop3A_919 = arith.constant 192 : i32
        %parallel_loop3A_920 = arith.addi %parallel_loop3A_866, %parallel_loop3A_919 : i32
        %parallel_loop3A_921 = vector.broadcast %parallel_loop3A_920 : i32 to vector<16xi32>
        %parallel_loop3A_922 = arith.ori %parallel_loop3A_918, %parallel_loop3A_921 : vector<16xi32>
        %parallel_loop3A_923 = tpu.vector_load_idx %arg12[%parallel_loop3A_922] : memref<25600xf32, #tpu.memory_space<vmem>>[vector<16xi32>], vector<16xf32>,
        %parallel_loop3A_924 = arith.cmpf oge, %parallel_loop3A_864, %parallel_loop3A_923 : vector<16xf32>
        %parallel_loop3A_925 = arith.constant 32 : i32
        %parallel_loop3A_926 = vector.broadcast %parallel_loop3A_925 : i32 to vector<16xi32>
        %parallel_loop3A_927 = arith.ori %parallel_loop3A_918, %parallel_loop3A_926 : vector<16xi32>
        %parallel_loop3A_928 = arith.select %parallel_loop3A_924, %parallel_loop3A_927, %parallel_loop3A_918 : vector<16xi1>, vector<16xi32>
        %parallel_loop3A_929 = arith.constant 128 : i32
        %parallel_loop3A_930 = arith.addi %parallel_loop3A_866, %parallel_loop3A_929 : i32
        %parallel_loop3A_931 = vector.broadcast %parallel_loop3A_930 : i32 to vector<16xi32>
        %parallel_loop3A_932 = arith.ori %parallel_loop3A_928, %parallel_loop3A_931 : vector<16xi32>
        %parallel_loop3A_933 = tpu.vector_load_idx %arg12[%parallel_loop3A_932] : memref<25600xf32, #tpu.memory_space<vmem>>[vector<16xi32>], vector<16xf32>,
        %parallel_loop3A_934 = arith.cmpf oge, %parallel_loop3A_864, %parallel_loop3A_933 : vector<16xf32>
        %parallel_loop3A_935 = arith.constant 64 : i32
        %parallel_loop3A_936 = vector.broadcast %parallel_loop3A_935 : i32 to vector<16xi32>
        %parallel_loop3A_937 = arith.ori %parallel_loop3A_928, %parallel_loop3A_936 : vector<16xi32>
        %parallel_loop3A_938 = arith.select %parallel_loop3A_934, %parallel_loop3A_937, %parallel_loop3A_928 : vector<16xi1>, vector<16xi32>
        %parallel_loop3A_939 = arith.constant 0 : i32
        %parallel_loop3A_940 = arith.addi %parallel_loop3A_866, %parallel_loop3A_939 : i32
        %parallel_loop3A_941 = vector.broadcast %parallel_loop3A_940 : i32 to vector<16xi32>
        %parallel_loop3A_942 = arith.ori %parallel_loop3A_938, %parallel_loop3A_941 : vector<16xi32>
        %parallel_loop3A_943 = tpu.vector_load_idx %arg12[%parallel_loop3A_942] : memref<25600xf32, #tpu.memory_space<vmem>>[vector<16xi32>], vector<16xf32>,
        %parallel_loop3A_944 = arith.cmpf oge, %parallel_loop3A_864, %parallel_loop3A_943 : vector<16xf32>
        %parallel_loop3A_945 = arith.constant 128 : i32
        %parallel_loop3A_946 = vector.broadcast %parallel_loop3A_945 : i32 to vector<16xi32>
        %parallel_loop3A_947 = arith.ori %parallel_loop3A_938, %parallel_loop3A_946 : vector<16xi32>
        %parallel_loop3A_948 = arith.select %parallel_loop3A_944, %parallel_loop3A_947, %parallel_loop3A_938 : vector<16xi1>, vector<16xi32>
        %parallel_loop3A_949 = arith.constant 256 : i32
        %parallel_loop3A_950 = arith.muli %parallel_loop3A_578, %parallel_loop3A_949 : i32
        %parallel_loop3A_951 = vector.broadcast %parallel_loop3A_950 : i32 to vector<16xi32>
        %parallel_loop3A_952 = arith.addi %parallel_loop3A_948, %parallel_loop3A_951 : vector<16xi32>
        %parallel_loop3A_953 = tpu.vector_load_idx %arg13[%parallel_loop3A_952] : memref<25600xf32, #tpu.memory_space<vmem>>[vector<16xi32>], vector<16xf32>,
        %parallel_loop3A_954 = arith.addf %parallel_loop3A_582, %parallel_loop3A_953 : vector<16xf32>
        scf.yield %parallel_loop3A_675, %parallel_loop3A_768, %parallel_loop3A_861, %parallel_loop3A_954 : vector<16xf32>, vector<16xf32>, vector<16xf32>, vector<16xf32>
      } {sc.loop_unroll_factor = 2 : i64, sc.parallel_access}
      %add3A_562 = arith.constant 0 : i32
      %add3A_563 = arith.addi %mul3A_515, %add3A_562 : i32
      %swap3A = arith.index_cast %add3A_563 : i32 to index
      %swap3A_564 = tpu.vector_load %arg18[%swap3A] {strides = array<i32>} : memref<512xf32, #tpu.memory_space<vmem>>, vector<16xf32>,
      tpu.vector_store %arg18[%swap3A], %parallel_loop3A_561#0 {strides = array<i32>} : memref<512xf32, #tpu.memory_space<vmem>>, vector<16xf32>,
      %add3A_565 = arith.constant 16 : i32
      %add3A_566 = arith.addi %mul3A_515, %add3A_565 : i32
      %swap3A_567 = arith.index_cast %add3A_566 : i32 to index
      %swap3A_568 = tpu.vector_load %arg18[%swap3A_567] {strides = array<i32>} : memref<512xf32, #tpu.memory_space<vmem>>, vector<16xf32>,
      tpu.vector_store %arg18[%swap3A_567], %parallel_loop3A_561#1 {strides = array<i32>} : memref<512xf32, #tpu.memory_space<vmem>>, vector<16xf32>,
      %add3A_569 = arith.constant 32 : i32
      %add3A_570 = arith.addi %mul3A_515, %add3A_569 : i32
      %swap3A_571 = arith.index_cast %add3A_570 : i32 to index
      %swap3A_572 = tpu.vector_load %arg18[%swap3A_571] {strides = array<i32>} : memref<512xf32, #tpu.memory_space<vmem>>, vector<16xf32>,
      tpu.vector_store %arg18[%swap3A_571], %parallel_loop3A_561#2 {strides = array<i32>} : memref<512xf32, #tpu.memory_space<vmem>>, vector<16xf32>,
      %add3A_573 = arith.constant 48 : i32
      %add3A_574 = arith.addi %mul3A_515, %add3A_573 : i32
      %swap3A_575 = arith.index_cast %add3A_574 : i32 to index
      %swap3A_576 = tpu.vector_load %arg18[%swap3A_575] {strides = array<i32>} : memref<512xf32, #tpu.memory_space<vmem>>, vector<16xf32>,
      tpu.vector_store %arg18[%swap3A_575], %parallel_loop3A_561#3 {strides = array<i32>} : memref<512xf32, #tpu.memory_space<vmem>>, vector<16xf32>,
      %scan3A_577 = arith.constant 0 : i32
      scf.yield %scan3A_577 : i32
    }
    %scan3A_262 = arith.constant 8 : i32
    %dma_wait3A_263 = arith.constant 0 : i32
    %dma_wait3A_264 = tpu.memref_slice %arg20[%dma_wait3A_263] : memref<5120xf32, #tpu.memory_space<vmem>> -> memref<128xf32, #tpu.memory_space<vmem>>
    %dma_wait3A_265 = arith.constant 0 : i32
    %dma_wait3A_266 = tpu.memref_slice %arg19[%dma_wait3A_265] : memref<5120xi32, #tpu.memory_space<vmem>> -> memref<128xi32, #tpu.memory_space<vmem>>
    %dma_wait3A_267 = arith.constant 0 : i32
    %dma_wait3A_268 = tpu.memref_slice %arg6[%dma_wait3A_267] : memref<655360xf32, #tpu.memory_space<hbm>> -> memref<655360xf32, #tpu.memory_space<hbm>>
    tpu.wait_indirect_dma semaphore(%arg22 : memref<!tpu.dma_semaphore, #tpu.memory_space<semaphore_mem>>) src(%dma_wait3A_268 : memref<655360xf32, #tpu.memory_space<hbm>>) dst(%dma_wait3A_264 : memref<128xf32, #tpu.memory_space<vmem>>)
    %dma_wait3A_269 = arith.constant 128 : i32
    %dma_wait3A_270 = tpu.memref_slice %arg20[%dma_wait3A_269] : memref<5120xf32, #tpu.memory_space<vmem>> -> memref<128xf32, #tpu.memory_space<vmem>>
    %dma_wait3A_271 = arith.constant 128 : i32
    %dma_wait3A_272 = tpu.memref_slice %arg19[%dma_wait3A_271] : memref<5120xi32, #tpu.memory_space<vmem>> -> memref<128xi32, #tpu.memory_space<vmem>>
    %dma_wait3A_273 = arith.constant 0 : i32
    %dma_wait3A_274 = tpu.memref_slice %arg6[%dma_wait3A_273] : memref<655360xf32, #tpu.memory_space<hbm>> -> memref<655360xf32, #tpu.memory_space<hbm>>
    tpu.wait_indirect_dma semaphore(%arg22 : memref<!tpu.dma_semaphore, #tpu.memory_space<semaphore_mem>>) src(%dma_wait3A_274 : memref<655360xf32, #tpu.memory_space<hbm>>) dst(%dma_wait3A_270 : memref<128xf32, #tpu.memory_space<vmem>>)
    %dma_wait3A_275 = arith.constant 256 : i32
    %dma_wait3A_276 = tpu.memref_slice %arg20[%dma_wait3A_275] : memref<5120xf32, #tpu.memory_space<vmem>> -> memref<128xf32, #tpu.memory_space<vmem>>
    %dma_wait3A_277 = arith.constant 256 : i32
    %dma_wait3A_278 = tpu.memref_slice %arg19[%dma_wait3A_277] : memref<5120xi32, #tpu.memory_space<vmem>> -> memref<128xi32, #tpu.memory_space<vmem>>
    %dma_wait3A_279 = arith.constant 0 : i32
    %dma_wait3A_280 = tpu.memref_slice %arg6[%dma_wait3A_279] : memref<655360xf32, #tpu.memory_space<hbm>> -> memref<655360xf32, #tpu.memory_space<hbm>>
    tpu.wait_indirect_dma semaphore(%arg22 : memref<!tpu.dma_semaphore, #tpu.memory_space<semaphore_mem>>) src(%dma_wait3A_280 : memref<655360xf32, #tpu.memory_space<hbm>>) dst(%dma_wait3A_276 : memref<128xf32, #tpu.memory_space<vmem>>)
    %dma_wait3A_281 = arith.constant 384 : i32
    %dma_wait3A_282 = tpu.memref_slice %arg20[%dma_wait3A_281] : memref<5120xf32, #tpu.memory_space<vmem>> -> memref<128xf32, #tpu.memory_space<vmem>>
    %dma_wait3A_283 = arith.constant 384 : i32
    %dma_wait3A_284 = tpu.memref_slice %arg19[%dma_wait3A_283] : memref<5120xi32, #tpu.memory_space<vmem>> -> memref<128xi32, #tpu.memory_space<vmem>>
    %dma_wait3A_285 = arith.constant 0 : i32
    %dma_wait3A_286 = tpu.memref_slice %arg6[%dma_wait3A_285] : memref<655360xf32, #tpu.memory_space<hbm>> -> memref<655360xf32, #tpu.memory_space<hbm>>
    tpu.wait_indirect_dma semaphore(%arg22 : memref<!tpu.dma_semaphore, #tpu.memory_space<semaphore_mem>>) src(%dma_wait3A_286 : memref<655360xf32, #tpu.memory_space<hbm>>) dst(%dma_wait3A_282 : memref<128xf32, #tpu.memory_space<vmem>>)
    %dma_wait3A_287 = arith.constant 512 : i32
    %dma_wait3A_288 = tpu.memref_slice %arg20[%dma_wait3A_287] : memref<5120xf32, #tpu.memory_space<vmem>> -> memref<128xf32, #tpu.memory_space<vmem>>
    %dma_wait3A_289 = arith.constant 512 : i32
    %dma_wait3A_290 = tpu.memref_slice %arg19[%dma_wait3A_289] : memref<5120xi32, #tpu.memory_space<vmem>> -> memref<128xi32, #tpu.memory_space<vmem>>
    %dma_wait3A_291 = arith.constant 0 : i32
    %dma_wait3A_292 = tpu.memref_slice %arg6[%dma_wait3A_291] : memref<655360xf32, #tpu.memory_space<hbm>> -> memref<655360xf32, #tpu.memory_space<hbm>>
    tpu.wait_indirect_dma semaphore(%arg22 : memref<!tpu.dma_semaphore, #tpu.memory_space<semaphore_mem>>) src(%dma_wait3A_292 : memref<655360xf32, #tpu.memory_space<hbm>>) dst(%dma_wait3A_288 : memref<128xf32, #tpu.memory_space<vmem>>)
    %dma_wait3A_293 = arith.constant 640 : i32
    %dma_wait3A_294 = tpu.memref_slice %arg20[%dma_wait3A_293] : memref<5120xf32, #tpu.memory_space<vmem>> -> memref<128xf32, #tpu.memory_space<vmem>>
    %dma_wait3A_295 = arith.constant 640 : i32
    %dma_wait3A_296 = tpu.memref_slice %arg19[%dma_wait3A_295] : memref<5120xi32, #tpu.memory_space<vmem>> -> memref<128xi32, #tpu.memory_space<vmem>>
    %dma_wait3A_297 = arith.constant 0 : i32
    %dma_wait3A_298 = tpu.memref_slice %arg6[%dma_wait3A_297] : memref<655360xf32, #tpu.memory_space<hbm>> -> memref<655360xf32, #tpu.memory_space<hbm>>
    tpu.wait_indirect_dma semaphore(%arg22 : memref<!tpu.dma_semaphore, #tpu.memory_space<semaphore_mem>>) src(%dma_wait3A_298 : memref<655360xf32, #tpu.memory_space<hbm>>) dst(%dma_wait3A_294 : memref<128xf32, #tpu.memory_space<vmem>>)
    %dma_wait3A_299 = arith.constant 768 : i32
    %dma_wait3A_300 = tpu.memref_slice %arg20[%dma_wait3A_299] : memref<5120xf32, #tpu.memory_space<vmem>> -> memref<128xf32, #tpu.memory_space<vmem>>
    %dma_wait3A_301 = arith.constant 768 : i32
    %dma_wait3A_302 = tpu.memref_slice %arg19[%dma_wait3A_301] : memref<5120xi32, #tpu.memory_space<vmem>> -> memref<128xi32, #tpu.memory_space<vmem>>
    %dma_wait3A_303 = arith.constant 0 : i32
    %dma_wait3A_304 = tpu.memref_slice %arg6[%dma_wait3A_303] : memref<655360xf32, #tpu.memory_space<hbm>> -> memref<655360xf32, #tpu.memory_space<hbm>>
    tpu.wait_indirect_dma semaphore(%arg22 : memref<!tpu.dma_semaphore, #tpu.memory_space<semaphore_mem>>) src(%dma_wait3A_304 : memref<655360xf32, #tpu.memory_space<hbm>>) dst(%dma_wait3A_300 : memref<128xf32, #tpu.memory_space<vmem>>)
    %dma_wait3A_305 = arith.constant 896 : i32
    %dma_wait3A_306 = tpu.memref_slice %arg20[%dma_wait3A_305] : memref<5120xf32, #tpu.memory_space<vmem>> -> memref<128xf32, #tpu.memory_space<vmem>>
    %dma_wait3A_307 = arith.constant 896 : i32
    %dma_wait3A_308 = tpu.memref_slice %arg19[%dma_wait3A_307] : memref<5120xi32, #tpu.memory_space<vmem>> -> memref<128xi32, #tpu.memory_space<vmem>>
    %dma_wait3A_309 = arith.constant 0 : i32
    %dma_wait3A_310 = tpu.memref_slice %arg6[%dma_wait3A_309] : memref<655360xf32, #tpu.memory_space<hbm>> -> memref<655360xf32, #tpu.memory_space<hbm>>
    tpu.wait_indirect_dma semaphore(%arg22 : memref<!tpu.dma_semaphore, #tpu.memory_space<semaphore_mem>>) src(%dma_wait3A_310 : memref<655360xf32, #tpu.memory_space<hbm>>) dst(%dma_wait3A_306 : memref<128xf32, #tpu.memory_space<vmem>>)
    %dma_wait3A_311 = arith.constant 1024 : i32
    %dma_wait3A_312 = tpu.memref_slice %arg20[%dma_wait3A_311] : memref<5120xf32, #tpu.memory_space<vmem>> -> memref<128xf32, #tpu.memory_space<vmem>>
    %dma_wait3A_313 = arith.constant 1024 : i32
    %dma_wait3A_314 = tpu.memref_slice %arg19[%dma_wait3A_313] : memref<5120xi32, #tpu.memory_space<vmem>> -> memref<128xi32, #tpu.memory_space<vmem>>
    %dma_wait3A_315 = arith.constant 0 : i32
    %dma_wait3A_316 = tpu.memref_slice %arg6[%dma_wait3A_315] : memref<655360xf32, #tpu.memory_space<hbm>> -> memref<655360xf32, #tpu.memory_space<hbm>>
    tpu.wait_indirect_dma semaphore(%arg22 : memref<!tpu.dma_semaphore, #tpu.memory_space<semaphore_mem>>) src(%dma_wait3A_316 : memref<655360xf32, #tpu.memory_space<hbm>>) dst(%dma_wait3A_312 : memref<128xf32, #tpu.memory_space<vmem>>)
    %dma_wait3A_317 = arith.constant 1152 : i32
    %dma_wait3A_318 = tpu.memref_slice %arg20[%dma_wait3A_317] : memref<5120xf32, #tpu.memory_space<vmem>> -> memref<128xf32, #tpu.memory_space<vmem>>
    %dma_wait3A_319 = arith.constant 1152 : i32
    %dma_wait3A_320 = tpu.memref_slice %arg19[%dma_wait3A_319] : memref<5120xi32, #tpu.memory_space<vmem>> -> memref<128xi32, #tpu.memory_space<vmem>>
    %dma_wait3A_321 = arith.constant 0 : i32
    %dma_wait3A_322 = tpu.memref_slice %arg6[%dma_wait3A_321] : memref<655360xf32, #tpu.memory_space<hbm>> -> memref<655360xf32, #tpu.memory_space<hbm>>
    tpu.wait_indirect_dma semaphore(%arg22 : memref<!tpu.dma_semaphore, #tpu.memory_space<semaphore_mem>>) src(%dma_wait3A_322 : memref<655360xf32, #tpu.memory_space<hbm>>) dst(%dma_wait3A_318 : memref<128xf32, #tpu.memory_space<vmem>>)
    %dma_wait3A_323 = arith.constant 1280 : i32
    %dma_wait3A_324 = tpu.memref_slice %arg20[%dma_wait3A_323] : memref<5120xf32, #tpu.memory_space<vmem>> -> memref<128xf32, #tpu.memory_space<vmem>>
    %dma_wait3A_325 = arith.constant 1280 : i32
    %dma_wait3A_326 = tpu.memref_slice %arg19[%dma_wait3A_325] : memref<5120xi32, #tpu.memory_space<vmem>> -> memref<128xi32, #tpu.memory_space<vmem>>
    %dma_wait3A_327 = arith.constant 0 : i32
    %dma_wait3A_328 = tpu.memref_slice %arg6[%dma_wait3A_327] : memref<655360xf32, #tpu.memory_space<hbm>> -> memref<655360xf32, #tpu.memory_space<hbm>>
    tpu.wait_indirect_dma semaphore(%arg22 : memref<!tpu.dma_semaphore, #tpu.memory_space<semaphore_mem>>) src(%dma_wait3A_328 : memref<655360xf32, #tpu.memory_space<hbm>>) dst(%dma_wait3A_324 : memref<128xf32, #tpu.memory_space<vmem>>)
    %dma_wait3A_329 = arith.constant 1408 : i32
    %dma_wait3A_330 = tpu.memref_slice %arg20[%dma_wait3A_329] : memref<5120xf32, #tpu.memory_space<vmem>> -> memref<128xf32, #tpu.memory_space<vmem>>
    %dma_wait3A_331 = arith.constant 1408 : i32
    %dma_wait3A_332 = tpu.memref_slice %arg19[%dma_wait3A_331] : memref<5120xi32, #tpu.memory_space<vmem>> -> memref<128xi32, #tpu.memory_space<vmem>>
    %dma_wait3A_333 = arith.constant 0 : i32
    %dma_wait3A_334 = tpu.memref_slice %arg6[%dma_wait3A_333] : memref<655360xf32, #tpu.memory_space<hbm>> -> memref<655360xf32, #tpu.memory_space<hbm>>
    tpu.wait_indirect_dma semaphore(%arg22 : memref<!tpu.dma_semaphore, #tpu.memory_space<semaphore_mem>>) src(%dma_wait3A_334 : memref<655360xf32, #tpu.memory_space<hbm>>) dst(%dma_wait3A_330 : memref<128xf32, #tpu.memory_space<vmem>>)
    %dma_wait3A_335 = arith.constant 1536 : i32
    %dma_wait3A_336 = tpu.memref_slice %arg20[%dma_wait3A_335] : memref<5120xf32, #tpu.memory_space<vmem>> -> memref<128xf32, #tpu.memory_space<vmem>>
    %dma_wait3A_337 = arith.constant 1536 : i32
    %dma_wait3A_338 = tpu.memref_slice %arg19[%dma_wait3A_337] : memref<5120xi32, #tpu.memory_space<vmem>> -> memref<128xi32, #tpu.memory_space<vmem>>
    %dma_wait3A_339 = arith.constant 0 : i32
    %dma_wait3A_340 = tpu.memref_slice %arg6[%dma_wait3A_339] : memref<655360xf32, #tpu.memory_space<hbm>> -> memref<655360xf32, #tpu.memory_space<hbm>>
    tpu.wait_indirect_dma semaphore(%arg22 : memref<!tpu.dma_semaphore, #tpu.memory_space<semaphore_mem>>) src(%dma_wait3A_340 : memref<655360xf32, #tpu.memory_space<hbm>>) dst(%dma_wait3A_336 : memref<128xf32, #tpu.memory_space<vmem>>)
    %dma_wait3A_341 = arith.constant 1664 : i32
    %dma_wait3A_342 = tpu.memref_slice %arg20[%dma_wait3A_341] : memref<5120xf32, #tpu.memory_space<vmem>> -> memref<128xf32, #tpu.memory_space<vmem>>
    %dma_wait3A_343 = arith.constant 1664 : i32
    %dma_wait3A_344 = tpu.memref_slice %arg19[%dma_wait3A_343] : memref<5120xi32, #tpu.memory_space<vmem>> -> memref<128xi32, #tpu.memory_space<vmem>>
    %dma_wait3A_345 = arith.constant 0 : i32
    %dma_wait3A_346 = tpu.memref_slice %arg6[%dma_wait3A_345] : memref<655360xf32, #tpu.memory_space<hbm>> -> memref<655360xf32, #tpu.memory_space<hbm>>
    tpu.wait_indirect_dma semaphore(%arg22 : memref<!tpu.dma_semaphore, #tpu.memory_space<semaphore_mem>>) src(%dma_wait3A_346 : memref<655360xf32, #tpu.memory_space<hbm>>) dst(%dma_wait3A_342 : memref<128xf32, #tpu.memory_space<vmem>>)
    %dma_wait3A_347 = arith.constant 1792 : i32
    %dma_wait3A_348 = tpu.memref_slice %arg20[%dma_wait3A_347] : memref<5120xf32, #tpu.memory_space<vmem>> -> memref<128xf32, #tpu.memory_space<vmem>>
    %dma_wait3A_349 = arith.constant 1792 : i32
    %dma_wait3A_350 = tpu.memref_slice %arg19[%dma_wait3A_349] : memref<5120xi32, #tpu.memory_space<vmem>> -> memref<128xi32, #tpu.memory_space<vmem>>
    %dma_wait3A_351 = arith.constant 0 : i32
    %dma_wait3A_352 = tpu.memref_slice %arg6[%dma_wait3A_351] : memref<655360xf32, #tpu.memory_space<hbm>> -> memref<655360xf32, #tpu.memory_space<hbm>>
    tpu.wait_indirect_dma semaphore(%arg22 : memref<!tpu.dma_semaphore, #tpu.memory_space<semaphore_mem>>) src(%dma_wait3A_352 : memref<655360xf32, #tpu.memory_space<hbm>>) dst(%dma_wait3A_348 : memref<128xf32, #tpu.memory_space<vmem>>)
    %dma_wait3A_353 = arith.constant 1920 : i32
    %dma_wait3A_354 = tpu.memref_slice %arg20[%dma_wait3A_353] : memref<5120xf32, #tpu.memory_space<vmem>> -> memref<128xf32, #tpu.memory_space<vmem>>
    %dma_wait3A_355 = arith.constant 1920 : i32
    %dma_wait3A_356 = tpu.memref_slice %arg19[%dma_wait3A_355] : memref<5120xi32, #tpu.memory_space<vmem>> -> memref<128xi32, #tpu.memory_space<vmem>>
    %dma_wait3A_357 = arith.constant 0 : i32
    %dma_wait3A_358 = tpu.memref_slice %arg6[%dma_wait3A_357] : memref<655360xf32, #tpu.memory_space<hbm>> -> memref<655360xf32, #tpu.memory_space<hbm>>
    tpu.wait_indirect_dma semaphore(%arg22 : memref<!tpu.dma_semaphore, #tpu.memory_space<semaphore_mem>>) src(%dma_wait3A_358 : memref<655360xf32, #tpu.memory_space<hbm>>) dst(%dma_wait3A_354 : memref<128xf32, #tpu.memory_space<vmem>>)
    %dma_wait3A_359 = arith.constant 2048 : i32
    %dma_wait3A_360 = tpu.memref_slice %arg20[%dma_wait3A_359] : memref<5120xf32, #tpu.memory_space<vmem>> -> memref<128xf32, #tpu.memory_space<vmem>>
    %dma_wait3A_361 = arith.constant 2048 : i32
    %dma_wait3A_362 = tpu.memref_slice %arg19[%dma_wait3A_361] : memref<5120xi32, #tpu.memory_space<vmem>> -> memref<128xi32, #tpu.memory_space<vmem>>
    %dma_wait3A_363 = arith.constant 0 : i32
    %dma_wait3A_364 = tpu.memref_slice %arg6[%dma_wait3A_363] : memref<655360xf32, #tpu.memory_space<hbm>> -> memref<655360xf32, #tpu.memory_space<hbm>>
    tpu.wait_indirect_dma semaphore(%arg22 : memref<!tpu.dma_semaphore, #tpu.memory_space<semaphore_mem>>) src(%dma_wait3A_364 : memref<655360xf32, #tpu.memory_space<hbm>>) dst(%dma_wait3A_360 : memref<128xf32, #tpu.memory_space<vmem>>)
    %dma_wait3A_365 = arith.constant 2176 : i32
    %dma_wait3A_366 = tpu.memref_slice %arg20[%dma_wait3A_365] : memref<5120xf32, #tpu.memory_space<vmem>> -> memref<128xf32, #tpu.memory_space<vmem>>
    %dma_wait3A_367 = arith.constant 2176 : i32
    %dma_wait3A_368 = tpu.memref_slice %arg19[%dma_wait3A_367] : memref<5120xi32, #tpu.memory_space<vmem>> -> memref<128xi32, #tpu.memory_space<vmem>>
    %dma_wait3A_369 = arith.constant 0 : i32
    %dma_wait3A_370 = tpu.memref_slice %arg6[%dma_wait3A_369] : memref<655360xf32, #tpu.memory_space<hbm>> -> memref<655360xf32, #tpu.memory_space<hbm>>
    tpu.wait_indirect_dma semaphore(%arg22 : memref<!tpu.dma_semaphore, #tpu.memory_space<semaphore_mem>>) src(%dma_wait3A_370 : memref<655360xf32, #tpu.memory_space<hbm>>) dst(%dma_wait3A_366 : memref<128xf32, #tpu.memory_space<vmem>>)
    %dma_wait3A_371 = arith.constant 2304 : i32
    %dma_wait3A_372 = tpu.memref_slice %arg20[%dma_wait3A_371] : memref<5120xf32, #tpu.memory_space<vmem>> -> memref<128xf32, #tpu.memory_space<vmem>>
    %dma_wait3A_373 = arith.constant 2304 : i32
    %dma_wait3A_374 = tpu.memref_slice %arg19[%dma_wait3A_373] : memref<5120xi32, #tpu.memory_space<vmem>> -> memref<128xi32, #tpu.memory_space<vmem>>
    %dma_wait3A_375 = arith.constant 0 : i32
    %dma_wait3A_376 = tpu.memref_slice %arg6[%dma_wait3A_375] : memref<655360xf32, #tpu.memory_space<hbm>> -> memref<655360xf32, #tpu.memory_space<hbm>>
    tpu.wait_indirect_dma semaphore(%arg22 : memref<!tpu.dma_semaphore, #tpu.memory_space<semaphore_mem>>) src(%dma_wait3A_376 : memref<655360xf32, #tpu.memory_space<hbm>>) dst(%dma_wait3A_372 : memref<128xf32, #tpu.memory_space<vmem>>)
    %dma_wait3A_377 = arith.constant 2432 : i32
    %dma_wait3A_378 = tpu.memref_slice %arg20[%dma_wait3A_377] : memref<5120xf32, #tpu.memory_space<vmem>> -> memref<128xf32, #tpu.memory_space<vmem>>
    %dma_wait3A_379 = arith.constant 2432 : i32
    %dma_wait3A_380 = tpu.memref_slice %arg19[%dma_wait3A_379] : memref<5120xi32, #tpu.memory_space<vmem>> -> memref<128xi32, #tpu.memory_space<vmem>>
    %dma_wait3A_381 = arith.constant 0 : i32
    %dma_wait3A_382 = tpu.memref_slice %arg6[%dma_wait3A_381] : memref<655360xf32, #tpu.memory_space<hbm>> -> memref<655360xf32, #tpu.memory_space<hbm>>
    tpu.wait_indirect_dma semaphore(%arg22 : memref<!tpu.dma_semaphore, #tpu.memory_space<semaphore_mem>>) src(%dma_wait3A_382 : memref<655360xf32, #tpu.memory_space<hbm>>) dst(%dma_wait3A_378 : memref<128xf32, #tpu.memory_space<vmem>>)
    %dma_wait3A_383 = arith.constant 2560 : i32
    %dma_wait3A_384 = tpu.memref_slice %arg20[%dma_wait3A_383] : memref<5120xf32, #tpu.memory_space<vmem>> -> memref<128xf32, #tpu.memory_space<vmem>>
    %dma_wait3A_385 = arith.constant 2560 : i32
    %dma_wait3A_386 = tpu.memref_slice %arg19[%dma_wait3A_385] : memref<5120xi32, #tpu.memory_space<vmem>> -> memref<128xi32, #tpu.memory_space<vmem>>
    %dma_wait3A_387 = arith.constant 0 : i32
    %dma_wait3A_388 = tpu.memref_slice %arg6[%dma_wait3A_387] : memref<655360xf32, #tpu.memory_space<hbm>> -> memref<655360xf32, #tpu.memory_space<hbm>>
    tpu.wait_indirect_dma semaphore(%arg22 : memref<!tpu.dma_semaphore, #tpu.memory_space<semaphore_mem>>) src(%dma_wait3A_388 : memref<655360xf32, #tpu.memory_space<hbm>>) dst(%dma_wait3A_384 : memref<128xf32, #tpu.memory_space<vmem>>)
    %dma_wait3A_389 = arith.constant 2688 : i32
    %dma_wait3A_390 = tpu.memref_slice %arg20[%dma_wait3A_389] : memref<5120xf32, #tpu.memory_space<vmem>> -> memref<128xf32, #tpu.memory_space<vmem>>
    %dma_wait3A_391 = arith.constant 2688 : i32
    %dma_wait3A_392 = tpu.memref_slice %arg19[%dma_wait3A_391] : memref<5120xi32, #tpu.memory_space<vmem>> -> memref<128xi32, #tpu.memory_space<vmem>>
    %dma_wait3A_393 = arith.constant 0 : i32
    %dma_wait3A_394 = tpu.memref_slice %arg6[%dma_wait3A_393] : memref<655360xf32, #tpu.memory_space<hbm>> -> memref<655360xf32, #tpu.memory_space<hbm>>
    tpu.wait_indirect_dma semaphore(%arg22 : memref<!tpu.dma_semaphore, #tpu.memory_space<semaphore_mem>>) src(%dma_wait3A_394 : memref<655360xf32, #tpu.memory_space<hbm>>) dst(%dma_wait3A_390 : memref<128xf32, #tpu.memory_space<vmem>>)
    %dma_wait3A_395 = arith.constant 2816 : i32
    %dma_wait3A_396 = tpu.memref_slice %arg20[%dma_wait3A_395] : memref<5120xf32, #tpu.memory_space<vmem>> -> memref<128xf32, #tpu.memory_space<vmem>>
    %dma_wait3A_397 = arith.constant 2816 : i32
    %dma_wait3A_398 = tpu.memref_slice %arg19[%dma_wait3A_397] : memref<5120xi32, #tpu.memory_space<vmem>> -> memref<128xi32, #tpu.memory_space<vmem>>
    %dma_wait3A_399 = arith.constant 0 : i32
    %dma_wait3A_400 = tpu.memref_slice %arg6[%dma_wait3A_399] : memref<655360xf32, #tpu.memory_space<hbm>> -> memref<655360xf32, #tpu.memory_space<hbm>>
    tpu.wait_indirect_dma semaphore(%arg22 : memref<!tpu.dma_semaphore, #tpu.memory_space<semaphore_mem>>) src(%dma_wait3A_400 : memref<655360xf32, #tpu.memory_space<hbm>>) dst(%dma_wait3A_396 : memref<128xf32, #tpu.memory_space<vmem>>)
    %dma_wait3A_401 = arith.constant 2944 : i32
    %dma_wait3A_402 = tpu.memref_slice %arg20[%dma_wait3A_401] : memref<5120xf32, #tpu.memory_space<vmem>> -> memref<128xf32, #tpu.memory_space<vmem>>
    %dma_wait3A_403 = arith.constant 2944 : i32
    %dma_wait3A_404 = tpu.memref_slice %arg19[%dma_wait3A_403] : memref<5120xi32, #tpu.memory_space<vmem>> -> memref<128xi32, #tpu.memory_space<vmem>>
    %dma_wait3A_405 = arith.constant 0 : i32
    %dma_wait3A_406 = tpu.memref_slice %arg6[%dma_wait3A_405] : memref<655360xf32, #tpu.memory_space<hbm>> -> memref<655360xf32, #tpu.memory_space<hbm>>
    tpu.wait_indirect_dma semaphore(%arg22 : memref<!tpu.dma_semaphore, #tpu.memory_space<semaphore_mem>>) src(%dma_wait3A_406 : memref<655360xf32, #tpu.memory_space<hbm>>) dst(%dma_wait3A_402 : memref<128xf32, #tpu.memory_space<vmem>>)
    %dma_wait3A_407 = arith.constant 3072 : i32
    %dma_wait3A_408 = tpu.memref_slice %arg20[%dma_wait3A_407] : memref<5120xf32, #tpu.memory_space<vmem>> -> memref<128xf32, #tpu.memory_space<vmem>>
    %dma_wait3A_409 = arith.constant 3072 : i32
    %dma_wait3A_410 = tpu.memref_slice %arg19[%dma_wait3A_409] : memref<5120xi32, #tpu.memory_space<vmem>> -> memref<128xi32, #tpu.memory_space<vmem>>
    %dma_wait3A_411 = arith.constant 0 : i32
    %dma_wait3A_412 = tpu.memref_slice %arg6[%dma_wait3A_411] : memref<655360xf32, #tpu.memory_space<hbm>> -> memref<655360xf32, #tpu.memory_space<hbm>>
    tpu.wait_indirect_dma semaphore(%arg22 : memref<!tpu.dma_semaphore, #tpu.memory_space<semaphore_mem>>) src(%dma_wait3A_412 : memref<655360xf32, #tpu.memory_space<hbm>>) dst(%dma_wait3A_408 : memref<128xf32, #tpu.memory_space<vmem>>)
    %dma_wait3A_413 = arith.constant 3200 : i32
    %dma_wait3A_414 = tpu.memref_slice %arg20[%dma_wait3A_413] : memref<5120xf32, #tpu.memory_space<vmem>> -> memref<128xf32, #tpu.memory_space<vmem>>
    %dma_wait3A_415 = arith.constant 3200 : i32
    %dma_wait3A_416 = tpu.memref_slice %arg19[%dma_wait3A_415] : memref<5120xi32, #tpu.memory_space<vmem>> -> memref<128xi32, #tpu.memory_space<vmem>>
    %dma_wait3A_417 = arith.constant 0 : i32
    %dma_wait3A_418 = tpu.memref_slice %arg6[%dma_wait3A_417] : memref<655360xf32, #tpu.memory_space<hbm>> -> memref<655360xf32, #tpu.memory_space<hbm>>
    tpu.wait_indirect_dma semaphore(%arg22 : memref<!tpu.dma_semaphore, #tpu.memory_space<semaphore_mem>>) src(%dma_wait3A_418 : memref<655360xf32, #tpu.memory_space<hbm>>) dst(%dma_wait3A_414 : memref<128xf32, #tpu.memory_space<vmem>>)
    %dma_wait3A_419 = arith.constant 3328 : i32
    %dma_wait3A_420 = tpu.memref_slice %arg20[%dma_wait3A_419] : memref<5120xf32, #tpu.memory_space<vmem>> -> memref<128xf32, #tpu.memory_space<vmem>>
    %dma_wait3A_421 = arith.constant 3328 : i32
    %dma_wait3A_422 = tpu.memref_slice %arg19[%dma_wait3A_421] : memref<5120xi32, #tpu.memory_space<vmem>> -> memref<128xi32, #tpu.memory_space<vmem>>
    %dma_wait3A_423 = arith.constant 0 : i32
    %dma_wait3A_424 = tpu.memref_slice %arg6[%dma_wait3A_423] : memref<655360xf32, #tpu.memory_space<hbm>> -> memref<655360xf32, #tpu.memory_space<hbm>>
    tpu.wait_indirect_dma semaphore(%arg22 : memref<!tpu.dma_semaphore, #tpu.memory_space<semaphore_mem>>) src(%dma_wait3A_424 : memref<655360xf32, #tpu.memory_space<hbm>>) dst(%dma_wait3A_420 : memref<128xf32, #tpu.memory_space<vmem>>)
    %dma_wait3A_425 = arith.constant 3456 : i32
    %dma_wait3A_426 = tpu.memref_slice %arg20[%dma_wait3A_425] : memref<5120xf32, #tpu.memory_space<vmem>> -> memref<128xf32, #tpu.memory_space<vmem>>
    %dma_wait3A_427 = arith.constant 3456 : i32
    %dma_wait3A_428 = tpu.memref_slice %arg19[%dma_wait3A_427] : memref<5120xi32, #tpu.memory_space<vmem>> -> memref<128xi32, #tpu.memory_space<vmem>>
    %dma_wait3A_429 = arith.constant 0 : i32
    %dma_wait3A_430 = tpu.memref_slice %arg6[%dma_wait3A_429] : memref<655360xf32, #tpu.memory_space<hbm>> -> memref<655360xf32, #tpu.memory_space<hbm>>
    tpu.wait_indirect_dma semaphore(%arg22 : memref<!tpu.dma_semaphore, #tpu.memory_space<semaphore_mem>>) src(%dma_wait3A_430 : memref<655360xf32, #tpu.memory_space<hbm>>) dst(%dma_wait3A_426 : memref<128xf32, #tpu.memory_space<vmem>>)
    %dma_wait3A_431 = arith.constant 3584 : i32
    %dma_wait3A_432 = tpu.memref_slice %arg20[%dma_wait3A_431] : memref<5120xf32, #tpu.memory_space<vmem>> -> memref<128xf32, #tpu.memory_space<vmem>>
    %dma_wait3A_433 = arith.constant 3584 : i32
    %dma_wait3A_434 = tpu.memref_slice %arg19[%dma_wait3A_433] : memref<5120xi32, #tpu.memory_space<vmem>> -> memref<128xi32, #tpu.memory_space<vmem>>
    %dma_wait3A_435 = arith.constant 0 : i32
    %dma_wait3A_436 = tpu.memref_slice %arg6[%dma_wait3A_435] : memref<655360xf32, #tpu.memory_space<hbm>> -> memref<655360xf32, #tpu.memory_space<hbm>>
    tpu.wait_indirect_dma semaphore(%arg22 : memref<!tpu.dma_semaphore, #tpu.memory_space<semaphore_mem>>) src(%dma_wait3A_436 : memref<655360xf32, #tpu.memory_space<hbm>>) dst(%dma_wait3A_432 : memref<128xf32, #tpu.memory_space<vmem>>)
    %dma_wait3A_437 = arith.constant 3712 : i32
    %dma_wait3A_438 = tpu.memref_slice %arg20[%dma_wait3A_437] : memref<5120xf32, #tpu.memory_space<vmem>> -> memref<128xf32, #tpu.memory_space<vmem>>
    %dma_wait3A_439 = arith.constant 3712 : i32
    %dma_wait3A_440 = tpu.memref_slice %arg19[%dma_wait3A_439] : memref<5120xi32, #tpu.memory_space<vmem>> -> memref<128xi32, #tpu.memory_space<vmem>>
    %dma_wait3A_441 = arith.constant 0 : i32
    %dma_wait3A_442 = tpu.memref_slice %arg6[%dma_wait3A_441] : memref<655360xf32, #tpu.memory_space<hbm>> -> memref<655360xf32, #tpu.memory_space<hbm>>
    tpu.wait_indirect_dma semaphore(%arg22 : memref<!tpu.dma_semaphore, #tpu.memory_space<semaphore_mem>>) src(%dma_wait3A_442 : memref<655360xf32, #tpu.memory_space<hbm>>) dst(%dma_wait3A_438 : memref<128xf32, #tpu.memory_space<vmem>>)
    %dma_wait3A_443 = arith.constant 3840 : i32
    %dma_wait3A_444 = tpu.memref_slice %arg20[%dma_wait3A_443] : memref<5120xf32, #tpu.memory_space<vmem>> -> memref<128xf32, #tpu.memory_space<vmem>>
    %dma_wait3A_445 = arith.constant 3840 : i32
    %dma_wait3A_446 = tpu.memref_slice %arg19[%dma_wait3A_445] : memref<5120xi32, #tpu.memory_space<vmem>> -> memref<128xi32, #tpu.memory_space<vmem>>
    %dma_wait3A_447 = arith.constant 0 : i32
    %dma_wait3A_448 = tpu.memref_slice %arg6[%dma_wait3A_447] : memref<655360xf32, #tpu.memory_space<hbm>> -> memref<655360xf32, #tpu.memory_space<hbm>>
    tpu.wait_indirect_dma semaphore(%arg22 : memref<!tpu.dma_semaphore, #tpu.memory_space<semaphore_mem>>) src(%dma_wait3A_448 : memref<655360xf32, #tpu.memory_space<hbm>>) dst(%dma_wait3A_444 : memref<128xf32, #tpu.memory_space<vmem>>)
    %dma_wait3A_449 = arith.constant 3968 : i32
    %dma_wait3A_450 = tpu.memref_slice %arg20[%dma_wait3A_449] : memref<5120xf32, #tpu.memory_space<vmem>> -> memref<128xf32, #tpu.memory_space<vmem>>
    %dma_wait3A_451 = arith.constant 3968 : i32
    %dma_wait3A_452 = tpu.memref_slice %arg19[%dma_wait3A_451] : memref<5120xi32, #tpu.memory_space<vmem>> -> memref<128xi32, #tpu.memory_space<vmem>>
    %dma_wait3A_453 = arith.constant 0 : i32
    %dma_wait3A_454 = tpu.memref_slice %arg6[%dma_wait3A_453] : memref<655360xf32, #tpu.memory_space<hbm>> -> memref<655360xf32, #tpu.memory_space<hbm>>
    tpu.wait_indirect_dma semaphore(%arg22 : memref<!tpu.dma_semaphore, #tpu.memory_space<semaphore_mem>>) src(%dma_wait3A_454 : memref<655360xf32, #tpu.memory_space<hbm>>) dst(%dma_wait3A_450 : memref<128xf32, #tpu.memory_space<vmem>>)
    %dma_wait3A_455 = arith.constant 4096 : i32
    %dma_wait3A_456 = tpu.memref_slice %arg20[%dma_wait3A_455] : memref<5120xf32, #tpu.memory_space<vmem>> -> memref<128xf32, #tpu.memory_space<vmem>>
    %dma_wait3A_457 = arith.constant 4096 : i32
    %dma_wait3A_458 = tpu.memref_slice %arg19[%dma_wait3A_457] : memref<5120xi32, #tpu.memory_space<vmem>> -> memref<128xi32, #tpu.memory_space<vmem>>
    %dma_wait3A_459 = arith.constant 0 : i32
    %dma_wait3A_460 = tpu.memref_slice %arg6[%dma_wait3A_459] : memref<655360xf32, #tpu.memory_space<hbm>> -> memref<655360xf32, #tpu.memory_space<hbm>>
    tpu.wait_indirect_dma semaphore(%arg22 : memref<!tpu.dma_semaphore, #tpu.memory_space<semaphore_mem>>) src(%dma_wait3A_460 : memref<655360xf32, #tpu.memory_space<hbm>>) dst(%dma_wait3A_456 : memref<128xf32, #tpu.memory_space<vmem>>)
    %dma_wait3A_461 = arith.constant 4224 : i32
    %dma_wait3A_462 = tpu.memref_slice %arg20[%dma_wait3A_461] : memref<5120xf32, #tpu.memory_space<vmem>> -> memref<128xf32, #tpu.memory_space<vmem>>
    %dma_wait3A_463 = arith.constant 4224 : i32
    %dma_wait3A_464 = tpu.memref_slice %arg19[%dma_wait3A_463] : memref<5120xi32, #tpu.memory_space<vmem>> -> memref<128xi32, #tpu.memory_space<vmem>>
    %dma_wait3A_465 = arith.constant 0 : i32
    %dma_wait3A_466 = tpu.memref_slice %arg6[%dma_wait3A_465] : memref<655360xf32, #tpu.memory_space<hbm>> -> memref<655360xf32, #tpu.memory_space<hbm>>
    tpu.wait_indirect_dma semaphore(%arg22 : memref<!tpu.dma_semaphore, #tpu.memory_space<semaphore_mem>>) src(%dma_wait3A_466 : memref<655360xf32, #tpu.memory_space<hbm>>) dst(%dma_wait3A_462 : memref<128xf32, #tpu.memory_space<vmem>>)
    %dma_wait3A_467 = arith.constant 4352 : i32
    %dma_wait3A_468 = tpu.memref_slice %arg20[%dma_wait3A_467] : memref<5120xf32, #tpu.memory_space<vmem>> -> memref<128xf32, #tpu.memory_space<vmem>>
    %dma_wait3A_469 = arith.constant 4352 : i32
    %dma_wait3A_470 = tpu.memref_slice %arg19[%dma_wait3A_469] : memref<5120xi32, #tpu.memory_space<vmem>> -> memref<128xi32, #tpu.memory_space<vmem>>
    %dma_wait3A_471 = arith.constant 0 : i32
    %dma_wait3A_472 = tpu.memref_slice %arg6[%dma_wait3A_471] : memref<655360xf32, #tpu.memory_space<hbm>> -> memref<655360xf32, #tpu.memory_space<hbm>>
    tpu.wait_indirect_dma semaphore(%arg22 : memref<!tpu.dma_semaphore, #tpu.memory_space<semaphore_mem>>) src(%dma_wait3A_472 : memref<655360xf32, #tpu.memory_space<hbm>>) dst(%dma_wait3A_468 : memref<128xf32, #tpu.memory_space<vmem>>)
    %dma_wait3A_473 = arith.constant 4480 : i32
    %dma_wait3A_474 = tpu.memref_slice %arg20[%dma_wait3A_473] : memref<5120xf32, #tpu.memory_space<vmem>> -> memref<128xf32, #tpu.memory_space<vmem>>
    %dma_wait3A_475 = arith.constant 4480 : i32
    %dma_wait3A_476 = tpu.memref_slice %arg19[%dma_wait3A_475] : memref<5120xi32, #tpu.memory_space<vmem>> -> memref<128xi32, #tpu.memory_space<vmem>>
    %dma_wait3A_477 = arith.constant 0 : i32
    %dma_wait3A_478 = tpu.memref_slice %arg6[%dma_wait3A_477] : memref<655360xf32, #tpu.memory_space<hbm>> -> memref<655360xf32, #tpu.memory_space<hbm>>
    tpu.wait_indirect_dma semaphore(%arg22 : memref<!tpu.dma_semaphore, #tpu.memory_space<semaphore_mem>>) src(%dma_wait3A_478 : memref<655360xf32, #tpu.memory_space<hbm>>) dst(%dma_wait3A_474 : memref<128xf32, #tpu.memory_space<vmem>>)
    %dma_wait3A_479 = arith.constant 4608 : i32
    %dma_wait3A_480 = tpu.memref_slice %arg20[%dma_wait3A_479] : memref<5120xf32, #tpu.memory_space<vmem>> -> memref<128xf32, #tpu.memory_space<vmem>>
    %dma_wait3A_481 = arith.constant 4608 : i32
    %dma_wait3A_482 = tpu.memref_slice %arg19[%dma_wait3A_481] : memref<5120xi32, #tpu.memory_space<vmem>> -> memref<128xi32, #tpu.memory_space<vmem>>
    %dma_wait3A_483 = arith.constant 0 : i32
    %dma_wait3A_484 = tpu.memref_slice %arg6[%dma_wait3A_483] : memref<655360xf32, #tpu.memory_space<hbm>> -> memref<655360xf32, #tpu.memory_space<hbm>>
    tpu.wait_indirect_dma semaphore(%arg22 : memref<!tpu.dma_semaphore, #tpu.memory_space<semaphore_mem>>) src(%dma_wait3A_484 : memref<655360xf32, #tpu.memory_space<hbm>>) dst(%dma_wait3A_480 : memref<128xf32, #tpu.memory_space<vmem>>)
    %dma_wait3A_485 = arith.constant 4736 : i32
    %dma_wait3A_486 = tpu.memref_slice %arg20[%dma_wait3A_485] : memref<5120xf32, #tpu.memory_space<vmem>> -> memref<128xf32, #tpu.memory_space<vmem>>
    %dma_wait3A_487 = arith.constant 4736 : i32
    %dma_wait3A_488 = tpu.memref_slice %arg19[%dma_wait3A_487] : memref<5120xi32, #tpu.memory_space<vmem>> -> memref<128xi32, #tpu.memory_space<vmem>>
    %dma_wait3A_489 = arith.constant 0 : i32
    %dma_wait3A_490 = tpu.memref_slice %arg6[%dma_wait3A_489] : memref<655360xf32, #tpu.memory_space<hbm>> -> memref<655360xf32, #tpu.memory_space<hbm>>
    tpu.wait_indirect_dma semaphore(%arg22 : memref<!tpu.dma_semaphore, #tpu.memory_space<semaphore_mem>>) src(%dma_wait3A_490 : memref<655360xf32, #tpu.memory_space<hbm>>) dst(%dma_wait3A_486 : memref<128xf32, #tpu.memory_space<vmem>>)
    %dma_wait3A_491 = arith.constant 4864 : i32
    %dma_wait3A_492 = tpu.memref_slice %arg20[%dma_wait3A_491] : memref<5120xf32, #tpu.memory_space<vmem>> -> memref<128xf32, #tpu.memory_space<vmem>>
    %dma_wait3A_493 = arith.constant 4864 : i32
    %dma_wait3A_494 = tpu.memref_slice %arg19[%dma_wait3A_493] : memref<5120xi32, #tpu.memory_space<vmem>> -> memref<128xi32, #tpu.memory_space<vmem>>
    %dma_wait3A_495 = arith.constant 0 : i32
    %dma_wait3A_496 = tpu.memref_slice %arg6[%dma_wait3A_495] : memref<655360xf32, #tpu.memory_space<hbm>> -> memref<655360xf32, #tpu.memory_space<hbm>>
    tpu.wait_indirect_dma semaphore(%arg22 : memref<!tpu.dma_semaphore, #tpu.memory_space<semaphore_mem>>) src(%dma_wait3A_496 : memref<655360xf32, #tpu.memory_space<hbm>>) dst(%dma_wait3A_492 : memref<128xf32, #tpu.memory_space<vmem>>)
    %dma_wait3A_497 = arith.constant 4992 : i32
    %dma_wait3A_498 = tpu.memref_slice %arg20[%dma_wait3A_497] : memref<5120xf32, #tpu.memory_space<vmem>> -> memref<128xf32, #tpu.memory_space<vmem>>
    %dma_wait3A_499 = arith.constant 4992 : i32
    %dma_wait3A_500 = tpu.memref_slice %arg19[%dma_wait3A_499] : memref<5120xi32, #tpu.memory_space<vmem>> -> memref<128xi32, #tpu.memory_space<vmem>>
    %dma_wait3A_501 = arith.constant 0 : i32
    %dma_wait3A_502 = tpu.memref_slice %arg6[%dma_wait3A_501] : memref<655360xf32, #tpu.memory_space<hbm>> -> memref<655360xf32, #tpu.memory_space<hbm>>
    tpu.wait_indirect_dma semaphore(%arg22 : memref<!tpu.dma_semaphore, #tpu.memory_space<semaphore_mem>>) src(%dma_wait3A_502 : memref<655360xf32, #tpu.memory_space<hbm>>) dst(%dma_wait3A_498 : memref<128xf32, #tpu.memory_space<vmem>>)
    %get3A_503 = arith.constant 0 : index
    %get3A_504 = tpu.vector_load %arg17[%get3A_503] {strides = array<i32>} : memref<16xf32, #tpu.memory_space<vmem>>, vector<16xf32>,
    %scan3A_505 = arith.constant 0 : i32
    %scan3A_506 = arith.constant 0 : i32
    %scan3A_507 = arith.constant 32 : i32
    %scan3A_508 = arith.addi %scan3A_506, %scan3A_507 : i32
    %scan3A_509 = arith.constant 1 : i32
    %scan3A_510 = scf.for %scan3A_512 = %scan3A_506 to %scan3A_508 step %scan3A_509 iter_args(%scan3A_513 = %scan3A_505) -> (i32)  : i32 {
      %mul3A_514 = arith.constant 16 : i32
      %mul3A_515 = arith.muli %scan3A_512, %mul3A_514 : i32
      %get3A_516 = arith.index_cast %mul3A_515 : i32 to index
      %get3A_517 = tpu.vector_load %arg18[%get3A_516] {strides = array<i32>} : memref<512xf32, #tpu.memory_space<vmem>>, vector<16xf32>,
      %scan3A_518 = arith.constant 0 : i32
      %scan3A_519 = arith.constant 10 : i32
      %scan3A_520 = arith.addi %scan3A_518, %scan3A_519 : i32
      %scan3A_521 = arith.constant 1 : i32
      %scan3A_522 = scf.for %scan3A_536 = %scan3A_518 to %scan3A_520 step %scan3A_521 iter_args(%scan3A_537 = %get3A_517) -> (vector<16xf32>)  : i32 {
        %mul3A_538 = arith.constant 512 : i32
        %mul3A_539 = arith.muli %scan3A_536, %mul3A_538 : i32
        %mul3A_540 = arith.constant 16 : i32
        %mul3A_541 = arith.muli %scan3A_512, %mul3A_540 : i32
        %add3A_542 = arith.addi %mul3A_539, %mul3A_541 : i32
        %get3A_543 = arith.index_cast %add3A_542 : i32 to index
        %get3A_544 = tpu.vector_load %arg20[%get3A_543] {strides = array<i32>} : memref<5120xf32, #tpu.memory_space<vmem>>, vector<16xf32>,
        %add3A_545 = arith.addf %scan3A_537, %get3A_544 : vector<16xf32>
        scf.yield %add3A_545 : vector<16xf32>
      }
      %scan3A_523 = arith.constant 10 : i32
      %add3A_524 = arith.addf %scan3A_522, %get3A_504 : vector<16xf32>
      %neg3A = arith.constant 0.000000e+00 : f32
      %neg3A_525 = vector.broadcast %neg3A : f32 to vector<16xf32>
      %neg3A_526 = arith.subf %neg3A_525, %add3A_524 : vector<16xf32>
      %exp3A = math.exp %neg3A_526 : vector<16xf32>
      %add3A_527 = arith.constant 1.000000e+00 : f32
      %add3A_528 = vector.broadcast %add3A_527 : f32 to vector<16xf32>
      %add3A_529 = arith.addf %add3A_528, %exp3A : vector<16xf32>
      %div3A = arith.constant 1.000000e+00 : f32
      %div3A_530 = vector.broadcast %div3A : f32 to vector<16xf32>
      %div3A_531 = arith.divf %div3A_530, %add3A_529 : vector<16xf32>
      %mul3A_532 = arith.constant 16 : i32
      %mul3A_533 = arith.muli %scan3A_512, %mul3A_532 : i32
      %swap3A = arith.index_cast %mul3A_533 : i32 to index
      %swap3A_534 = tpu.vector_load %arg18[%swap3A] {strides = array<i32>} : memref<512xf32, #tpu.memory_space<vmem>>, vector<16xf32>,
      tpu.vector_store %arg18[%swap3A], %div3A_531 {strides = array<i32>} : memref<512xf32, #tpu.memory_space<vmem>>, vector<16xf32>,
      %scan3A_535 = arith.constant 0 : i32
      scf.yield %scan3A_535 : i32
    }
    %scan3A_511 = arith.constant 32 : i32
    "tpu.region"() ({
      %run_scoped3A = tpu.sem_alloc : memref<!tpu.dma_semaphore, #tpu.memory_space<semaphore_mem>>
      %dma_start3A_512 = tpu.memref_slice %arg10[%mul3A_2] : memref<16384xf32, #tpu.memory_space<hbm>> -> memref<512xf32, #tpu.memory_space<hbm>>
      %dma_start3A_513 = tpu.memref_slice %arg10[%mul3A_2] : memref<16384xf32, #tpu.memory_space<hbm>> -> memref<512xf32, #tpu.memory_space<hbm>>
      tpu.enqueue_dma source(%arg18 : memref<512xf32, #tpu.memory_space<vmem>>) target(%dma_start3A_513 : memref<512xf32, #tpu.memory_space<hbm>>) target_semaphore(%run_scoped3A : memref<!tpu.dma_semaphore, #tpu.memory_space<semaphore_mem>>)
      %dma_wait3A_514 = tpu.memref_slice %arg10[%mul3A_2] : memref<16384xf32, #tpu.memory_space<hbm>> -> memref<512xf32, #tpu.memory_space<hbm>>
      %dma_wait3A_515 = tpu.memref_slice %arg10[%mul3A_2] : memref<16384xf32, #tpu.memory_space<hbm>> -> memref<512xf32, #tpu.memory_space<hbm>>
      tpu.wait_dma2 semaphore(%run_scoped3A : memref<!tpu.dma_semaphore, #tpu.memory_space<semaphore_mem>>) src(%arg18 : memref<512xf32, #tpu.memory_space<vmem>>) dst(%dma_wait3A_515 : memref<512xf32, #tpu.memory_space<hbm>>)
      tpu.yield
    }) : () -> ()
    return
  }
}

</mosaic_0001>

<sc_bundles>
// kernel: kernel.3.cloned.1.call-start
scs
__scs_entry_jumppad:
0x0: {  	(pc) =	sbr.rel $0x88, $3  }
0x1: {  	(tag) =	ssettag $0x0;
	lr =	simm.s32 $0x1  }
0x2: {  	[smem:$0x3F9A] =	sst lr;
	_ =	strace $0xD0000000  }
0x3: {  	_ = 	snop  }
0x4: {  	_ = 	snop  }
0x5: {  	_ = 	snop  }
0x6: {  	_ = 	snop  }
0x7: {  	_ = 	snop  }
__scs_overlays_trampoline_lowered:
0x8: {  	[smem:$0x3FA9] =	sst s0  }
0x9: {  	[smem:$0x3FAA] =	sst s1  }
0xa: {  	[smem:$0x3FAB] =	sst s2  }
0xb: {  	[smem:$0x3FAC] =	sst s3  }
0xc: {  	[smem:$0x3FAD] =	sst s4  }
0xd: {  	[smem:$0x3FAE] =	sst s5  }
0xe: {  	[smem:$0x3FAF] =	sst s6  }
0xf: {  	[smem:$0x3FB0] =	sst s7  }
0x10: {  	[smem:$0x3FB1] =	sst s8  }
0x11: {  	[smem:$0x3FB2] =	sst s9;
	s0 =	simm.s32 @!p0 $0x0  }
0x12: {  	s1 =	sld [smem:$0x3F98];
	s0 =	simm.s32 @p0 $0x1  }
0x13: {  	[smem:$0x3FB3] =	sst s0;
	s0 =	simm.s32 @!p1 $0x0  }
0x14: {  	s2 =	sld [smem:$0x3F97];
	s0 =	simm.s32 @p1 $0x1  }
0x15: {  	[smem:$0x3FB4] =	sst s0;
	s0 =	simm.s32 @!p2 $0x0  }
0x16: {  	s3 =	sld [smem:$0x3FDB];
	s0 =	simm.s32 @p2 $0x1  }
0x17: {  	s4 =	simm.s32 $0x1BF5;
	[smem:$0x3FB6] =	sst s0  }
0x18: {  	s0 =	sld [smem:$0x3F99];
	_ =	swait.ge [sflag:s4], $0x0  }
0x19: {  	s7 =	sld [smem:$0x3F9A]  }
0x1a: {  	s8 =	sadd.s32 $0xFFFFE003, lr  }
0x1b: {  	s9 =	sadd.s32 $0xFFFFFEF7, lr;
	s5 =	simm.s32 $0xFFFFFFFF;
	p2 =	slt.u32 s8, $0xFFFFF086  }
0x1c: {  	p1 =	slt.u32 s9, $0xF7A;
	s5 =	simm.s32 @!p2 $0x0  }
0x1d: {  	s5 =	simm.s32 @p1 $0x1;
	p0 =	seq.s32 s7, s2  }
0x1e: {  	s7 =	smul.u32 @!p0 $0xF7A, s2;
	p2 =	seq.s32 @!p0 s5, $0x0  }
0x1f: {  	s9 =	smul.u32 $0xF7A, s1;
	s8 =	simm.s32 @!p0 $0x1BF5;
	p2 =	por !p2, p0  }
0x20: {  	[sflag:s8] =	ssyncset.s32 @!p0 $0xFFFFF086;
	s6 =	sadd.s32 @!p0 s3, s7;
	s7 =	simm.s32 @!p0 $0x108  }
0x21: {  	s3 =	sadd.s32 s3, s9;
	s6 =	sadd.s32 @!p0 $0x88, s6;
	s7 =	simm.s32 @p2 $0x1082  }
0x22: {  	[simem:s7], [sflag:s8] =	dma.local @!p0 [hbm:s6], $0xF7A  }
0x23: {  	s9 =	sor.u32 $0xD0000000, s2;
	s6 =	simm.s32 $0x108;
	_ =	swait.ge @!p0 [sflag:s8], $0x0  }
0x24: {  	s3 =	sadd.s32 $0x88, s3;
	s6 =	simm.s32 @!p1 $0x1082;
	[sflag:s4] =	ssyncset.s32 $0xFFFFF086  }
0x25: {  	[simem:s6], [sflag:s4] =	dma.local [hbm:s3], $0xF7A  }
0x26: {  	[smem:$0x3F9A] =	sst s1;
	(tag) =	ssettag s2;
	_ =	strace s9  }
0x27: {  	s1 =	sld [smem:$0x3FAA]  }
0x28: {  	s2 =	sld [smem:$0x3FAB]  }
0x29: {  	s4 =	sld [smem:$0x3FAD]  }
0x2a: {  	p0 =	seq.s32 s5, $0x0;
	s5 =	sld [smem:$0x3FAE]  }
0x2b: {  	s6 =	sld [smem:$0x3FAF]  }
0x2c: {  	s7 =	sld [smem:$0x3FB0]  }
0x2d: {  	s3 =	simm.s32 $0x108;
	s8 =	sld [smem:$0x3FB1]  }
0x2e: {  	s3 =	simm.s32 @!p0 $0x1082;
	s9 =	sld [smem:$0x3FB2]  }
0x2f: {  	lr =	sadd.s32 s0, s3;
	s0 =	sld [smem:$0x3FA9]  }
0x30: {  	s3 =	sld [smem:$0x3FAC]  }
0x31: {  	[smem:$0x3FB5] =	sst s10  }
0x32: {  	s10 =	sld [smem:$0x3FB3];
	_ =	sdelay $0x3  }
0x33: {  	p0 =	seq.s32 s10, $0x1;
	s10 =	sld [smem:$0x3FB5];
	_ =	sdelay $0x3  }
0x34: {  	[smem:$0x3FB5] =	sst s10  }
0x35: {  	s10 =	sld [smem:$0x3FB4];
	_ =	sdelay $0x3  }
0x36: {  	p1 =	seq.s32 s10, $0x1;
	s10 =	sld [smem:$0x3FB5];
	_ =	sdelay $0x3  }
0x37: {  	[smem:$0x3FB5] =	sst s10  }
0x38: {  	s10 =	sld [smem:$0x3FB6]  }
0x39: {  	_ = 	snop;
	(pc) =	sbr.ind lr, $3  }
0x3a: {  	_ = 	snop  }
0x3b: {  	_ = 	snop  }
0x3c: {  	p2 =	seq.s32 s10, $0x1;
	s10 =	sld [smem:$0x3FB5]  }
0x3d: {  	_ =	shalt  }
0x3e: {  	_ =	shalt  }
0x3f: {  	_ =	shalt  }
0x40: {  	_ =	shalt  }
0x41: {  	_ =	shalt  }
0x42: {  	_ =	shalt  }
0x43: {  	_ =	shalt  }
0x44: {  	_ =	shalt  }
0x45: {  	_ =	shalt  }
0x46: {  	_ =	shalt  }
0x47: {  	_ =	shalt  }
0x48: {  	_ =	shalt  }
0x49: {  	_ =	shalt  }
0x4a: {  	_ =	shalt  }
0x4b: {  	_ =	shalt  }
0x4c: {  	_ =	shalt  }
0x4d: {  	_ =	shalt  }
0x4e: {  	_ =	shalt  }
0x4f: {  	_ =	shalt  }
0x50: {  	_ =	shalt  }
0x51: {  	_ =	shalt  }
0x52: {  	_ =	shalt  }
0x53: {  	_ =	shalt  }
0x54: {  	_ =	shalt  }
0x55: {  	_ =	shalt  }
0x56: {  	_ =	shalt  }
0x57: {  	_ =	shalt  }
0x58: {  	_ =	shalt  }
0x59: {  	_ =	shalt  }
0x5a: {  	_ =	shalt  }
0x5b: {  	_ =	shalt  }
0x5c: {  	_ =	shalt  }
0x5d: {  	_ =	shalt  }
0x5e: {  	_ =	shalt  }
0x5f: {  	_ =	shalt  }
0x60: {  	_ =	shalt  }
0x61: {  	_ =	shalt  }
0x62: {  	_ =	shalt  }
0x63: {  	_ =	shalt  }
0x64: {  	_ =	shalt  }
0x65: {  	_ =	shalt  }
0x66: {  	_ =	shalt  }
0x67: {  	_ =	shalt  }
0x68: {  	_ =	shalt  }
0x69: {  	_ =	shalt  }
0x6a: {  	_ =	shalt  }
0x6b: {  	_ =	shalt  }
0x6c: {  	_ =	shalt  }
0x6d: {  	_ =	shalt  }
0x6e: {  	_ =	shalt  }
0x6f: {  	_ =	shalt  }
0x70: {  	_ =	shalt  }
0x71: {  	_ =	shalt  }
0x72: {  	_ =	shalt  }
0x73: {  	_ =	shalt  }
0x74: {  	_ =	shalt  }
0x75: {  	_ =	shalt  }
0x76: {  	_ =	shalt  }
0x77: {  	_ =	shalt  }
0x78: {  	_ =	shalt  }
0x79: {  	_ =	shalt  }
0x7a: {  	_ =	shalt  }
0x7b: {  	_ =	shalt  }
0x7c: {  	_ =	shalt  }
0x7d: {  	_ =	shalt  }
0x7e: {  	_ =	shalt  }
0x7f: {  	_ =	shalt  }
0x80: {  	_ =	shalt  }
0x81: {  	_ =	shalt  }
0x82: {  	_ =	shalt  }
0x83: {  	_ =	shalt  }
0x84: {  	_ =	shalt  }
0x85: {  	_ =	shalt  }
0x86: {  	_ =	shalt  }
0x87: {  	_ =	shalt  }
.Lfunc_end0:
.L_simem_size_0:
called_computation_lowered:
.L_overlay_start_0:
0x88: {  	s2 =	sld [smem:$0x3FD9]  }
0x89: {  	s3 =	sld [smem:$0x3FFE];
	_ =	sdelay $0x1  }
0x8a: {  	s1 =	srdreg.scid  }
0x8b: {  	s0 =	sand.u32 $0x1, s1  }
0x8c: {  	s17 =	sshll.u32 s0, $0xA;
	s2 =	sadd.s32 s3, s2  }
0x8d: {  	s2 =	sadd.s32 s2, s17  }
0x8e: {  	[smem:$0x3FC1] =	sst s2  }
0x8f: {  	_ = 	snop  }
0x90: {  	s2 =	sld [smem:$0x3FD0];
	(tm) =	ssettm $0x1  }
0x91: {  	s18 =	sld [smem:$0x3FFB];
	_ =	sdelay $0x3  }
0x92: {  	_ =	strace s18  }
0x93: {  	s3 =	sld [smem:$0x3FFC];
	_ =	sdelay $0x3  }
0x94: {  	_ =	strace s3  }
0x95: {  	s3 =	sld [smem:$0x3FFD];
	_ =	sdelay $0x3  }
0x96: {  	_ =	strace s3  }
0x97: {  	_ =	strace $0x8FFFFFFF  }
0x98: {  	s19 =	sld [smem:$0x3FDB];
	_ =	sdelay $0x1  }
0x99: {  	s4 =	simm.s32 $_scs_section_size  }
0x9a: {  	s5 =	simm.s32 $_size__tile_overlayer_lowered;
	s6 =	simm.s32 $_tile_overlayer_lowered  }
0x9b: {  	s22 =	simm.s32 $0x1BFF;
	s21 =	sshll.u32 s6, $0x1;
	s3 =	sadd.s32 s4, s19  }
0x9c: {  	s7 =	simm.s32 $0x0;
	s20 =	sshll.u32 s5, $0x1;
	s5 =	sadd.s32 s21, s3  }
0x9d: {  	[timem:s7], [sflag:s22] =	dma.local [hbm:s5], s20  }
0x9e: {  	_ =	swait.ge [sflag:s22], s20  }
0x9f: {  	s4 =	ssub.s32 $0x0, s20;
	[sflag:s22] =	ssyncset.done $0x0  }
0xa0: {  	[sflag:s22] =	ssyncadd.s32 s4;
	_ =	sdelay $0x1  }
0xa1: {  	s23 =	simm.s32 $0x1B8B  }
0xa2: {  	_ =	swait.ge [sflag:s23], $0x1  }
0xa3: {  	[sflag:s23] =	ssyncset.done $0x0  }
0xa4: {  	s25 =	simm.s32 $0x1B8E;
	s24 =	sld [smem:$0x3FFE];
	[sflag:s23] =	ssyncadd.s32 $0xFFFFFFFF  }
0xa5: {  	s26 =	simm.s32 $execute0_lowered;
	[smem:$0x3FD2] =	sst s25  }
0xa6: {  	s5 =	sshll.u32 s26, $0x1;
	_ =	strace $0x80000046;
	[dreg:$0x1] =	wrdreg $0xFFFFFFFF  }
0xa7: {  	s28 =	simm.s32 $_size_execute0_lowered;
	s3 =	sadd.s32 s3, s5;
	[dreg:$0x0] =	wrdreg $0x0  }
0xa8: {  	s5 =	sshll.u32 s28, $0x1;
	[dreg:$0x2] =	wrdreg s3  }
0xa9: {  	[dreg:$0x3] =	wrdreg s5  }
0xaa: {  	[dreg:$0x4] =	wrdreg $0xC0  }
0xab: {  	_ =	task [dreg:s7], $0x5FFFF  }
0xac: {  	[dreg:$0x1] =	wrdreg $0xFFFFFFFF  }
0xad: {  	[dreg:$0x0] =	wrdreg $0x60  }
0xae: {  	[dreg:$0x2] =	wrdreg s24  }
0xaf: {  	[dreg:$0x3] =	wrdreg s2  }
0xb0: {  	[dreg:$0x4] =	wrdreg $0x9  }
0xb1: {  	_ =	task.clear_ibuf [dreg:s7], $0x5FFFF;
	_ =	strace $0x90000046  }
0xb2: {  	s29 =	simm.s32 $0x9;
	_ =	strace $0x80000048  }
0xb3: {  	_ =	swait.ge [sflag:s29], $0x1  }
0xb4: {  	[sflag:s29] =	ssyncadd.s32 $0xFFFFFFFF  }
0xb5: {  	_ =	strace $0x90000048  }
0xb6: {  	_ =	sfence  }
0xb7: {  	s30 =	sld [smem:$0x0];
	_ =	sdelay $0x2  }
0xb8: {  	s31 =	sshll.u32 s1, $0xD;
	s1 =	sshrl.u32 s1, $0x2  }
0xb9: {  	s3 =	sand.u32 $0x4000, s31;
	s1 =	sadd.s32 s1, s30  }
0xba: {  	s0 =	sor.u32 s3, s0;
	s1 =	sshll.u32 s1, $0x11  }
0xbb: {  	s0 =	sor.u32 s1, s0  }
0xbc: {  	s0 =	sadd.s32 $0x8F2B, s0  }
0xbd: {  	[sflag:s0] =	ssyncadd.remote.s32 $0x1  }
0xbe: {  	_ =	sfence.sel $0xFFFF  }
0xbf: {  	[dreg:$0x0] =	wrdreg $0xFFFFFFFF;
	(pc) =	sbr.abs _section_cstart, $3  }
0xc0: {  	[dreg:$0x1] =	wrdreg $0xFFFFFFFF  }
0xc1: {  	_ =	task.clear_ibuf [dreg:s7], $0x2FFFF;
	_ =	strace $0x9FFFFFFF  }
0xc2: {  	(tm) =	ssettm $0x7FFFFFFF  }
0xc3: {  	_ =	shalt  }
tec
execute0_lowered:
.L_overlay_start_1:
0x0: {  	(tag) =	ssettag $0x1  }
0x1: {  	s1 =	rddreg [dreg:$0x0]  }
0x2: {  	s0 =	srdreg.scid;
	s3 =	rddreg [dreg:$0x1];
	s15 =	simm.s32 $0x0  }
0x3: {  	s2 =	stileid.u32;
	[smem:$0x7FF] =	sst s15;
	s5 =	sadd.s32 $0x33200, s1  }
0x4: {  	s22 =	sadd.s32 $0x34000, s1;
	_ =	strace $0x80000047;
	[smem:$0x7F4] =	sst s5  }
0x5: {  	s0 =	sand.u32 $0x1, s0;
	s23 =	sadd.s32 $0x34E00, s1;
	[smem:$0x7F5] =	sst s22  }
0x6: {  	s2 =	sshll.u32 s2, $0x1;
	s24 =	sadd.s32 $0x35200, s1;
	[smem:$0x7F6] =	sst s23  }
0x7: {  	s25 =	sadd.s32 $0x49200, s1;
	s26 =	sadd.s32 $0x49400, s1;
	[smem:$0x7F7] =	sst s24  }
0x8: {  	s2 =	sor.u32 s0, s2;
	[smem:$0x7F8] =	sst s25;
	s0 =	ssub.s32 $0x2, s0  }
0x9: {  	s4 =	smul.u32 $0x1900, s2;
	s28 =	sshrl.u32 s0, $0x1;
	s2 =	sshll.u32 s2, $0x6  }
0xa: {  	[smem:$0x7F9] =	sst s26;
	s0 =	ssub.s32 s0, s28;
	s31 =	sadd.s32 s3, s2  }
0xb: {  	v0 =	vlaneseq.u32;
	s4 =	sadd.s32 s4, s1;
	s1 =	sadd.s32 $0x49600, s1;
	[smem:$0x7FC] =	sst s31  }
0xc: {  	s13 =	simm.s32 $0x19000;
	v50 =	vmul.u32 $0x64, v0;
	s0 =	smax.u32 s0, $0x1;
	[smem:$0x7FA] =	sst s1  }
0xd: {  	s29 =	simm.s32 $0xC800;
	v1 =	vimm.s32 $0x0;
	vm0 =	vcmask $0x300;
	s30 =	sadd.s32 $0x1200, s4;
	[smem:$0x7FD] =	sst s0  }
0xe: {  	s17 =	simm.s32 $0x12C00;
	v63 =	vsel vm0, $0x7, v1;
	[tilespmem:$0x1FFF0] =	vst v50;
	s2 =	simm.s32 $0x0;
	[smem:$0x7FB] =	sst s30  }
.LBB2_1:
0xf: {  	s0 =	sld [smem:$0x7FB];
	_ =	sdelay $0x1  }
0x10: {  	s21 =	sld [smem:$0x7F6]  }
0x11: {  	[tilespmem:s15], [sflag:$0x1] =	stream.linear.gather [hbm4b:s0+s15], $0xC800, $0x38;
	[tilespmem:$0x1CF80] =	vst v63  }
0x12: {  	s22 =	sld [smem:$0x7F8]  }
0x13: {  	[tilespmem:s13], [sflag:$0x1] =	stream.linear.gather [hbm4b:s21+s15], $0x1400, $0x38;
	[tilespmem:$0x1CF80] =	vst v63  }
0x14: {  	s1 =	simm.s32 $0x1A400;
	s23 =	sld [smem:$0x7F9]  }
0x15: {  	[tilespmem:s1], [sflag:$0x1] =	stream.linear.gather [hbm4b:s22+s15], $0x80, $0x38;
	[tilespmem:$0x1CF80] =	vst v63  }
0x16: {  	s24 =	simm.s32 $0x1A480;
	s25 =	sld [smem:$0x7F4]  }
0x17: {  	[tilespmem:s24], [sflag:$0x1] =	stream.linear.gather [hbm4b:s23+s15], $0x80, $0x38;
	[tilespmem:$0x1CF80] =	vst v63  }
0x18: {  	s26 =	sld [smem:$0x7F5]  }
0x19: {  	[tilespmem:s29], [sflag:$0x2] =	stream.linear.gather [hbm4b:s25+s15], $0x6400, $0x38;
	[tilespmem:$0x1CF80] =	vst v63  }
0x1a: {  	s28 =	sld [smem:$0x7FA]  }
0x1b: {  	[tilespmem:s17], [sflag:$0x2] =	stream.linear.gather [hbm4b:s26+s15], $0x6400, $0x38;
	[tilespmem:$0x1CF80] =	vst v63  }
0x1c: {  	[smem:$0x7F3] =	sst s2;
	s30 =	simm.s32 $0x1A500;
	s31 =	simm.s32 $0x1  }
0x1d: {  	[tilespmem:s30], [sflag:$0x2] =	stream.linear.gather [hbm4b:s28+s15], $0x80, $0x38;
	[tilespmem:$0x1CF80] =	vst v63  }
0x1e: {  	_ =	swait.ge [sflag:s31], $0xC800  }
0x1f: {  	[sflag:s31] =	ssyncset.done $0x0  }
0x20: {  	[sflag:s31] =	ssyncadd.s32 $0xFFFF3800  }
0x21: {  	_ =	swait.ge [sflag:s31], $0x1400  }
0x22: {  	[sflag:s31] =	ssyncset.done $0x0  }
0x23: {  	[sflag:s31] =	ssyncadd.s32 $0xFFFFEC00  }
0x24: {  	_ =	swait.ge [sflag:s31], $0x80  }
0x25: {  	[sflag:s31] =	ssyncset.done $0x0  }
0x26: {  	[sflag:s31] =	ssyncadd.s32 $0xFFFFFF80  }
0x27: {  	_ =	swait.ge [sflag:s31], $0x80  }
0x28: {  	[sflag:s31] =	ssyncset.done $0x0  }
0x29: {  	[sflag:s31] =	ssyncadd.s32 $0xFFFFFF80  }
0x2a: {  	v4 =	vld [tilespmem:$0x1A400]  }
0x2b: {  	p0 =	por $0x0, $0x0;
	s10 =	simm.s32 $0x0;
	s1 =	simm.s32 $0x0;
	v5 =	vld [tilespmem:$0x1A480]  }
.LBB2_2:
0x2c: {  	_ = 	snop  }
0x2d: {  	s3 =	simm.s32 $0x0  }
0x2e: {  	v6 =	vmov s3  }
0x2f: {  	vm0 =	veq.s32 v6, v0  }
0x30: {  	v6 =	vnsel vm0, $0x0, v5  }
0x31: {  	v7 =	vnsel vm0, $0x0, v4;
	(xrf0) =	vadd.scan.msk.s32 $0xffff, v6  }
0x32: {  	(xrf0) =	vadd.scan.msk.s32 $0xffff, v7;
	_ =	sdelay $0x1  }
0x33: {  	s0 =	simm.s32 $0xFE  }
0x34: {  	v6 =	vmov s0  }
0x35: {  	s26 =	simm.s32 $0x1FE;
	v6 =	vshrl.u32 v6, $0x7  }
0x36: {  	v7 =	vmov s26;
	v6 =	vshll.u32 v6, v63;
	v8, _, _ =	vpop (xrf0)  }
0x37: {  	s2 =	smul.u32 $0x1900, s1;
	v7 =	vshrl.u32 v7, $0x7;
	v6 =	vadd.s32 $0x7E, v6;
	v9, _, _ =	vpop (xrf0)  }
0x38: {  	v7 =	vshll.u32 v7, v63;
	v19 =	vbroadcast v6, $0x0;
	v18 =	vbroadcast v9, $0xF  }
0x39: {  	v16 =	vadd.s32 s2, v50;
	v6 =	vadd.s32 $0x7E, v7  }
0x3a: {  	v20 =	vbroadcast v6, $0x0;
	v21 =	vbroadcast v8, $0xF;
	v6 =	vadd.s32 v16, v18;
	_ =	sdelay $0x1  }
0x3b: {  	v7 =	vadd.s32 v16, v21  }
0x3c: {  	[smem:$0x7F1] =	sst s1  }
0x3d: {  	v8 =	vld.idx.msk [tilespmem:v19+s13+$0x0], $0xffff  }
0x3e: {  	v6 =	vld.idx.msk [tilespmem:v6+s15+$0x0], $0xffff  }
0x3f: {  	v9 =	vld.idx.msk [tilespmem:v20+s13+$0x0], $0xffff  }
0x40: {  	v7 =	vld.idx.msk [tilespmem:v7+s15+$0x0], $0xffff;
	_ =	sdelay $0x2  }
0x41: {  	vm2 =	vge.f32 v6, v8  }
0x42: {  	s17 =	simm.s32 $0xFC;
	v8 =	vsel vm2, $0x1, v1  }
0x43: {  	vm0 =	vge.f32 v7, v9;
	v9 =	vor.u32 s17, v8  }
0x44: {  	s8 =	simm.s32 $0x1FC;
	v10 =	vsel vm0, $0x1, v1  }
0x45: {  	v11 =	vor.u32 s8, v10;
	_ =	sdelay $0x2  }
0x46: {  	v9 =	vld.idx.msk [tilespmem:v9+s13+$0x0], $0xffff;
	_ =	sdelay $0x1  }
0x47: {  	v11 =	vld.idx.msk [tilespmem:v11+s13+$0x0], $0xffff;
	_ =	sdelay $0x2  }
0x48: {  	vm3 =	vge.f32 v6, v9;
	v9 =	vor.u32 $0x2, v8  }
0x49: {  	s15 =	simm.s32 $0xF8;
	v8 =	vsel vm3, v9, v8  }
0x4a: {  	vm1 =	vge.f32 v7, v11;
	v9 =	vor.u32 $0x2, v10;
	v11 =	vor.u32 s15, v8  }
0x4b: {  	s7 =	simm.s32 $0x1F8;
	v9 =	vsel vm1, v9, v10  }
0x4c: {  	v10 =	vor.u32 s7, v9;
	_ =	sdelay $0x2  }
0x4d: {  	v11 =	vld.idx.msk [tilespmem:v11+s13+$0x0], $0xffff;
	_ =	sdelay $0x1  }
0x4e: {  	v10 =	vld.idx.msk [tilespmem:v10+s13+$0x0], $0xffff;
	_ =	sdelay $0x2  }
0x4f: {  	vm4 =	vge.f32 v6, v11;
	v11 =	vor.u32 $0x4, v8  }
0x50: {  	s6 =	simm.s32 $0xF0;
	v8 =	vsel vm4, v11, v8  }
0x51: {  	vm5 =	vge.f32 v7, v10;
	v10 =	vor.u32 $0x4, v9;
	v11 =	vor.u32 s6, v8  }
0x52: {  	s5 =	simm.s32 $0x1F0;
	v9 =	vsel vm5, v10, v9  }
0x53: {  	v10 =	vor.u32 s5, v9;
	_ =	sdelay $0x2  }
0x54: {  	v11 =	vld.idx.msk [tilespmem:v11+s13+$0x0], $0xffff;
	_ =	sdelay $0x1  }
0x55: {  	v10 =	vld.idx.msk [tilespmem:v10+s13+$0x0], $0xffff;
	_ =	sdelay $0x2  }
0x56: {  	v12 =	vor.u32 $0x8, v8;
	vm6 =	vge.f32 v6, v11  }
0x57: {  	s1 =	simm.s32 $0xE0;
	v8 =	vsel vm6, v12, v8  }
0x58: {  	v11 =	vor.u32 $0x8, v9;
	vm7 =	vge.f32 v7, v10;
	v10 =	vor.u32 s1, v8  }
0x59: {  	s4 =	simm.s32 $0x1E0;
	v9 =	vsel vm7, v11, v9  }
0x5a: {  	v11 =	vor.u32 s4, v9;
	_ =	sdelay $0x2  }
0x5b: {  	v10 =	vld.idx.msk [tilespmem:v10+s13+$0x0], $0xffff;
	_ =	sdelay $0x1  }
0x5c: {  	v11 =	vld.idx.msk [tilespmem:v11+s13+$0x0], $0xffff;
	_ =	sdelay $0x2  }
0x5d: {  	vm9 =	vge.f32 v6, v10;
	v10 =	vor.u32 $0x10, v8  }
0x5e: {  	s9 =	simm.s32 $0xC0;
	v8 =	vsel vm9, v10, v8  }
0x5f: {  	vm8 =	vge.f32 v7, v11;
	v10 =	vor.u32 $0x10, v9;
	v11 =	vor.u32 s9, v8  }
0x60: {  	s11 =	simm.s32 $0x1C0;
	v9 =	vsel vm8, v10, v9  }
0x61: {  	v10 =	vor.u32 s11, v9;
	_ =	sdelay $0x2  }
0x62: {  	v11 =	vld.idx.msk [tilespmem:v11+s13+$0x0], $0xffff;
	_ =	sdelay $0x1  }
0x63: {  	v10 =	vld.idx.msk [tilespmem:v10+s13+$0x0], $0xffff;
	_ =	sdelay $0x2  }
0x64: {  	v12 =	vor.u32 $0x20, v8;
	vm11 =	vge.f32 v6, v11  }
0x65: {  	s14 =	simm.s32 $0x80;
	v8 =	vsel vm11, v12, v8  }
0x66: {  	v11 =	vor.u32 $0x20, v9;
	vm10 =	vge.f32 v7, v10;
	v10 =	vor.u32 s14, v8  }
0x67: {  	s18 =	simm.s32 $0x180;
	v9 =	vsel vm10, v11, v9  }
0x68: {  	v11 =	vor.u32 s18, v9;
	_ =	sdelay $0x2  }
0x69: {  	v10 =	vld.idx.msk [tilespmem:v10+s13+$0x0], $0xffff;
	_ =	sdelay $0x1  }
0x6a: {  	v11 =	vld.idx.msk [tilespmem:v11+s13+$0x0], $0xffff;
	_ =	sdelay $0x2  }
0x6b: {  	v12 =	vsel vm2, $0x80, v1;
	vm12 =	vge.f32 v6, v10;
	v10 =	vor.u32 $0x40, v8  }
0x6c: {  	s11 =	simm.s32 $0x0;
	v13 =	vor.u32 $0x40, v12;
	v8 =	vsel vm12, v10, v8  }
0x6d: {  	vm2 =	vge.f32 v7, v11;
	v10 =	vor.u32 $0x40, v9;
	v8 =	vor.u32 s11, v8  }
0x6e: {  	s14 =	simm.s32 $0x100;
	v12 =	vsel vm3, v13, v12;
	v11 =	vsel vm0, $0x80, v1;
	v9 =	vsel vm2, v10, v9  }
0x6f: {  	v13 =	vor.u32 $0x20, v12;
	v10 =	vor.u32 $0x40, v11;
	v9 =	vor.u32 s14, v9  }
0x70: {  	v10 =	vsel vm1, v10, v11;
	v11 =	vsel vm4, v13, v12  }
0x71: {  	v12 =	vor.u32 $0x20, v10;
	v13 =	vor.u32 $0x10, v11  }
0x72: {  	v10 =	vsel vm5, v12, v10;
	v11 =	vsel vm6, v13, v11;
	v8 =	vld.idx.msk [tilespmem:v8+s13+$0x0], $0xffff  }
0x73: {  	v12 =	vor.u32 $0x10, v10;
	v13 =	vor.u32 $0x8, v11  }
0x74: {  	s9 =	sadd.s32 $0x640, s2;
	v10 =	vsel vm7, v12, v10;
	v11 =	vsel vm9, v13, v11;
	v9 =	vld.idx.msk [tilespmem:v9+s13+$0x0], $0xffff  }
0x75: {  	v17 =	vadd.s32 s9, v50;
	v12 =	vor.u32 $0x4, v11;
	v13 =	vor.u32 $0x8, v10  }
0x76: {  	v14 =	vadd.s32 v17, v18;
	v11 =	vsel vm11, v12, v11;
	v10 =	vsel vm8, v13, v10  }
0x77: {  	s9 =	simm.s32 $0x1;
	v12 =	vor.u32 $0x2, v11;
	vm0 =	vge.f32 v6, v8;
	v6 =	vor.u32 $0x4, v10  }
0x78: {  	s25 =	sshll.u32 s10, $0x2;
	s9 =	simm.s32 @!p0 $0x0;
	v8 =	vsel vm12, v12, v11;
	v11 =	vsel vm0, $0x1, v1;
	v6 =	vsel vm10, v6, v10  }
0x79: {  	s9 =	sshll.u32 s9, $0x8;
	[smem:$0x7F2] =	sst s10;
	s10 =	sand.u32 $0xFFFFFE00, s25;
	vm0 =	vge.f32 v7, v9;
	v8 =	vor.u32 v11, v8;
	v10 =	vor.u32 $0x2, v6  }
0x7a: {  	s9 =	sor.u32 s9, s10;
	v7 =	vsel vm0, $0x1, v1;
	v6 =	vsel vm2, v10, v6;
	v8 =	vshll.u32 v8, $0x8  }
0x7b: {  	s9 =	sshrl.u32 s9, $0x2;
	v9 =	vadd.s32 v17, v21;
	v6 =	vor.u32 v7, v6;
	v7 =	vadd.s32 s3, v8  }
0x7c: {  	s18 =	sadd.s32 $0x1A7A0, s9;
	v6 =	vadd.s32 v6, v7  }
0x7d: {  	s12 =	simm.s32 $0x0;
	[tilespmem:s18+$0xFFFFFFE0] =	vst v6  }
0x7e: {  	v13 =	vld.idx.msk [tilespmem:v14+s12+$0x0], $0xffff  }
0x7f: {  	v6 =	vld.idx.msk [tilespmem:v19+s13+$0x0], $0xffff  }
0x80: {  	v12 =	vld.idx.msk [tilespmem:v9+s12+$0x0], $0xffff  }
0x81: {  	v7 =	vld.idx.msk [tilespmem:v20+s13+$0x0], $0xffff;
	_ =	sdelay $0x2  }
0x82: {  	vm7 =	vge.f32 v13, v6  }
0x83: {  	v6 =	vsel vm7, $0x1, v1  }
0x84: {  	vm2 =	vge.f32 v12, v7;
	v7 =	vor.u32 s17, v6  }
0x85: {  	v8 =	vsel vm2, $0x1, v1  }
0x86: {  	v9 =	vor.u32 s8, v8;
	_ =	sdelay $0x2  }
0x87: {  	v7 =	vld.idx.msk [tilespmem:v7+s13+$0x0], $0xffff;
	_ =	sdelay $0x1  }
0x88: {  	v9 =	vld.idx.msk [tilespmem:v9+s13+$0x0], $0xffff;
	_ =	sdelay $0x2  }
0x89: {  	vm9 =	vge.f32 v13, v7;
	v7 =	vor.u32 $0x2, v6  }
0x8a: {  	v6 =	vsel vm9, v7, v6  }
0x8b: {  	vm4 =	vge.f32 v12, v9;
	v7 =	vor.u32 $0x2, v8;
	v9 =	vor.u32 s15, v6  }
0x8c: {  	v7 =	vsel vm4, v7, v8  }
0x8d: {  	v8 =	vor.u32 s7, v7;
	_ =	sdelay $0x2  }
0x8e: {  	v9 =	vld.idx.msk [tilespmem:v9+s13+$0x0], $0xffff;
	_ =	sdelay $0x1  }
0x8f: {  	v8 =	vld.idx.msk [tilespmem:v8+s13+$0x0], $0xffff;
	_ =	sdelay $0x2  }
0x90: {  	vm6 =	vge.f32 v13, v9;
	v9 =	vor.u32 $0x4, v6  }
0x91: {  	v9 =	vsel vm6, v9, v6  }
0x92: {  	vm1 =	vge.f32 v12, v8;
	v6 =	vor.u32 $0x4, v7;
	v8 =	vor.u32 s6, v9  }
0x93: {  	v7 =	vsel vm1, v6, v7  }
0x94: {  	s26 =	simm.s32 $0x1;
	v6 =	vor.u32 s5, v7  }
0x95: {  	v10 =	vmov s26  }
0x96: {  	vm0 =	veq.s32 v10, v0  }
0x97: {  	v10 =	vnsel vm0, $0x0, v5;
	v8 =	vld.idx.msk [tilespmem:v8+s13+$0x0], $0xffff  }
0x98: {  	s0 =	simm.s32 $0x3FE;
	(xrf0) =	vadd.scan.msk.s32 $0xffff, v10  }
0x99: {  	v11 =	vnsel vm0, $0x0, v4;
	v10 =	vmov s0;
	v14 =	vld.idx.msk [tilespmem:v6+s13+$0x0], $0xffff  }
0x9a: {  	(xrf0) =	vadd.scan.msk.s32 $0xffff, v11;
	v6 =	vshrl.u32 v10, $0x7  }
0x9b: {  	s10 =	simm.s32 $0x2FE;
	v11 =	vor.u32 $0x8, v9;
	v6 =	vshll.u32 v6, v63  }
0x9c: {  	v10 =	vmov s10;
	v6 =	vadd.s32 $0x7E, v6;
	vm10 =	vge.f32 v13, v8  }
0x9d: {  	s20 =	simm.s32 $0xE0;
	v6 =	vbroadcast v6, $0x0;
	v8 =	vshrl.u32 v10, $0x7;
	v15 =	vsel vm10, v11, v9  }
0x9e: {  	v9, _, _ =	vpop (xrf0);
	vm12 =	vge.f32 v12, v14;
	v11 =	vor.u32 $0x8, v7;
	v10 =	vor.u32 s20, v15  }
0x9f: {  	s21 =	simm.s32 $0x1E0;
	v14 =	vshll.u32 v8, v63;
	v8 =	vbroadcast v9, $0xF;
	v22 =	vsel vm12, v11, v7  }
0xa0: {  	v7 =	vadd.s32 $0x7E, v14;
	v9, _, _ =	vpop (xrf0);
	v11 =	vor.u32 s21, v22  }
0xa1: {  	v7 =	vbroadcast v7, $0x0;
	v9 =	vbroadcast v9, $0xF;
	v14 =	vadd.s32 v16, v8;
	_ =	sdelay $0x1  }
0xa2: {  	v23 =	vadd.s32 v16, v9;
	v24 =	vld.idx.msk [tilespmem:v10+s13+$0x0], $0xffff  }
0xa3: {  	v25 =	vld.idx.msk [tilespmem:v6+s13+$0x0], $0xffff  }
0xa4: {  	v26 =	vld.idx.msk [tilespmem:v11+s13+$0x0], $0xffff  }
0xa5: {  	v10 =	vld.idx.msk [tilespmem:v14+s12+$0x0], $0xffff  }
0xa6: {  	v14 =	vld.idx.msk [tilespmem:v7+s13+$0x0], $0xffff  }
0xa7: {  	v11 =	vld.idx.msk [tilespmem:v23+s12+$0x0], $0xffff;
	v23 =	vor.u32 $0x10, v15;
	vm14 =	vge.f32 v13, v24  }
0xa8: {  	s16 =	simm.s32 $0xC0;
	v15 =	vsel vm14, v23, v15  }
0xa9: {  	v24 =	vor.u32 $0x10, v22;
	vm13 =	vge.f32 v12, v26;
	v23 =	vor.u32 s16, v15  }
0xaa: {  	s19 =	simm.s32 $0x1C0;
	vm0 =	vge.f32 v10, v25;
	v22 =	vsel vm13, v24, v22  }
0xab: {  	v2 =	vimm.s32 $0x0;
	s20 =	simm.s32 $0x3FC;
	v24 =	vsel vm0, $0x1, v1;
	v25 =	vor.u32 s19, v22  }
0xac: {  	v2 =	vsel vm0, $0xFFFFFFFF, v2;
	vm5 =	vge.f32 v11, v14;
	v14 =	vor.u32 s20, v24  }
0xad: {  	s0 =	simm.s32 $0x2FC;
	[tilespmem:$0x1FE30] =	vst v2;
	v26 =	vsel vm5, $0x1, v1  }
0xae: {  	v27 =	vor.u32 s0, v26;
	v23 =	vld.idx.msk [tilespmem:v23+s13+$0x0], $0xffff;
	_ =	sdelay $0x1  }
0xaf: {  	v25 =	vld.idx.msk [tilespmem:v25+s13+$0x0], $0xffff  }
0xb0: {  	v14 =	vld.idx.msk [tilespmem:v14+s13+$0x0], $0xffff;
	_ =	sdelay $0x1  }
0xb1: {  	v28 =	vor.u32 $0x20, v15;
	v27 =	vld.idx.msk [tilespmem:v27+s13+$0x0], $0xffff;
	vm0 =	vge.f32 v13, v23  }
0xb2: {  	s4 =	simm.s32 $0x80;
	v15 =	vsel vm0, v28, v15  }
0xb3: {  	v23 =	vor.u32 $0x20, v22;
	vm15 =	vge.f32 v12, v25;
	v28 =	vor.u32 s4, v15  }
0xb4: {  	s22 =	simm.s32 $0x180;
	vm3 =	vge.f32 v10, v14;
	v14 =	vor.u32 $0x2, v24;
	v22 =	vsel vm15, v23, v22  }
0xb5: {  	s21 =	simm.s32 $0x3F8;
	v23 =	vsel vm3, v14, v24;
	v14 =	vor.u32 s22, v22  }
0xb6: {  	vm8 =	vge.f32 v11, v27;
	v24 =	vor.u32 $0x2, v26;
	v25 =	vor.u32 s21, v23  }
0xb7: {  	s22 =	simm.s32 $0x2F8;
	v24 =	vsel vm8, v24, v26  }
0xb8: {  	v26 =	vor.u32 s22, v24;
	v27 =	vld.idx.msk [tilespmem:v28+s13+$0x0], $0xffff;
	_ =	sdelay $0x1  }
0xb9: {  	v28 =	vld.idx.msk [tilespmem:v14+s13+$0x0], $0xffff  }
0xba: {  	v25 =	vld.idx.msk [tilespmem:v25+s13+$0x0], $0xffff  }
0xbb: {  	v29 =	vsel vm7, $0x80, v1;
	v31 =	vsel vm2, $0x80, v1  }
0xbc: {  	v30 =	vor.u32 $0x40, v29;
	s4 =	sadd.s32 $0xC80, s2;
	v26 =	vld.idx.msk [tilespmem:v26+s13+$0x0], $0xffff;
	vm7 =	vge.f32 v13, v27;
	v27 =	vor.u32 $0x40, v15  }
0xbd: {  	v29 =	vsel vm9, v30, v29;
	v14 =	vadd.s32 s4, v50;
	v15 =	vsel vm7, v27, v15  }
0xbe: {  	vm2 =	vge.f32 v12, v28;
	v27 =	vor.u32 $0x40, v22;
	v15 =	vor.u32 s11, v15  }
0xbf: {  	vm9 =	vge.f32 v10, v25;
	v25 =	vor.u32 $0x40, v31;
	v22 =	vsel vm2, v27, v22  }
0xc0: {  	v27 =	vor.u32 $0x20, v29;
	v25 =	vsel vm4, v25, v31;
	v22 =	vor.u32 s14, v22  }
0xc1: {  	vm11 =	vge.f32 v11, v26;
	v26 =	vor.u32 $0x4, v24;
	v27 =	vsel vm6, v27, v29  }
0xc2: {  	s9 =	simm.s32 $0x2F0;
	v24 =	vsel vm11, v26, v24;
	v26 =	vor.u32 $0x20, v25;
	v28 =	vor.u32 $0x10, v27  }
0xc3: {  	v29 =	vor.u32 s9, v24;
	v25 =	vsel vm1, v26, v25;
	v26 =	vsel vm10, v28, v27;
	v15 =	vld.idx.msk [tilespmem:v15+s13+$0x0], $0xffff  }
0xc4: {  	v27 =	vor.u32 $0x4, v23;
	v28 =	vor.u32 $0x10, v25;
	v30 =	vor.u32 $0x8, v26  }
0xc5: {  	s10 =	simm.s32 $0x3F0;
	v23 =	vsel vm9, v27, v23;
	v25 =	vsel vm12, v28, v25;
	v26 =	vsel vm14, v30, v26;
	v22 =	vld.idx.msk [tilespmem:v22+s13+$0x0], $0xffff  }
0xc6: {  	v27 =	vor.u32 s10, v23;
	v28 =	vor.u32 $0x8, v25;
	v30 =	vor.u32 $0x4, v26  }
0xc7: {  	v31 =	vadd.s32 v14, v18;
	v25 =	vsel vm13, v28, v25;
	v26 =	vsel vm0, v30, v26  }
0xc8: {  	v28 =	vld.idx.msk [tilespmem:v29+s13+$0x0], $0xffff;
	v29 =	vor.u32 $0x4, v25;
	v30 =	vor.u32 $0x2, v26;
	vm0 =	vge.f32 v13, v15  }
0xc9: {  	v13 =	vsel vm15, v29, v25;
	v15 =	vsel vm7, v30, v26;
	v25 =	vsel vm0, $0x1, v1  }
0xca: {  	v26 =	vor.u32 $0x2, v13;
	vm0 =	vge.f32 v12, v22;
	v15 =	vor.u32 v25, v15  }
0xcb: {  	v12 =	vld.idx.msk [tilespmem:v27+s13+$0x0], $0xffff;
	v13 =	vsel vm2, v26, v13;
	v22 =	vsel vm0, $0x1, v1;
	v15 =	vshll.u32 v15, $0x8  }
0xcc: {  	v25 =	vor.u32 $0x8, v24;
	v13 =	vor.u32 v22, v13;
	v15 =	vadd.s32 s3, v15  }
0xcd: {  	vm12 =	vge.f32 v11, v28;
	v22 =	vadd.s32 v14, v21;
	v13 =	vadd.s32 v13, v15  }
0xce: {  	s19 =	simm.s32 $0x2E0;
	v15 =	vsel vm12, v25, v24;
	[tilespmem:s18+$0xFFFFFFF0] =	vst v13  }
0xcf: {  	v13 =	vor.u32 s19, v15;
	v25 =	vld.idx.msk [tilespmem:v31+s12+$0x0], $0xffff  }
0xd0: {  	v24 =	vor.u32 $0x8, v23;
	vm13 =	vge.f32 v10, v12;
	v12 =	vld.idx.msk [tilespmem:v19+s13+$0x0], $0xffff  }
0xd1: {  	s20 =	simm.s32 $0x3E0;
	v23 =	vsel vm13, v24, v23  }
0xd2: {  	v26 =	vor.u32 s20, v23;
	v24 =	vld.idx.msk [tilespmem:v22+s12+$0x0], $0xffff  }
0xd3: {  	v22 =	vld.idx.msk [tilespmem:v20+s13+$0x0], $0xffff  }
0xd4: {  	v13 =	vld.idx.msk [tilespmem:v13+s13+$0x0], $0xffff  }
0xd5: {  	vm4 =	vge.f32 v25, v12  }
0xd6: {  	v12 =	vsel vm4, $0x1, v1  }
0xd7: {  	v26 =	vld.idx.msk [tilespmem:v26+s13+$0x0], $0xffff;
	v27 =	vor.u32 s17, v12  }
0xd8: {  	v2 =	vimm.s32 $0x0;
	vm0 =	vge.f32 v24, v22  }
0xd9: {  	v22 =	vsel vm0, $0x1, v1;
	vm15 =	vge.f32 v11, v13;
	v13 =	vor.u32 $0x10, v15  }
0xda: {  	v2 =	vsel vm0, $0xFFFFFFFF, v2;
	v13 =	vsel vm15, v13, v15;
	v15 =	vor.u32 s8, v22  }
0xdb: {  	s4 =	simm.s32 $0x2C0;
	[tilespmem:$0x1FE40] =	vst v2  }
0xdc: {  	v28 =	vor.u32 s4, v13;
	vm14 =	vge.f32 v10, v26;
	v26 =	vor.u32 $0x10, v23;
	v27 =	vld.idx.msk [tilespmem:v27+s13+$0x0], $0xffff  }
0xdd: {  	s20 =	simm.s32 $0x3C0;
	v23 =	vsel vm14, v26, v23  }
0xde: {  	v26 =	vor.u32 s20, v23  }
0xdf: {  	v15 =	vld.idx.msk [tilespmem:v15+s13+$0x0], $0xffff;
	_ =	sdelay $0x1  }
0xe0: {  	v28 =	vld.idx.msk [tilespmem:v28+s13+$0x0], $0xffff;
	vm6 =	vge.f32 v25, v27;
	v27 =	vor.u32 $0x2, v12  }
0xe1: {  	v12 =	vsel vm6, v27, v12  }
0xe2: {  	v26 =	vld.idx.msk [tilespmem:v26+s13+$0x0], $0xffff;
	v27 =	vor.u32 s15, v12  }
0xe3: {  	vm0 =	vge.f32 v24, v15;
	v15 =	vor.u32 $0x2, v22  }
0xe4: {  	v2 =	vimm.s32 $0x0;
	v29 =	vor.u32 $0x20, v13;
	v15 =	vsel vm0, v15, v22  }
0xe5: {  	v2 =	vsel vm0, $0xFFFFFFFF, v2;
	vm1 =	vge.f32 v11, v28;
	v22 =	vor.u32 s7, v15  }
0xe6: {  	s30 =	simm.s32 $0x280;
	[tilespmem:$0x1FE50] =	vst v2;
	v13 =	vsel vm1, v29, v13  }
0xe7: {  	v29 =	vor.u32 $0x20, v23;
	v28 =	vor.u32 s30, v13;
	vm2 =	vge.f32 v10, v26;
	v26 =	vld.idx.msk [tilespmem:v27+s13+$0x0], $0xffff  }
0xe8: {  	s22 =	simm.s32 $0x380;
	v23 =	vsel vm2, v29, v23  }
0xe9: {  	v2 =	vld [tilespmem:$0x1FE30];
	v27 =	vor.u32 s22, v23  }
0xea: {  	v22 =	vld.idx.msk [tilespmem:v22+s13+$0x0], $0xffff;
	_ =	sdelay $0x1  }
0xeb: {  	v29 =	vor.u32 $0x4, v12;
	v28 =	vld.idx.msk [tilespmem:v28+s13+$0x0], $0xffff;
	vm10 =	vge.f32 v25, v26  }
0xec: {  	v31 =	vsel vm5, $0x80, v1;
	v12 =	vsel vm10, v29, v12  }
0xed: {  	v32 =	vor.u32 $0x40, v13;
	v38 =	vor.u32 $0x40, v23;
	v27 =	vld.idx.msk [tilespmem:v27+s13+$0x0], $0xffff;
	v30 =	vor.u32 s6, v12  }
0xee: {  	s21 =	simm.s32 $0x2;
	vm0 =	vnez.u8 v2;
	vm7 =	vge.f32 v24, v22;
	v22 =	vor.u32 $0x4, v15  }
0xef: {  	v26 =	vmov s21;
	v29 =	vsel vm0, $0x80, v1;
	v15 =	vsel vm7, v22, v15  }
0xf0: {  	vm5 =	vge.f32 v11, v28;
	v22 =	vor.u32 $0x40, v31;
	v28 =	vor.u32 s5, v15  }
0xf1: {  	s10 =	simm.s32 $0x200;
	vm0 =	veq.s32 v26, v0;
	v13 =	vsel vm5, v32, v13;
	v22 =	vsel vm8, v22, v31  }
0xf2: {  	v31 =	vor.u32 $0x40, v29;
	v13 =	vor.u32 s10, v13;
	vm8 =	vge.f32 v10, v27;
	v30 =	vld.idx.msk [tilespmem:v30+s13+$0x0], $0xffff  }
0xf3: {  	s21 =	simm.s32 $0x300;
	v33 =	vor.u32 $0x20, v22;
	v27 =	vsel vm3, v31, v29;
	v23 =	vsel vm8, v38, v23  }
0xf4: {  	v22 =	vsel vm11, v33, v22;
	v26 =	vor.u32 $0x20, v27;
	v23 =	vor.u32 s21, v23  }
0xf5: {  	v29 =	vnsel vm0, $0x0, v5;
	v26 =	vsel vm9, v26, v27;
	v27 =	vor.u32 $0x10, v22;
	v28 =	vld.idx.msk [tilespmem:v28+s13+$0x0], $0xffff  }
0xf6: {  	v31 =	vadd.s32 v17, v9;
	v39 =	vor.u32 $0x10, v26;
	v22 =	vsel vm12, v27, v22  }
0xf7: {  	v27 =	vor.u32 $0x8, v22;
	v13 =	vld.idx.msk [tilespmem:v13+s13+$0x0], $0xffff;
	vm12 =	vge.f32 v25, v30;
	v30 =	vor.u32 $0x8, v12  }
0xf8: {  	s25 =	simm.s32 $0xE0;
	v26 =	vsel vm13, v39, v26;
	v22 =	vsel vm15, v27, v22;
	v12 =	vsel vm12, v30, v12  }
0xf9: {  	v27 =	vor.u32 $0x4, v22;
	v23 =	vld.idx.msk [tilespmem:v23+s13+$0x0], $0xffff;
	v30 =	vor.u32 $0x8, v26;
	v40 =	vor.u32 s25, v12  }
0xfa: {  	v22 =	vsel vm1, v27, v22;
	v27 =	vor.u32 $0x8, v15;
	vm11 =	vge.f32 v24, v28  }
0xfb: {  	s26 =	simm.s32 $0x1E0;
	v26 =	vsel vm14, v30, v26;
	v28 =	vor.u32 $0x2, v22;
	v15 =	vsel vm11, v27, v15  }
0xfc: {  	vm1 =	vge.f32 v11, v13;
	v11 =	vor.u32 $0x4, v26;
	v13 =	vor.u32 s26, v15  }
0xfd: {  	v22 =	vsel vm5, v28, v22;
	v27 =	vsel vm1, $0x1, v1;
	v11 =	vsel vm2, v11, v26  }
0xfe: {  	v22 =	vor.u32 v27, v22;
	v26 =	vor.u32 $0x2, v11;
	vm1 =	vge.f32 v10, v23;
	v10 =	vld.idx.msk [tilespmem:v40+s13+$0x0], $0xffff  }
0xff: {  	s28 =	simm.s32 $0x10000;
	v11 =	vsel vm8, v26, v11;
	v23 =	vsel vm1, $0x1, v1;
	v22 =	vshll.u32 v22, $0x8  }
0x100: {  	(xrf0) =	vadd.scan.msk.s32 $0xffff, v29;
	v11 =	vor.u32 v23, v11;
	v22 =	vadd.s32 s28, v22  }
0x101: {  	s19 =	sadd.s32 $0x200, s18;
	v26 =	vadd.s32 v17, v8;
	v11 =	vadd.s32 v11, v22;
	v13 =	vld.idx.msk [tilespmem:v13+s13+$0x0], $0xffff  }
0x102: {  	s25 =	simm.s32 $0x5FE;
	[tilespmem:s19+$0xFFFFFFE0] =	vst v11  }
0x103: {  	v22 =	vld.idx.msk [tilespmem:v31+s12+$0x0], $0xffff;
	vm14 =	vge.f32 v25, v10;
	v10 =	vmov s25  }
0x104: {  	v11 =	vor.u32 $0x10, v12;
	v27 =	vld.idx.msk [tilespmem:v7+s13+$0x0], $0xffff;
	v10 =	vshrl.u32 v10, $0x7  }
0x105: {  	s23 =	simm.s32 $0xC0;
	v12 =	vsel vm14, v11, v12;
	v11 =	vor.u32 $0x10, v15;
	v10 =	vshll.u32 v10, v63  }
0x106: {  	v29, _, _ =	vpop (xrf0);
	v23 =	vld.idx.msk [tilespmem:v26+s12+$0x0], $0xffff;
	v26 =	vor.u32 s23, v12;
	vm15 =	vge.f32 v24, v13;
	v10 =	vadd.s32 $0x7E, v10  }
0x107: {  	v30 =	vsel vm15, v11, v15;
	v10 =	vbroadcast v10, $0x0;
	v11 =	vbroadcast v29, $0xF  }
0x108: {  	v28 =	vld.idx.msk [tilespmem:v6+s13+$0x0], $0xffff;
	v13 =	vnsel vm0, $0x0, v4  }
0x109: {  	s24 =	simm.s32 $0x1C0;
	v2 =	vimm.s32 $0x0;
	(xrf0) =	vadd.scan.msk.s32 $0xffff, v13;
	vm0 =	vge.f32 v22, v27;
	v27 =	vadd.s32 v16, v11  }
0x10a: {  	v15 =	vor.u32 s24, v30;
	v2 =	vsel vm0, $0xFFFFFFFF, v2  }
0x10b: {  	s26 =	simm.s32 $0x4FE;
	[tilespmem:$0x1FE80] =	vst v2  }
0x10c: {  	v13 =	vmov s26;
	v31 =	vld.idx.msk [tilespmem:v26+s13+$0x0], $0xffff  }
0x10d: {  	v29 =	vsel vm0, $0x1, v1;
	vm5 =	vge.f32 v23, v28;
	v13 =	vshrl.u32 v13, $0x7;
	v35 =	vld.idx.msk [tilespmem:v10+s13+$0x0], $0xffff  }
0x10e: {  	s31 =	simm.s32 $0x3FC;
	v28 =	vor.u32 s0, v29;
	v41 =	vsel vm5, $0x1, v1;
	v13 =	vshll.u32 v13, v63;
	v26 =	vld.idx.msk [tilespmem:v27+s12+$0x0], $0xffff  }
0x10f: {  	v42 =	vor.u32 s31, v41;
	v13 =	vadd.s32 $0x7E, v13;
	v34 =	vld.idx.msk [tilespmem:v15+s13+$0x0], $0xffff;
	v15, _, _ =	vpop (xrf0)  }
0x110: {  	v13 =	vbroadcast v13, $0x0;
	v15 =	vbroadcast v15, $0xF  }
0x111: {  	v27 =	vor.u32 $0x20, v12;
	vm1 =	vge.f32 v25, v31  }
0x112: {  	v31 =	vsel vm1, v27, v12;
	v27 =	vadd.s32 v16, v15  }
0x113: {  	v2 =	vimm.s32 $0x0;
	v28 =	vld.idx.msk [tilespmem:v28+s13+$0x0], $0xffff;
	vm2 =	vge.f32 v26, v35  }
0x114: {  	s16 =	simm.s32 $0x80;
	v33 =	vld.idx.msk [tilespmem:v42+s13+$0x0], $0xffff;
	v2 =	vsel vm2, $0xFFFFFFFF, v2  }
0x115: {  	v43 =	vor.u32 $0x20, v30;
	v12 =	vor.u32 s16, v31;
	vm0 =	vge.f32 v24, v34;
	[tilespmem:$0x1FE90] =	vst v2;
	v2 =	vld [tilespmem:$0x1FE40]  }
0x116: {  	s1 =	simm.s32 $0x180;
	v30 =	vsel vm0, v43, v30;
	v44 =	vld.idx.msk [tilespmem:v13+s13+$0x0], $0xffff  }
0x117: {  	s16 =	simm.s32 $0x5FC;
	v34 =	vor.u32 s1, v30;
	v36 =	vsel vm2, $0x1, v1;
	v27 =	vld.idx.msk [tilespmem:v27+s12+$0x0], $0xffff  }
0x118: {  	v45 =	vsel vm4, $0x80, v1;
	v37 =	vor.u32 s16, v36  }
0x119: {  	v40 =	vor.u32 $0x40, v45;
	vm8 =	vge.f32 v22, v28;
	v28 =	vor.u32 $0x2, v29  }
0x11a: {  	s24 =	simm.s32 $0x2F8;
	v28 =	vsel vm8, v28, v29;
	vm9 =	vge.f32 v23, v33;
	v33 =	vsel vm6, v40, v45;
	v29 =	vld.idx.msk [tilespmem:v12+s13+$0x0], $0xffff  }
0x11b: {  	v51 =	vor.u32 $0x40, v30;
	v38 =	vor.u32 s24, v28;
	vm3 =	vnez.u8 v2  }
0x11c: {  	v34 =	vld.idx.msk [tilespmem:v34+s13+$0x0], $0xffff;
	v2 =	vimm.s32 $0x0;
	v46 =	vsel vm3, $0x80, v1;
	vm3 =	vge.f32 v27, v44  }
0x11d: {  	s2 =	sadd.s32 $0x12C0, s2;
	v55 =	vor.u32 $0x4, v28;
	v12 =	vor.u32 $0x2, v41;
	v37 =	vld.idx.msk [tilespmem:v37+s13+$0x0], $0xffff;
	v2 =	vsel vm3, $0xFFFFFFFF, v2  }
0x11e: {  	s25 =	simm.s32 $0x3F8;
	v56 =	vor.u32 $0x2, v36;
	v32 =	vsel vm9, v12, v41;
	v12 =	vadd.s32 s2, v50;
	[tilespmem:$0x1FEA0] =	vst v2;
	v2 =	vld [tilespmem:$0x1FE50]  }
0x11f: {  	v39 =	vor.u32 s25, v32;
	vm2 =	vge.f32 v25, v29;
	v29 =	vor.u32 $0x40, v31  }
0x120: {  	v29 =	vsel vm2, v29, v31;
	v31 =	vor.u32 $0x20, v33;
	v48 =	vsel vm3, $0x1, v1  }
0x121: {  	v52 =	vor.u32 $0x40, v46;
	v31 =	vsel vm10, v31, v33;
	vm3 =	vge.f32 v24, v34  }
0x122: {  	s2 =	simm.s32 $0x0;
	v29 =	vor.u32 s11, v29;
	v54 =	vor.u32 $0x10, v31;
	v30 =	vsel vm3, v51, v30  }
0x123: {  	v47 =	vld.idx.msk [tilespmem:v38+s13+$0x0], $0xffff;
	[dreg:$0x8] =	wrdreg s2;
	v31 =	vsel vm12, v54, v31;
	v30 =	vor.u32 s14, v30;
	vm4 =	vnez.u8 v2  }
0x124: {  	s1 =	simm.s32 $0x4FC;
	v49 =	vld.idx.msk [tilespmem:v39+s13+$0x0], $0xffff;
	v2 =	vimm.s32 $0x0;
	v53 =	vsel vm4, v52, v46;
	vm4 =	vge.f32 v26, v37  }
0x125: {  	v41 =	vor.u32 s1, v48;
	s11 =	simm.s32 $0x100;
	v60 =	vor.u32 $0x8, v31;
	v2 =	vsel vm4, $0xFFFFFFFF, v2  }
0x126: {  	v58 =	vor.u32 $0x4, v32;
	[dreg:$0xa] =	wrdreg s11;
	v31 =	vsel vm14, v60, v31;
	v57 =	vor.u32 $0x20, v53;
	[tilespmem:$0x1FEC0] =	vst v2  }
0x127: {  	v18 =	vadd.s32 v12, v18;
	v39 =	vor.u32 $0x4, v31;
	v34 =	vsel vm7, v57, v53;
	v29 =	vld.idx.msk [tilespmem:v29+s13+$0x0], $0xffff  }
0x128: {  	vm12 =	vge.f32 v22, v47;
	v31 =	vsel vm1, v39, v31;
	v61 =	vor.u32 $0x10, v34  }
0x129: {  	s14 =	simm.s32 $0x2F0;
	v28 =	vsel vm12, v55, v28;
	vm13 =	vge.f32 v23, v49;
	v30 =	vld.idx.msk [tilespmem:v30+s13+$0x0], $0xffff;
	v62 =	vsel vm11, v61, v34  }
0x12a: {  	v39 =	vor.u32 $0x2, v31;
	v59 =	vor.u32 s14, v28;
	v41 =	vld.idx.msk [tilespmem:v41+s13+$0x0], $0xffff;
	v40 =	vor.u32 $0x8, v62  }
0x12b: {  	s23 =	simm.s32 $0x3F0;
	v32 =	vsel vm13, v58, v32;
	v2 =	vimm.s32 $0x0;
	v33 =	vsel vm15, v40, v62  }
0x12c: {  	v44 =	vor.u32 s23, v32;
	vm1 =	vge.f32 v25, v29;
	v25 =	vor.u32 $0x4, v33  }
0x12d: {  	v29 =	vsel vm2, v39, v31;
	v31 =	vsel vm1, $0x1, v1;
	v25 =	vsel vm0, v25, v33  }
0x12e: {  	vm0 =	vge.f32 v24, v30;
	v29 =	vor.u32 v31, v29;
	v31 =	vor.u32 $0x2, v25  }
0x12f: {  	v30 =	vsel vm0, $0x1, v1;
	vm0 =	vge.f32 v27, v41;
	v25 =	vsel vm3, v31, v25  }
0x130: {  	s24 =	simm.s32 $0x0;
	v45 =	vld.idx.msk [tilespmem:v59+s13+$0x0], $0xffff;
	v29 =	vshll.u32 v29, $0x8;
	v2 =	vsel vm0, $0xFFFFFFFF, v2;
	v31 =	vsel vm4, v56, v36  }
0x131: {  	s9 =	simm.s32 $0x5F8;
	v24 =	vld.idx.msk [tilespmem:v44+s13+$0x0], $0xffff;
	[dreg:$0x7] =	wrdreg s24;
	v25 =	vor.u32 v30, v25;
	v29 =	vadd.s32 s3, v29;
	v30 =	vor.u32 $0x2, v48  }
0x132: {  	[dreg:$0x9] =	wrdreg s18;
	[tilespmem:$0x1FEB0] =	vst v2;
	v25 =	vadd.s32 v25, v29;
	v29 =	vsel vm0, v30, v48;
	v30 =	vor.u32 s9, v31  }
0x133: {  	s2 =	simm.s32 $0x4F8;
	[tilespmem:s18+$0x0] =	vst v25  }
0x134: {  	v25 =	vor.u32 s2, v29;
	v18 =	vld.idx.msk [tilespmem:v18+s12+$0x0], $0xffff  }
0x135: {  	v19 =	vld.idx.msk [tilespmem:v19+s13+$0x0], $0xffff  }
0x136: {  	v46 =	vor.u32 $0x8, v28;
	vm14 =	vge.f32 v22, v45  }
0x137: {  	s25 =	simm.s32 $0x2E0;
	v28 =	vsel vm14, v46, v28;
	vm15 =	vge.f32 v23, v24;
	v24 =	vor.u32 $0x8, v32;
	v30 =	vld.idx.msk [tilespmem:v30+s13+$0x0], $0xffff  }
0x138: {  	s26 =	simm.s32 $0x3E0;
	v47 =	vor.u32 s25, v28;
	v24 =	vsel vm15, v24, v32  }
0x139: {  	v32 =	vor.u32 s26, v24;
	v25 =	vld.idx.msk [tilespmem:v25+s13+$0x0], $0xffff  }
0x13a: {  	v2 =	vimm.s32 $0x0;
	vm0 =	vge.f32 v18, v19  }
0x13b: {  	v21 =	vadd.s32 v12, v21;
	v2 =	vsel vm0, $0xFFFFFFFF, v2  }
0x13c: {  	v48 =	vsel vm0, $0x1, v1;
	[tilespmem:$0x1FE60] =	vst v2;
	v2 =	vimm.s32 $0x0;
	vm0 =	vge.f32 v26, v30  }
0x13d: {  	v33 =	vld.idx.msk [tilespmem:v47+s13+$0x0], $0xffff;
	v2 =	vsel vm0, $0xFFFFFFFF, v2  }
0x13e: {  	v32 =	vld.idx.msk [tilespmem:v32+s13+$0x0], $0xffff;
	vm1 =	vge.f32 v27, v25;
	[tilespmem:$0x1FEE0] =	vst v2;
	v2 =	vimm.s32 $0x0  }
0x13f: {  	v2 =	vsel vm1, $0xFFFFFFFF, v2  }
0x140: {  	v19 =	vld.idx.msk [tilespmem:v21+s12+$0x0], $0xffff;
	[tilespmem:$0x1FED0] =	vst v2  }
0x141: {  	v49 =	vor.u32 s17, v48;
	v30 =	vor.u32 $0x4, v31;
	v20 =	vld.idx.msk [tilespmem:v20+s13+$0x0], $0xffff  }
0x142: {  	s26 =	simm.s32 $0x5F0;
	v25 =	vsel vm0, v30, v31;
	v21 =	vor.u32 $0x4, v29  }
0x143: {  	s3 =	simm.s32 $0x4F0;
	v21 =	vsel vm1, v21, v29;
	v29 =	vor.u32 s26, v25  }
0x144: {  	v31 =	vor.u32 $0x10, v28;
	v30 =	vor.u32 s3, v21;
	vm4 =	vge.f32 v22, v33  }
0x145: {  	v2 =	vimm.s32 $0x0;
	vm2 =	vge.f32 v23, v32;
	v28 =	vsel vm4, v31, v28  }
0x146: {  	v51 =	vld.idx.msk [tilespmem:v49+s13+$0x0], $0xffff;
	v31 =	vor.u32 $0x10, v24;
	v52 =	vor.u32 s4, v28;
	vm0 =	vge.f32 v19, v20  }
0x147: {  	v24 =	vsel vm2, v31, v24;
	v2 =	vsel vm0, $0xFFFFFFFF, v2  }
0x148: {  	v31 =	vor.u32 s20, v24;
	v20 =	vld.idx.msk [tilespmem:v29+s13+$0x0], $0xffff;
	[tilespmem:$0x1FE70] =	vst v2  }
0x149: {  	v30 =	vld.idx.msk [tilespmem:v30+s13+$0x0], $0xffff;
	_ =	sdelay $0x1  }
0x14a: {  	v54 =	vor.u32 $0x2, v48;
	vm7 =	vge.f32 v18, v51;
	v29 =	vsel vm0, $0x1, v1;
	v32 =	vld.idx.msk [tilespmem:v52+s13+$0x0], $0xffff  }
0x14b: {  	v33 =	vsel vm7, v54, v48;
	v53 =	vor.u32 s8, v29  }
0x14c: {  	v55 =	vor.u32 $0x8, v25;
	v34 =	vor.u32 s15, v33;
	v31 =	vld.idx.msk [tilespmem:v31+s13+$0x0], $0xffff;
	vm6 =	vge.f32 v26, v20  }
0x14d: {  	s8 =	simm.s32 $0x5E0;
	v2 =	vld [tilespmem:$0x1FE80];
	v20 =	vor.u32 $0x8, v21;
	v25 =	vsel vm6, v55, v25;
	vm11 =	vge.f32 v27, v30  }
0x14e: {  	s15 =	simm.s32 $0x4E0;
	v20 =	vsel vm11, v20, v21;
	v21 =	vor.u32 s8, v25  }
0x14f: {  	v56 =	vor.u32 $0x20, v28;
	vm1 =	vge.f32 v22, v32;
	v30 =	vor.u32 s15, v20  }
0x150: {  	v35 =	vld.idx.msk [tilespmem:v53+s13+$0x0], $0xffff;
	v36 =	vsel vm1, v56, v28  }
0x151: {  	v57 =	vor.u32 $0x20, v24;
	vm0 =	vge.f32 v23, v31;
	v31 =	vor.u32 s30, v36  }
0x152: {  	vm10 =	vnez.u8 v2;
	v28 =	vld.idx.msk [tilespmem:v34+s13+$0x0], $0xffff;
	v24 =	vsel vm0, v57, v24  }
0x153: {  	v60 =	vsel vm10, $0x80, v1;
	v32 =	vor.u32 s22, v24;
	v21 =	vld.idx.msk [tilespmem:v21+s13+$0x0], $0xffff  }
0x154: {  	v58 =	vor.u32 $0x2, v29;
	v62 =	vor.u32 $0x4, v33;
	v44 =	vor.u32 $0x40, v60;
	v30 =	vld.idx.msk [tilespmem:v30+s13+$0x0], $0xffff  }
0x155: {  	v47 =	vor.u32 $0x10, v25;
	v45 =	vsel vm8, v44, v60;
	vm3 =	vge.f32 v19, v35  }
0x156: {  	v48 =	vor.u32 $0x10, v20;
	v34 =	vsel vm3, v58, v29;
	v29 =	vsel vm5, $0x80, v1;
	v31 =	vld.idx.msk [tilespmem:v31+s13+$0x0], $0xffff  }
0x157: {  	v41 =	vor.u32 $0x20, v45;
	v59 =	vor.u32 s7, v34;
	v61 =	vor.u32 $0x40, v29  }
0x158: {  	vm10 =	vge.f32 v18, v28;
	v39 =	vsel vm9, v61, v29;
	v32 =	vld.idx.msk [tilespmem:v32+s13+$0x0], $0xffff;
	vm8 =	vge.f32 v26, v21  }
0x159: {  	s30 =	simm.s32 $0x5C0;
	s7 =	simm.s32 $0x3;
	v28 =	vsel vm10, v62, v33;
	vm5 =	vge.f32 v27, v30;
	v25 =	vsel vm8, v47, v25  }
0x15a: {  	s18 =	simm.s32 $0x4C0;
	v53 =	vmov s7;
	v20 =	vsel vm5, v48, v20;
	v51 =	vor.u32 s30, v25  }
0x15b: {  	v30 =	vor.u32 $0x40, v36;
	vm9 =	vge.f32 v22, v31;
	v49 =	vor.u32 s18, v20  }
0x15c: {  	v46 =	vor.u32 $0x20, v39;
	v21 =	vsel vm12, v41, v45;
	v30 =	vsel vm9, v30, v36  }
0x15d: {  	v37 =	vld.idx.msk [tilespmem:v59+s13+$0x0], $0xffff;
	v31 =	vor.u32 $0x40, v24;
	vm12 =	vge.f32 v23, v32;
	v36 =	vor.u32 s10, v30  }
0x15e: {  	v38 =	vsel vm13, v46, v39;
	v52 =	vor.u32 $0x10, v21;
	v24 =	vsel vm12, v31, v24  }
0x15f: {  	v31 =	vor.u32 $0x10, v38;
	v21 =	vsel vm14, v52, v21;
	v24 =	vor.u32 s21, v24;
	v32 =	vld.idx.msk [tilespmem:v51+s13+$0x0], $0xffff  }
0x160: {  	v58 =	vor.u32 $0x20, v25;
	v31 =	vsel vm15, v31, v38;
	v54 =	vor.u32 $0x8, v21;
	v33 =	vld.idx.msk [tilespmem:v49+s13+$0x0], $0xffff  }
0x161: {  	v56 =	vor.u32 $0x20, v20;
	v38 =	vor.u32 $0x8, v31;
	v21 =	vsel vm4, v54, v21  }
0x162: {  	vm13 =	vge.f32 v19, v37;
	v31 =	vsel vm2, v38, v31;
	vm2 =	veq.s32 v53, v0;
	v36 =	vld.idx.msk [tilespmem:v36+s13+$0x0], $0xffff  }
0x163: {  	v2 =	vld [tilespmem:$0x1FE90];
	v39 =	vor.u32 $0x4, v21;
	v37 =	vnsel vm2, $0x0, v4;
	v38 =	vor.u32 $0x4, v31  }
0x164: {  	v55 =	vnsel vm2, $0x0, v5;
	v31 =	vsel vm0, v38, v31;
	v24 =	vld.idx.msk [tilespmem:v24+s13+$0x0], $0xffff;
	vm0 =	vge.f32 v26, v32  }
0x165: {  	s20 =	simm.s32 $0x580;
	v21 =	vsel vm1, v39, v21;
	vm1 =	vge.f32 v27, v33;
	v25 =	vsel vm0, v58, v25  }
0x166: {  	s22 =	simm.s32 $0x480;
	v59 =	vor.u32 $0x2, v21;
	v38 =	vsel vm1, v56, v20;
	v33 =	vor.u32 s20, v25  }
0x167: {  	v57 =	vor.u32 $0x2, v31;
	vm2 =	vge.f32 v22, v36;
	v20 =	vor.u32 s22, v38  }
0x168: {  	v21 =	vsel vm9, v59, v21;
	vm9 =	vmmov vm3;
	v22 =	vsel vm2, $0x1, v1  }
0x169: {  	vm3 =	vge.f32 v23, v24;
	vm2 =	vnez.u8 v2;
	v2 =	vld [tilespmem:$0x1FEA0];
	v22 =	vor.u32 v22, v21  }
0x16a: {  	v31 =	vsel vm12, v57, v31;
	v23 =	vsel vm3, $0x1, v1;
	v22 =	vshll.u32 v22, $0x8  }
0x16b: {  	s4 =	simm.s32 $0x10000;
	v23 =	vor.u32 v23, v31;
	v22 =	vadd.s32 s28, v22;
	v33 =	vld.idx.msk [tilespmem:v33+s13+$0x0], $0xffff  }
0x16c: {  	v22 =	vadd.s32 v23, v22;
	v44 =	vld.idx.msk [tilespmem:v20+s13+$0x0], $0xffff;
	[dreg:$0x13] =	wrdreg s4  }
0x16d: {  	[tilespmem:s19+$0xFFFFFFF0] =	vst v22  }
0x16e: {  	v61 =	vsel vm2, $0x80, v1;
	vm2 =	vnez.u8 v2;
	v2 =	vld [tilespmem:$0x1FEB0];
	_ =	sdelay $0x3  }
0x16f: {  	v30 =	vor.u32 $0x4, v34  }
0x170: {  	s17 =	simm.s32 $0x6FE;
	v30 =	vsel vm13, v30, v34;
	v62 =	vsel vm2, $0x80, v1;
	vm2 =	vnez.u8 v2;
	v2 =	vld [tilespmem:$0x1FEC0]  }
0x171: {  	v35 =	vmov s17;
	v34 =	vor.u32 s5, v30;
	s5 =	simm.s32 $0x7FE;
	(xrf0) =	vadd.scan.msk.s32 $0xffff, v55  }
0x172: {  	v35 =	vshrl.u32 v35, $0x7;
	v60 =	vmov s5;
	(xrf0) =	vadd.scan.msk.s32 $0xffff, v37  }
0x173: {  	v35 =	vshll.u32 v35, v63;
	v24 =	vshrl.u32 v60, $0x7  }
0x174: {  	v45 =	vadd.s32 v14, v8;
	v24 =	vshll.u32 v24, v63;
	v23 =	vor.u32 $0x40, v62  }
0x175: {  	v24 =	vadd.s32 $0x7E, v24;
	v36 =	vsel vm2, v23, v62;
	vm2 =	vnez.u8 v2;
	v2 =	vld [tilespmem:$0x1FED0]  }
0x176: {  	v20 =	vadd.s32 $0x7E, v35  }
0x177: {  	v46 =	vadd.s32 v14, v9;
	v49 =	vor.u32 $0x40, v25;
	v31, _, _ =	vpop (xrf0);
	v21 =	vbroadcast v20, $0x0  }
0x178: {  	v20 =	vbroadcast v24, $0x0;
	v24, _, _ =	vpop (xrf0);
	v22 =	vor.u32 $0x40, v38;
	vm3 =	vge.f32 v27, v44  }
0x179: {  	s8 =	simm.s32 $0x400;
	s15 =	simm.s32 $0x400;
	v47 =	vor.u32 $0x40, v61;
	v22 =	vsel vm3, v22, v38;
	v23 =	vbroadcast v24, $0xF;
	v24 =	vld.idx.msk [tilespmem:v45+s12+$0x0], $0xffff  }
0x17a: {  	v48 =	vor.u32 s8, v22;
	v22 =	vbroadcast v31, $0xF;
	[dreg:$0xe] =	wrdreg s15;
	vm4 =	vnez.u8 v2;
	v2 =	vld [tilespmem:$0x1FEE0]  }
0x17b: {  	s20 =	simm.s32 $0x500;
	v51 =	vld.idx.msk [tilespmem:v6+s13+$0x0], $0xffff;
	v52 =	vor.u32 $0x20, v36;
	v32 =	vsel vm2, v47, v61;
	vm2 =	vge.f32 v26, v33  }
0x17c: {  	v29 =	vor.u32 s6, v28;
	v33 =	vsel vm2, v49, v25;
	v25 =	vld.idx.msk [tilespmem:v46+s12+$0x0], $0xffff;
	[dreg:$0xd] =	wrdreg s20;
	v36 =	vsel vm4, v52, v36  }
0x17d: {  	s17 =	simm.s32 $0x500;
	v38 =	vadd.s32 v17, v15;
	v54 =	vadd.s32 v16, v22;
	v53 =	vld.idx.msk [tilespmem:v7+s13+$0x0], $0xffff;
	v56 =	vor.u32 $0x10, v36  }
0x17e: {  	v55 =	vadd.s32 v16, v23;
	v33 =	vor.u32 s17, v33;
	v36 =	vsel vm11, v56, v36  }
0x17f: {  	v42 =	vor.u32 $0x20, v32;
	v57 =	vor.u32 $0x8, v36;
	vm4 =	vnez.u8 v2  }
0x180: {  	v2 =	vimm.s32 $0x0;
	v32 =	vsel vm4, v42, v32;
	vm4 =	vge.f32 v24, v51  }
0x181: {  	v35 =	vld.idx.msk [tilespmem:v48+s13+$0x0], $0xffff;
	v36 =	vsel vm5, v57, v36;
	v43 =	vor.u32 $0x10, v32;
	v2 =	vsel vm4, $0xFFFFFFFF, v2  }
0x182: {  	s0 =	simm.s32 $0x3FC;
	s4 =	simm.s32 $0x3FC;
	v58 =	vsel vm4, $0x1, v1;
	vm4 =	vge.f32 v25, v53;
	[tilespmem:$0x1FEF0] =	vst v2;
	v2 =	vimm.s32 $0x0  }
0x183: {  	s8 =	simm.s32 $0x2FC;
	v32 =	vsel vm6, v43, v32;
	v59 =	vor.u32 s4, v58;
	v33 =	vld.idx.msk [tilespmem:v33+s13+$0x0], $0xffff;
	[dreg:$0x5] =	wrdreg s0;
	v2 =	vsel vm4, $0xFFFFFFFF, v2  }
0x184: {  	s14 =	simm.s32 $0x2FC;
	v60 =	vor.u32 $0x4, v36;
	v44 =	vsel vm4, $0x1, v1;
	v43 =	vor.u32 $0x8, v32;
	[dreg:$0xb] =	wrdreg s8;
	[tilespmem:$0x1FF00] =	vst v2  }
0x185: {  	v36 =	vsel vm1, v60, v36;
	v61 =	vor.u32 s14, v44;
	v32 =	vsel vm8, v43, v32;
	v29 =	vld.idx.msk [tilespmem:v29+s13+$0x0], $0xffff  }
0x186: {  	vm1 =	vge.f32 v27, v35;
	v45 =	vor.u32 $0x2, v36;
	v62 =	vld.idx.msk [tilespmem:v20+s13+$0x0], $0xffff;
	v27 =	vor.u32 $0x4, v32  }
0x187: {  	v46 =	vsel vm1, $0x1, v1;
	v45 =	vsel vm3, v45, v36;
	v47 =	vld.idx.msk [tilespmem:v34+s13+$0x0], $0xffff;
	v27 =	vsel vm0, v27, v32  }
0x188: {  	v48 =	vor.u32 v46, v45;
	v49 =	vor.u32 $0x2, v27;
	v51 =	vld.idx.msk [tilespmem:v59+s13+$0x0], $0xffff;
	vm0 =	vge.f32 v26, v33  }
0x189: {  	s15 =	simm.s32 $0x20000;
	v52 =	vld.idx.msk [tilespmem:v21+s13+$0x0], $0xffff;
	v34 =	vshll.u32 v48, $0x8;
	v26 =	vsel vm2, v49, v27;
	v27 =	vsel vm0, $0x1, v1  }
0x18a: {  	v31 =	vadd.s32 v17, v11;
	v34 =	vadd.s32 s15, v34;
	v53 =	vld.idx.msk [tilespmem:v61+s13+$0x0], $0xffff;
	v26 =	vor.u32 v27, v26  }
0x18b: {  	s15 =	sadd.s32 $0x200, s19;
	v27 =	vld.idx.msk [tilespmem:v54+s12+$0x0], $0xffff;
	vm3 =	vge.f32 v18, v29;
	v54 =	vor.u32 $0x8, v28;
	v26 =	vadd.s32 v26, v34  }
0x18c: {  	v29 =	vld.idx.msk [tilespmem:v55+s12+$0x0], $0xffff;
	vm4 =	vge.f32 v19, v47;
	v34 =	vsel vm3, v54, v28;
	v28 =	vor.u32 $0x8, v30;
	[tilespmem:s15+$0xFFFFFFE0] =	vst v26  }
0x18d: {  	s17 =	simm.s32 $0xE0;
	v2 =	vimm.s32 $0x0;
	v30 =	vsel vm4, v28, v30;
	vm0 =	vge.f32 v24, v51;
	v28 =	vld.idx.msk [tilespmem:v38+s12+$0x0], $0xffff  }
0x18e: {  	s20 =	smov.u32 s19;
	v56 =	vor.u32 $0x2, v58;
	s19 =	simm.s32 $0x1E0;
	v55 =	vor.u32 s17, v34;
	v57 =	vld.idx.msk [tilespmem:v13+s13+$0x0], $0xffff;
	v2 =	vsel vm0, $0xFFFFFFFF, v2  }
0x18f: {  	s14 =	simm.s32 $0x3F8;
	v26 =	vld.idx.msk [tilespmem:v31+s12+$0x0], $0xffff;
	v31 =	vor.u32 s19, v30;
	v33 =	vsel vm0, v56, v58;
	vm0 =	vge.f32 v25, v53;
	[tilespmem:$0x1FF10] =	vst v2  }
0x190: {  	s8 =	simm.s32 $0x3F8;
	v58 =	vor.u32 $0x2, v44;
	v60 =	vor.u32 s14, v33;
	v2 =	vimm.s32 $0x0;
	v59 =	vld.idx.msk [tilespmem:v10+s13+$0x0], $0xffff  }
0x191: {  	s17 =	simm.s32 $0x2F8;
	s19 =	simm.s32 $0x2F8;
	v35 =	vsel vm0, v58, v44;
	[dreg:$0x3] =	wrdreg s8;
	v2 =	vsel vm0, $0xFFFFFFFF, v2  }
0x192: {  	vm15 =	vge.f32 v27, v62;
	[dreg:$0x6] =	wrdreg s17;
	v61 =	vor.u32 s19, v35;
	[tilespmem:$0x1FF20] =	vst v2  }
0x193: {  	s8 =	simm.s32 $0x7FC;
	v36 =	vsel vm15, $0x1, v1;
	v2 =	vimm.s32 $0x0;
	v32 =	vld.idx.msk [tilespmem:v55+s13+$0x0], $0xffff;
	vm0 =	vge.f32 v28, v57  }
0x194: {  	vm6 =	vge.f32 v29, v52;
	v62 =	vor.u32 s8, v36;
	v31 =	vld.idx.msk [tilespmem:v31+s13+$0x0], $0xffff;
	v2 =	vsel vm0, $0xFFFFFFFF, v2  }
0x195: {  	v49 =	vld.idx.msk [tilespmem:v60+s13+$0x0], $0xffff;
	v39 =	vsel vm0, $0x1, v1;
	[tilespmem:$0x1FF30] =	vst v2;
	vm0 =	vge.f32 v26, v59;
	v2 =	vimm.s32 $0x0  }
0x196: {  	s14 =	simm.s32 $0x6FC;
	s19 =	simm.s32 $0x4FC;
	v41 =	vsel vm6, $0x1, v1;
	v2 =	vsel vm0, $0xFFFFFFFF, v2  }
0x197: {  	v48 =	vor.u32 s14, v41;
	[dreg:$0x12] =	wrdreg s19;
	[tilespmem:$0x1FF40] =	vst v2  }
0x198: {  	vm8 =	vmmov vm7;
	v46 =	vor.u32 $0x10, v34;
	s8 =	simm.s32 $0x5FC;
	v51 =	vor.u32 s1, v39;
	v40 =	vld.idx.msk [tilespmem:v61+s13+$0x0], $0xffff  }
0x199: {  	v54 =	vor.u32 $0x10, v30;
	v55 =	vor.u32 $0x4, v33;
	v44 =	vsel vm0, $0x1, v1;
	[dreg:$0x10] =	wrdreg s8  }
0x19a: {  	v52 =	vor.u32 s16, v44;
	vm7 =	vge.f32 v18, v32;
	v2 =	vimm.s32 $0x0;
	v53 =	vld.idx.msk [tilespmem:v62+s13+$0x0], $0xffff  }
0x19b: {  	s14 =	simm.s32 $0xC0;
	v34 =	vsel vm7, v46, v34;
	vm12 =	vge.f32 v19, v31;
	vm0 =	vge.f32 v24, v49  }
0x19c: {  	v31 =	vor.u32 s14, v34;
	v43 =	vld.idx.msk [tilespmem:v48+s13+$0x0], $0xffff;
	v30 =	vsel vm12, v54, v30;
	v2 =	vsel vm0, $0xFFFFFFFF, v2  }
0x19d: {  	s16 =	simm.s32 $0x1C0;
	v56 =	vld.idx.msk [tilespmem:v51+s13+$0x0], $0xffff;
	v33 =	vsel vm0, v55, v33;
	[tilespmem:$0x1FF50] =	vst v2;
	v2 =	vimm.s32 $0x0;
	vm0 =	vge.f32 v25, v40  }
0x19e: {  	v57 =	vor.u32 $0x4, v35;
	v42 =	vor.u32 s16, v30;
	v2 =	vsel vm0, $0xFFFFFFFF, v2  }
0x19f: {  	s19 =	simm.s32 $0x3F0;
	s8 =	simm.s32 $0x2F0;
	v35 =	vsel vm0, v57, v35;
	vm0 =	vge.f32 v27, v53;
	[tilespmem:$0x1FF60] =	vst v2;
	v2 =	vimm.s32 $0x0  }
0x1a0: {  	v59 =	vor.u32 $0x2, v36;
	v58 =	vor.u32 s19, v33;
	v45 =	vld.idx.msk [tilespmem:v52+s13+$0x0], $0xffff;
	[dreg:$0x4] =	wrdreg s8;
	v2 =	vsel vm0, $0xFFFFFFFF, v2  }
0x1a1: {  	s16 =	simm.s32 $0x2F0;
	v47 =	vsel vm0, v59, v36;
	vm0 =	vge.f32 v29, v43;
	v31 =	vld.idx.msk [tilespmem:v31+s13+$0x0], $0xffff;
	[tilespmem:$0x1FF70] =	vst v2;
	v2 =	vimm.s32 $0x0  }
0x1a2: {  	v61 =	vor.u32 $0x2, v41;
	v60 =	vor.u32 s16, v35;
	s16 =	simm.s32 $0x7F8;
	v2 =	vsel vm0, $0xFFFFFFFF, v2  }
0x1a3: {  	s19 =	simm.s32 $0x7F8;
	v41 =	vsel vm0, v61, v41;
	[dreg:$0xf] =	wrdreg s16;
	vm0 =	vge.f32 v28, v56;
	[tilespmem:$0x1FF80] =	vst v2;
	v2 =	vimm.s32 $0x0  }
0x1a4: {  	v51 =	vor.u32 $0x2, v39;
	v62 =	vor.u32 s19, v47;
	v48 =	vld.idx.msk [tilespmem:v42+s13+$0x0], $0xffff;
	v2 =	vsel vm0, $0xFFFFFFFF, v2  }
0x1a5: {  	s19 =	simm.s32 $0x6F8;
	s16 =	simm.s32 $0x4F8;
	v38 =	vsel vm0, v51, v39;
	v52 =	vld.idx.msk [tilespmem:v58+s13+$0x0], $0xffff;
	[tilespmem:$0x1FF90] =	vst v2;
	vm0 =	vge.f32 v26, v45;
	v2 =	vimm.s32 $0x0  }
0x1a6: {  	v53 =	vor.u32 $0x2, v44;
	v49 =	vor.u32 s19, v41;
	[dreg:$0x11] =	wrdreg s16;
	v2 =	vsel vm0, $0xFFFFFFFF, v2  }
0x1a7: {  	s19 =	simm.s32 $0x5F8;
	v55 =	vld.idx.msk [tilespmem:v60+s13+$0x0], $0xffff;
	v39 =	vsel vm0, v53, v44;
	vm0 =	vge.f32 v18, v31;
	[tilespmem:$0x1FFA0] =	vst v2;
	v2 =	vimm.s32 $0x0  }
0x1a8: {  	v59 =	vor.u32 $0x20, v30;
	v56 =	vor.u32 $0x20, v34;
	[dreg:$0xc] =	wrdreg s19;
	v2 =	vsel vm0, $0xFFFFFFFF, v2  }
0x1a9: {  	v31 =	vsel vm0, v56, v34;
	v32 =	vld.idx.msk [tilespmem:v62+s13+$0x0], $0xffff;
	[tilespmem:$0x1FFB0] =	vst v2;
	vm0 =	vge.f32 v19, v48;
	v2 =	vimm.s32 $0x0  }
0x1aa: {  	s31 =	simm.s32 $0x3C0;
	s11 =	simm.s32 $0x5E0;
	v54 =	vor.u32 s2, v38;
	v57 =	vor.u32 s9, v39;
	v2 =	vsel vm0, $0xFFFFFFFF, v2  }
0x1ab: {  	s23 =	simm.s32 $0x280;
	s24 =	simm.s32 $0x4E0;
	s8 =	simm.s32 $0x80;
	v58 =	vld.idx.msk [tilespmem:v49+s13+$0x0], $0xffff;
	v30 =	vsel vm0, v59, v30;
	vm0 =	vge.f32 v24, v52;
	[tilespmem:$0x1FFC0] =	vst v2;
	v2 =	vimm.s32 $0x0  }
0x1ac: {  	s25 =	simm.s32 $0x5F0;
	s26 =	simm.s32 $0x4F0;
	s3 =	simm.s32 $0x4C0;
	v60 =	vor.u32 $0x8, v33;
	v44 =	vor.u32 s8, v31;
	v2 =	vsel vm0, $0xFFFFFFFF, v2  }
0x1ad: {  	s6 =	simm.s32 $0x2C0;
	s18 =	simm.s32 $0x580;
	s28 =	simm.s32 $0x3E0;
	v34 =	vsel vm0, v60, v33;
	vm0 =	vge.f32 v25, v55;
	[tilespmem:$0x1FFD0] =	vst v2;
	v2 =	vimm.s32 $0x0  }
0x1ae: {  	vm11 =	vmmov vm13;
	s4 =	simm.s32 $0x20000;
	s0 =	simm.s32 $0x6FC;
	v61 =	vor.u32 $0x8, v35;
	s9 =	simm.s32 $0x180;
	v2 =	vsel vm0, $0xFFFFFFFF, v2  }
0x1af: {  	s12 =	simm.s32 $0x380;
	s16 =	simm.s32 $0x3E0;
	s19 =	simm.s32 $0x2E0;
	v62 =	vor.u32 $0x4, v47;
	v33 =	vor.u32 s9, v30;
	v35 =	vsel vm0, v61, v35;
	v42 =	vld.idx.msk [tilespmem:v54+s13+$0x0], $0xffff;
	[tilespmem:$0x1FFE0] =	vst v2  }
0x1b0: {  	s17 =	simm.s32 $0x7FC;
	s1 =	simm.s32 $0x6F8;
	s14 =	simm.s32 $0x3F0;
	v36 =	vor.u32 s16, v34;
	vm14 =	vge.f32 v27, v32;
	v37 =	vor.u32 s19, v35;
	v43 =	vld.idx.msk [tilespmem:v57+s13+$0x0], $0xffff  }
0x1b1: {  	s2 =	simm.s32 $0x7F0;
	s8 =	simm.s32 $0x9FE;
	s16 =	simm.s32 $0x2E0;
	v40 =	vsel vm14, v62, v47;
	vm13 =	vge.f32 v29, v58;
	v32 =	vld.idx.msk [tilespmem:v44+s13+$0x0], $0xffff;
	v44 =	vor.u32 $0x4, v41  }
.LBB2_3:
0x1b2: {  	v2 =	vimm.s32 $0x0  }
0x1b3: {  	v2 =	vsel vm6, $0xFFFFFFFF, v2  }
0x1b4: {  	[tilespmem:$0x1FE20] =	vst v2;
	v2 =	vimm.s32 $0x0  }
0x1b5: {  	v2 =	vsel vm15, $0xFFFFFFFF, v2  }
0x1b6: {  	[tilespmem:$0x1FE10] =	vst v2;
	vm0 =	vge.f32 v28, v42;
	v2 =	vimm.s32 $0x0  }
0x1b7: {  	v2 =	vsel vm0, $0xFFFFFFFF, v2  }
0x1b8: {  	[tilespmem:$0x1FE00] =	vst v2;
	v2 =	vld [tilespmem:$0x1FE60]  }
0x1b9: {  	v36 =	vld.idx.msk [tilespmem:v36+s13+$0x0], $0xffff  }
0x1ba: {  	v41 =	vsel vm13, v44, v41;
	v44 =	vor.u32 s2, v40;
	v58 =	vor.u32 $0x4, v38;
	v37 =	vld.idx.msk [tilespmem:v37+s13+$0x0], $0xffff  }
0x1bb: {  	v59 =	vor.u32 $0x4, v39;
	v61 =	vor.u32 $0x10, v34;
	v62 =	vor.u32 $0x40, v31  }
0x1bc: {  	v33 =	vld.idx.msk [tilespmem:v33+s13+$0x0], $0xffff;
	v47 =	vor.u32 $0x10, v35;
	v49 =	vor.u32 $0x40, v30;
	vm15 =	vge.f32 v26, v43  }
0x1bd: {  	s9 =	sadd.s32 $0xFFFFFEF2, s5;
	vm1 =	vge.f32 v18, v32;
	v38 =	vsel vm0, v58, v38;
	vm0 =	vnez.u8 v2;
	v2 =	vld [tilespmem:$0x1FE70]  }
0x1be: {  	v45 =	vor.u32 s9, v41;
	v39 =	vsel vm15, v59, v39;
	v31 =	vsel vm1, v62, v31  }
0x1bf: {  	s19 =	rddreg [dreg:$0x8];
	vm5 =	vge.f32 v24, v36;
	vm6 =	vge.f32 v25, v37;
	v60 =	vor.u32 s26, v38  }
0x1c0: {  	v31 =	vor.u32 s19, v31;
	v35 =	vsel vm6, v47, v35;
	v48 =	vsel vm0, $0x80, v1  }
0x1c1: {  	v34 =	vsel vm5, v61, v34;
	v57 =	vor.u32 s6, v35;
	v51 =	vor.u32 $0x40, v48  }
0x1c2: {  	vm0 =	vge.f32 v19, v33;
	v52 =	vsel vm8, v51, v48;
	vm2 =	vnez.u8 v2;
	v2 =	vld [tilespmem:$0x1FFB0]  }
0x1c3: {  	s19 =	rddreg [dreg:$0xa];
	v30 =	vsel vm0, v49, v30;
	v55 =	vor.u32 $0x20, v52;
	v53 =	vsel vm2, $0x80, v1  }
0x1c4: {  	v54 =	vld.idx.msk [tilespmem:v60+s13+$0x0], $0xffff;
	v30 =	vor.u32 s19, v30;
	v32 =	vsel vm10, v55, v52;
	v56 =	vor.u32 $0x40, v53  }
0x1c5: {  	v42 =	vor.u32 s31, v34;
	v31 =	vld.idx.msk [tilespmem:v31+s13+$0x0], $0xffff;
	v58 =	vor.u32 $0x10, v32;
	v33 =	vsel vm9, v56, v53  }
0x1c6: {  	v46 =	vor.u32 $0x8, v38;
	v32 =	vsel vm3, v58, v32;
	v59 =	vor.u32 $0x20, v33  }
0x1c7: {  	v43 =	vor.u32 $0x8, v32;
	v33 =	vsel vm11, v59, v33;
	vm3 =	vnez.u8 v2;
	v2 =	vld [tilespmem:$0x1FFC0]  }
0x1c8: {  	[dreg:$0x1b] =	wrdreg s2;
	v60 =	vor.u32 s25, v39;
	v37 =	vld.idx.msk [tilespmem:v57+s13+$0x0], $0xffff;
	v32 =	vsel vm7, v43, v32;
	v47 =	vor.u32 $0x10, v33  }
0x1c9: {  	[dreg:$0x1a] =	wrdreg s14;
	vm2 =	vge.f32 v28, v54;
	v30 =	vld.idx.msk [tilespmem:v30+s13+$0x0], $0xffff;
	v61 =	vor.u32 $0x4, v32;
	v33 =	vsel vm4, v47, v33  }
0x1ca: {  	[dreg:$0x19] =	wrdreg s6;
	v32 =	vsel vm3, v61, v32;
	vm3 =	vge.f32 v18, v31;
	v31 =	vld.idx.msk [tilespmem:v42+s13+$0x0], $0xffff;
	v62 =	vor.u32 $0x8, v33  }
0x1cb: {  	[dreg:$0x17] =	wrdreg s28;
	v36 =	vor.u32 $0x2, v32;
	v43 =	vsel vm3, $0x1, v1;
	v33 =	vsel vm12, v62, v33  }
0x1cc: {  	[dreg:$0x16] =	wrdreg s16;
	v32 =	vsel vm1, v36, v32;
	v18 =	vor.u32 $0x4, v33;
	vm1 =	vnez.u8 v2  }
0x1cd: {  	s14 =	rddreg [dreg:$0xe];
	vm9 =	vge.f32 v25, v37;
	v32 =	vor.u32 v43, v32;
	v18 =	vsel vm1, v18, v33  }
0x1ce: {  	s2 =	smov.u32 s10;
	s10 =	rddreg [dreg:$0x7];
	vm1 =	vge.f32 v19, v30;
	v30 =	vshll.u32 v32, $0x8;
	v47 =	vor.u32 $0x2, v18  }
0x1cf: {  	s28 =	smov.u32 s22;
	s16 =	smov.u32 s14;
	s14 =	rddreg [dreg:$0xd];
	v2 =	vld [tilespmem:$0x1FF00];
	vm10 =	vge.f32 v24, v31;
	v19 =	vsel vm1, $0x1, v1;
	v18 =	vsel vm0, v47, v18  }
0x1d0: {  	s22 =	smov.u32 s21;
	s21 =	smov.u32 s14;
	s14 =	rddreg [dreg:$0x13];
	v18 =	vor.u32 v19, v18;
	v19 =	vadd.s32 s10, v30;
	v30 =	vor.u32 $0x20, v35  }
0x1d1: {  	s6 =	smov.u32 s14;
	s14 =	rddreg [dreg:$0x9];
	v18 =	vadd.s32 v18, v19;
	v19 =	vsel vm9, v30, v35;
	v30 =	vor.u32 $0x20, v34  }
0x1d2: {  	v38 =	vsel vm2, v46, v38;
	v46 =	vld.idx.msk [tilespmem:v60+s13+$0x0], $0xffff;
	[tilespmem:s14+$0x10] =	vst v18;
	v18 =	vor.u32 s23, v19;
	v30 =	vsel vm10, v30, v34  }
0x1d3: {  	v52 =	vor.u32 s12, v30  }
0x1d4: {  	vm7 =	vnez.u8 v2;
	v2 =	vld [tilespmem:$0x1FF20]  }
0x1d5: {  	v53 =	vld.idx.msk [tilespmem:v45+s13+$0x0], $0xffff  }
0x1d6: {  	v31 =	vld.idx.msk [tilespmem:v44+s13+$0x0], $0xffff  }
0x1d7: {  	s7 =	sadd.s32 $0x1, s7;
	v18 =	vld.idx.msk [tilespmem:v18+s13+$0x0], $0xffff  }
0x1d8: {  	v55 =	vmov s7;
	v35 =	vld.idx.msk [tilespmem:v52+s13+$0x0], $0xffff  }
0x1d9: {  	v59 =	vor.u32 $0x8, v41;
	vm0 =	veq.s32 v55, v0;
	vm8 =	vnez.u8 v2;
	v2 =	vld [tilespmem:$0x1FEF0]  }
0x1da: {  	v42 =	vnsel vm0, $0x0, v4;
	v43 =	vnsel vm0, $0x0, v5;
	vm0 =	vge.f32 v29, v53  }
0x1db: {  	v62 =	vsel vm7, $0x80, v1;
	vm1 =	vge.f32 v27, v31;
	v31 =	vsel vm0, v59, v41  }
0x1dc: {  	v41 =	vor.u32 $0x40, v62;
	vm12 =	vge.f32 v25, v18;
	v18 =	vor.u32 $0x40, v19  }
0x1dd: {  	v18 =	vsel vm12, v18, v19;
	vm11 =	vge.f32 v24, v35;
	v19 =	vor.u32 $0x40, v30  }
0x1de: {  	v19 =	vsel vm11, v19, v30;
	v30 =	vsel vm8, v41, v62;
	vm8 =	vnez.u8 v2;
	v2 =	vld [tilespmem:$0x1FF60];
	_ =	sdelay $0x1  }
0x1df: {  	v48 =	vor.u32 s24, v38;
	_ =	sdelay $0x2  }
0x1e0: {  	v44 =	vsel vm8, $0x80, v1;
	vm8 =	vnez.u8 v2;
	v2 =	vld [tilespmem:$0x1FF10];
	_ =	sdelay $0x1  }
0x1e1: {  	v32 =	vld.idx.msk [tilespmem:v48+s13+$0x0], $0xffff;
	_ =	sdelay $0x1  }
0x1e2: {  	v47 =	vor.u32 $0x20, v30  }
0x1e3: {  	v30 =	vsel vm8, v47, v30;
	vm8 =	vnez.u8 v2;
	v2 =	vld [tilespmem:$0x1FFE0];
	_ =	sdelay $0x1  }
0x1e4: {  	v60 =	vor.u32 $0x10, v38;
	vm3 =	vge.f32 v26, v46;
	vm4 =	vge.f32 v28, v32  }
0x1e5: {  	v49 =	vor.u32 $0x8, v39;
	v45 =	vadd.s32 v12, v9;
	v9 =	vmovc v15;
	v15 =	vmovc v23;
	v23 =	vsel vm4, v60, v38  }
0x1e6: {  	v46 =	vadd.s32 v12, v8;
	v8 =	vmovc v11;
	v11 =	vmovc v22;
	v22 =	vor.u32 s3, v23;
	v48 =	vor.u32 $0x40, v44  }
0x1e7: {  	v33 =	vsel vm3, v49, v39;
	v35 =	vsel vm8, v48, v44;
	vm8 =	vnez.u8 v2;
	v2 =	vld [tilespmem:$0x1FF50]  }
0x1e8: {  	v54 =	vor.u32 s11, v33;
	_ =	sdelay $0x2  }
0x1e9: {  	v18 =	vor.u32 s2, v18;
	v22 =	vld.idx.msk [tilespmem:v22+s13+$0x0], $0xffff;
	v52 =	vor.u32 $0x10, v30  }
0x1ea: {  	[dreg:$0x15] =	wrdreg s23;
	s23 =	sadd.s32 $0xFFFFFF00, s8;
	v30 =	vsel vm8, v52, v30;
	vm8 =	vnez.u8 v2;
	v2 =	vld [tilespmem:$0x1FFD0]  }
0x1eb: {  	v56 =	vmov s23;
	v37 =	vld.idx.msk [tilespmem:v54+s13+$0x0], $0xffff;
	v19 =	vor.u32 s22, v19  }
0x1ec: {  	v57 =	vshrl.u32 v56, $0x7  }
0x1ed: {  	v58 =	vor.u32 $0x8, v40;
	v39 =	vshll.u32 v57, v63;
	v53 =	vor.u32 $0x20, v35  }
0x1ee: {  	v18 =	vld.idx.msk [tilespmem:v18+s13+$0x0], $0xffff;
	v56 =	vor.u32 $0x8, v30;
	v35 =	vsel vm8, v53, v35;
	vm8 =	vge.f32 v28, v22  }
0x1ef: {  	v22 =	vsel vm6, v56, v30;
	v57 =	vor.u32 $0x10, v35;
	vm6 =	vnez.u8 v2  }
0x1f0: {  	v61 =	vor.u32 $0x10, v33;
	vm7 =	vge.f32 v26, v37;
	v19 =	vld.idx.msk [tilespmem:v19+s13+$0x0], $0xffff;
	v30 =	vsel vm6, v57, v35  }
0x1f1: {  	v32 =	vsel vm1, v58, v40;
	v58 =	vor.u32 $0x4, v22;
	v59 =	vor.u32 $0x8, v30  }
0x1f2: {  	v33 =	vsel vm7, v61, v33;
	v22 =	vsel vm9, v58, v22;
	v30 =	vsel vm5, v59, v30  }
0x1f3: {  	v38 =	vor.u32 $0x2, v22;
	vm5 =	vge.f32 v25, v18;
	v18 =	vor.u32 $0x4, v30  }
0x1f4: {  	v22 =	vsel vm12, v38, v22;
	v25 =	vsel vm5, $0x1, v1;
	v18 =	vsel vm10, v18, v30  }
0x1f5: {  	vm5 =	vge.f32 v24, v19;
	v22 =	vor.u32 v25, v22;
	v25 =	vor.u32 $0x2, v18  }
0x1f6: {  	s19 =	smov.u32 s30;
	v2 =	vsel vm5, $0x1, v1;
	v22 =	vshll.u32 v22, $0x8;
	v18 =	vsel vm11, v25, v18  }
0x1f7: {  	v49 =	vor.u32 s19, v33;
	v18 =	vor.u32 v2, v18;
	v2 =	vadd.s32 s6, v22  }
0x1f8: {  	v18 =	vadd.s32 v18, v2;
	v2 =	vld [tilespmem:$0x1FF30];
	_ =	sdelay $0x2  }
0x1f9: {  	[dreg:$0x18] =	wrdreg s31;
	s31 =	smov.u32 s11;
	v51 =	vmov s8;
	s11 =	sadd.s32 $0xFFFFFEE2, s5;
	v55 =	vor.u32 $0x20, v23  }
0x1fa: {  	s14 =	smov.u32 s20;
	s20 =	smov.u32 s15;
	v34 =	vshrl.u32 v51, $0x7;
	v51 =	vor.u32 s11, v31;
	v35 =	vsel vm8, v55, v23;
	v23 =	vld.idx.msk [tilespmem:v49+s13+$0x0], $0xffff  }
0x1fb: {  	[dreg:$0x14] =	wrdreg s20;
	s20 =	sadd.s32 $0xFFFFFFE2, s5;
	vm10 =	vnez.u8 v2;
	v2 =	vld [tilespmem:$0x1FF40]  }
0x1fc: {  	v36 =	vor.u32 s20, v32  }
0x1fd: {  	v60 =	vor.u32 s28, v35;
	_ =	sdelay $0x1  }
0x1fe: {  	v54 =	vor.u32 $0x20, v33;
	v19 =	vld.idx.msk [tilespmem:v51+s13+$0x0], $0xffff  }
0x1ff: {  	vm9 =	vge.f32 v26, v23;
	v55 =	vsel vm10, $0x80, v1;
	vm10 =	vnez.u8 v2;
	v2 =	vld [tilespmem:$0x1FFA0]  }
0x200: {  	v30 =	vld.idx.msk [tilespmem:v36+s13+$0x0], $0xffff;
	v33 =	vsel vm9, v54, v33  }
0x201: {  	[dreg:$0x1c] =	wrdreg s28;
	s28 =	smov.u32 s18;
	v62 =	vld.idx.msk [tilespmem:v60+s13+$0x0], $0xffff;
	v48 =	vor.u32 s18, v33;
	s18 =	simm.s32 $0x0;
	[tilespmem:s14+$0x0] =	vst v18  }
0x202: {  	v34 =	vshll.u32 v34, v63;
	v18 =	vld.idx.msk [tilespmem:v45+s18+$0x0], $0xffff  }
0x203: {  	v34 =	vadd.s32 $0x7E, v34;
	v49 =	vld.idx.msk [tilespmem:v7+s13+$0x0], $0xffff  }
0x204: {  	v34 =	vbroadcast v34, $0x0;
	v59 =	vor.u32 $0x40, v35;
	vm11 =	vnez.u8 v2;
	v2 =	vld [tilespmem:$0x1FF90]  }
0x205: {  	v51 =	vor.u32 $0x10, v31;
	v23 =	vadd.s32 $0x7E, v39;
	vm5 =	vge.f32 v29, v19;
	v19 =	vld.idx.msk [tilespmem:v46+s18+$0x0], $0xffff  }
0x206: {  	v61 =	vbroadcast v23, $0x0;
	vm6 =	vge.f32 v27, v30;
	v30 =	vor.u32 $0x10, v32;
	v53 =	vld.idx.msk [tilespmem:v6+s13+$0x0], $0xffff  }
0x207: {  	[dreg:$0x1e] =	wrdreg s12;
	s12 =	sadd.s32 $0xFFFFFFC2, s5;
	v31 =	vsel vm5, v51, v31;
	v32 =	vsel vm6, v30, v32;
	v56 =	vsel vm10, $0x80, v1  }
0x208: {  	v51 =	vor.u32 $0x40, v33;
	v52 =	vor.u32 s12, v32;
	v58 =	vor.u32 $0x40, v56  }
0x209: {  	(xrf0) =	vadd.scan.msk.s32 $0xffff, v43;
	v38 =	vld.idx.msk [tilespmem:v48+s13+$0x0], $0xffff;
	v57 =	vor.u32 $0x40, v55;
	v60 =	vsel vm11, v58, v56;
	vm11 =	vnez.u8 v2  }
0x20a: {  	(xrf0) =	vadd.scan.msk.s32 $0xffff, v42;
	[dreg:$0x9] =	wrdreg s14;
	s14 =	sadd.s32 $0xFFFFFEC2, s5;
	v2 =	vimm.s32 $0x0;
	v42 =	vsel vm11, v57, v55;
	vm11 =	vge.f32 v18, v49  }
0x20b: {  	s30 =	smov.u32 s4;
	v7 =	vmovc v13;
	v13 =	vmovc v21;
	v54 =	vor.u32 s14, v31;
	vm12 =	vge.f32 v19, v53;
	v2 =	vsel vm11, $0xFFFFFFFF, v2  }
0x20c: {  	s4 =	smov.u32 s30;
	s10 =	rddreg [dreg:$0x5];
	v21 =	vmovc v61;
	v6 =	vmovc v10;
	v41 =	vsel vm12, $0x1, v1;
	vm10 =	vge.f32 v28, v62;
	[tilespmem:$0x1FE60] =	vst v2;
	v2 =	vimm.s32 $0x0  }
0x20d: {  	[dreg:$0x13] =	wrdreg s4;
	v10 =	vmovc v20;
	v20 =	vmovc v34;
	v61 =	vld.idx.msk [tilespmem:v52+s13+$0x0], $0xffff;
	v52 =	vor.u32 s10, v41;
	v34 =	vsel vm10, v59, v35;
	v2 =	vsel vm12, $0xFFFFFFFF, v2  }
0x20e: {  	s4 =	rddreg [dreg:$0xb];
	v34 =	vor.u32 s16, v34;
	v40 =	vsel vm11, $0x1, v1;
	vm11 =	vge.f32 v26, v38;
	[tilespmem:$0x1FE70] =	vst v2;
	v2 =	vld [tilespmem:$0x1FE00]  }
0x20f: {  	v62 =	vor.u32 $0x20, v60;
	v49 =	vor.u32 s4, v40;
	v33 =	vsel vm11, v51, v33  }
0x210: {  	v37 =	vsel vm15, v62, v60;
	v33 =	vor.u32 s21, v33  }
0x211: {  	v36 =	vld.idx.msk [tilespmem:v54+s13+$0x0], $0xffff;
	v54 =	vor.u32 $0x10, v37  }
0x212: {  	v44 =	vor.u32 $0x20, v32;
	v37 =	vsel vm3, v54, v37;
	vm3 =	vge.f32 v27, v61;
	v38 =	vld.idx.msk [tilespmem:v52+s13+$0x0], $0xffff  }
0x213: {  	v34 =	vld.idx.msk [tilespmem:v34+s13+$0x0], $0xffff;
	v58 =	vor.u32 $0x8, v37;
	v48 =	vor.u32 $0x20, v42;
	vm12 =	vnez.u8 v2  }
0x214: {  	v55 =	vor.u32 $0x20, v31;
	v37 =	vsel vm7, v58, v37;
	v59 =	vld.idx.msk [tilespmem:v49+s13+$0x0], $0xffff;
	v53 =	vsel vm12, v48, v42  }
0x215: {  	[smem:$0x7F0] =	sst s21;
	v32 =	vsel vm3, v44, v32;
	v61 =	vor.u32 $0x4, v37;
	s21 =	sadd.s32 $0xFFFFFF82, s5;
	v33 =	vld.idx.msk [tilespmem:v33+s13+$0x0], $0xffff;
	v56 =	vor.u32 $0x10, v53  }
0x216: {  	v49 =	vor.u32 s21, v32;
	v2 =	vld [tilespmem:$0x1FE10];
	v57 =	vsel vm2, v56, v53;
	vm2 =	vge.f32 v29, v36  }
0x217: {  	v36 =	vsel vm9, v61, v37;
	vm9 =	vge.f32 v19, v38;
	v56 =	vor.u32 $0x2, v41  }
0x218: {  	[dreg:$0x1d] =	wrdreg s19;
	s19 =	sadd.s32 $0xFFFFFE82, s5;
	v60 =	vor.u32 $0x8, v57;
	v31 =	vsel vm2, v55, v31;
	v37 =	vor.u32 $0x2, v36  }
0x219: {  	v35 =	vsel vm4, v60, v57;
	v62 =	vor.u32 s19, v31;
	vm4 =	vge.f32 v28, v34  }
0x21a: {  	[dreg:$0x8] =	wrdreg s2;
	v48 =	vor.u32 $0x4, v35;
	v53 =	vsel vm4, $0x1, v1;
	vm4 =	vge.f32 v26, v33  }
0x21b: {  	[dreg:$0x7] =	wrdreg s6;
	v35 =	vsel vm8, v48, v35;
	v58 =	vsel vm4, $0x1, v1;
	vm4 =	vnez.u8 v2;
	v2 =	vld [tilespmem:$0x1FE20]  }
0x21c: {  	s6 =	rddreg [dreg:$0x12];
	v28 =	vor.u32 $0x2, v40;
	vm8 =	vge.f32 v18, v59;
	v51 =	vor.u32 $0x2, v35  }
0x21d: {  	s2 =	smov.u32 s6;
	s6 =	smov.u32 s17;
	s17 =	rddreg [dreg:$0x6];
	v36 =	vsel vm11, v37, v36;
	v28 =	vsel vm8, v28, v40;
	v52 =	vsel vm10, v51, v35  }
0x21e: {  	s10 =	rddreg [dreg:$0x3];
	v26 =	vsel vm9, v56, v41;
	v55 =	vor.u32 s17, v28;
	v34 =	vor.u32 v53, v52  }
0x21f: {  	v38 =	vor.u32 s10, v26;
	v59 =	vsel vm4, $0x80, v1;
	v34 =	vshll.u32 v34, $0x8  }
0x220: {  	v24, _, _ =	vpop (xrf0);
	v35 =	vor.u32 v58, v36;
	v34 =	vadd.s32 s30, v34;
	vm4 =	vnez.u8 v2;
	v2 =	vld [tilespmem:$0x1FF80]  }
0x221: {  	v22, _, _ =	vpop (xrf0);
	v57 =	vld.idx.msk [tilespmem:v49+s13+$0x0], $0xffff;
	v34 =	vadd.s32 v35, v34  }
0x222: {  	v23 =	vbroadcast v22, $0xF;
	v22 =	vbroadcast v24, $0xF;
	v24 =	vadd.s32 v14, v8;
	v54 =	vld.idx.msk [tilespmem:v62+s13+$0x0], $0xffff;
	[tilespmem:s15+$0xFFFFFFF0] =	vst v34  }
0x223: {  	v25 =	vadd.s32 v14, v9;
	v30 =	vadd.s32 v17, v11;
	v34 =	vld.idx.msk [tilespmem:v55+s13+$0x0], $0xffff  }
0x224: {  	[dreg:$0xa] =	wrdreg s22;
	v46 =	vor.u32 $0x40, v32;
	v44 =	vor.u32 $0x40, v31;
	v40 =	vadd.s32 v17, v15;
	v38 =	vld.idx.msk [tilespmem:v38+s13+$0x0], $0xffff  }
0x225: {  	s22 =	rddreg [dreg:$0x11];
	v36 =	vadd.s32 v16, v22;
	v60 =	vsel vm4, $0x80, v1;
	vm7 =	vnez.u8 v2;
	v2 =	vld [tilespmem:$0x1FF70]  }
0x226: {  	s10 =	rddreg [dreg:$0xf];
	v61 =	vor.u32 $0x40, v59;
	v52 =	vor.u32 $0x4, v28;
	v62 =	vor.u32 $0x40, v60  }
0x227: {  	s23 =	smov.u32 s0;
	s17 =	smov.u32 s22;
	s22 =	rddreg [dreg:$0xc];
	v35 =	vadd.s32 v16, v23;
	vm4 =	vge.f32 v29, v54;
	v24 =	vld.idx.msk [tilespmem:v24+s18+$0x0], $0xffff;
	v39 =	vsel vm7, v62, v60  }
0x228: {  	s0 =	smov.u32 s22;
	s22 =	smov.u32 s10;
	s10 =	sadd.s32 $0xFFFFFE02, s5;
	v47 =	vld.idx.msk [tilespmem:v6+s13+$0x0], $0xffff;
	v54 =	vor.u32 $0x4, v26;
	v31 =	vsel vm4, v44, v31;
	v42 =	vor.u32 $0x20, v39  }
0x229: {  	v25 =	vld.idx.msk [tilespmem:v25+s18+$0x0], $0xffff;
	v31 =	vor.u32 s10, v31;
	v48 =	vsel vm13, v42, v39;
	vm10 =	vge.f32 v18, v34  }
0x22a: {  	v49 =	vld.idx.msk [tilespmem:v7+s13+$0x0], $0xffff;
	vm11 =	vge.f32 v19, v38;
	v53 =	vor.u32 $0x10, v48;
	vm7 =	vnez.u8 v2  }
0x22b: {  	v28 =	vsel vm10, v52, v28;
	v45 =	vsel vm7, v61, v59;
	vm7 =	vge.f32 v27, v57  }
0x22c: {  	[dreg:$0xe] =	wrdreg s10;
	s10 =	sadd.s32 $0xFFFFFF02, s5;
	v38 =	vsel vm11, v54, v26;
	v33 =	vsel vm0, v53, v48;
	v32 =	vsel vm7, v46, v32  }
0x22d: {  	[dreg:$0x1f] =	wrdreg s16;
	vm0 =	vge.f32 v24, v47;
	v2 =	vimm.s32 $0x0;
	v32 =	vor.u32 s10, v32  }
0x22e: {  	s16 =	rddreg [dreg:$0x10];
	v52 =	vor.u32 $0x8, v28;
	v26 =	vor.u32 $0x8, v33;
	v2 =	vsel vm0, $0xFFFFFFFF, v2  }
0x22f: {  	s4 =	smov.u32 s16;
	[dreg:$0xd] =	wrdreg s10;
	v41 =	vsel vm0, $0x1, v1;
	vm0 =	vge.f32 v25, v49;
	v43 =	vor.u32 $0x20, v45  }
0x230: {  	v31 =	vld.idx.msk [tilespmem:v31+s13+$0x0], $0xffff;
	v26 =	vsel vm5, v26, v33;
	v56 =	vor.u32 s4, v41;
	v37 =	vsel vm14, v43, v45;
	s10 =	rddreg [dreg:$0x4]  }
0x231: {  	[tilespmem:$0x1FEF0] =	vst v2;
	v2 =	vimm.s32 $0x0;
	v51 =	vor.u32 $0x10, v37;
	v34 =	vor.u32 s10, v28;
	s10 =	rddreg [dreg:$0x1a]  }
0x232: {  	v59 =	vsel vm0, $0x1, v1;
	v37 =	vsel vm1, v51, v37;
	v55 =	vor.u32 s10, v38;
	v32 =	vld.idx.msk [tilespmem:v32+s13+$0x0], $0xffff  }
0x233: {  	v57 =	vor.u32 $0x4, v26;
	v2 =	vsel vm0, $0xFFFFFFFF, v2;
	v58 =	vor.u32 $0x8, v37  }
0x234: {  	v61 =	vld.idx.msk [tilespmem:v20+s13+$0x0], $0xffff;
	v60 =	vor.u32 s2, v59;
	v26 =	vsel vm2, v57, v26;
	v37 =	vsel vm6, v58, v37  }
0x235: {  	v62 =	vor.u32 $0x2, v26;
	vm0 =	vge.f32 v29, v31;
	v49 =	vld.idx.msk [tilespmem:v56+s13+$0x0], $0xffff;
	v29 =	vor.u32 $0x4, v37  }
0x236: {  	v26 =	vsel vm4, v62, v26;
	v31 =	vsel vm0, $0x1, v1;
	v34 =	vld.idx.msk [tilespmem:v34+s13+$0x0], $0xffff;
	v29 =	vsel vm3, v29, v37  }
0x237: {  	v26 =	vor.u32 v31, v26;
	v48 =	vld.idx.msk [tilespmem:v55+s13+$0x0], $0xffff;
	v31 =	vor.u32 $0x2, v29;
	vm0 =	vge.f32 v27, v32  }
0x238: {  	s16 =	smov.u32 s1;
	s30 =	sadd.s32 $0x10000, s30;
	v51 =	vld.idx.msk [tilespmem:v21+s13+$0x0], $0xffff;
	v26 =	vshll.u32 v26, $0x8;
	v27 =	vsel vm7, v31, v29;
	v29 =	vsel vm0, $0x1, v1  }
0x239: {  	s1 =	smov.u32 s26;
	s26 =	smov.u32 s9;
	s9 =	rddreg [dreg:$0x1b];
	v53 =	vor.u32 $0x8, v38;
	v26 =	vadd.s32 s30, v26;
	v31 =	vld.idx.msk [tilespmem:v60+s13+$0x0], $0xffff;
	v29 =	vor.u32 v29, v27  }
0x23a: {  	v54 =	vor.u32 $0x2, v41;
	[tilespmem:$0x1FF00] =	vst v2;
	s10 =	smov.u32 s25;
	s25 =	smov.u32 s9;
	s9 =	sadd.s32 $0x200, s15;
	vm0 =	vge.f32 v24, v49;
	v27 =	vld.idx.msk [tilespmem:v36+s18+$0x0], $0xffff;
	v26 =	vadd.s32 v29, v26  }
0x23b: {  	v2 =	vimm.s32 $0x0;
	vm3 =	vge.f32 v18, v34;
	v32 =	vsel vm0, v54, v41;
	v29 =	vld.idx.msk [tilespmem:v35+s18+$0x0], $0xffff;
	[tilespmem:s9+$0xFFFFFFE0] =	vst v26  }
0x23c: {  	s15 =	rddreg [dreg:$0x16];
	v34 =	vsel vm3, v52, v28;
	vm4 =	vge.f32 v19, v48;
	v58 =	vor.u32 s0, v32;
	v26 =	vld.idx.msk [tilespmem:v30+s18+$0x0], $0xffff  }
0x23d: {  	v2 =	vsel vm0, $0xFFFFFFFF, v2;
	v35 =	vsel vm4, v53, v38;
	v30 =	vor.u32 s15, v34;
	v28 =	vld.idx.msk [tilespmem:v40+s18+$0x0], $0xffff  }
0x23e: {  	[tilespmem:$0x1FF10] =	vst v2;
	v2 =	vimm.s32 $0x0;
	s15 =	smov.u32 s24;
	s24 =	smov.u32 s11;
	v55 =	vld.idx.msk [tilespmem:v13+s13+$0x0], $0xffff;
	s11 =	rddreg [dreg:$0x17];
	vm0 =	vge.f32 v25, v31;
	v31 =	vor.u32 $0x2, v59  }
0x23f: {  	v54 =	vor.u32 $0x10, v35;
	v57 =	vld.idx.msk [tilespmem:v10+s13+$0x0], $0xffff;
	v56 =	vor.u32 s11, v35;
	v31 =	vsel vm0, v31, v59  }
0x240: {  	v2 =	vsel vm0, $0xFFFFFFFF, v2;
	vm15 =	vge.f32 v27, v61;
	v59 =	vor.u32 s17, v31  }
0x241: {  	s18 =	sadd.s32 $0xFFFFFFFE, s8;
	[tilespmem:$0x1FF20] =	vst v2;
	v2 =	vimm.s32 $0x0;
	vm6 =	vge.f32 v29, v51;
	v33 =	vsel vm15, $0x1, v1;
	v62 =	vld.idx.msk [tilespmem:v58+s13+$0x0], $0xffff  }
0x242: {  	s11 =	smov.u32 s20;
	s20 =	sadd.s32 $0xFFFFFEFE, s8;
	v58 =	vor.u32 $0x4, v31;
	v41 =	vsel vm6, $0x1, v1;
	v60 =	vor.u32 s18, v33;
	v30 =	vld.idx.msk [tilespmem:v30+s13+$0x0], $0xffff  }
0x243: {  	v61 =	vor.u32 s20, v41;
	vm0 =	vge.f32 v28, v55;
	v55 =	vor.u32 $0x4, v32  }
0x244: {  	v37 =	vld.idx.msk [tilespmem:v56+s13+$0x0], $0xffff;
	v2 =	vsel vm0, $0xFFFFFFFF, v2;
	v39 =	vsel vm0, $0x1, v1;
	vm0 =	vge.f32 v26, v57  }
0x245: {  	[tilespmem:$0x1FF30] =	vst v2;
	v48 =	vor.u32 s23, v39;
	v2 =	vimm.s32 $0x0;
	v49 =	vsel vm0, $0x1, v1  }
0x246: {  	v40 =	vld.idx.msk [tilespmem:v59+s13+$0x0], $0xffff;
	v2 =	vsel vm0, $0xFFFFFFFF, v2;
	v51 =	vor.u32 s6, v49;
	vm0 =	vge.f32 v24, v62  }
0x247: {  	[dreg:$0x6] =	wrdreg s17;
	[tilespmem:$0x1FF40] =	vst v2;
	v2 =	vimm.s32 $0x0;
	v32 =	vsel vm0, v55, v32;
	vm7 =	vge.f32 v18, v30  }
0x248: {  	[dreg:$0x3] =	wrdreg s0;
	v42 =	vld.idx.msk [tilespmem:v60+s13+$0x0], $0xffff;
	v30 =	vor.u32 $0x10, v34;
	v2 =	vsel vm0, $0xFFFFFFFF, v2;
	v59 =	vor.u32 s10, v32  }
0x249: {  	s17 =	smov.u32 s18;
	s18 =	rddreg [dreg:$0x19];
	v52 =	vld.idx.msk [tilespmem:v61+s13+$0x0], $0xffff;
	v61 =	vor.u32 $0x2, v41;
	v30 =	vsel vm7, v30, v34;
	vm12 =	vge.f32 v19, v37  }
0x24a: {  	s0 =	smov.u32 s20;
	s20 =	rddreg [dreg:$0x18];
	[tilespmem:$0x1FF50] =	vst v2;
	v2 =	vimm.s32 $0x0;
	v53 =	vor.u32 s18, v30;
	v35 =	vsel vm12, v54, v35  }
0x24b: {  	vm0 =	vge.f32 v25, v40;
	v54 =	vor.u32 $0x2, v49;
	v57 =	vor.u32 s20, v35  }
0x24c: {  	[dreg:$0x12] =	wrdreg s23;
	v56 =	vld.idx.msk [tilespmem:v48+s13+$0x0], $0xffff;
	v2 =	vsel vm0, $0xFFFFFFFF, v2;
	v46 =	vsel vm0, v58, v31;
	v31 =	vor.u32 $0x2, v33  }
0x24d: {  	[dreg:$0x10] =	wrdreg s6;
	[tilespmem:$0x1FF60] =	vst v2;
	vm0 =	vge.f32 v27, v42;
	v60 =	vor.u32 s1, v46;
	v2 =	vimm.s32 $0x0  }
0x24e: {  	[dreg:$0x5] =	wrdreg s4;
	s6 =	smov.u32 s3;
	v45 =	vld.idx.msk [tilespmem:v51+s13+$0x0], $0xffff;
	vm1 =	vge.f32 v29, v52;
	v2 =	vsel vm0, $0xFFFFFFFF, v2;
	v47 =	vsel vm0, v31, v33  }
0x24f: {  	s3 =	smov.u32 s14;
	s14 =	smov.u32 s10;
	s10 =	sadd.s32 $0xFFFFFFFA, s8;
	v52 =	vor.u32 $0x2, v39;
	[tilespmem:$0x1FF70] =	vst v2;
	v2 =	vimm.s32 $0x0;
	v41 =	vsel vm1, v61, v41  }
0x250: {  	s4 =	smov.u32 s30;
	s30 =	smov.u32 s12;
	s12 =	sadd.s32 $0xFFFFFEFA, s8;
	v31 =	vor.u32 s10, v47;
	v61 =	vor.u32 $0x8, v46;
	v43 =	vld.idx.msk [tilespmem:v53+s13+$0x0], $0xffff;
	v2 =	vsel vm1, $0xFFFFFFFF, v2  }
0x251: {  	[dreg:$0xb] =	wrdreg s2;
	v34 =	vor.u32 s12, v41;
	vm0 =	vge.f32 v28, v56;
	v53 =	vld.idx.msk [tilespmem:v59+s13+$0x0], $0xffff;
	[tilespmem:$0x1FF80] =	vst v2;
	v2 =	vimm.s32 $0x0  }
0x252: {  	[dreg:$0x11] =	wrdreg s16;
	v62 =	vld.idx.msk [tilespmem:v57+s13+$0x0], $0xffff;
	v38 =	vsel vm0, v52, v39;
	v57 =	vor.u32 $0x20, v30;
	v2 =	vsel vm0, $0xFFFFFFFF, v2  }
0x253: {  	[dreg:$0xc] =	wrdreg s22;
	vm0 =	vge.f32 v26, v45;
	v55 =	vor.u32 s16, v38;
	[tilespmem:$0x1FF90] =	vst v2;
	v2 =	vimm.s32 $0x0  }
0x254: {  	[dreg:$0x4] =	wrdreg s1;
	v56 =	vld.idx.msk [tilespmem:v60+s13+$0x0], $0xffff;
	v60 =	vor.u32 $0x8, v32;
	v39 =	vsel vm0, v54, v49;
	v2 =	vsel vm0, $0xFFFFFFFF, v2  }
0x255: {  	s23 =	rddreg [dreg:$0x1d];
	v44 =	vor.u32 s22, v39;
	[tilespmem:$0x1FFA0] =	vst v2;
	vm0 =	vge.f32 v18, v43;
	v2 =	vimm.s32 $0x0  }
0x256: {  	[dreg:$0xf] =	wrdreg s10;
	v58 =	vld.idx.msk [tilespmem:v31+s13+$0x0], $0xffff;
	vm1 =	vge.f32 v24, v53;
	v2 =	vsel vm0, $0xFFFFFFFF, v2;
	v31 =	vsel vm0, v57, v30  }
0x257: {  	p1 =	sne.s32 s8, $0x13FE;
	s5 =	smov.u32 s8;
	s16 =	rddreg [dreg:$0x15];
	vm0 =	vge.f32 v19, v62;
	v30 =	vor.u32 $0x20, v35;
	[tilespmem:$0x1FFB0] =	vst v2;
	v2 =	vimm.s32 $0x0  }
0x258: {  	s2 =	smov.u32 s31;
	s31 =	smov.u32 s23;
	s18 =	rddreg [dreg:$0x1c];
	v59 =	vld.idx.msk [tilespmem:v34+s13+$0x0], $0xffff;
	v34 =	vsel vm1, v60, v32;
	v49 =	vor.u32 s16, v31;
	v2 =	vsel vm0, $0xFFFFFFFF, v2  }
.Ltmp0:
0x259: {  	s8 =	sadd.s32 $0x200, s8;
	s20 =	rddreg [dreg:$0x14];
	v62 =	vor.u32 $0x4, v47;
	v30 =	vsel vm0, v30, v35;
	[tilespmem:$0x1FFC0] =	vst v2;
	v2 =	vimm.s32 $0x0;
	(pc) =	sbr.rel @p1 .LBB2_3-.Ltmp0, $4  }
0x25a: {  	s23 =	smov.u32 s18;
	s22 =	smov.u32 s19;
	s19 =	rddreg [dreg:$0x1e];
	v36 =	vor.u32 s2, v34;
	vm0 =	vge.f32 v25, v56;
	v2 =	vsel vm1, $0xFFFFFFFF, v2  }
0x25b: {  	s18 =	smov.u32 s21;
	s21 =	sld [smem:$0x7F0];
	s1 =	smov.u32 s12;
	v42 =	vld.idx.msk [tilespmem:v55+s13+$0x0], $0xffff;
	v33 =	vor.u32 s19, v30;
	v35 =	vsel vm0, v61, v46;
	[tilespmem:$0x1FFD0] =	vst v2;
	v2 =	vimm.s32 $0x0  }
0x25c: {  	s10 =	rddreg [dreg:$0x1f];
	s12 =	smov.u32 s28;
	s28 =	smov.u32 s2;
	v43 =	vld.idx.msk [tilespmem:v44+s13+$0x0], $0xffff;
	vm14 =	vge.f32 v27, v58;
	v44 =	vor.u32 $0x4, v41;
	v2 =	vsel vm0, $0xFFFFFFFF, v2  }
0x25d: {  	s16 =	smov.u32 s15;
	s2 =	sadd.s32 $0xFFFFFFF2, s5;
	v37 =	vor.u32 s15, v35;
	s15 =	smov.u32 s9;
	vm13 =	vge.f32 v29, v59;
	v40 =	vsel vm14, v62, v47;
	v32 =	vld.idx.msk [tilespmem:v49+s13+$0x0], $0xffff;
	[tilespmem:$0x1FFE0] =	vst v2  }
0x25e: {  	v16 =	vsel vm13, v44, v41;
	s9 =	sadd.s32 $0xFFFFFEF2, s5  }
0x25f: {  	v41 =	vor.u32 s9, v16  }
0x260: {  	v49 =	vor.u32 s2, v40;
	_ =	sdelay $0x3  }
0x261: {  	v41 =	vld.idx.msk [tilespmem:v41+s13+$0x0], $0xffff  }
0x262: {  	v44 =	vld.idx.msk [tilespmem:v49+s13+$0x0], $0xffff;
	_ =	sdelay $0x3  }
0x263: {  	v45 =	vor.u32 $0x8, v16;
	vm1 =	vge.f32 v29, v41  }
0x264: {  	s7 =	sadd.s32 $0xFFFFFEE2, s5;
	v51 =	vor.u32 $0x8, v40;
	vm0 =	vge.f32 v27, v44;
	v16 =	vsel vm1, v45, v16  }
0x265: {  	s19 =	sadd.s32 $0xFFFFFFE2, s5;
	v40 =	vsel vm0, v51, v40;
	v45 =	vor.u32 s7, v16  }
0x266: {  	v41 =	vor.u32 s19, v40;
	_ =	sdelay $0x1  }
0x267: {  	[smem:$0x7EE] =	sst s7  }
0x268: {  	[smem:$0x7DA] =	sst s19  }
0x269: {  	v52 =	vld.idx.msk [tilespmem:v45+s13+$0x0], $0xffff  }
0x26a: {  	v41 =	vld.idx.msk [tilespmem:v41+s13+$0x0], $0xffff;
	_ =	sdelay $0x2  }
0x26b: {  	v2 =	vimm.s32 $0x0  }
0x26c: {  	v2 =	vsel vm3, $0xFFFFFFFF, v2;
	v53 =	vor.u32 $0x10, v16;
	vm3 =	vge.f32 v29, v52  }
0x26d: {  	s8 =	sadd.s32 $0xFFFFFEC2, s5;
	v54 =	vor.u32 $0x10, v40;
	vm2 =	vge.f32 v27, v41;
	v16 =	vsel vm3, v53, v16  }
0x26e: {  	s19 =	sadd.s32 $0xFFFFFFC2, s5;
	v40 =	vsel vm2, v54, v40;
	v45 =	vor.u32 s8, v16  }
0x26f: {  	v55 =	vor.u32 s19, v40;
	_ =	sdelay $0x1  }
0x270: {  	[smem:$0x7DB] =	sst s8  }
0x271: {  	[tilespmem:$0x1FCC0] =	vst v2;
	[smem:$0x7DC] =	sst s19  }
0x272: {  	v56 =	vld.idx.msk [tilespmem:v45+s13+$0x0], $0xffff  }
0x273: {  	v41 =	vld.idx.msk [tilespmem:v55+s13+$0x0], $0xffff;
	_ =	sdelay $0x2  }
0x274: {  	v2 =	vimm.s32 $0x0  }
0x275: {  	v2 =	vsel vm4, $0xFFFFFFFF, v2;
	v57 =	vor.u32 $0x20, v16;
	vm5 =	vge.f32 v29, v56  }
0x276: {  	v58 =	vor.u32 $0x20, v40;
	s8 =	sadd.s32 $0xFFFFFE82, s5;
	vm4 =	vge.f32 v27, v41;
	v16 =	vsel vm5, v57, v16  }
0x277: {  	[smem:$0x7DD] =	sst s8;
	v40 =	vsel vm4, v58, v40;
	v45 =	vor.u32 s8, v16;
	s8 =	sadd.s32 $0xFFFFFF82, s5  }
0x278: {  	v59 =	vor.u32 s8, v40;
	_ =	sdelay $0x2  }
0x279: {  	[tilespmem:$0x1FCE0] =	vst v2;
	[smem:$0x7E3] =	sst s8  }
0x27a: {  	v2 =	vimm.s32 $0x0;
	v60 =	vld.idx.msk [tilespmem:v45+s13+$0x0], $0xffff  }
0x27b: {  	v2 =	vsel vm7, $0xFFFFFFFF, v2;
	v41 =	vld.idx.msk [tilespmem:v59+s13+$0x0], $0xffff  }
0x27c: {  	[tilespmem:$0x1FCF0] =	vst v2;
	v2 =	vld [tilespmem:$0x1FF80];
	_ =	sdelay $0x4  }
0x27d: {  	v61 =	vsel vm6, $0x80, v1;
	vm6 =	vnez.u8 v2;
	v2 =	vld [tilespmem:$0x1FF70]  }
0x27e: {  	v46 =	vor.u32 $0x40, v61;
	v47 =	vor.u32 $0x40, v16;
	vm7 =	vge.f32 v29, v60  }
0x27f: {  	v49 =	vsel vm15, $0x80, v1;
	s19 =	sadd.s32 $0xFFFFFE02, s5;
	v48 =	vor.u32 $0x40, v40;
	v16 =	vsel vm7, v47, v16  }
0x280: {  	v62 =	vsel vm6, v46, v61;
	v16 =	vor.u32 s19, v16;
	vm6 =	vge.f32 v27, v41  }
0x281: {  	v51 =	vor.u32 $0x40, v49;
	[smem:$0x7E6] =	sst s19;
	s19 =	sadd.s32 $0xFFFFFF02, s5;
	v46 =	vor.u32 $0x20, v62;
	v40 =	vsel vm6, v48, v40  }
0x282: {  	v44 =	vsel vm13, v46, v62;
	v40 =	vor.u32 s19, v40;
	vm13 =	vnez.u8 v2  }
0x283: {  	v41 =	vsel vm13, v51, v49  }
0x284: {  	[smem:$0x7E7] =	sst s19;
	v52 =	vor.u32 $0x10, v44;
	v53 =	vor.u32 $0x20, v41  }
0x285: {  	v44 =	vsel vm1, v52, v44;
	v16 =	vld.idx.msk [tilespmem:v16+s13+$0x0], $0xffff;
	v41 =	vsel vm14, v53, v41  }
0x286: {  	v54 =	vor.u32 $0x8, v44;
	v55 =	vor.u32 $0x10, v41  }
0x287: {  	v44 =	vsel vm3, v54, v44;
	v40 =	vld.idx.msk [tilespmem:v40+s13+$0x0], $0xffff;
	v41 =	vsel vm0, v55, v41  }
0x288: {  	v56 =	vor.u32 $0x4, v44;
	v57 =	vor.u32 $0x8, v41  }
0x289: {  	v44 =	vsel vm5, v56, v44;
	v41 =	vsel vm2, v57, v41  }
0x28a: {  	v58 =	vor.u32 $0x2, v44;
	vm14 =	vge.f32 v29, v16;
	v59 =	vor.u32 $0x4, v41  }
0x28b: {  	v44 =	vsel vm7, v58, v44;
	v16 =	vsel vm14, $0x1, v1;
	v60 =	vsel vm4, v59, v41  }
0x28c: {  	v16 =	vor.u32 v16, v44;
	vm15 =	vge.f32 v27, v40;
	v62 =	vor.u32 $0x2, v60  }
0x28d: {  	s7 =	sadd.s32 $0x10000, s4;
	v48 =	vsel vm15, $0x1, v1;
	v16 =	vshll.u32 v16, $0x8;
	v47 =	vsel vm6, v62, v60  }
0x28e: {  	v61 =	vadd.s32 v17, v23;
	s5 =	smov.u32 s4;
	[smem:$0x7E8] =	sst s7;
	v16 =	vadd.s32 s7, v16;
	v27 =	vor.u32 v48, v47  }
0x28f: {  	s4 =	sadd.s32 $0x200, s15;
	[smem:$0x7E4] =	sst s5;
	v16 =	vadd.s32 v27, v16  }
0x290: {  	v49 =	vadd.s32 v17, v22;
	[tilespmem:s4+$0xFFFFFFE0] =	vst v16  }
0x291: {  	[smem:$0x7E9] =	sst s4  }
0x292: {  	s7 =	simm.s32 $0x0;
	[dreg:$0x19] =	wrdreg s6  }
0x293: {  	v29 =	vld.idx.msk [tilespmem:v61+s7+$0x0], $0xffff  }
0x294: {  	v16 =	vld.idx.msk [tilespmem:v21+s13+$0x0], $0xffff  }
0x295: {  	v17 =	vld.idx.msk [tilespmem:v49+s7+$0x0], $0xffff  }
0x296: {  	v51 =	vld.idx.msk [tilespmem:v20+s13+$0x0], $0xffff;
	_ =	sdelay $0x2  }
0x297: {  	v2 =	vimm.s32 $0x0;
	vm4 =	vge.f32 v29, v16  }
0x298: {  	v2 =	vsel vm4, $0xFFFFFFFF, v2  }
0x299: {  	vm5 =	vge.f32 v17, v51;
	[tilespmem:$0x1FBF0] =	vst v2;
	v2 =	vimm.s32 $0x0  }
0x29a: {  	v16 =	vsel vm4, $0x1, v1;
	v2 =	vsel vm5, $0xFFFFFFFF, v2  }
0x29b: {  	v53 =	vor.u32 $0x4, v38;
	v52 =	vor.u32 s0, v16;
	[tilespmem:$0x1FC00] =	vst v2;
	v2 =	vimm.s32 $0x0  }
0x29c: {  	v27 =	vsel vm5, $0x1, v1;
	v2 =	vsel vm9, $0xFFFFFFFF, v2;
	vm9 =	vge.f32 v28, v42  }
0x29d: {  	[smem:$0x7DE] =	sst s0;
	v54 =	vor.u32 s17, v27;
	[tilespmem:$0x1FCB0] =	vst v2;
	v38 =	vsel vm9, v53, v38;
	v2 =	vimm.s32 $0x0  }
0x29e: {  	[smem:$0x7DF] =	sst s17;
	v2 =	vsel vm10, $0xFFFFFFFF, v2;
	v56 =	vor.u32 s26, v38  }
0x29f: {  	[smem:$0x7EA] =	sst s26;
	[tilespmem:$0x1FCA0] =	vst v2  }
0x2a0: {  	v40 =	vld.idx.msk [tilespmem:v52+s13+$0x0], $0xffff  }
0x2a1: {  	[smem:$0x7EB] =	sst s25  }
0x2a2: {  	v57 =	vld.idx.msk [tilespmem:v54+s13+$0x0], $0xffff  }
0x2a3: {  	v55 =	vor.u32 $0x4, v39;
	vm10 =	vge.f32 v26, v43;
	v42 =	vld.idx.msk [tilespmem:v56+s13+$0x0], $0xffff  }
0x2a4: {  	v39 =	vsel vm10, v55, v39  }
0x2a5: {  	v58 =	vor.u32 $0x2, v16;
	v41 =	vor.u32 s25, v39;
	vm6 =	vge.f32 v29, v40  }
0x2a6: {  	v61 =	vor.u32 $0x2, v27;
	v62 =	vor.u32 $0x8, v38;
	v16 =	vsel vm6, v58, v16  }
0x2a7: {  	v2 =	vimm.s32 $0x0;
	vm7 =	vge.f32 v17, v57;
	v60 =	vor.u32 s1, v16  }
0x2a8: {  	s17 =	rddreg [dreg:$0xf];
	v2 =	vsel vm6, $0xFFFFFFFF, v2;
	v27 =	vsel vm7, v61, v27;
	vm13 =	vge.f32 v28, v42  }
0x2a9: {  	[tilespmem:$0x1FC20] =	vst v2;
	v2 =	vimm.s32 $0x0;
	v44 =	vor.u32 s17, v27;
	v38 =	vsel vm13, v62, v38  }
0x2aa: {  	v59 =	vld.idx.msk [tilespmem:v41+s13+$0x0], $0xffff;
	[smem:$0x7E0] =	sst s1;
	v2 =	vsel vm7, $0xFFFFFFFF, v2;
	v49 =	vor.u32 s24, v38  }
0x2ab: {  	[smem:$0x7E1] =	sst s24;
	[tilespmem:$0x1FC10] =	vst v2  }
0x2ac: {  	v41 =	vld.idx.msk [tilespmem:v60+s13+$0x0], $0xffff  }
0x2ad: {  	[smem:$0x7ED] =	sst s11  }
0x2ae: {  	v51 =	vld.idx.msk [tilespmem:v44+s13+$0x0], $0xffff  }
0x2af: {  	v48 =	vor.u32 $0x8, v39;
	vm14 =	vge.f32 v26, v59;
	v40 =	vld.idx.msk [tilespmem:v49+s13+$0x0], $0xffff  }
0x2b0: {  	v39 =	vsel vm14, v48, v39  }
0x2b1: {  	v52 =	vor.u32 $0x4, v16;
	v42 =	vor.u32 s11, v39;
	vm4 =	vge.f32 v29, v41  }
0x2b2: {  	v16 =	vsel vm4, v52, v16  }
0x2b3: {  	v55 =	vor.u32 $0x4, v27;
	vm5 =	vge.f32 v17, v51;
	v54 =	vor.u32 s9, v16  }
0x2b4: {  	v56 =	vor.u32 $0x10, v38;
	v27 =	vsel vm5, v55, v27;
	vm15 =	vge.f32 v28, v40  }
0x2b5: {  	v2 =	vimm.s32 $0x0;
	v44 =	vor.u32 s2, v27;
	v38 =	vsel vm15, v56, v38  }
0x2b6: {  	v2 =	vsel vm11, $0xFFFFFFFF, v2;
	v53 =	vld.idx.msk [tilespmem:v42+s13+$0x0], $0xffff;
	[smem:$0x7EC] =	sst s9;
	v58 =	vor.u32 s3, v38  }
0x2b7: {  	[tilespmem:$0x1FCD0] =	vst v2;
	[smem:$0x7E2] =	sst s3  }
0x2b8: {  	v59 =	vld.idx.msk [tilespmem:v54+s13+$0x0], $0xffff;
	_ =	sdelay $0x1  }
0x2b9: {  	v61 =	vld.idx.msk [tilespmem:v44+s13+$0x0], $0xffff  }
0x2ba: {  	v41 =	vld.idx.msk [tilespmem:v58+s13+$0x0], $0xffff  }
0x2bb: {  	s0 =	sld [smem:$0x7EE];
	v57 =	vor.u32 $0x10, v39;
	vm11 =	vge.f32 v26, v53  }
0x2bc: {  	v62 =	vor.u32 $0x8, v16;
	v39 =	vsel vm11, v57, v39;
	vm6 =	vge.f32 v29, v59  }
0x2bd: {  	s1 =	sld [smem:$0x7DA];
	v60 =	vor.u32 s30, v39;
	v16 =	vsel vm6, v62, v16  }
0x2be: {  	v51 =	vor.u32 $0x8, v27;
	vm7 =	vge.f32 v17, v61;
	v49 =	vor.u32 s0, v16  }
0x2bf: {  	v52 =	vor.u32 $0x20, v38;
	v27 =	vsel vm7, v51, v27;
	vm3 =	vge.f32 v28, v41  }
0x2c0: {  	v44 =	vor.u32 s1, v27;
	v38 =	vsel vm3, v52, v38  }
0x2c1: {  	v54 =	vor.u32 s22, v38  }
0x2c2: {  	v48 =	vld.idx.msk [tilespmem:v60+s13+$0x0], $0xffff  }
0x2c3: {  	v55 =	vld.idx.msk [tilespmem:v49+s13+$0x0], $0xffff;
	[smem:$0x7E5] =	sst s15  }
0x2c4: {  	[smem:$0x7EF] =	sst s18  }
0x2c5: {  	v2 =	vimm.s32 $0x0;
	v57 =	vld.idx.msk [tilespmem:v44+s13+$0x0], $0xffff  }
0x2c6: {  	v2 =	vsel vm8, $0xFFFFFFFF, v2;
	v40 =	vld.idx.msk [tilespmem:v54+s13+$0x0], $0xffff  }
0x2c7: {  	[tilespmem:$0x1FC90] =	vst v2;
	v2 =	vld [tilespmem:$0x1FF30];
	_ =	sdelay $0x3  }
0x2c8: {  	v53 =	vor.u32 $0x20, v39;
	vm2 =	vge.f32 v26, v48  }
0x2c9: {  	v39 =	vsel vm2, v53, v39;
	vm0 =	vnez.u8 v2;
	v2 =	vld [tilespmem:$0x1FF40]  }
0x2ca: {  	v56 =	vor.u32 s18, v39;
	_ =	sdelay $0x3  }
0x2cb: {  	v59 =	vsel vm0, $0x80, v1;
	vm0 =	vnez.u8 v2;
	v2 =	vimm.s32 $0x0  }
0x2cc: {  	v42 =	vld.idx.msk [tilespmem:v56+s13+$0x0], $0xffff;
	v2 =	vsel vm12, $0xFFFFFFFF, v2  }
0x2cd: {  	[tilespmem:$0x1FD00] =	vst v2;
	v2 =	vld [tilespmem:$0x1FFA0]  }
0x2ce: {  	s3 =	smov.u32 s15;
	s15 =	smov.u32 s18;
	s18 =	sld [smem:$0x7DB]  }
0x2cf: {  	s17 =	sld [smem:$0x7DC];
	v58 =	vor.u32 $0x10, v16;
	vm8 =	vge.f32 v29, v55  }
0x2d0: {  	v48 =	vor.u32 $0x10, v27;
	v16 =	vsel vm8, v58, v16;
	vm12 =	vge.f32 v17, v57  }
0x2d1: {  	v62 =	vor.u32 s18, v16;
	v27 =	vsel vm12, v48, v27  }
0x2d2: {  	v60 =	vsel vm0, $0x80, v1;
	v55 =	vor.u32 s17, v27;
	vm0 =	vnez.u8 v2;
	v2 =	vld [tilespmem:$0x1FF90];
	_ =	sdelay $0x2  }
0x2d3: {  	v54 =	vor.u32 $0x40, v38;
	vm1 =	vge.f32 v28, v40  }
0x2d4: {  	s24 =	rddreg [dreg:$0xe];
	v38 =	vsel vm1, v54, v38;
	v61 =	vor.u32 $0x40, v59;
	v52 =	vor.u32 $0x40, v60;
	v58 =	vld.idx.msk [tilespmem:v62+s13+$0x0], $0xffff  }
0x2d5: {  	v38 =	vor.u32 s24, v38;
	v53 =	vsel vm0, v52, v60;
	v62 =	vld.idx.msk [tilespmem:v55+s13+$0x0], $0xffff;
	vm0 =	vnez.u8 v2  }
0x2d6: {  	v56 =	vor.u32 $0x40, v39;
	v2 =	vld [tilespmem:$0x1FBF0];
	v41 =	vsel vm0, v61, v59;
	vm0 =	vge.f32 v26, v42  }
0x2d7: {  	v46 =	vor.u32 $0x20, v16;
	s24 =	rddreg [dreg:$0xd];
	v57 =	vor.u32 $0x20, v53;
	v39 =	vsel vm0, v56, v39  }
0x2d8: {  	v40 =	vsel vm10, v57, v53;
	v59 =	vor.u32 $0x20, v41;
	v39 =	vor.u32 s24, v39  }
0x2d9: {  	v51 =	vor.u32 $0x20, v27;
	v60 =	vor.u32 $0x10, v40;
	v41 =	vsel vm9, v59, v41  }
0x2da: {  	v38 =	vld.idx.msk [tilespmem:v38+s13+$0x0], $0xffff;
	v40 =	vsel vm14, v60, v40;
	v60 =	vadd.s32 v14, v11;
	v61 =	vor.u32 $0x10, v41  }
0x2db: {  	s7 =	sld [smem:$0x7DD];
	vm10 =	vge.f32 v17, v62;
	v41 =	vsel vm13, v61, v41;
	vm14 =	vnez.u8 v2;
	v2 =	vld [tilespmem:$0x1FC00]  }
0x2dc: {  	v44 =	vsel vm10, v51, v27;
	vm9 =	vge.f32 v29, v58;
	v47 =	vor.u32 $0x8, v41  }
0x2dd: {  	v54 =	vor.u32 s8, v44;
	v43 =	vsel vm9, v46, v16;
	v41 =	vsel vm15, v47, v41;
	v39 =	vld.idx.msk [tilespmem:v39+s13+$0x0], $0xffff  }
0x2de: {  	v45 =	vor.u32 $0x8, v40;
	v49 =	vor.u32 s7, v43;
	v42 =	vor.u32 $0x4, v41  }
0x2df: {  	v40 =	vsel vm11, v45, v40;
	vm11 =	vge.f32 v28, v38;
	v41 =	vsel vm3, v42, v41  }
0x2e0: {  	v48 =	vor.u32 $0x4, v40;
	v53 =	vor.u32 $0x2, v41;
	vm15 =	vnez.u8 v2;
	v2 =	vld [tilespmem:$0x1FC10]  }
0x2e1: {  	v55 =	vsel vm11, $0x1, v1;
	v16 =	vsel vm2, v48, v40;
	v27 =	vsel vm1, v53, v41  }
0x2e2: {  	v52 =	vor.u32 $0x2, v16;
	v62 =	vld.idx.msk [tilespmem:v54+s13+$0x0], $0xffff;
	vm13 =	vge.f32 v26, v39;
	v26 =	vor.u32 v55, v27  }
0x2e3: {  	v16 =	vsel vm0, v52, v16;
	v58 =	vld.idx.msk [tilespmem:v49+s13+$0x0], $0xffff;
	v56 =	vsel vm13, $0x1, v1;
	v26 =	vshll.u32 v26, $0x8  }
0x2e4: {  	v61 =	vadd.s32 v14, v15;
	v16 =	vor.u32 v56, v16;
	v26 =	vadd.s32 s5, v26  }
0x2e5: {  	vm11 =	vnez.u8 v2;
	v2 =	vld [tilespmem:$0x1FC20];
	v16 =	vadd.s32 v16, v26  }
0x2e6: {  	s24 =	simm.s32 $0x0;
	v57 =	vsel vm14, $0x80, v1;
	v59 =	vsel vm15, $0x80, v1;
	[tilespmem:s3+$0xFFFFFFF0] =	vst v16  }
0x2e7: {  	v51 =	vor.u32 $0x40, v43;
	v48 =	vor.u32 $0x40, v57;
	v49 =	vor.u32 $0x40, v59;
	v16 =	vld.idx.msk [tilespmem:v60+s24+$0x0], $0xffff;
	s8 =	sld [smem:$0x7E6]  }
0x2e8: {  	vm15 =	vge.f32 v17, v62;
	vm14 =	vge.f32 v29, v58;
	v56 =	vor.u32 $0x40, v44;
	v55 =	vld.idx.msk [tilespmem:v10+s13+$0x0], $0xffff  }
0x2e9: {  	v40 =	vsel vm11, v49, v59;
	v26 =	vsel vm14, v51, v43;
	v41 =	vsel vm15, v56, v44;
	v27 =	vld.idx.msk [tilespmem:v61+s24+$0x0], $0xffff  }
0x2ea: {  	v52 =	vor.u32 $0x20, v40;
	v60 =	vld.idx.msk [tilespmem:v13+s13+$0x0], $0xffff;
	vm13 =	vnez.u8 v2;
	v26 =	vor.u32 s8, v26  }
0x2eb: {  	v41 =	vor.u32 s19, v41;
	v53 =	vsel vm5, v52, v40;
	v38 =	vsel vm13, v48, v57  }
0x2ec: {  	v36 =	vld.idx.msk [tilespmem:v36+s13+$0x0], $0xffff;
	v2 =	vimm.s32 $0x0;
	v57 =	vor.u32 $0x10, v53;
	v54 =	vor.u32 $0x20, v38  }
0x2ed: {  	v37 =	vld.idx.msk [tilespmem:v37+s13+$0x0], $0xffff;
	v59 =	vsel vm7, v57, v53;
	v38 =	vsel vm4, v54, v38;
	vm11 =	vge.f32 v16, v55  }
0x2ee: {  	v42 =	vor.u32 $0x8, v59;
	v58 =	vor.u32 $0x10, v38;
	v2 =	vsel vm11, $0xFFFFFFFF, v2  }
0x2ef: {  	v28 =	vsel vm12, v42, v59;
	vm12 =	vge.f32 v27, v60;
	v26 =	vld.idx.msk [tilespmem:v26+s13+$0x0], $0xffff;
	[tilespmem:$0x1FC40] =	vst v2;
	v2 =	vimm.s32 $0x0  }
0x2f0: {  	v38 =	vsel vm6, v58, v38;
	v2 =	vsel vm12, $0xFFFFFFFF, v2  }
0x2f1: {  	vm0 =	vge.f32 v24, v36;
	v43 =	vor.u32 $0x8, v38;
	[tilespmem:$0x1FC30] =	vst v2  }
0x2f2: {  	vm1 =	vge.f32 v25, v37;
	v61 =	vor.u32 $0x10, v35;
	v38 =	vsel vm8, v43, v38;
	v41 =	vld.idx.msk [tilespmem:v41+s13+$0x0], $0xffff  }
0x2f3: {  	v52 =	vor.u32 $0x10, v34;
	v35 =	vsel vm1, v61, v35;
	v43 =	vor.u32 $0x4, v38  }
0x2f4: {  	v53 =	vor.u32 s6, v35;
	v54 =	vadd.s32 v14, v23;
	v38 =	vsel vm9, v43, v38  }
0x2f5: {  	v42 =	vor.u32 $0x4, v28;
	v49 =	vor.u32 $0x2, v38;
	vm13 =	vge.f32 v29, v26  }
0x2f6: {  	s5 =	sld [smem:$0x7E8];
	v28 =	vsel vm10, v42, v28;
	v51 =	vsel vm14, v49, v38;
	v29 =	vsel vm13, $0x1, v1  }
0x2f7: {  	v42 =	vor.u32 $0x2, v28;
	v26 =	vor.u32 v29, v51;
	vm14 =	vge.f32 v17, v41  }
0x2f8: {  	v28 =	vsel vm15, v42, v28;
	v26 =	vshll.u32 v26, $0x8;
	v17 =	vsel vm14, $0x1, v1  }
0x2f9: {  	s24 =	rddreg [dreg:$0x10];
	v39 =	vsel vm11, $0x1, v1;
	v26 =	vadd.s32 s5, v26;
	v17 =	vor.u32 v17, v28  }
0x2fa: {  	v40 =	vsel vm12, $0x1, v1;
	v62 =	vor.u32 s24, v39;
	s24 =	rddreg [dreg:$0x12];
	v17 =	vadd.s32 v17, v26  }
0x2fb: {  	s3 =	simm.s32 $0x0;
	v48 =	vor.u32 s24, v40;
	v29 =	vsel vm0, v52, v34;
	[tilespmem:s4+$0xFFFFFFF0] =	vst v17  }
0x2fc: {  	v56 =	vor.u32 s31, v29;
	v26 =	vld.idx.msk [tilespmem:v54+s3+$0x0], $0xffff  }
0x2fd: {  	v58 =	vadd.s32 v14, v22;
	v61 =	vld.idx.msk [tilespmem:v21+s13+$0x0], $0xffff  }
0x2fe: {  	v59 =	vld.idx.msk [tilespmem:v53+s13+$0x0], $0xffff  }
0x2ff: {  	v57 =	vld.idx.msk [tilespmem:v62+s13+$0x0], $0xffff  }
0x300: {  	v55 =	vld.idx.msk [tilespmem:v48+s13+$0x0], $0xffff  }
0x301: {  	v62 =	vld.idx.msk [tilespmem:v56+s13+$0x0], $0xffff  }
0x302: {  	v2 =	vimm.s32 $0x0;
	v17 =	vld.idx.msk [tilespmem:v58+s3+$0x0], $0xffff;
	vm15 =	vge.f32 v26, v61  }
0x303: {  	v49 =	vld.idx.msk [tilespmem:v20+s13+$0x0], $0xffff;
	v2 =	vsel vm15, $0xFFFFFFFF, v2  }
0x304: {  	[tilespmem:$0x1FC50] =	vst v2;
	v2 =	vld [tilespmem:$0x1FF00];
	_ =	sdelay $0x2  }
0x305: {  	v60 =	vor.u32 $0x2, v40;
	vm8 =	vge.f32 v27, v55  }
0x306: {  	v46 =	vor.u32 $0x2, v39;
	vm9 =	vge.f32 v16, v57;
	v40 =	vsel vm8, v60, v40;
	s6 =	rddreg [dreg:$0x11]  }
0x307: {  	v36 =	vsel vm9, v46, v39;
	s8 =	rddreg [dreg:$0xc];
	v47 =	vor.u32 s6, v40;
	vm10 =	vnez.u8 v2;
	v2 =	vld [tilespmem:$0x1FF20]  }
0x308: {  	v39 =	vor.u32 s8, v36;
	_ =	sdelay $0x3  }
0x309: {  	vm12 =	vge.f32 v17, v49;
	v37 =	vld.idx.msk [tilespmem:v47+s13+$0x0], $0xffff;
	vm11 =	vnez.u8 v2;
	v2 =	vimm.s32 $0x0  }
0x30a: {  	v57 =	vld.idx.msk [tilespmem:v39+s13+$0x0], $0xffff;
	v2 =	vsel vm12, $0xFFFFFFFF, v2  }
0x30b: {  	[tilespmem:$0x1FC70] =	vst v2;
	v2 =	vld [tilespmem:$0x1FEF0];
	_ =	sdelay $0x4  }
0x30c: {  	vm13 =	vnez.u8 v2;
	v2 =	vld [tilespmem:$0x1FF60];
	_ =	sdelay $0x4  }
0x30d: {  	vm14 =	vnez.u8 v2;
	v2 =	vld [tilespmem:$0x1FF10]  }
0x30e: {  	v48 =	vor.u32 $0x20, v35;
	vm3 =	vge.f32 v25, v59;
	s5 =	sld [smem:$0x7DE]  }
0x30f: {  	v14 =	vsel vm3, v48, v35  }
0x310: {  	v51 =	vor.u32 s23, v14;
	v42 =	vsel vm15, $0x1, v1  }
0x311: {  	v53 =	vor.u32 $0x20, v29;
	s6 =	sld [smem:$0x7DF];
	vm2 =	vge.f32 v24, v62;
	v55 =	vor.u32 s5, v42  }
0x312: {  	v29 =	vsel vm2, v53, v29;
	vm15 =	vnez.u8 v2;
	v2 =	vld [tilespmem:$0x1FFE0]  }
0x313: {  	v41 =	vsel vm12, $0x1, v1;
	v59 =	vor.u32 s12, v29  }
0x314: {  	v61 =	vor.u32 s6, v41  }
0x315: {  	v48 =	vor.u32 $0x4, v40;
	v62 =	vor.u32 $0x40, v14;
	v52 =	vsel vm10, $0x80, v1;
	v28 =	vld.idx.msk [tilespmem:v51+s13+$0x0], $0xffff  }
0x316: {  	v49 =	vor.u32 $0x4, v36;
	vm6 =	vge.f32 v16, v57;
	v54 =	vor.u32 $0x40, v52;
	v44 =	vld.idx.msk [tilespmem:v55+s13+$0x0], $0xffff  }
0x317: {  	v56 =	vsel vm11, v54, v52;
	vm11 =	vge.f32 v27, v37;
	vm10 =	vnez.u8 v2;
	v2 =	vld [tilespmem:$0x1FF50]  }
0x318: {  	v36 =	vsel vm6, v49, v36;
	v43 =	vor.u32 $0x20, v56;
	v40 =	vsel vm11, v48, v40;
	v51 =	vld.idx.msk [tilespmem:v59+s13+$0x0], $0xffff  }
0x319: {  	v53 =	vor.u32 s26, v40;
	v55 =	vor.u32 s25, v36;
	v46 =	vld.idx.msk [tilespmem:v61+s13+$0x0], $0xffff;
	v59 =	vor.u32 $0x2, v42  }
0x31a: {  	v61 =	vor.u32 $0x40, v29;
	v58 =	vsel vm13, $0x80, v1;
	vm4 =	vge.f32 v25, v28  }
0x31b: {  	vm13 =	vge.f32 v26, v44;
	v60 =	vor.u32 $0x40, v58;
	v14 =	vsel vm4, v62, v14  }
0x31c: {  	v34 =	vsel vm14, v43, v56;
	vm12 =	vnez.u8 v2;
	v2 =	vimm.s32 $0x0  }
0x31d: {  	v14 =	vor.u32 s10, v14;
	v52 =	vor.u32 $0x10, v34;
	v2 =	vsel vm13, $0xFFFFFFFF, v2  }
0x31e: {  	s4 =	sld [smem:$0x7E0];
	vm14 =	vge.f32 v17, v46;
	v38 =	vsel vm15, v60, v58;
	v56 =	vsel vm10, v52, v34;
	[tilespmem:$0x1FC60] =	vst v2  }
0x31f: {  	v60 =	vsel vm13, v59, v42;
	v58 =	vor.u32 $0x8, v56;
	v2 =	vimm.s32 $0x0;
	v37 =	vld.idx.msk [tilespmem:v53+s13+$0x0], $0xffff  }
0x320: {  	v28 =	vsel vm1, v58, v56;
	vm1 =	vge.f32 v24, v51;
	v62 =	vld.idx.msk [tilespmem:v55+s13+$0x0], $0xffff;
	v2 =	vsel vm14, $0xFFFFFFFF, v2  }
0x321: {  	v42 =	vor.u32 s4, v60;
	v29 =	vsel vm1, v61, v29;
	[tilespmem:$0x1FC80] =	vst v2;
	v2 =	vld [tilespmem:$0x1FFD0]  }
0x322: {  	v45 =	vor.u32 $0x2, v41;
	v29 =	vor.u32 s21, v29  }
0x323: {  	v9 =	vadd.s32 v12, v9;
	s19 =	smov.u32 s2;
	s2 =	rddreg [dreg:$0xf];
	v39 =	vsel vm14, v45, v41  }
0x324: {  	v48 =	vor.u32 s2, v39;
	v54 =	vor.u32 $0x20, v38;
	v52 =	vor.u32 $0x8, v36  }
0x325: {  	v51 =	vor.u32 $0x8, v40;
	v58 =	vor.u32 $0x4, v60;
	v57 =	vsel vm12, v54, v38;
	v14 =	vld.idx.msk [tilespmem:v14+s13+$0x0], $0xffff  }
0x326: {  	s8 =	sld [smem:$0x7E1];
	v47 =	vor.u32 $0x4, v28;
	v46 =	vor.u32 $0x10, v57;
	v42 =	vld.idx.msk [tilespmem:v42+s13+$0x0], $0xffff;
	vm15 =	vnez.u8 v2  }
0x327: {  	v28 =	vsel vm3, v47, v28;
	v29 =	vld.idx.msk [tilespmem:v29+s13+$0x0], $0xffff;
	v34 =	vsel vm15, v46, v57;
	vm15 =	vge.f32 v27, v37  }
0x328: {  	v55 =	vor.u32 $0x2, v28;
	vm14 =	vge.f32 v16, v62;
	v40 =	vsel vm15, v51, v40  }
0x329: {  	v36 =	vsel vm14, v52, v36;
	v49 =	vor.u32 $0x8, v34;
	v54 =	vor.u32 s8, v40  }
0x32a: {  	v28 =	vsel vm4, v55, v28;
	v56 =	vor.u32 s11, v36;
	v34 =	vsel vm0, v49, v34  }
0x32b: {  	vm7 =	vge.f32 v25, v14;
	vm10 =	vge.f32 v26, v42;
	v53 =	vor.u32 $0x4, v34  }
0x32c: {  	v43 =	vld.idx.msk [tilespmem:v48+s13+$0x0], $0xffff;
	vm12 =	vge.f32 v24, v29;
	v14 =	vsel vm7, $0x1, v1;
	v34 =	vsel vm2, v53, v34  }
0x32d: {  	v60 =	vsel vm10, v58, v60;
	v14 =	vor.u32 v14, v28;
	v57 =	vor.u32 $0x2, v34  }
0x32e: {  	s25 =	rddreg [dreg:$0x13];
	v24 =	vsel vm12, $0x1, v1;
	v14 =	vshll.u32 v14, $0x8;
	v59 =	vsel vm1, v57, v34;
	v61 =	vld.idx.msk [tilespmem:v54+s13+$0x0], $0xffff  }
0x32f: {  	v62 =	vor.u32 s9, v60;
	v14 =	vadd.s32 s25, v14;
	v24 =	vor.u32 v24, v59  }
0x330: {  	v14 =	vadd.s32 v24, v14  }
0x331: {  	v44 =	vor.u32 $0x4, v39;
	vm7 =	vge.f32 v17, v43;
	v42 =	vld.idx.msk [tilespmem:v56+s13+$0x0], $0xffff;
	[tilespmem:s20+$0x0] =	vst v14  }
0x332: {  	v47 =	vadd.s32 v12, v8;
	v45 =	vsel vm7, v44, v39;
	v8 =	vld.idx.msk [tilespmem:v9+s3+$0x0], $0xffff;
	s11 =	sld [smem:$0x7E2]  }
0x333: {  	v48 =	vor.u32 $0x10, v40;
	v46 =	vor.u32 s19, v45;
	v51 =	vld.idx.msk [tilespmem:v7+s13+$0x0], $0xffff;
	vm3 =	vge.f32 v27, v61  }
0x334: {  	v35 =	vld.idx.msk [tilespmem:v62+s13+$0x0], $0xffff;
	v14 =	vsel vm3, v48, v40  }
0x335: {  	v52 =	vor.u32 s11, v14;
	_ =	sdelay $0x1  }
0x336: {  	v2 =	vimm.s32 $0x0;
	v49 =	vor.u32 $0x10, v36  }
0x337: {  	v53 =	vor.u32 $0x8, v60;
	v25 =	vld.idx.msk [tilespmem:v46+s13+$0x0], $0xffff;
	vm5 =	vge.f32 v16, v42;
	vm13 =	vge.f32 v8, v51  }
0x338: {  	v7 =	vld.idx.msk [tilespmem:v47+s3+$0x0], $0xffff;
	v9 =	vsel vm5, v49, v36;
	vm12 =	vge.f32 v26, v35;
	v2 =	vsel vm13, $0xFFFFFFFF, v2  }
0x339: {  	v36 =	vor.u32 s30, v9;
	v54 =	vsel vm12, v53, v60;
	v55 =	vld.idx.msk [tilespmem:v52+s13+$0x0], $0xffff;
	[tilespmem:$0x1FD10] =	vst v2  }
0x33a: {  	s26 =	smov.u32 s19;
	s19 =	rddreg [dreg:$0xb];
	v56 =	vor.u32 s0, v54;
	v28 =	vsel vm13, $0x1, v1;
	v6 =	vld.idx.msk [tilespmem:v6+s13+$0x0], $0xffff  }
0x33b: {  	v58 =	vor.u32 s19, v28;
	_ =	sdelay $0x2  }
0x33c: {  	v36 =	vld.idx.msk [tilespmem:v36+s13+$0x0], $0xffff  }
0x33d: {  	v2 =	vimm.s32 $0x0;
	v35 =	vld.idx.msk [tilespmem:v56+s13+$0x0], $0xffff;
	vm0 =	vge.f32 v7, v6  }
0x33e: {  	v57 =	vor.u32 $0x8, v45;
	vm13 =	vge.f32 v17, v25;
	v25 =	vld.idx.msk [tilespmem:v58+s13+$0x0], $0xffff;
	v2 =	vsel vm0, $0xFFFFFFFF, v2  }
0x33f: {  	v29 =	vsel vm13, v57, v45;
	[tilespmem:$0x1FD30] =	vst v2;
	v2 =	vld [tilespmem:$0x1FC30]  }
0x340: {  	v37 =	vor.u32 s1, v29;
	_ =	sdelay $0x2  }
0x341: {  	v60 =	vor.u32 $0x20, v9;
	v59 =	vor.u32 $0x20, v14;
	vm1 =	vge.f32 v27, v55  }
0x342: {  	v14 =	vsel vm1, v59, v14;
	vm2 =	vge.f32 v16, v36;
	vm4 =	vnez.u8 v2;
	v2 =	vld [tilespmem:$0x1FC40]  }
0x343: {  	v61 =	vor.u32 s22, v14;
	v9 =	vsel vm2, v60, v9;
	v37 =	vld.idx.msk [tilespmem:v37+s13+$0x0], $0xffff;
	[dreg:$0x1d] =	wrdreg s30  }
0x344: {  	v6 =	vsel vm0, $0x1, v1;
	v34 =	vor.u32 s15, v9;
	s30 =	rddreg [dreg:$0x5]  }
0x345: {  	v62 =	vor.u32 s30, v6;
	v45 =	vsel vm4, $0x80, v1  }
0x346: {  	vm0 =	vge.f32 v8, v25;
	v46 =	vor.u32 $0x40, v45  }
0x347: {  	[dreg:$0x1c] =	wrdreg s22;
	v48 =	vsel vm8, v46, v45;
	vm8 =	vnez.u8 v2;
	v2 =	vimm.s32 $0x0  }
0x348: {  	v51 =	vor.u32 $0x2, v28;
	v36 =	vld.idx.msk [tilespmem:v61+s13+$0x0], $0xffff;
	v2 =	vsel vm0, $0xFFFFFFFF, v2  }
0x349: {  	s0 =	rddreg [dreg:$0x6];
	v28 =	vsel vm0, v51, v28;
	v34 =	vld.idx.msk [tilespmem:v34+s13+$0x0], $0xffff;
	[tilespmem:$0x1FD20] =	vst v2  }
0x34a: {  	v47 =	vor.u32 $0x10, v54;
	v60 =	vor.u32 s0, v28;
	vm4 =	vge.f32 v26, v35;
	v56 =	vld.idx.msk [tilespmem:v62+s13+$0x0], $0xffff  }
0x34b: {  	v24 =	vsel vm4, v47, v54;
	v54 =	vor.u32 $0x10, v29;
	v52 =	vor.u32 $0x20, v48  }
0x34c: {  	v53 =	vor.u32 s18, v24;
	v45 =	vor.u32 $0x40, v9;
	v55 =	vsel vm11, v52, v48  }
0x34d: {  	vm11 =	vge.f32 v27, v36;
	v49 =	vsel vm8, $0x80, v1;
	vm8 =	vge.f32 v17, v37  }
0x34e: {  	v58 =	vor.u32 $0x10, v55;
	v29 =	vsel vm8, v54, v29;
	v57 =	vor.u32 $0x40, v49  }
0x34f: {  	v25 =	vsel vm15, v58, v55;
	v2 =	vimm.s32 $0x0;
	vm15 =	vge.f32 v7, v56  }
0x350: {  	v37 =	vsel vm9, v57, v49;
	v62 =	vor.u32 $0x40, v14;
	v2 =	vsel vm15, $0xFFFFFFFF, v2  }
0x351: {  	s9 =	smov.u32 s1;
	s1 =	rddreg [dreg:$0xe];
	v59 =	vor.u32 s17, v29;
	v42 =	vld.idx.msk [tilespmem:v53+s13+$0x0], $0xffff;
	vm9 =	vge.f32 v16, v34;
	v14 =	vsel vm11, v62, v14;
	[tilespmem:$0x1FD50] =	vst v2  }
0x352: {  	s15 =	rddreg [dreg:$0xd];
	v9 =	vsel vm9, v45, v9;
	v14 =	vor.u32 s1, v14;
	v49 =	vld.idx.msk [tilespmem:v60+s13+$0x0], $0xffff  }
0x353: {  	v9 =	vor.u32 s15, v9;
	_ =	sdelay $0x2  }
0x354: {  	v61 =	vor.u32 $0x2, v6;
	v47 =	vld.idx.msk [tilespmem:v59+s13+$0x0], $0xffff  }
0x355: {  	v6 =	vsel vm15, v61, v6;
	v2 =	vimm.s32 $0x0;
	v14 =	vld.idx.msk [tilespmem:v14+s13+$0x0], $0xffff;
	vm15 =	vge.f32 v8, v49  }
0x356: {  	v46 =	vor.u32 $0x20, v37;
	v9 =	vld.idx.msk [tilespmem:v9+s13+$0x0], $0xffff;
	v2 =	vsel vm15, $0xFFFFFFFF, v2  }
0x357: {  	v51 =	vor.u32 $0x8, v25;
	v34 =	vsel vm6, v46, v37;
	[tilespmem:$0x1FD40] =	vst v2;
	v2 =	vld [tilespmem:$0x1FC50]  }
0x358: {  	v25 =	vsel vm3, v51, v25;
	v53 =	vor.u32 $0x10, v34  }
0x359: {  	v52 =	vor.u32 $0x20, v24;
	v54 =	vor.u32 $0x4, v25;
	v34 =	vsel vm14, v53, v34  }
0x35a: {  	v55 =	vor.u32 $0x4, v28;
	v25 =	vsel vm1, v54, v25;
	v57 =	vor.u32 $0x8, v34  }
0x35b: {  	vm3 =	vge.f32 v26, v42;
	v56 =	vor.u32 $0x20, v29;
	v34 =	vsel vm5, v57, v34  }
0x35c: {  	v24 =	vsel vm3, v52, v24;
	v60 =	vor.u32 $0x4, v34;
	vm14 =	vnez.u8 v2;
	v2 =	vld [tilespmem:$0x1FC60]  }
0x35d: {  	s1 =	sld [smem:$0x7E3];
	v38 =	vor.u32 s7, v24;
	v59 =	vor.u32 $0x2, v25;
	v34 =	vsel vm2, v60, v34  }
0x35e: {  	v25 =	vsel vm11, v59, v25;
	v61 =	vor.u32 $0x2, v34;
	vm6 =	vge.f32 v17, v47  }
0x35f: {  	s19 =	rddreg [dreg:$0x4];
	vm5 =	vge.f32 v27, v14;
	v29 =	vsel vm6, v56, v29;
	v28 =	vsel vm15, v55, v28  }
0x360: {  	v14 =	vsel vm5, $0x1, v1;
	v58 =	vor.u32 s1, v29;
	v37 =	vor.u32 s19, v28;
	s19 =	sld [smem:$0x7E4]  }
0x361: {  	vm11 =	vge.f32 v16, v9;
	v14 =	vor.u32 v14, v25;
	vm15 =	vnez.u8 v2;
	v2 =	vld [tilespmem:$0x1FC70]  }
0x362: {  	s15 =	smov.u32 s7;
	s7 =	sld [smem:$0x7E5];
	v62 =	vsel vm9, v61, v34;
	v16 =	vsel vm11, $0x1, v1;
	v14 =	vshll.u32 v14, $0x8  }
0x363: {  	s30 =	smov.u32 s17;
	s17 =	rddreg [dreg:$0x3];
	v9 =	vor.u32 v16, v62;
	v38 =	vld.idx.msk [tilespmem:v38+s13+$0x0], $0xffff;
	v14 =	vadd.s32 s19, v14  }
0x364: {  	v48 =	vor.u32 s17, v6;
	v9 =	vadd.s32 v9, v14  }
0x365: {  	v40 =	vadd.s32 v12, v15;
	v41 =	vld.idx.msk [tilespmem:v58+s13+$0x0], $0xffff;
	[tilespmem:s7+$0x0] =	vst v9  }
0x366: {  	v39 =	vsel vm14, $0x80, v1;
	vm5 =	vnez.u8 v2;
	v2 =	vld [tilespmem:$0x1FC80]  }
0x367: {  	v42 =	vor.u32 $0x40, v39  }
0x368: {  	v43 =	vor.u32 $0x40, v24;
	vm0 =	vge.f32 v26, v38;
	v27 =	vsel vm15, v42, v39;
	s17 =	sld [smem:$0x7E6]  }
0x369: {  	v49 =	vor.u32 $0x40, v29;
	v44 =	vld.idx.msk [tilespmem:v48+s13+$0x0], $0xffff;
	v45 =	vsel vm0, v43, v24;
	v46 =	vor.u32 $0x20, v27  }
0x36a: {  	vm9 =	vge.f32 v17, v41;
	v14 =	vld.idx.msk [tilespmem:v40+s3+$0x0], $0xffff;
	s22 =	sld [smem:$0x7E7];
	v16 =	vsel vm10, v46, v27;
	v47 =	vsel vm5, $0x80, v1  }
0x36b: {  	v52 =	vld.idx.msk [tilespmem:v13+s13+$0x0], $0xffff;
	v48 =	vor.u32 s17, v45;
	v51 =	vor.u32 $0x40, v47;
	vm10 =	vnez.u8 v2  }
0x36c: {  	v55 =	vor.u32 $0x4, v6;
	v15 =	vsel vm9, v49, v29;
	v24 =	vsel vm10, v51, v47  }
0x36d: {  	v53 =	vor.u32 $0x10, v16;
	v15 =	vor.u32 s22, v15;
	v54 =	vor.u32 $0x20, v24  }
0x36e: {  	v16 =	vsel vm12, v53, v16;
	vm12 =	vge.f32 v7, v44;
	v24 =	vsel vm7, v54, v24  }
0x36f: {  	v61 =	vadd.s32 v12, v11;
	v25 =	vsel vm12, v55, v6;
	v57 =	vor.u32 $0x10, v24  }
0x370: {  	vm11 =	vge.f32 v14, v52;
	v6 =	vld.idx.msk [tilespmem:v48+s13+$0x0], $0xffff;
	v2 =	vimm.s32 $0x0;
	v59 =	vsel vm13, v57, v24  }
0x371: {  	v41 =	vor.u32 $0x8, v28;
	v2 =	vsel vm11, $0xFFFFFFFF, v2;
	v27 =	vor.u32 $0x8, v59  }
0x372: {  	v60 =	vld.idx.msk [tilespmem:v37+s13+$0x0], $0xffff;
	v42 =	vadd.s32 v12, v23;
	v56 =	vor.u32 $0x8, v16;
	[tilespmem:$0x1FD60] =	vst v2;
	v62 =	vsel vm8, v27, v59  }
0x373: {  	v58 =	vor.u32 s14, v25;
	v9 =	vsel vm4, v56, v16;
	v15 =	vld.idx.msk [tilespmem:v15+s13+$0x0], $0xffff;
	v39 =	vor.u32 $0x4, v62  }
0x374: {  	v36 =	vsel vm11, $0x1, v1;
	v37 =	vor.u32 $0x4, v9;
	v13 =	vsel vm6, v39, v62  }
0x375: {  	v9 =	vsel vm3, v37, v9;
	v43 =	vld.idx.msk [tilespmem:v10+s13+$0x0], $0xffff;
	vm13 =	vge.f32 v26, v6;
	v6 =	vor.u32 $0x2, v13  }
0x376: {  	v38 =	vor.u32 s24, v36;
	v40 =	vor.u32 $0x2, v9;
	v13 =	vsel vm9, v6, v13;
	v6 =	vld.idx.msk [tilespmem:v61+s3+$0x0], $0xffff  }
0x377: {  	s14 =	sld [smem:$0x7E8];
	v9 =	vsel vm0, v40, v9;
	v26 =	vsel vm13, $0x1, v1;
	vm8 =	vge.f32 v8, v60  }
0x378: {  	v9 =	vor.u32 v26, v9;
	vm14 =	vge.f32 v17, v15;
	v44 =	vsel vm8, v41, v28  }
0x379: {  	v9 =	vshll.u32 v9, $0x8;
	v15 =	vsel vm14, $0x1, v1;
	v45 =	vor.u32 s16, v44;
	s16 =	sld [smem:$0x7E9]  }
0x37a: {  	v9 =	vadd.s32 s14, v9;
	v13 =	vor.u32 v15, v13  }
0x37b: {  	v2 =	vimm.s32 $0x0;
	v46 =	vld.idx.msk [tilespmem:v38+s13+$0x0], $0xffff;
	v9 =	vadd.s32 v13, v9;
	vm15 =	vge.f32 v6, v43  }
0x37c: {  	v48 =	vld.idx.msk [tilespmem:v58+s13+$0x0], $0xffff;
	[tilespmem:s16+$0x0] =	vst v9;
	v2 =	vsel vm15, $0xFFFFFFFF, v2  }
0x37d: {  	v47 =	vadd.s32 v12, v22;
	v9 =	vld.idx.msk [tilespmem:v42+s3+$0x0], $0xffff;
	[tilespmem:$0x1FD80] =	vst v2  }
0x37e: {  	v51 =	vld.idx.msk [tilespmem:v21+s13+$0x0], $0xffff;
	_ =	sdelay $0x1  }
0x37f: {  	vm4 =	vge.f32 v14, v46;
	s24 =	rddreg [dreg:$0x10];
	v49 =	vsel vm15, $0x1, v1;
	v2 =	vimm.s32 $0x0  }
0x380: {  	v52 =	vor.u32 s24, v49;
	v23 =	vld.idx.msk [tilespmem:v45+s13+$0x0], $0xffff;
	v2 =	vsel vm4, $0xFFFFFFFF, v2  }
0x381: {  	v10 =	vld.idx.msk [tilespmem:v47+s3+$0x0], $0xffff;
	[tilespmem:$0x1FD70] =	vst v2  }
0x382: {  	v2 =	vimm.s32 $0x0;
	v55 =	vld.idx.msk [tilespmem:v20+s13+$0x0], $0xffff;
	vm5 =	vge.f32 v9, v51  }
0x383: {  	v53 =	vor.u32 $0x2, v36;
	v2 =	vsel vm5, $0xFFFFFFFF, v2  }
0x384: {  	v56 =	vor.u32 $0x8, v25;
	v54 =	vsel vm4, v53, v36;
	vm9 =	vge.f32 v7, v48;
	s3 =	rddreg [dreg:$0x11];
	[tilespmem:$0x1FDA0] =	vst v2  }
0x385: {  	v13 =	vsel vm9, v56, v25;
	v16 =	vor.u32 s3, v54;
	v57 =	vld.idx.msk [tilespmem:v52+s13+$0x0], $0xffff  }
0x386: {  	v20 =	vor.u32 s28, v13  }
0x387: {  	v58 =	vsel vm5, $0x1, v1;
	vm6 =	vge.f32 v10, v55;
	v2 =	vimm.s32 $0x0  }
0x388: {  	v59 =	vor.u32 s5, v58;
	v2 =	vsel vm6, $0xFFFFFFFF, v2  }
0x389: {  	v62 =	vsel vm6, $0x1, v1;
	[tilespmem:$0x1FDC0] =	vst v2  }
0x38a: {  	v34 =	vor.u32 s6, v62;
	v2 =	vimm.s32 $0x0;
	v16 =	vld.idx.msk [tilespmem:v16+s13+$0x0], $0xffff;
	vm10 =	vge.f32 v6, v57  }
0x38b: {  	v35 =	vld.idx.msk [tilespmem:v33+s13+$0x0], $0xffff;
	v2 =	vsel vm10, $0xFFFFFFFF, v2  }
0x38c: {  	v20 =	vld.idx.msk [tilespmem:v20+s13+$0x0], $0xffff;
	[tilespmem:$0x1FD90] =	vst v2  }
0x38d: {  	v60 =	vor.u32 $0x10, v44;
	vm7 =	vge.f32 v8, v23;
	v24 =	vld.idx.msk [tilespmem:v59+s13+$0x0], $0xffff  }
0x38e: {  	v36 =	vor.u32 $0x2, v49;
	v17 =	vsel vm7, v60, v44;
	s5 =	rddreg [dreg:$0x19]  }
0x38f: {  	v61 =	vor.u32 s5, v17;
	s6 =	rddreg [dreg:$0xc];
	v11 =	vsel vm10, v36, v49;
	v25 =	vld.idx.msk [tilespmem:v34+s13+$0x0], $0xffff  }
0x390: {  	v27 =	vor.u32 s6, v11;
	_ =	sdelay $0x1  }
0x391: {  	v2 =	vimm.s32 $0x0;
	vm11 =	vge.f32 v9, v24  }
0x392: {  	v2 =	vsel vm11, $0xFFFFFFFF, v2  }
0x393: {  	v15 =	vld.idx.msk [tilespmem:v61+s13+$0x0], $0xffff;
	vm13 =	vge.f32 v10, v25;
	[tilespmem:$0x1FDB0] =	vst v2;
	v2 =	vimm.s32 $0x0  }
0x394: {  	v43 =	vld.idx.msk [tilespmem:v27+s13+$0x0], $0xffff;
	v2 =	vsel vm13, $0xFFFFFFFF, v2  }
0x395: {  	[tilespmem:$0x1FDE0] =	vst v2;
	v2 =	vld [tilespmem:$0x1FE60];
	_ =	sdelay $0x4  }
0x396: {  	vm14 =	vnez.u8 v2;
	v2 =	vld [tilespmem:$0x1FC90];
	_ =	sdelay $0x4  }
0x397: {  	vm4 =	vnez.u8 v2;
	v2 =	vld [tilespmem:$0x1FE70];
	_ =	sdelay $0x4  }
0x398: {  	vm6 =	vnez.u8 v2;
	v2 =	vld [tilespmem:$0x1FCA0];
	_ =	sdelay $0x4  }
0x399: {  	vm10 =	vnez.u8 v2;
	v2 =	vld [tilespmem:$0x1FCB0];
	_ =	sdelay $0x1  }
0x39a: {  	v42 =	vor.u32 $0x2, v58  }
0x39b: {  	v22 =	vsel vm11, v42, v58  }
0x39c: {  	v44 =	vor.u32 s4, v22  }
0x39d: {  	vm11 =	vnez.u8 v2;
	v2 =	vld [tilespmem:$0x1FCC0]  }
0x39e: {  	s28 =	sld [smem:$0x7EA]  }
0x39f: {  	v38 =	vor.u32 $0x4, v54;
	vm15 =	vge.f32 v14, v16  }
0x3a0: {  	v12 =	vsel vm15, v38, v54  }
0x3a1: {  	v46 =	vor.u32 $0x2, v62;
	v40 =	vor.u32 s28, v12;
	v55 =	vld.idx.msk [tilespmem:v44+s13+$0x0], $0xffff  }
0x3a2: {  	v23 =	vsel vm13, v46, v62;
	v47 =	vsel vm14, $0x80, v1;
	vm13 =	vnez.u8 v2;
	v2 =	vld [tilespmem:$0x1FCD0]  }
0x3a3: {  	v49 =	vor.u32 s2, v23;
	v51 =	vor.u32 $0x40, v47  }
0x3a4: {  	vm2 =	vge.f32 v8, v15;
	v15 =	vsel vm4, v51, v47  }
0x3a5: {  	v54 =	vor.u32 $0x20, v15  }
0x3a6: {  	v15 =	vsel vm10, v54, v15  }
0x3a7: {  	v48 =	vld.idx.msk [tilespmem:v40+s13+$0x0], $0xffff;
	vm10 =	vge.f32 v9, v55;
	vm4 =	vnez.u8 v2;
	v2 =	vimm.s32 $0x0  }
0x3a8: {  	v28 =	vld.idx.msk [tilespmem:v49+s13+$0x0], $0xffff;
	v2 =	vsel vm10, $0xFFFFFFFF, v2  }
0x3a9: {  	[tilespmem:$0x1FDD0] =	vst v2;
	v2 =	vld [tilespmem:$0x1FCE0];
	_ =	sdelay $0x2  }
0x3aa: {  	v53 =	vsel vm6, $0x80, v1  }
0x3ab: {  	v57 =	vor.u32 $0x40, v53  }
0x3ac: {  	vm3 =	vge.f32 v7, v20;
	v20 =	vsel vm11, v57, v53;
	vm11 =	vnez.u8 v2;
	v2 =	vld [tilespmem:$0x1FCF0]  }
0x3ad: {  	v37 =	vor.u32 $0x40, v31;
	vm0 =	vge.f32 v18, v32  }
0x3ae: {  	s24 =	rddreg [dreg:$0x8];
	v21 =	vsel vm0, v37, v31  }
0x3af: {  	v21 =	vor.u32 s24, v21;
	s4 =	sld [smem:$0x7EB]  }
0x3b0: {  	v52 =	vor.u32 $0x4, v11;
	vm14 =	vge.f32 v6, v43;
	v59 =	vor.u32 $0x10, v15  }
0x3b1: {  	v29 =	vsel vm14, v52, v11;
	v15 =	vsel vm13, v59, v15;
	vm13 =	vnez.u8 v2;
	v2 =	vld [tilespmem:$0x1FD00]  }
0x3b2: {  	v56 =	vor.u32 s4, v29;
	_ =	sdelay $0x1  }
0x3b3: {  	v62 =	vor.u32 $0x4, v22;
	v60 =	vor.u32 $0x20, v20  }
0x3b4: {  	v22 =	vsel vm10, v62, v22;
	v20 =	vsel vm4, v60, v20  }
0x3b5: {  	vm10 =	vge.f32 v10, v28;
	v33 =	vld.idx.msk [tilespmem:v21+s13+$0x0], $0xffff;
	vm4 =	vnez.u8 v2;
	v2 =	vimm.s32 $0x0  }
0x3b6: {  	v37 =	vld.idx.msk [tilespmem:v56+s13+$0x0], $0xffff;
	v2 =	vsel vm10, $0xFFFFFFFF, v2  }
0x3b7: {  	[tilespmem:$0x1FDF0] =	vst v2;
	v2 =	vld [tilespmem:$0x1FFB0];
	_ =	sdelay $0x3  }
0x3b8: {  	v61 =	vor.u32 $0x10, v20  }
0x3b9: {  	v32 =	vsel vm11, v61, v20;
	vm11 =	vnez.u8 v2;
	v2 =	vld [tilespmem:$0x1FFC0];
	_ =	sdelay $0x3  }
0x3ba: {  	v34 =	vor.u32 $0x8, v15  }
0x3bb: {  	v36 =	vor.u32 $0x8, v32;
	v15 =	vsel vm13, v34, v15;
	vm13 =	vnez.u8 v2;
	v2 =	vld [tilespmem:$0x1FD10]  }
0x3bc: {  	v11 =	vsel vm4, v36, v32  }
0x3bd: {  	v40 =	vor.u32 $0x4, v11  }
0x3be: {  	v39 =	vor.u32 $0x40, v30;
	vm5 =	vge.f32 v19, v35;
	v11 =	vsel vm13, v40, v11  }
0x3bf: {  	v16 =	vsel vm5, v39, v30;
	v58 =	vor.u32 $0x8, v12;
	v31 =	vor.u32 $0x2, v11  }
0x3c0: {  	vm6 =	vge.f32 v14, v48;
	v11 =	vsel vm5, v31, v11;
	vm5 =	vnez.u8 v2;
	v2 =	vld [tilespmem:$0x1FD20]  }
0x3c1: {  	v12 =	vsel vm6, v58, v12  }
0x3c2: {  	s3 =	rddreg [dreg:$0xa];
	v30 =	vor.u32 s8, v12  }
0x3c3: {  	v16 =	vor.u32 s3, v16  }
0x3c4: {  	v41 =	vor.u32 $0x10, v13;
	v45 =	vor.u32 $0x20, v17;
	v39 =	vor.u32 $0x4, v15  }
0x3c5: {  	v13 =	vsel vm3, v41, v13;
	v15 =	vsel vm11, v39, v15;
	vm11 =	vnez.u8 v2;
	v2 =	vld [tilespmem:$0x1FD30]  }
0x3c6: {  	s5 =	sld [smem:$0x7EC];
	v24 =	vor.u32 s31, v13;
	v17 =	vsel vm2, v45, v17  }
0x3c7: {  	v26 =	vor.u32 s23, v17;
	v30 =	vld.idx.msk [tilespmem:v30+s13+$0x0], $0xffff  }
0x3c8: {  	v16 =	vld.idx.msk [tilespmem:v16+s13+$0x0], $0xffff  }
0x3c9: {  	v38 =	vor.u32 $0x4, v23;
	v43 =	vor.u32 $0x8, v29;
	v35 =	vor.u32 s5, v22  }
0x3ca: {  	v58 =	vor.u32 $0x40, v17;
	v42 =	vsel vm5, $0x80, v1;
	vm5 =	vnez.u8 v2;
	v2 =	vld [tilespmem:$0x1FD40]  }
0x3cb: {  	v46 =	vor.u32 $0x10, v12;
	v49 =	vor.u32 $0x8, v22;
	v23 =	vsel vm10, v38, v23;
	v44 =	vld.idx.msk [tilespmem:v24+s13+$0x0], $0xffff  }
0x3cc: {  	v53 =	vor.u32 $0x20, v13;
	v27 =	vor.u32 s26, v23;
	vm4 =	vge.f32 v18, v33;
	v26 =	vld.idx.msk [tilespmem:v26+s13+$0x0], $0xffff  }
0x3cd: {  	s6 =	sld [smem:$0x7ED];
	v18 =	vsel vm4, $0x1, v1;
	vm4 =	vge.f32 v14, v30;
	vm10 =	vge.f32 v19, v16  }
0x3ce: {  	v41 =	vld.idx.msk [tilespmem:v35+s13+$0x0], $0xffff;
	v28 =	vor.u32 $0x2, v15;
	vm13 =	vge.f32 v6, v37;
	v48 =	vor.u32 $0x40, v42  }
0x3cf: {  	v45 =	vsel vm13, v43, v29;
	v19 =	vsel vm11, v48, v42;
	vm11 =	vnez.u8 v2;
	v2 =	vld [tilespmem:$0x1FD50]  }
0x3d0: {  	v15 =	vsel vm0, v28, v15;
	v28 =	vsel vm4, v46, v12;
	v29 =	vor.u32 s6, v45  }
0x3d1: {  	vm1 =	vge.f32 v7, v44;
	vm0 =	vge.f32 v8, v26;
	v47 =	vor.u32 s11, v28  }
0x3d2: {  	v54 =	vor.u32 $0x8, v23;
	v13 =	vsel vm1, v53, v13;
	v17 =	vsel vm0, v58, v17  }
0x3d3: {  	s8 =	sld [smem:$0x7EE];
	v27 =	vld.idx.msk [tilespmem:v27+s13+$0x0], $0xffff;
	v12 =	vsel vm10, $0x1, v1;
	v17 =	vor.u32 s10, v17;
	v51 =	vsel vm5, $0x80, v1  }
0x3d4: {  	vm10 =	vge.f32 v9, v41;
	v55 =	vor.u32 $0x40, v51;
	vm5 =	vnez.u8 v2;
	v2 =	vld [tilespmem:$0x1FD60]  }
0x3d5: {  	v56 =	vor.u32 s12, v13;
	v22 =	vsel vm10, v49, v22;
	v29 =	vld.idx.msk [tilespmem:v29+s13+$0x0], $0xffff;
	v20 =	vsel vm5, v55, v51  }
0x3d6: {  	v62 =	vor.u32 $0x20, v28;
	v25 =	vor.u32 s8, v22;
	v16 =	vld.idx.msk [tilespmem:v47+s13+$0x0], $0xffff;
	v60 =	vor.u32 $0x20, v20  }
0x3d7: {  	v61 =	vor.u32 $0x10, v45;
	v52 =	vor.u32 $0x20, v19;
	v20 =	vsel vm12, v60, v20  }
0x3d8: {  	v17 =	vld.idx.msk [tilespmem:v17+s13+$0x0], $0xffff;
	v19 =	vsel vm11, v52, v19;
	vm11 =	vge.f32 v10, v27;
	v35 =	vor.u32 $0x10, v20  }
0x3d9: {  	v59 =	vor.u32 $0x10, v19;
	v20 =	vsel vm9, v35, v20;
	vm9 =	vnez.u8 v2;
	v2 =	vld [tilespmem:$0x1FD70]  }
0x3da: {  	v23 =	vsel vm11, v54, v23;
	v19 =	vsel vm8, v59, v19;
	vm8 =	vge.f32 v6, v29  }
0x3db: {  	s11 =	rddreg [dreg:$0x1d];
	v21 =	vld.idx.msk [tilespmem:v56+s13+$0x0], $0xffff;
	v57 =	vor.u32 s9, v23;
	v24 =	vsel vm8, v61, v45;
	vm12 =	vge.f32 v14, v16  }
0x3dc: {  	s12 =	rddreg [dreg:$0x1c];
	v34 =	vor.u32 s11, v24;
	v33 =	vsel vm12, v62, v28  }
0x3dd: {  	v28 =	vor.u32 s12, v33;
	v43 =	vsel vm9, $0x80, v1;
	vm9 =	vge.f32 v8, v17  }
0x3de: {  	v8 =	vsel vm9, $0x1, v1;
	vm9 =	vnez.u8 v2;
	v2 =	vld [tilespmem:$0x1FD80]  }
0x3df: {  	v40 =	vor.u32 $0x40, v13;
	v25 =	vld.idx.msk [tilespmem:v25+s13+$0x0], $0xffff;
	v32 =	vor.u32 $0x8, v19;
	v29 =	vor.u32 $0x8, v20  }
0x3e0: {  	v27 =	vld.idx.msk [tilespmem:v57+s13+$0x0], $0xffff;
	v20 =	vsel vm3, v29, v20;
	vm3 =	vge.f32 v7, v21;
	v45 =	vor.u32 $0x40, v43  }
0x3e1: {  	v16 =	vsel vm7, v32, v19;
	v19 =	vld.idx.msk [tilespmem:v34+s13+$0x0], $0xffff;
	v13 =	vsel vm3, v40, v13;
	v47 =	vsel vm9, v45, v43  }
0x3e2: {  	v13 =	vor.u32 s21, v13;
	v28 =	vld.idx.msk [tilespmem:v28+s13+$0x0], $0xffff;
	v51 =	vor.u32 $0x20, v47  }
0x3e3: {  	v37 =	vor.u32 $0x4, v16;
	v52 =	vsel vm15, v51, v47;
	vm15 =	vnez.u8 v2;
	v2 =	vld [tilespmem:$0x1FD90]  }
0x3e4: {  	v36 =	vor.u32 $0x10, v22;
	vm5 =	vge.f32 v9, v25;
	v16 =	vsel vm2, v37, v16  }
0x3e5: {  	v22 =	vsel vm5, v36, v22;
	v42 =	vor.u32 $0x2, v16  }
0x3e6: {  	v39 =	vor.u32 $0x10, v23;
	v38 =	vor.u32 s18, v22;
	v16 =	vsel vm0, v42, v16  }
0x3e7: {  	vm7 =	vge.f32 v10, v27;
	v13 =	vld.idx.msk [tilespmem:v13+s13+$0x0], $0xffff;
	vm0 =	vge.f32 v14, v28;
	v28 =	vor.u32 $0x10, v52  }
0x3e8: {  	vm9 =	vge.f32 v6, v19;
	v19 =	vsel vm6, v28, v52;
	vm6 =	vnez.u8 v2;
	v2 =	vld [tilespmem:$0x1FDA0]  }
0x3e9: {  	v23 =	vsel vm7, v39, v23;
	v60 =	vsel vm15, $0x80, v1  }
0x3ea: {  	v49 =	vor.u32 $0x40, v33;
	v41 =	vor.u32 s30, v23;
	v62 =	vor.u32 $0x40, v60  }
0x3eb: {  	s21 =	rddreg [dreg:$0xe];
	v26 =	vsel vm0, v49, v33;
	v58 =	vor.u32 $0x8, v19;
	v32 =	vsel vm6, v62, v60  }
0x3ec: {  	v25 =	vld.idx.msk [tilespmem:v38+s13+$0x0], $0xffff;
	v53 =	vor.u32 s21, v26;
	v19 =	vsel vm4, v58, v19;
	v34 =	vor.u32 $0x20, v32  }
0x3ed: {  	vm4 =	vge.f32 v7, v13;
	v13 =	vsel vm14, v34, v32;
	vm14 =	vnez.u8 v2;
	v2 =	vld [tilespmem:$0x1FDB0];
	_ =	sdelay $0x1  }
0x3ee: {  	v15 =	vor.u32 v18, v15  }
0x3ef: {  	s23 =	sld [smem:$0x7EF];
	v15 =	vshll.u32 v15, $0x8;
	v44 =	vor.u32 $0x4, v20;
	v21 =	vld.idx.msk [tilespmem:v41+s13+$0x0], $0xffff  }
0x3f0: {  	v48 =	vor.u32 $0x20, v24;
	v55 =	vor.u32 $0x20, v22;
	v46 =	vsel vm1, v44, v20;
	v20 =	vld.idx.msk [tilespmem:v53+s13+$0x0], $0xffff  }
0x3f1: {  	s24 =	rddreg [dreg:$0x7];
	v24 =	vsel vm9, v48, v24;
	vm2 =	vge.f32 v9, v25;
	vm15 =	vnez.u8 v2;
	v2 =	vld [tilespmem:$0x1FDC0]  }
0x3f2: {  	v15 =	vadd.s32 s24, v15;
	v54 =	vor.u32 s23, v24;
	v22 =	vsel vm2, v55, v22  }
0x3f3: {  	v8 =	vor.u32 v8, v16;
	v56 =	vor.u32 $0x2, v46;
	v57 =	vor.u32 s15, v22  }
0x3f4: {  	v59 =	vor.u32 $0x20, v23;
	v17 =	vsel vm3, v56, v46;
	v33 =	vor.u32 $0x4, v19  }
0x3f5: {  	vm3 =	vge.f32 v10, v21;
	v19 =	vsel vm12, v33, v19;
	vm12 =	vge.f32 v14, v20  }
0x3f6: {  	v23 =	vsel vm3, v59, v23;
	v14 =	vsel vm12, $0x1, v1;
	vm12 =	vnez.u8 v2;
	v2 =	vld [tilespmem:$0x1FDD0]  }
0x3f7: {  	v11 =	vor.u32 v12, v11;
	v8 =	vshll.u32 v8, $0x8;
	v26 =	vld.idx.msk [tilespmem:v54+s13+$0x0], $0xffff;
	v61 =	vor.u32 s1, v23  }
0x3f8: {  	v11 =	vadd.s32 v11, v15;
	v8 =	vadd.s32 s25, v8;
	v36 =	vld.idx.msk [tilespmem:v57+s13+$0x0], $0xffff  }
0x3f9: {  	v38 =	vor.u32 $0x40, v24;
	v7 =	vsel vm4, $0x1, v1;
	v35 =	vor.u32 $0x2, v19  }
0x3fa: {  	v41 =	vor.u32 $0x40, v22;
	v7 =	vor.u32 v7, v17;
	v37 =	vsel vm0, v35, v19  }
0x3fb: {  	v43 =	vor.u32 $0x40, v23;
	v40 =	vsel vm14, $0x80, v1;
	vm14 =	vnez.u8 v2;
	v2 =	vld [tilespmem:$0x1FDE0]  }
0x3fc: {  	v7 =	vadd.s32 v7, v8;
	vm0 =	vge.f32 v6, v26;
	v45 =	vor.u32 $0x10, v13;
	v39 =	vld.idx.msk [tilespmem:v61+s13+$0x0], $0xffff  }
0x3fd: {  	s26 =	rddreg [dreg:$0xd];
	v18 =	vsel vm0, v38, v24;
	vm1 =	vge.f32 v9, v36;
	v13 =	vsel vm13, v45, v13  }
0x3fe: {  	v18 =	vor.u32 s26, v18;
	v48 =	vor.u32 $0x8, v13;
	v20 =	vsel vm1, v41, v22  }
0x3ff: {  	v42 =	vor.u32 $0x40, v40;
	v13 =	vsel vm8, v48, v13;
	v20 =	vor.u32 s17, v20  }
0x400: {  	v51 =	vor.u32 $0x4, v13;
	v16 =	vsel vm15, v42, v40;
	vm15 =	vnez.u8 v2;
	v2 =	vld [tilespmem:$0x1FDF0]  }
0x401: {  	v14 =	vor.u32 v14, v37;
	v13 =	vsel vm9, v51, v13;
	vm6 =	vge.f32 v10, v39  }
0x402: {  	v14 =	vshll.u32 v14, $0x8;
	v19 =	vsel vm6, v43, v23;
	v44 =	vsel vm12, $0x80, v1  }
0x403: {  	v18 =	vld.idx.msk [tilespmem:v18+s13+$0x0], $0xffff;
	v46 =	vor.u32 $0x20, v16;
	v19 =	vor.u32 s22, v19;
	v47 =	vor.u32 $0x40, v44  }
0x404: {  	v53 =	vor.u32 $0x2, v13;
	v16 =	vsel vm14, v46, v16;
	v21 =	vsel vm15, v47, v44  }
0x405: {  	v49 =	vor.u32 $0x10, v16;
	v23 =	vor.u32 $0x20, v21;
	vm12 =	vnez.u8 v2  }
0x406: {  	v14 =	vadd.s32 s19, v14;
	v20 =	vld.idx.msk [tilespmem:v20+s13+$0x0], $0xffff;
	v16 =	vsel vm10, v49, v16;
	v21 =	vsel vm12, v23, v21  }
0x407: {  	v13 =	vsel vm0, v53, v13;
	v52 =	vor.u32 $0x8, v16;
	v23 =	vor.u32 $0x10, v21  }
0x408: {  	vm13 =	vge.f32 v6, v18;
	v19 =	vld.idx.msk [tilespmem:v19+s13+$0x0], $0xffff;
	v16 =	vsel vm5, v52, v16;
	v21 =	vsel vm11, v23, v21  }
0x409: {  	s28 =	rddreg [dreg:$0x9];
	v6 =	vsel vm13, $0x1, v1;
	v54 =	vor.u32 $0x4, v16;
	v23 =	vor.u32 $0x8, v21  }
0x40a: {  	v6 =	vor.u32 v6, v13;
	[tilespmem:s28+$0x10] =	vst v11;
	v16 =	vsel vm2, v54, v16;
	v21 =	vsel vm7, v23, v21  }
0x40b: {  	vm14 =	vge.f32 v9, v20;
	[tilespmem:s20+$0x10] =	vst v7;
	v55 =	vor.u32 $0x2, v16;
	v56 =	vor.u32 $0x4, v21  }
0x40c: {  	v9 =	vsel vm14, $0x1, v1;
	s30 =	sld [smem:$0x7F1];
	v16 =	vsel vm1, v55, v16;
	v57 =	vsel vm3, v56, v21  }
0x40d: {  	vm15 =	vge.f32 v10, v19;
	v9 =	vor.u32 v9, v16;
	v58 =	vor.u32 $0x2, v57  }
0x40e: {  	v60 =	vsel vm15, $0x1, v1;
	v61 =	vshll.u32 v9, $0x8;
	v59 =	vsel vm6, v58, v57  }
0x40f: {  	v6 =	vadd.s32 v6, v14;
	s1 =	sadd.s32 $0x1, s30;
	v7 =	vadd.s32 s14, v61;
	v62 =	vor.u32 v60, v59  }
0x410: {  	[tilespmem:s7+$0x10] =	vst v6;
	p1 =	sne.s32 s1, $0x8;
	v6 =	vadd.s32 v62, v7  }
.Ltmp1:
0x411: {  	[tilespmem:s16+$0x10] =	vst v6;
	(pc) =	sbr.rel @p1 .LBB2_2-.Ltmp1, $2  }
0x412: {  	s31 =	sld [smem:$0x7F2];
	_ =	sdelay $0x2  }
0x413: {  	p0 =	por !p0, !p0;
	s15 =	simm.s32 $0x0;
	s10 =	sadd.s32 $0x40, s31  }
0x414: {  	s18 =	simm.s32 $0x2  }
0x415: {  	_ =	swait.ge [sflag:s18], $0x6400  }
0x416: {  	[sflag:s18] =	ssyncset.done $0x0  }
0x417: {  	[sflag:s18] =	ssyncadd.s32 $0xFFFF9C00  }
0x418: {  	_ =	swait.ge [sflag:s18], $0x6400  }
0x419: {  	[sflag:s18] =	ssyncset.done $0x0  }
0x41a: {  	[sflag:s18] =	ssyncadd.s32 $0xFFFF9C00  }
0x41b: {  	_ =	swait.ge [sflag:s18], $0x80  }
0x41c: {  	s0 =	sld [smem:$0x7F7]  }
0x41d: {  	s1 =	simm.s32 $0x80;
	[sflag:s18] =	ssyncset.done $0x0  }
0x41e: {  	s2 =	simm.s32 $0x1A780;
	s3 =	simm.s32 $0x1BB80;
	[sflag:s18] =	ssyncadd.s32 $0xFFFFFF80  }
0x41f: {  	[tilespmem:s3], [sflag:$0x2] =	stream.indirect.gather [hbm4b:s0+s1], $0x1, s2, s1, $0xb8;
	[tilespmem:$0x1CF80] =	vst v63  }
0x420: {  	s24 =	simm.s32 $0x1A800;
	s25 =	simm.s32 $0x1BC00  }
0x421: {  	[tilespmem:s25], [sflag:$0x2] =	stream.indirect.gather [hbm4b:s0+s1], $0x1, s24, s1, $0xb8;
	[tilespmem:$0x1CF80] =	vst v63  }
0x422: {  	s26 =	simm.s32 $0x1A880;
	s28 =	simm.s32 $0x1BC80  }
0x423: {  	[tilespmem:s28], [sflag:$0x2] =	stream.indirect.gather [hbm4b:s0+s1], $0x1, s26, s1, $0xb8;
	[tilespmem:$0x1CF80] =	vst v63  }
0x424: {  	s30 =	simm.s32 $0x1A900;
	s31 =	simm.s32 $0x1BD00  }
0x425: {  	[tilespmem:s31], [sflag:$0x2] =	stream.indirect.gather [hbm4b:s0+s1], $0x1, s30, s1, $0xb8;
	[tilespmem:$0x1CF80] =	vst v63  }
0x426: {  	s4 =	simm.s32 $0x1BD80;
	s3 =	simm.s32 $0x1A980  }
0x427: {  	[tilespmem:s4], [sflag:$0x2] =	stream.indirect.gather [hbm4b:s0+s1], $0x1, s3, s1, $0xb8;
	[tilespmem:$0x1CF80] =	vst v63  }
0x428: {  	s5 =	simm.s32 $0x1AA00;
	s6 =	simm.s32 $0x1BE00  }
0x429: {  	[tilespmem:s6], [sflag:$0x2] =	stream.indirect.gather [hbm4b:s0+s1], $0x1, s5, s1, $0xb8;
	[tilespmem:$0x1CF80] =	vst v63  }
0x42a: {  	s7 =	simm.s32 $0x1AA80;
	s8 =	simm.s32 $0x1BE80  }
0x42b: {  	[tilespmem:s8], [sflag:$0x2] =	stream.indirect.gather [hbm4b:s0+s1], $0x1, s7, s1, $0xb8;
	[tilespmem:$0x1CF80] =	vst v63  }
0x42c: {  	s9 =	simm.s32 $0x1AB00;
	s10 =	simm.s32 $0x1BF00  }
0x42d: {  	[tilespmem:s10], [sflag:$0x2] =	stream.indirect.gather [hbm4b:s0+s1], $0x1, s9, s1, $0xb8;
	[tilespmem:$0x1CF80] =	vst v63  }
0x42e: {  	s11 =	simm.s32 $0x1AB80;
	s12 =	simm.s32 $0x1BF80  }
0x42f: {  	[tilespmem:s12], [sflag:$0x2] =	stream.indirect.gather [hbm4b:s0+s1], $0x1, s11, s1, $0xb8;
	[tilespmem:$0x1CF80] =	vst v63  }
0x430: {  	s14 =	simm.s32 $0x1AC00;
	s16 =	simm.s32 $0x1C000  }
0x431: {  	[tilespmem:s16], [sflag:$0x2] =	stream.indirect.gather [hbm4b:s0+s1], $0x1, s14, s1, $0xb8;
	[tilespmem:$0x1CF80] =	vst v63  }
0x432: {  	s17 =	simm.s32 $0x1AC80;
	s19 =	simm.s32 $0x1C080  }
0x433: {  	[tilespmem:s19], [sflag:$0x2] =	stream.indirect.gather [hbm4b:s0+s1], $0x1, s17, s1, $0xb8;
	[tilespmem:$0x1CF80] =	vst v63  }
0x434: {  	s20 =	simm.s32 $0x1AD00;
	s21 =	simm.s32 $0x1C100  }
0x435: {  	[tilespmem:s21], [sflag:$0x2] =	stream.indirect.gather [hbm4b:s0+s1], $0x1, s20, s1, $0xb8;
	[tilespmem:$0x1CF80] =	vst v63  }
0x436: {  	s22 =	simm.s32 $0x1AD80;
	s23 =	simm.s32 $0x1C180  }
0x437: {  	[tilespmem:s23], [sflag:$0x2] =	stream.indirect.gather [hbm4b:s0+s1], $0x1, s22, s1, $0xb8;
	[tilespmem:$0x1CF80] =	vst v63  }
0x438: {  	s24 =	simm.s32 $0x1AE00;
	s25 =	simm.s32 $0x1C200  }
0x439: {  	[tilespmem:s25], [sflag:$0x2] =	stream.indirect.gather [hbm4b:s0+s1], $0x1, s24, s1, $0xb8;
	[tilespmem:$0x1CF80] =	vst v63  }
0x43a: {  	s26 =	simm.s32 $0x1AE80;
	s28 =	simm.s32 $0x1C280  }
0x43b: {  	[tilespmem:s28], [sflag:$0x2] =	stream.indirect.gather [hbm4b:s0+s1], $0x1, s26, s1, $0xb8;
	[tilespmem:$0x1CF80] =	vst v63  }
0x43c: {  	s30 =	simm.s32 $0x1AF00;
	s31 =	simm.s32 $0x1C300  }
0x43d: {  	[tilespmem:s31], [sflag:$0x2] =	stream.indirect.gather [hbm4b:s0+s1], $0x1, s30, s1, $0xb8;
	[tilespmem:$0x1CF80] =	vst v63  }
0x43e: {  	s3 =	simm.s32 $0x1AF80;
	s4 =	simm.s32 $0x1C380  }
0x43f: {  	[tilespmem:s4], [sflag:$0x2] =	stream.indirect.gather [hbm4b:s0+s1], $0x1, s3, s1, $0xb8;
	[tilespmem:$0x1CF80] =	vst v63  }
0x440: {  	s5 =	simm.s32 $0x1B000;
	s6 =	simm.s32 $0x1C400  }
0x441: {  	[tilespmem:s6], [sflag:$0x2] =	stream.indirect.gather [hbm4b:s0+s1], $0x1, s5, s1, $0xb8;
	[tilespmem:$0x1CF80] =	vst v63  }
0x442: {  	s7 =	simm.s32 $0x1B080;
	s8 =	simm.s32 $0x1C480  }
0x443: {  	[tilespmem:s8], [sflag:$0x2] =	stream.indirect.gather [hbm4b:s0+s1], $0x1, s7, s1, $0xb8;
	[tilespmem:$0x1CF80] =	vst v63  }
0x444: {  	s9 =	simm.s32 $0x1B100;
	s10 =	simm.s32 $0x1C500  }
0x445: {  	[tilespmem:s10], [sflag:$0x2] =	stream.indirect.gather [hbm4b:s0+s1], $0x1, s9, s1, $0xb8;
	[tilespmem:$0x1CF80] =	vst v63  }
0x446: {  	s11 =	simm.s32 $0x1B180;
	s12 =	simm.s32 $0x1C580  }
0x447: {  	[tilespmem:s12], [sflag:$0x2] =	stream.indirect.gather [hbm4b:s0+s1], $0x1, s11, s1, $0xb8;
	[tilespmem:$0x1CF80] =	vst v63  }
0x448: {  	s14 =	simm.s32 $0x1B200;
	s16 =	simm.s32 $0x1C600  }
0x449: {  	[tilespmem:s16], [sflag:$0x2] =	stream.indirect.gather [hbm4b:s0+s1], $0x1, s14, s1, $0xb8;
	[tilespmem:$0x1CF80] =	vst v63  }
0x44a: {  	s17 =	simm.s32 $0x1B280;
	s19 =	simm.s32 $0x1C680  }
0x44b: {  	[tilespmem:s19], [sflag:$0x2] =	stream.indirect.gather [hbm4b:s0+s1], $0x1, s17, s1, $0xb8;
	[tilespmem:$0x1CF80] =	vst v63  }
0x44c: {  	s20 =	simm.s32 $0x1B300;
	s21 =	simm.s32 $0x1C700  }
0x44d: {  	[tilespmem:s21], [sflag:$0x2] =	stream.indirect.gather [hbm4b:s0+s1], $0x1, s20, s1, $0xb8;
	[tilespmem:$0x1CF80] =	vst v63  }
0x44e: {  	s22 =	simm.s32 $0x1B380;
	s23 =	simm.s32 $0x1C780  }
0x44f: {  	[tilespmem:s23], [sflag:$0x2] =	stream.indirect.gather [hbm4b:s0+s1], $0x1, s22, s1, $0xb8;
	[tilespmem:$0x1CF80] =	vst v63  }
0x450: {  	s24 =	simm.s32 $0x1B400;
	s25 =	simm.s32 $0x1C800  }
0x451: {  	[tilespmem:s25], [sflag:$0x2] =	stream.indirect.gather [hbm4b:s0+s1], $0x1, s24, s1, $0xb8;
	[tilespmem:$0x1CF80] =	vst v63  }
0x452: {  	s26 =	simm.s32 $0x1B480;
	s28 =	simm.s32 $0x1C880  }
0x453: {  	[tilespmem:s28], [sflag:$0x2] =	stream.indirect.gather [hbm4b:s0+s1], $0x1, s26, s1, $0xb8;
	[tilespmem:$0x1CF80] =	vst v63  }
0x454: {  	s30 =	simm.s32 $0x1B500;
	s31 =	simm.s32 $0x1C900  }
0x455: {  	[tilespmem:s31], [sflag:$0x2] =	stream.indirect.gather [hbm4b:s0+s1], $0x1, s30, s1, $0xb8;
	[tilespmem:$0x1CF80] =	vst v63  }
0x456: {  	s3 =	simm.s32 $0x1B580;
	s4 =	simm.s32 $0x1C980  }
0x457: {  	[tilespmem:s4], [sflag:$0x2] =	stream.indirect.gather [hbm4b:s0+s1], $0x1, s3, s1, $0xb8;
	[tilespmem:$0x1CF80] =	vst v63  }
0x458: {  	s5 =	simm.s32 $0x1B600;
	s6 =	simm.s32 $0x1CA00  }
0x459: {  	[tilespmem:s6], [sflag:$0x2] =	stream.indirect.gather [hbm4b:s0+s1], $0x1, s5, s1, $0xb8;
	[tilespmem:$0x1CF80] =	vst v63  }
0x45a: {  	s7 =	simm.s32 $0x1B680;
	s8 =	simm.s32 $0x1CA80  }
0x45b: {  	[tilespmem:s8], [sflag:$0x2] =	stream.indirect.gather [hbm4b:s0+s1], $0x1, s7, s1, $0xb8;
	[tilespmem:$0x1CF80] =	vst v63  }
0x45c: {  	s9 =	simm.s32 $0x1B700;
	s10 =	simm.s32 $0x1CB00  }
0x45d: {  	[tilespmem:s10], [sflag:$0x2] =	stream.indirect.gather [hbm4b:s0+s1], $0x1, s9, s1, $0xb8;
	[tilespmem:$0x1CF80] =	vst v63  }
0x45e: {  	s11 =	simm.s32 $0x1B780;
	s12 =	simm.s32 $0x1CB80  }
0x45f: {  	[tilespmem:s12], [sflag:$0x2] =	stream.indirect.gather [hbm4b:s0+s1], $0x1, s11, s1, $0xb8;
	[tilespmem:$0x1CF80] =	vst v63  }
0x460: {  	s14 =	simm.s32 $0x1B800;
	s16 =	simm.s32 $0x1CC00  }
0x461: {  	[tilespmem:s16], [sflag:$0x2] =	stream.indirect.gather [hbm4b:s0+s1], $0x1, s14, s1, $0xb8;
	[tilespmem:$0x1CF80] =	vst v63  }
0x462: {  	s17 =	simm.s32 $0x1B880;
	s19 =	simm.s32 $0x1CC80  }
0x463: {  	[tilespmem:s19], [sflag:$0x2] =	stream.indirect.gather [hbm4b:s0+s1], $0x1, s17, s1, $0xb8;
	[tilespmem:$0x1CF80] =	vst v63  }
0x464: {  	s20 =	simm.s32 $0x1B900;
	s21 =	simm.s32 $0x1CD00  }
0x465: {  	[tilespmem:s21], [sflag:$0x2] =	stream.indirect.gather [hbm4b:s0+s1], $0x1, s20, s1, $0xb8;
	[tilespmem:$0x1CF80] =	vst v63  }
0x466: {  	s22 =	simm.s32 $0x1B980;
	s23 =	simm.s32 $0x1CD80  }
0x467: {  	[tilespmem:s23], [sflag:$0x2] =	stream.indirect.gather [hbm4b:s0+s1], $0x1, s22, s1, $0xb8;
	[tilespmem:$0x1CF80] =	vst v63  }
0x468: {  	s24 =	simm.s32 $0x1BA00;
	s25 =	simm.s32 $0x1CE00  }
0x469: {  	[tilespmem:s25], [sflag:$0x2] =	stream.indirect.gather [hbm4b:s0+s1], $0x1, s24, s1, $0xb8;
	[tilespmem:$0x1CF80] =	vst v63  }
0x46a: {  	s26 =	simm.s32 $0x1BA80;
	s28 =	simm.s32 $0x1CE80  }
0x46b: {  	[tilespmem:s28], [sflag:$0x2] =	stream.indirect.gather [hbm4b:s0+s1], $0x1, s26, s1, $0xb8;
	[tilespmem:$0x1CF80] =	vst v63  }
0x46c: {  	s30 =	simm.s32 $0x1BB00;
	s31 =	simm.s32 $0x1CF00  }
0x46d: {  	[tilespmem:s31], [sflag:$0x2] =	stream.indirect.gather [hbm4b:s0+s1], $0x1, s30, s1, $0xb8;
	[tilespmem:$0x1CF80] =	vst v63  }
0x46e: {  	s17 =	simm.s32 $0x12C00;
	s0 =	simm.s32 $0x0;
	s1 =	simm.s32 $0x0  }
.LBB2_6:
0x46f: {  	s7 =	simm.s32 $0x1FE;
	s2 =	sshll.u32 s1, $0x6  }
0x470: {  	s6 =	smul.u32 $0x1900, s1;
	s5 =	simm.s32 $0xFE;
	v4 =	vmov s7;
	s3 =	sor.u32 $0x10, s2  }
0x471: {  	v6 =	vmov s5;
	v4 =	vshrl.u32 v4, $0x7;
	s8 =	smul.u32 $0x64, s3  }
0x472: {  	s9 =	simm.s32 $0x1;
	s4 =	sor.u32 $0x20, s2;
	v0 =	vadd.s32 s6, v50;
	v6 =	vshrl.u32 v6, $0x7;
	v4 =	vshll.u32 v4, v63  }
0x473: {  	s10 =	smul.u32 $0x64, s4;
	v5 =	vadd.s32 s9, v0;
	v4 =	vadd.s32 $0x7E, v4;
	v2 =	vadd.s32 s8, v50  }
0x474: {  	v6 =	vshll.u32 v6, v63;
	v4 =	vbroadcast v4, $0x0;
	v7 =	vadd.s32 s9, v2  }
0x475: {  	v3 =	vadd.s32 s10, v50;
	v6 =	vadd.s32 $0x7E, v6  }
0x476: {  	v8 =	vadd.s32 s9, v3;
	v9 =	vbroadcast v6, $0x0  }
0x477: {  	s5 =	sor.u32 $0x30, s2;
	v11 =	vld.idx.msk [tilespmem:v0+s15+$0x0], $0xffff  }
0x478: {  	s11 =	smul.u32 $0x64, s5;
	v12 =	vld.idx.msk [tilespmem:v5+s15+$0x0], $0xffff  }
0x479: {  	v10 =	vld.idx.msk [tilespmem:v7+s15+$0x0], $0xffff  }
0x47a: {  	v16 =	vadd.s32 s11, v50;
	v4 =	vld.idx.msk [tilespmem:v4+s29+$0x0], $0xffff  }
0x47b: {  	v6 =	vld.idx.msk [tilespmem:v8+s15+$0x0], $0xffff  }
0x47c: {  	v13 =	vld.idx.msk [tilespmem:v9+s29+$0x0], $0xffff  }
0x47d: {  	v8 =	vld.idx.msk [tilespmem:v3+s15+$0x0], $0xffff  }
0x47e: {  	v5 =	vadd.s32 s9, v16;
	v9 =	vld.idx.msk [tilespmem:v2+s15+$0x0], $0xffff  }
0x47f: {  	v7 =	vld.idx.msk [tilespmem:v16+s15+$0x0], $0xffff;
	vm0 =	vge.f32 v12, v4;
	vm1 =	vge.f32 v10, v4  }
0x480: {  	s14 =	simm.s32 $0x1FC;
	v14 =	vsel vm0, $0x1, v1;
	vm0 =	vge.f32 v6, v4;
	v15 =	vsel vm1, $0x1, v1  }
0x481: {  	v20 =	vor.u32 s14, v14;
	v24 =	vsel vm0, $0x1, v1;
	vm0 =	vge.f32 v11, v13  }
0x482: {  	s12 =	simm.s32 $0xFC;
	v21 =	vor.u32 s14, v15;
	v25 =	vsel vm0, $0x1, v1  }
0x483: {  	v5 =	vld.idx.msk [tilespmem:v5+s15+$0x0], $0xffff;
	vm1 =	vge.f32 v9, v13;
	v27 =	vor.u32 s12, v25  }
0x484: {  	v26 =	vsel vm1, $0x1, v1;
	vm1 =	vge.f32 v7, v13;
	vm0 =	vge.f32 v8, v13  }
0x485: {  	v37 =	vor.u32 $0x2, v14;
	v28 =	vor.u32 s12, v26;
	v13 =	vsel vm0, $0x1, v1  }
0x486: {  	v38 =	vor.u32 $0x2, v15;
	v30 =	vsel vm1, $0x1, v1;
	v31 =	vor.u32 s12, v13;
	v29 =	vld.idx.msk [tilespmem:v20+s29+$0x0], $0xffff  }
0x487: {  	v22 =	vor.u32 s14, v24;
	v39 =	vor.u32 $0x2, v24;
	v32 =	vor.u32 s12, v30;
	v33 =	vld.idx.msk [tilespmem:v21+s29+$0x0], $0xffff  }
0x488: {  	v42 =	vor.u32 $0x2, v26;
	vm0 =	vge.f32 v5, v4;
	v4 =	vor.u32 $0x2, v50;
	v27 =	vld.idx.msk [tilespmem:v27+s29+$0x0], $0xffff  }
0x489: {  	v41 =	vor.u32 $0x2, v25;
	v34 =	vsel vm0, $0x1, v1;
	v17 =	vadd.s32 s6, v4  }
0x48a: {  	v18 =	vadd.s32 s8, v4;
	v43 =	vor.u32 $0x2, v13;
	s6 =	simm.s32 $0x3FE;
	v36 =	vor.u32 s14, v34;
	v28 =	vld.idx.msk [tilespmem:v28+s29+$0x0], $0xffff  }
0x48b: {  	v40 =	vor.u32 $0x2, v34;
	v62 =	vmov s6;
	v31 =	vld.idx.msk [tilespmem:v31+s29+$0x0], $0xffff;
	vm0 =	vge.f32 v12, v29  }
0x48c: {  	s16 =	simm.s32 $0x1F8;
	v20 =	vadd.s32 s10, v4;
	v32 =	vld.idx.msk [tilespmem:v32+s29+$0x0], $0xffff;
	vm1 =	vge.f32 v10, v33;
	v33 =	vsel vm0, v37, v14  }
0x48d: {  	v35 =	vld.idx.msk [tilespmem:v22+s29+$0x0], $0xffff;
	v56 =	vsel vm1, v38, v15;
	vm1 =	vge.f32 v11, v27;
	v15 =	vor.u32 s16, v33  }
0x48e: {  	s19 =	simm.s32 $0xF8;
	v21 =	vadd.s32 s11, v4;
	v27 =	vor.u32 s16, v56;
	v25 =	vsel vm1, v41, v25  }
0x48f: {  	v4 =	vimm.f32 $0.0e+00;
	vm2 =	vge.f32 v9, v28;
	v28 =	vor.u32 s19, v25  }
0x490: {  	v29 =	vor.u32 $0x2, v30;
	v14 =	vld.idx.msk [tilespmem:v36+s29+$0x0], $0xffff;
	v26 =	vsel vm2, v42, v26;
	vm1 =	vge.f32 v8, v31  }
0x491: {  	vm2 =	vge.f32 v7, v32;
	v57 =	vor.u32 s19, v26;
	v31 =	vsel vm1, v43, v13  }
0x492: {  	vm0 =	vge.f32 v6, v35;
	v29 =	vsel vm2, v29, v30;
	v30 =	vor.u32 s19, v31;
	v59 =	vld.idx.msk [tilespmem:v15+s29+$0x0], $0xffff  }
0x493: {  	v24 =	vsel vm0, v39, v24;
	v52 =	vor.u32 $0x4, v33;
	v58 =	vor.u32 s19, v29;
	v27 =	vld.idx.msk [tilespmem:v27+s29+$0x0], $0xffff;
	[tilespmem:$0x1FBC0] =	vst v17  }
0x494: {  	v53 =	vor.u32 $0x4, v56;
	v60 =	vor.u32 s16, v24;
	v45 =	vor.u32 $0x4, v24;
	v28 =	vld.idx.msk [tilespmem:v28+s29+$0x0], $0xffff;
	[tilespmem:$0x1FBD0] =	vst v0  }
0x495: {  	v47 =	vor.u32 $0x4, v26;
	v13 =	vadd.s32 s0, v20;
	vm1 =	vge.f32 v5, v14;
	[tilespmem:$0x1FBE0] =	vst v18  }
0x496: {  	s20 =	simm.s32 $0x3;
	v44 =	vor.u32 $0x4, v25;
	v55 =	vor.u32 $0x4, v29;
	v34 =	vsel vm1, v40, v34;
	v32 =	vld.idx.msk [tilespmem:v57+s29+$0x0], $0xffff  }
0x497: {  	v43 =	vadd.s32 s20, v2;
	v48 =	vor.u32 $0x4, v31;
	v61 =	vor.u32 s16, v34;
	v30 =	vld.idx.msk [tilespmem:v30+s29+$0x0], $0xffff  }
0x498: {  	s23 =	simm.s32 $0x2FE;
	v14 =	vadd.s32 s0, v18;
	v15 =	vadd.s32 s0, v17;
	v40 =	vadd.s32 s20, v0;
	v35 =	vld.idx.msk [tilespmem:v58+s29+$0x0], $0xffff  }
0x499: {  	v46 =	vor.u32 $0x4, v34;
	v54 =	vld.idx.msk [tilespmem:v60+s29+$0x0], $0xffff;
	v60 =	vmov s23;
	vm0 =	vge.f32 v12, v59  }
0x49a: {  	s21 =	simm.s32 $0x1F0;
	v41 =	vshrl.u32 v60, $0x7;
	v33 =	vsel vm0, v52, v33;
	vm0 =	vge.f32 v10, v27  }
0x49b: {  	vm1 =	vge.f32 v11, v28;
	v28 =	vor.u32 s21, v33;
	v37 =	vsel vm0, v53, v56  }
0x49c: {  	s22 =	simm.s32 $0xF0;
	v27 =	vld.idx.msk [tilespmem:v61+s29+$0x0], $0xffff;
	v25 =	vsel vm1, v44, v25;
	vm0 =	vge.f32 v9, v32;
	v56 =	vor.u32 s21, v37  }
0x49d: {  	v57 =	vor.u32 s22, v25;
	v26 =	vsel vm0, v47, v26;
	vm0 =	vge.f32 v8, v30  }
0x49e: {  	v30 =	vor.u32 s22, v26;
	v31 =	vsel vm0, v48, v31;
	vm0 =	vge.f32 v7, v35  }
0x49f: {  	v58 =	vor.u32 s22, v31;
	v29 =	vsel vm0, v55, v29;
	vm0 =	vge.f32 v6, v54  }
0x4a0: {  	v44 =	vadd.s32 s20, v3;
	v59 =	vor.u32 s22, v29;
	v38 =	vsel vm0, v45, v24;
	v24 =	vld.idx.msk [tilespmem:v28+s29+$0x0], $0xffff  }
0x4a1: {  	v49 =	vor.u32 $0x8, v26;
	vm0 =	vge.f32 v5, v27;
	v28 =	vor.u32 s21, v38;
	v32 =	vld.idx.msk [tilespmem:v56+s29+$0x0], $0xffff  }
0x4a2: {  	v54 =	vor.u32 $0x8, v37;
	v27 =	vshrl.u32 v62, $0x7;
	v34 =	vsel vm0, v46, v34;
	v39 =	vld.idx.msk [tilespmem:v57+s29+$0x0], $0xffff  }
0x4a3: {  	v55 =	vor.u32 $0x8, v25;
	v27 =	vshll.u32 v27, v63;
	v61 =	vor.u32 s21, v34;
	v30 =	vld.idx.msk [tilespmem:v30+s29+$0x0], $0xffff  }
0x4a4: {  	v62 =	vor.u32 $0x8, v33;
	v51 =	vor.u32 $0x8, v29;
	v27 =	vadd.s32 $0x7E, v27;
	v35 =	vld.idx.msk [tilespmem:v58+s29+$0x0], $0xffff  }
0x4a5: {  	v56 =	vor.u32 $0x8, v38;
	v27 =	vbroadcast v27, $0x0;
	v36 =	vld.idx.msk [tilespmem:v59+s29+$0x0], $0xffff;
	vm0 =	vge.f32 v12, v24  }
0x4a6: {  	s24 =	simm.s32 $0x1E0;
	v58 =	vor.u32 $0x8, v31;
	v28 =	vld.idx.msk [tilespmem:v28+s29+$0x0], $0xffff;
	v33 =	vsel vm0, v62, v33;
	vm0 =	vge.f32 v10, v32  }
0x4a7: {  	vm1 =	vge.f32 v11, v39;
	v60 =	vor.u32 s24, v33;
	v37 =	vsel vm0, v54, v37  }
0x4a8: {  	s25 =	simm.s32 $0xE0;
	v59 =	vld.idx.msk [tilespmem:v61+s29+$0x0], $0xffff;
	v42 =	vsel vm1, v55, v25;
	vm0 =	vge.f32 v9, v30;
	v30 =	vor.u32 s24, v37  }
0x4a9: {  	v24 =	vld.idx.msk [tilespmem:v40+s15+$0x0], $0xffff;
	v61 =	vor.u32 s25, v42;
	v45 =	vsel vm0, v49, v26;
	vm0 =	vge.f32 v8, v35  }
0x4aa: {  	v25 =	vld.idx.msk [tilespmem:v43+s15+$0x0], $0xffff;
	v26 =	vor.u32 s25, v45;
	v31 =	vsel vm0, v58, v31;
	vm0 =	vge.f32 v7, v36  }
0x4ab: {  	v35 =	vld.idx.msk [tilespmem:v27+s29+$0x0], $0xffff;
	v27 =	vor.u32 s25, v31;
	v29 =	vsel vm0, v51, v29;
	vm0 =	vge.f32 v6, v28  }
0x4ac: {  	v57 =	vor.u32 $0x8, v34;
	v28 =	vor.u32 s25, v29;
	v36 =	vsel vm0, v56, v38;
	v62 =	vld.idx.msk [tilespmem:v60+s29+$0x0], $0xffff  }
0x4ad: {  	v55 =	vshll.u32 v41, v63;
	vm0 =	vge.f32 v5, v59;
	v56 =	vor.u32 s24, v36;
	v30 =	vld.idx.msk [tilespmem:v30+s29+$0x0], $0xffff  }
0x4ae: {  	v46 =	vadd.s32 s20, v16;
	v38 =	vadd.s32 $0x7E, v55;
	v34 =	vsel vm0, v57, v34;
	v43 =	vld.idx.msk [tilespmem:v61+s29+$0x0], $0xffff  }
0x4af: {  	v40 =	vadd.s32 s0, v21;
	v38 =	vbroadcast v38, $0x0;
	v41 =	vor.u32 s24, v34;
	v57 =	vld.idx.msk [tilespmem:v26+s29+$0x0], $0xffff  }
0x4b0: {  	v58 =	vor.u32 $0x10, v37;
	v53 =	vor.u32 $0x10, v31;
	v59 =	vor.u32 $0x10, v36;
	v49 =	vld.idx.msk [tilespmem:v27+s29+$0x0], $0xffff  }
0x4b1: {  	vm1 =	vge.f32 v24, v35;
	v60 =	vor.u32 $0x10, v34;
	v26 =	vor.u32 $0x10, v33;
	v52 =	vld.idx.msk [tilespmem:v28+s29+$0x0], $0xffff  }
0x4b2: {  	v27 =	vor.u32 $0x10, v42;
	v28 =	vor.u32 $0x10, v45;
	vm0 =	vge.f32 v12, v62;
	v61 =	vld.idx.msk [tilespmem:v56+s29+$0x0], $0xffff  }
0x4b3: {  	s26 =	simm.s32 $0x1C0;
	v62 =	vor.u32 $0x10, v29;
	v54 =	vsel vm0, v26, v33;
	vm0 =	vge.f32 v10, v30;
	v26 =	vld.idx.msk [tilespmem:v44+s15+$0x0], $0xffff  }
0x4b4: {  	v30 =	vld.idx.msk [tilespmem:v41+s29+$0x0], $0xffff;
	vm2 =	vge.f32 v11, v43;
	v33 =	vor.u32 s26, v54;
	v37 =	vsel vm0, v58, v37  }
0x4b5: {  	s28 =	simm.s32 $0xC0;
	v47 =	vld.idx.msk [tilespmem:v38+s29+$0x0], $0xffff;
	v41 =	vsel vm2, v27, v42;
	vm0 =	vge.f32 v9, v57;
	v57 =	vor.u32 s26, v37  }
0x4b6: {  	v27 =	vld.idx.msk [tilespmem:v46+s15+$0x0], $0xffff;
	v58 =	vor.u32 s28, v41;
	v44 =	vsel vm0, v28, v45;
	vm0 =	vge.f32 v8, v49  }
0x4b7: {  	v28 =	vld.idx.msk [tilespmem:v15+s15+$0x0], $0xffff;
	v15 =	vor.u32 s28, v44;
	v46 =	vsel vm0, v53, v31;
	vm0 =	vge.f32 v7, v52  }
0x4b8: {  	v31 =	vor.u32 s28, v46;
	v39 =	vsel vm0, v62, v29;
	vm0 =	vge.f32 v6, v61;
	v29 =	vld.idx.msk [tilespmem:v14+s15+$0x0], $0xffff  }
0x4b9: {  	v14 =	vor.u32 s28, v39;
	v36 =	vsel vm0, v59, v36;
	vm0 =	vge.f32 v5, v30;
	v30 =	vld.idx.msk [tilespmem:v33+s29+$0x0], $0xffff  }
0x4ba: {  	vm2 =	vge.f32 v25, v35;
	v53 =	vor.u32 $0x20, v44;
	vm3 =	vge.f32 v26, v35;
	v42 =	vld.idx.msk [tilespmem:v57+s29+$0x0], $0xffff  }
0x4bb: {  	v61 =	vor.u32 $0x20, v54;
	v59 =	vor.u32 s26, v36;
	v48 =	vsel vm0, v60, v34;
	v43 =	vld.idx.msk [tilespmem:v58+s29+$0x0], $0xffff  }
0x4bc: {  	v62 =	vor.u32 $0x20, v37;
	v55 =	vor.u32 $0x20, v46;
	v60 =	vor.u32 s26, v48;
	v15 =	vld.idx.msk [tilespmem:v15+s29+$0x0], $0xffff  }
0x4bd: {  	v33 =	vsel vm2, $0x1, v1;
	v32 =	vsel vm3, $0x1, v1;
	vm0 =	vge.f32 v27, v35;
	v50 =	vld.idx.msk [tilespmem:v31+s29+$0x0], $0xffff  }
0x4be: {  	v34 =	vsel vm1, $0x1, v1;
	v51 =	vor.u32 $0x20, v36;
	v57 =	vor.u32 $0x20, v39;
	v14 =	vld.idx.msk [tilespmem:v14+s29+$0x0], $0xffff  }
0x4bf: {  	vm4 =	vge.f32 v28, v47;
	v52 =	vor.u32 $0x20, v48;
	vm1 =	vge.f32 v12, v30;
	v30 =	vld.idx.msk [tilespmem:v13+s15+$0x0], $0xffff  }
0x4c0: {  	s30 =	simm.s32 $0x180;
	v31 =	vor.u32 $0x20, v41;
	v56 =	vld.idx.msk [tilespmem:v59+s29+$0x0], $0xffff;
	v59 =	vsel vm1, v61, v54;
	vm1 =	vge.f32 v10, v42  }
0x4c1: {  	v35 =	vld.idx.msk [tilespmem:v60+s29+$0x0], $0xffff;
	vm2 =	vge.f32 v11, v43;
	v54 =	vor.u32 s30, v59;
	v60 =	vsel vm1, v62, v37  }
0x4c2: {  	v61 =	vor.u32 $0x40, v59;
	v38 =	vsel vm2, v31, v41;
	vm1 =	vge.f32 v9, v15  }
0x4c3: {  	s31 =	simm.s32 $0x80;
	v13 =	vor.u32 s30, v60;
	vm2 =	vge.f32 v29, v47;
	v62 =	vor.u32 $0x40, v60  }
0x4c4: {  	v15 =	vor.u32 s31, v38;
	v45 =	vsel vm1, v53, v44;
	vm1 =	vge.f32 v8, v50  }
0x4c5: {  	v58 =	vor.u32 s31, v45;
	v41 =	vsel vm1, v55, v46;
	vm1 =	vge.f32 v7, v14  }
0x4c6: {  	s11 =	simm.s32 $0x3FC;
	v31 =	vld.idx.msk [tilespmem:v40+s15+$0x0], $0xffff;
	vm3 =	vge.f32 v30, v47;
	v44 =	vsel vm1, v57, v39;
	vm1 =	vge.f32 v6, v56  }
0x4c7: {  	v46 =	vor.u32 s11, v33;
	v14 =	vor.u32 s31, v41;
	v37 =	vsel vm1, v51, v36;
	v36 =	vld.idx.msk [tilespmem:v54+s29+$0x0], $0xffff  }
0x4c8: {  	v39 =	vor.u32 s11, v32;
	v49 =	vor.u32 s31, v44;
	vm1 =	vge.f32 v5, v35;
	v13 =	vld.idx.msk [tilespmem:v13+s29+$0x0], $0xffff  }
0x4c9: {  	v57 =	vor.u32 $0x40, v38;
	v53 =	vor.u32 s30, v37;
	v42 =	vsel vm1, v52, v48;
	v15 =	vld.idx.msk [tilespmem:v15+s29+$0x0], $0xffff  }
0x4ca: {  	v56 =	vor.u32 $0x40, v41;
	v35 =	vsel vm4, $0x1, v1;
	v55 =	vor.u32 s30, v42  }
0x4cb: {  	v54 =	vor.u32 $0x40, v44;
	vm1 =	vge.f32 v31, v47;
	v48 =	vor.u32 s11, v34;
	v43 =	vld.idx.msk [tilespmem:v58+s29+$0x0], $0xffff  }
0x4cc: {  	v50 =	vor.u32 $0x40, v37;
	v47 =	vor.u32 $0x40, v42;
	v51 =	vld.idx.msk [tilespmem:v14+s29+$0x0], $0xffff;
	vm4 =	vge.f32 v12, v36  }
0x4cd: {  	v19 =	vmovc v20;
	v58 =	vor.u32 $0x40, v45;
	v14 =	vimm.f32 $0.0e+00;
	v52 =	vld.idx.msk [tilespmem:v49+s29+$0x0], $0xffff;
	v40 =	vsel vm4, v61, v59  }
0x4ce: {  	s10 =	simm.s32 $0x100;
	v23 =	vmovc v21;
	v22 =	vmovc v16;
	vm5 =	vge.f32 v10, v13;
	v53 =	vld.idx.msk [tilespmem:v53+s29+$0x0], $0xffff;
	v13 =	vimm.f32 $0.0e+00;
	vm4 =	vge.f32 v11, v15  }
0x4cf: {  	s9 =	simm.s32 $0x4;
	s8 =	simm.s32 $0x2;
	v20 =	vmovc v2;
	v21 =	vmovc v3;
	v49 =	vor.u32 s10, v40;
	v36 =	vsel vm5, v62, v60;
	v55 =	vld.idx.msk [tilespmem:v55+s29+$0x0], $0xffff;
	v15 =	vimm.f32 $0.0e+00  }
.LBB2_7:
0x4d0: {  	v62 =	vor.u32 s10, v36  }
0x4d1: {  	s12 =	sadd.s32 $0xFFFFFE02, s7;
	v38 =	vsel vm4, v57, v38;
	v18 =	vmovc v63;
	v63 =	vor.u32 $0x80, v36;
	vm4 =	vge.f32 v9, v43  }
0x4d2: {  	s14 =	sadd.s32 $0xFFFFFEFE, s6;
	v57 =	vor.u32 s12, v38;
	v2 =	vor.u32 $0x80, v38;
	v45 =	vsel vm4, v58, v45  }
0x4d3: {  	v58 =	vor.u32 s14, v35;
	vm4 =	vge.f32 v8, v51;
	v51 =	vor.u32 s12, v45  }
0x4d4: {  	v49 =	vld.idx.msk [tilespmem:v49+s29+$0x0], $0xffff;
	v16 =	vor.u32 $0x80, v45;
	v41 =	vsel vm4, v56, v41;
	vm4 =	vge.f32 v7, v52  }
0x4d5: {  	v43 =	vld.idx.msk [tilespmem:v62+s29+$0x0], $0xffff;
	v62 =	vor.u32 $0x80, v40;
	v52 =	vor.u32 s12, v41;
	v44 =	vsel vm4, v54, v44  }
0x4d6: {  	vm4 =	vge.f32 v6, v53;
	v17 =	vor.u32 $0x80, v41;
	v53 =	vor.u32 s12, v44  }
0x4d7: {  	v48 =	vld.idx.msk [tilespmem:v48+s29+$0x0], $0xffff;
	v37 =	vsel vm4, v50, v37;
	vm4 =	vge.f32 v5, v55;
	v50 =	vsel vm2, $0x1, v1  }
0x4d8: {  	v56 =	vld.idx.msk [tilespmem:v57+s29+$0x0], $0xffff;
	v55 =	vsel vm1, $0x1, v1;
	v54 =	vor.u32 s10, v37;
	v42 =	vsel vm4, v47, v42  }
0x4d9: {  	vm1 =	vge.f32 v12, v49;
	v12 =	vmovc v24;
	v24 =	vor.u32 $0x80, v44;
	v57 =	vor.u32 s10, v42;
	v51 =	vld.idx.msk [tilespmem:v51+s29+$0x0], $0xffff  }
0x4da: {  	v46 =	vld.idx.msk [tilespmem:v46+s29+$0x0], $0xffff;
	v47 =	vsel vm3, $0x1, v1;
	v59 =	vor.u32 s14, v50;
	v61 =	vor.u32 s14, v55  }
0x4db: {  	v0 =	vor.u32 $0x80, v37;
	v40 =	vsel vm1, v62, v40;
	v62 =	vor.u32 $0x2, v33;
	v52 =	vld.idx.msk [tilespmem:v52+s29+$0x0], $0xffff  }
0x4dc: {  	s20 =	sadd.s32 $0x1, s9;
	v60 =	vor.u32 s14, v47;
	v3 =	vor.u32 $0x80, v42;
	vm1 =	vge.f32 v10, v43;
	v53 =	vld.idx.msk [tilespmem:v53+s29+$0x0], $0xffff  }
0x4dd: {  	v43 =	vadd.s32 s20, v21;
	vm2 =	vge.f32 v11, v56;
	v36 =	vsel vm1, v63, v36;
	v49 =	vld.idx.msk [tilespmem:v54+s29+$0x0], $0xffff  }
0x4de: {  	v56 =	vor.u32 $0x2, v47;
	v2 =	vsel vm2, v2, v38;
	v54 =	vld.idx.msk [tilespmem:v57+s29+$0x0], $0xffff;
	vm1 =	vge.f32 v9, v51  }
0x4df: {  	v10 =	vmovc v25;
	v25 =	vld.idx.msk [tilespmem:v39+s29+$0x0], $0xffff;
	v36 =	vadd.s32 s10, v36;
	v2 =	vadd.s32 s12, v2;
	v16 =	vsel vm1, v16, v45  }
0x4e0: {  	v11 =	vmovc v28;
	v28 =	vld.idx.msk [tilespmem:v58+s29+$0x0], $0xffff;
	v57 =	vadd.s32 s10, v40;
	vm1 =	vge.f32 v8, v52;
	v16 =	vadd.s32 s12, v16  }
0x4e1: {  	v17 =	vsel vm1, v17, v41;
	vm1 =	vge.f32 v7, v53;
	v7 =	vmovc v31;
	v31 =	vld.idx.msk [tilespmem:v61+s29+$0x0], $0xffff;
	v61 =	vor.u32 $0x2, v34  }
0x4e2: {  	v63 =	vmovc v18;
	v18 =	vld [tilespmem:$0x1FBC0];
	v53 =	vor.u32 $0x2, v35;
	v24 =	vsel vm1, v24, v44;
	vm1 =	vge.f32 v6, v49  }
0x4e3: {  	v9 =	vmovc v29;
	v29 =	vld.idx.msk [tilespmem:v59+s29+$0x0], $0xffff;
	v24 =	vadd.s32 s12, v24;
	v0 =	vsel vm1, v0, v37;
	vm1 =	vge.f32 v5, v54  }
0x4e4: {  	v8 =	vmovc v30;
	v30 =	vld.idx.msk [tilespmem:v60+s29+$0x0], $0xffff;
	v41 =	vadd.s32 s20, v20;
	v17 =	vadd.s32 s12, v17;
	v3 =	vsel vm1, v3, v42  }
0x4e5: {  	v2 =	vld.idx.msk [tilespmem:v2+s17+$0x0], $0xffff;
	v49 =	vor.u32 $0x2, v32;
	v44 =	vadd.s32 s20, v22;
	v3 =	vadd.s32 s10, v3  }
0x4e6: {  	v6 =	vmovc v26;
	v26 =	vld.idx.msk [tilespmem:v57+s17+$0x0], $0xffff;
	v5 =	vmovc v27;
	v27 =	vsel vm0, $0x1, v1;
	v54 =	vor.u32 $0x2, v50;
	v0 =	vadd.s32 s10, v0  }
0x4e7: {  	v57 =	vor.u32 $0x2, v55;
	vm0 =	vge.f32 v12, v48;
	v51 =	vor.u32 s11, v27;
	v16 =	vld.idx.msk [tilespmem:v16+s17+$0x0], $0xffff  }
0x4e8: {  	vm2 =	vge.f32 v9, v29;
	v52 =	vor.u32 $0x2, v27;
	vm1 =	vge.f32 v10, v46;
	v24 =	vld.idx.msk [tilespmem:v24+s17+$0x0], $0xffff  }
0x4e9: {  	s16 =	sadd.s32 $0xFFFFFFFA, s6;
	v34 =	vsel vm0, v61, v34;
	vm0 =	vge.f32 v6, v25;
	v58 =	vsel vm2, v54, v50;
	v17 =	vld.idx.msk [tilespmem:v17+s17+$0x0], $0xffff  }
0x4ea: {  	v33 =	vsel vm1, v62, v33;
	vm1 =	vge.f32 v11, v28;
	v25 =	vor.u32 s16, v34;
	v3 =	vld.idx.msk [tilespmem:v3+s17+$0x0], $0xffff  }
0x4eb: {  	vm3 =	vge.f32 v8, v30;
	v30 =	vadd.s32 s8, v19;
	v28 =	vor.u32 s16, v33;
	v0 =	vld.idx.msk [tilespmem:v0+s17+$0x0], $0xffff  }
0x4ec: {  	s19 =	sadd.s32 $0xFFFFFEFA, s6;
	vm4 =	vge.f32 v7, v31;
	v31 =	vsel vm1, v53, v35;
	v2 =	vadd.f32 v2, v4;
	v29 =	vld.idx.msk [tilespmem:v51+s29+$0x0], $0xffff  }
0x4ed: {  	v15 =	vadd.f32 v16, v15;
	v16 =	vor.u32 s19, v31;
	v13 =	vadd.f32 v24, v13  }
0x4ee: {  	v36 =	vld.idx.msk [tilespmem:v36+s17+$0x0], $0xffff;
	v59 =	vsel vm3, v56, v47;
	v60 =	vsel vm4, v57, v55;
	v14 =	vadd.f32 v17, v14  }
0x4ef: {  	v4 =	vadd.f32 v26, v2;
	v17 =	vor.u32 s19, v58;
	v13 =	vadd.f32 v3, v13;
	v3 =	vld.idx.msk [tilespmem:v25+s29+$0x0], $0xffff  }
0x4f0: {  	v2 =	vor.u32 s19, v59;
	v24 =	vsel vm0, v49, v32;
	v14 =	vadd.f32 v0, v14;
	v25 =	vld.idx.msk [tilespmem:v28+s29+$0x0], $0xffff  }
0x4f1: {  	s7 =	smov.u32 s6;
	s6 =	sadd.s32 $0x200, s6;
	v0 =	vor.u32 s19, v60;
	vm0 =	vge.f32 v5, v29;
	v28 =	vadd.s32 s8, v18;
	v18 =	vld [tilespmem:$0x1FBD0]  }
0x4f2: {  	v62 =	vmov s6;
	v26 =	vor.u32 s16, v24;
	v27 =	vsel vm0, v52, v27;
	v16 =	vld.idx.msk [tilespmem:v16+s29+$0x0], $0xffff  }
0x4f3: {  	s23 =	sadd.s32 $0xFFFFFF00, s6;
	v48 =	vor.u32 $0x4, v34;
	v42 =	vor.u32 $0x4, v31;
	v61 =	vor.u32 s16, v27  }
0x4f4: {  	v53 =	vor.u32 $0x4, v59;
	v55 =	vmov s23;
	v15 =	vadd.f32 v36, v15;
	v17 =	vld.idx.msk [tilespmem:v17+s29+$0x0], $0xffff  }
0x4f5: {  	v49 =	vor.u32 $0x4, v33;
	v2 =	vld.idx.msk [tilespmem:v2+s29+$0x0], $0xffff;
	v50 =	vor.u32 $0x4, v24;
	v52 =	vor.u32 $0x4, v58  }
0x4f6: {  	v51 =	vor.u32 $0x4, v27;
	v0 =	vld.idx.msk [tilespmem:v0+s29+$0x0], $0xffff;
	v36 =	vadd.s32 s20, v18;
	vm0 =	vge.f32 v12, v3  }
0x4f7: {  	s21 =	sadd.s32 $0xFFFFFFF2, s7;
	v3 =	vld.idx.msk [tilespmem:v26+s29+$0x0], $0xffff;
	v26 =	vor.u32 $0x4, v60;
	vm1 =	vge.f32 v11, v16;
	v34 =	vsel vm0, v48, v34  }
0x4f8: {  	s22 =	sadd.s32 $0xFFFFFEF2, s7;
	vm0 =	vge.f32 v10, v25;
	v25 =	vld.idx.msk [tilespmem:v61+s29+$0x0], $0xffff;
	v31 =	vsel vm1, v42, v31;
	v16 =	vor.u32 s21, v34  }
0x4f9: {  	v32 =	vsel vm0, v49, v33;
	vm0 =	vge.f32 v9, v17;
	v54 =	vor.u32 s22, v31  }
0x4fa: {  	v17 =	vor.u32 s21, v32;
	v35 =	vsel vm0, v52, v58;
	vm0 =	vge.f32 v8, v2  }
0x4fb: {  	v18 =	vld [tilespmem:$0x1FBE0];
	v2 =	vor.u32 s22, v35;
	v37 =	vsel vm0, v53, v59;
	vm0 =	vge.f32 v7, v0  }
0x4fc: {  	v0 =	vor.u32 s22, v37;
	v26 =	vsel vm0, v26, v60;
	vm0 =	vge.f32 v6, v3  }
0x4fd: {  	v3 =	vor.u32 s22, v26;
	v38 =	vsel vm0, v50, v24;
	vm0 =	vge.f32 v5, v25;
	v16 =	vld.idx.msk [tilespmem:v16+s29+$0x0], $0xffff  }
0x4fe: {  	v39 =	vshrl.u32 v55, $0x7;
	v25 =	vor.u32 s21, v38;
	v27 =	vsel vm0, v51, v27;
	v33 =	vld.idx.msk [tilespmem:v54+s29+$0x0], $0xffff  }
0x4ff: {  	v58 =	vor.u32 $0x8, v32;
	v59 =	vor.u32 $0x8, v31;
	v17 =	vld.idx.msk [tilespmem:v17+s29+$0x0], $0xffff;
	v56 =	vor.u32 s21, v27  }
0x500: {  	v29 =	vadd.s32 s8, v18;
	v52 =	vor.u32 $0x8, v37;
	v24 =	vshrl.u32 v62, $0x7;
	v2 =	vld.idx.msk [tilespmem:v2+s29+$0x0], $0xffff  }
0x501: {  	v62 =	vor.u32 $0x8, v35;
	v53 =	vor.u32 $0x8, v26;
	v24 =	vshll.u32 v24, v63;
	v0 =	vld.idx.msk [tilespmem:v0+s29+$0x0], $0xffff  }
0x502: {  	v60 =	vor.u32 $0x8, v38;
	v24 =	vadd.s32 $0x7E, v24;
	v61 =	vor.u32 $0x8, v27;
	v3 =	vld.idx.msk [tilespmem:v3+s29+$0x0], $0xffff  }
0x503: {  	v57 =	vbroadcast v24, $0x0;
	v24 =	vor.u32 $0x8, v34;
	vm0 =	vge.f32 v12, v16;
	v16 =	vld.idx.msk [tilespmem:v25+s29+$0x0], $0xffff  }
0x504: {  	s24 =	sadd.s32 $0xFFFFFFE2, s7;
	vm1 =	vge.f32 v11, v33;
	v34 =	vsel vm0, v24, v34;
	vm0 =	vge.f32 v10, v17;
	v17 =	vld.idx.msk [tilespmem:v56+s29+$0x0], $0xffff  }
0x505: {  	s25 =	sadd.s32 $0xFFFFFEE2, s7;
	v31 =	vsel vm1, v59, v31;
	v24 =	vld.idx.msk [tilespmem:v36+s15+$0x0], $0xffff;
	v36 =	vadd.s32 s8, v23;
	v54 =	vor.u32 s24, v34  }
0x506: {  	v32 =	vsel vm0, v58, v32;
	vm0 =	vge.f32 v9, v2;
	v55 =	vor.u32 s25, v31  }
0x507: {  	v2 =	vor.u32 s24, v32;
	v35 =	vsel vm0, v62, v35;
	vm0 =	vge.f32 v8, v0  }
0x508: {  	v25 =	vld.idx.msk [tilespmem:v41+s15+$0x0], $0xffff;
	v56 =	vor.u32 s25, v35;
	v37 =	vsel vm0, v52, v37;
	vm0 =	vge.f32 v7, v3  }
0x509: {  	v0 =	vld.idx.msk [tilespmem:v57+s29+$0x0], $0xffff;
	v3 =	vor.u32 s25, v37;
	v41 =	vsel vm0, v53, v26;
	vm0 =	vge.f32 v6, v16  }
0x50a: {  	v16 =	vor.u32 s25, v41;
	v33 =	vsel vm0, v60, v38;
	vm0 =	vge.f32 v5, v17;
	v26 =	vld.idx.msk [tilespmem:v54+s29+$0x0], $0xffff  }
0x50b: {  	v17 =	vshll.u32 v39, v63;
	v38 =	vor.u32 s24, v33;
	v39 =	vsel vm0, v61, v27;
	v27 =	vld.idx.msk [tilespmem:v55+s29+$0x0], $0xffff  }
0x50c: {  	v59 =	vor.u32 $0x10, v31;
	v57 =	vor.u32 $0x10, v34;
	v58 =	vor.u32 $0x10, v32;
	v2 =	vld.idx.msk [tilespmem:v2+s29+$0x0], $0xffff  }
0x50d: {  	v62 =	vor.u32 $0x10, v37;
	v17 =	vadd.s32 $0x7E, v17;
	v42 =	vor.u32 s24, v39;
	v40 =	vld.idx.msk [tilespmem:v56+s29+$0x0], $0xffff  }
0x50e: {  	v48 =	vor.u32 $0x10, v33;
	v61 =	vor.u32 $0x10, v35;
	v17 =	vbroadcast v17, $0x0;
	v3 =	vld.idx.msk [tilespmem:v3+s29+$0x0], $0xffff  }
0x50f: {  	vm1 =	vge.f32 v24, v0;
	v60 =	vor.u32 $0x10, v39;
	v16 =	vld.idx.msk [tilespmem:v16+s29+$0x0], $0xffff;
	vm0 =	vge.f32 v12, v26  }
0x510: {  	v56 =	vor.u32 $0x10, v41;
	v38 =	vld.idx.msk [tilespmem:v38+s29+$0x0], $0xffff;
	vm2 =	vge.f32 v11, v27;
	v45 =	vsel vm0, v57, v34  }
0x511: {  	s26 =	sadd.s32 $0xFFFFFFC2, s7;
	v26 =	vld.idx.msk [tilespmem:v43+s15+$0x0], $0xffff;
	vm0 =	vge.f32 v10, v2;
	v43 =	vsel vm2, v59, v31;
	vm2 =	vge.f32 v25, v0  }
0x512: {  	s28 =	sadd.s32 $0xFFFFFEC2, s7;
	v2 =	vld.idx.msk [tilespmem:v42+s29+$0x0], $0xffff;
	v34 =	vor.u32 s26, v45;
	v42 =	vsel vm0, v58, v32;
	vm0 =	vge.f32 v9, v40  }
0x513: {  	v27 =	vld.idx.msk [tilespmem:v44+s15+$0x0], $0xffff;
	v57 =	vor.u32 s28, v43;
	v49 =	vor.u32 $0x20, v43;
	v35 =	vsel vm0, v61, v35  }
0x514: {  	v31 =	vor.u32 s26, v42;
	vm0 =	vge.f32 v8, v3;
	v3 =	vld.idx.msk [tilespmem:v17+s29+$0x0], $0xffff;
	v17 =	vor.u32 s28, v35  }
0x515: {  	v30 =	vld.idx.msk [tilespmem:v30+s15+$0x0], $0xffff;
	v37 =	vsel vm0, v62, v37;
	vm0 =	vge.f32 v7, v16;
	v62 =	vor.u32 $0x20, v45  }
0x516: {  	v28 =	vld.idx.msk [tilespmem:v28+s15+$0x0], $0xffff;
	v16 =	vor.u32 s28, v37;
	v40 =	vsel vm0, v56, v41;
	vm0 =	vge.f32 v6, v38  }
0x517: {  	vm3 =	vge.f32 v26, v0;
	v46 =	vsel vm0, v48, v33;
	vm0 =	vge.f32 v5, v2;
	v59 =	vld.idx.msk [tilespmem:v34+s29+$0x0], $0xffff  }
0x518: {  	v58 =	vor.u32 s28, v40;
	v39 =	vsel vm0, v60, v39;
	vm0 =	vge.f32 v27, v0;
	v0 =	vld.idx.msk [tilespmem:v57+s29+$0x0], $0xffff  }
0x519: {  	v53 =	vor.u32 $0x20, v35;
	v54 =	vor.u32 $0x20, v37;
	v2 =	vld.idx.msk [tilespmem:v31+s29+$0x0], $0xffff;
	v31 =	vor.u32 s26, v46  }
0x51a: {  	v29 =	vld.idx.msk [tilespmem:v29+s15+$0x0], $0xffff;
	v33 =	vsel vm2, $0x1, v1;
	v32 =	vsel vm3, $0x1, v1;
	v61 =	vor.u32 s26, v39  }
0x51b: {  	v56 =	vor.u32 $0x20, v40;
	v34 =	vsel vm1, $0x1, v1;
	v60 =	vor.u32 $0x20, v42;
	v17 =	vld.idx.msk [tilespmem:v17+s29+$0x0], $0xffff  }
0x51c: {  	s11 =	sadd.s32 $0xFFFFFFFE, s6;
	v51 =	vor.u32 $0x20, v46;
	vm4 =	vge.f32 v28, v3;
	v52 =	vor.u32 $0x20, v39;
	v16 =	vld.idx.msk [tilespmem:v16+s29+$0x0], $0xffff  }
0x51d: {  	vm3 =	vge.f32 v30, v3;
	v48 =	vor.u32 s11, v34;
	v50 =	vld.idx.msk [tilespmem:v58+s29+$0x0], $0xffff;
	vm1 =	vge.f32 v12, v59  }
0x51e: {  	s30 =	sadd.s32 $0xFFFFFF82, s7;
	vm2 =	vge.f32 v11, v0;
	v55 =	vld.idx.msk [tilespmem:v31+s29+$0x0], $0xffff;
	v59 =	vsel vm1, v62, v45;
	vm1 =	vge.f32 v10, v2  }
0x51f: {  	v2 =	vld.idx.msk [tilespmem:v61+s29+$0x0], $0xffff;
	v38 =	vsel vm2, v49, v43;
	v0 =	vor.u32 s30, v59;
	v60 =	vsel vm1, v60, v42  }
0x520: {  	s31 =	sadd.s32 $0xFFFFFE82, s7;
	vm2 =	vge.f32 v29, v3;
	vm1 =	vge.f32 v9, v17;
	v17 =	vor.u32 s30, v60  }
0x521: {  	v31 =	vld.idx.msk [tilespmem:v36+s15+$0x0], $0xffff;
	v61 =	vor.u32 s31, v38;
	v45 =	vsel vm1, v53, v35;
	vm1 =	vge.f32 v8, v16  }
0x522: {  	v16 =	vor.u32 s31, v45;
	v41 =	vsel vm1, v54, v37;
	vm1 =	vge.f32 v7, v50  }
0x523: {  	v62 =	vor.u32 s31, v41;
	v44 =	vsel vm1, v56, v40;
	vm1 =	vge.f32 v6, v55  }
0x524: {  	v40 =	vor.u32 s31, v44;
	v0 =	vld.idx.msk [tilespmem:v0+s29+$0x0], $0xffff;
	v37 =	vsel vm1, v51, v46;
	vm1 =	vge.f32 v5, v2  }
0x525: {  	v57 =	vor.u32 $0x40, v38;
	v2 =	vld.idx.msk [tilespmem:v17+s29+$0x0], $0xffff;
	v17 =	vor.u32 s30, v37;
	v42 =	vsel vm1, v52, v39  }
0x526: {  	p0 =	slt.u32 s9, $0x62;
	v35 =	vsel vm4, $0x1, v1;
	vm1 =	vge.f32 v31, v3;
	v3 =	vld.idx.msk [tilespmem:v61+s29+$0x0], $0xffff;
	v36 =	vor.u32 s30, v42  }
.Ltmp2:
0x527: {  	v58 =	vor.u32 $0x40, v45;
	v56 =	vor.u32 $0x40, v41;
	v54 =	vor.u32 $0x40, v44;
	v43 =	vld.idx.msk [tilespmem:v16+s29+$0x0], $0xffff;
	(pc) =	sbr.rel @p0 .LBB2_7-.Ltmp2, $4  }
0x528: {  	v46 =	vor.u32 s11, v33;
	v39 =	vor.u32 s11, v32;
	v61 =	vor.u32 $0x40, v60;
	v51 =	vld.idx.msk [tilespmem:v62+s29+$0x0], $0xffff  }
0x529: {  	v50 =	vor.u32 $0x40, v37;
	v16 =	vor.u32 $0x40, v59;
	v52 =	vld.idx.msk [tilespmem:v40+s29+$0x0], $0xffff;
	vm4 =	vge.f32 v12, v0  }
0x52a: {  	s10 =	sadd.s32 $0xFFFFFF02, s7;
	v47 =	vor.u32 $0x40, v42;
	v53 =	vld.idx.msk [tilespmem:v17+s29+$0x0], $0xffff;
	v40 =	vsel vm4, v16, v59;
	vm5 =	vge.f32 v10, v2  }
0x52b: {  	s8 =	smov.u32 s9;
	s9 =	sadd.s32 $0x2, s9;
	vm4 =	vge.f32 v11, v3;
	v55 =	vld.idx.msk [tilespmem:v36+s29+$0x0], $0xffff;
	v49 =	vor.u32 s10, v40;
	v36 =	vsel vm5, v61, v60  }
0x52c: {  	_ = 	snop  }
0x52d: {  	vm5 =	vge.f32 v9, v43  }
0x52e: {  	v43 =	vsel vm4, v57, v38;
	s7 =	sadd.s32 $0xFFFFFE02, s7;
	v0 =	vor.u32 s10, v36;
	s8 =	sadd.s32 $0xFFFFFEFE, s6;
	v38 =	vsel vm5, v58, v45  }
0x52f: {  	v2 =	vor.u32 s7, v43;
	vm8 =	vge.f32 v8, v51;
	v17 =	vor.u32 s8, v35  }
0x530: {  	v46 =	vld.idx.msk [tilespmem:v46+s29+$0x0], $0xffff;
	v45 =	vsel vm3, $0x1, v1;
	v3 =	vor.u32 s7, v38;
	v23 =	vsel vm8, v56, v41  }
0x531: {  	vm9 =	vge.f32 v7, v52;
	v52 =	vsel vm1, $0x1, v1;
	v61 =	vor.u32 s8, v45  }
0x532: {  	v56 =	vsel vm0, $0x1, v1;
	v59 =	vor.u32 $0x2, v45;
	v41 =	vor.u32 s7, v23  }
0x533: {  	v48 =	vld.idx.msk [tilespmem:v48+s29+$0x0], $0xffff;
	v18 =	vsel vm9, v54, v44;
	v44 =	vsel vm2, $0x1, v1;
	v62 =	vor.u32 s8, v52  }
0x534: {  	v39 =	vld.idx.msk [tilespmem:v39+s29+$0x0], $0xffff;
	vm10 =	vge.f32 v6, v53;
	v54 =	vor.u32 $0x80, v36;
	v60 =	vor.u32 s8, v44  }
0x535: {  	vm11 =	vge.f32 v5, v55;
	v19 =	vsel vm10, v50, v37;
	vm13 =	vge.f32 v25, v46;
	v46 =	vld.idx.msk [tilespmem:v49+s29+$0x0], $0xffff  }
0x536: {  	v37 =	vor.u32 s7, v18;
	v50 =	vor.u32 $0x80, v40;
	v16 =	vsel vm11, v47, v42;
	v47 =	vld.idx.msk [tilespmem:v17+s29+$0x0], $0xffff  }
0x537: {  	v55 =	vor.u32 $0x80, v43;
	v58 =	vor.u32 $0x2, v44;
	v22 =	vor.u32 s10, v19;
	v53 =	vld.idx.msk [tilespmem:v61+s29+$0x0], $0xffff  }
0x538: {  	v20 =	vor.u32 $0x80, v19;
	vm12 =	vge.f32 v24, v48;
	v48 =	vor.u32 s11, v56;
	v42 =	vld.idx.msk [tilespmem:v62+s29+$0x0], $0xffff  }
0x539: {  	v49 =	vor.u32 $0x80, v38;
	vm6 =	vge.f32 v26, v39;
	v61 =	vor.u32 $0x2, v33;
	v51 =	vld.idx.msk [tilespmem:v60+s29+$0x0], $0xffff  }
0x53a: {  	s19 =	sadd.s32 $0xFFFFFFFA, s6;
	v21 =	vor.u32 s10, v16;
	v57 =	vsel vm13, v61, v33;
	v60 =	vor.u32 $0x2, v34  }
0x53b: {  	v17 =	vor.u32 $0x80, v16;
	v61 =	vor.u32 s19, v57;
	v34 =	vsel vm12, v60, v34  }
0x53c: {  	v62 =	vor.u32 $0x2, v35;
	vm14 =	vge.f32 v28, v47;
	v47 =	vor.u32 s19, v34  }
0x53d: {  	v33 =	vor.u32 $0x80, v23;
	v60 =	vor.u32 $0x2, v52;
	v48 =	vld.idx.msk [tilespmem:v48+s29+$0x0], $0xffff;
	v35 =	vsel vm14, v62, v35  }
0x53e: {  	s9 =	sadd.s32 $0xFFFFFEFA, s6;
	v0 =	vld.idx.msk [tilespmem:v0+s29+$0x0], $0xffff;
	vm4 =	vge.f32 v30, v53;
	vm5 =	vge.f32 v31, v42;
	vm15 =	vge.f32 v29, v51  }
0x53f: {  	v2 =	vld.idx.msk [tilespmem:v2+s29+$0x0], $0xffff;
	v42 =	vsel vm4, v59, v45;
	v45 =	vor.u32 s9, v35;
	v44 =	vsel vm15, v58, v44  }
0x540: {  	vm7 =	vge.f32 v12, v46;
	v51 =	vsel vm5, v60, v52;
	v60 =	vld.idx.msk [tilespmem:v61+s29+$0x0], $0xffff;
	v62 =	vor.u32 s9, v44  }
0x541: {  	v59 =	vor.u32 $0x2, v56;
	v46 =	vor.u32 s9, v42;
	v58 =	vor.u32 $0x2, v32;
	v47 =	vld.idx.msk [tilespmem:v47+s29+$0x0], $0xffff  }
0x542: {  	v39 =	vor.u32 s9, v51;
	vm8 =	vge.f32 v27, v48;
	v32 =	vsel vm6, v58, v32  }
0x543: {  	v12 =	vor.u32 $0x80, v18;
	v53 =	vsel vm8, v59, v56;
	v61 =	vor.u32 s19, v32  }
0x544: {  	vm9 =	vge.f32 v10, v0;
	v40 =	vsel vm7, v50, v40;
	v0 =	vor.u32 s19, v53;
	v45 =	vld.idx.msk [tilespmem:v45+s29+$0x0], $0xffff  }
0x545: {  	vm10 =	vge.f32 v11, v2;
	v2 =	vor.u32 $0x4, v34;
	v52 =	vor.u32 $0x4, v57;
	v62 =	vld.idx.msk [tilespmem:v62+s29+$0x0], $0xffff  }
0x546: {  	v10 =	vor.u32 $0x4, v42;
	v11 =	vld.idx.msk [tilespmem:v46+s29+$0x0], $0xffff;
	vm12 =	vge.f32 v25, v60;
	vm11 =	vge.f32 v24, v47  }
0x547: {  	s20 =	sadd.s32 $0xFFFFFFF2, s6;
	v58 =	vor.u32 $0x4, v35;
	v46 =	vsel vm12, v52, v57;
	v2 =	vsel vm11, v2, v34;
	v34 =	vld.idx.msk [tilespmem:v39+s29+$0x0], $0xffff  }
0x548: {  	v59 =	vor.u32 $0x4, v44;
	v50 =	vor.u32 $0x4, v53;
	v60 =	vor.u32 s20, v46;
	v52 =	vld.idx.msk [tilespmem:v61+s29+$0x0], $0xffff  }
0x549: {  	v39 =	vor.u32 $0x4, v32;
	v0 =	vld.idx.msk [tilespmem:v0+s29+$0x0], $0xffff;
	vm13 =	vge.f32 v28, v45;
	v45 =	vor.u32 s20, v2  }
0x54a: {  	s21 =	sadd.s32 $0xFFFFFEF2, s6;
	v61 =	vor.u32 $0x4, v51;
	v35 =	vsel vm13, v58, v35;
	vm14 =	vge.f32 v29, v62  }
0x54b: {  	vm15 =	vge.f32 v30, v11;
	v62 =	vor.u32 s21, v35;
	v44 =	vsel vm14, v59, v44  }
0x54c: {  	v3 =	vld.idx.msk [tilespmem:v3+s29+$0x0], $0xffff;
	v11 =	vsel vm15, v10, v42;
	vm4 =	vge.f32 v31, v34;
	v58 =	vor.u32 s21, v44  }
0x54d: {  	v59 =	vor.u32 s21, v11;
	vm5 =	vge.f32 v26, v52;
	v48 =	vsel vm4, v61, v51  }
0x54e: {  	vm6 =	vge.f32 v27, v0;
	v45 =	vld.idx.msk [tilespmem:v45+s29+$0x0], $0xffff;
	v32 =	vsel vm5, v39, v32;
	v51 =	vor.u32 s21, v48  }
0x54f: {  	v10 =	vadd.s32 s10, v40;
	v0 =	vld.idx.msk [tilespmem:v60+s29+$0x0], $0xffff;
	v40 =	vsel vm6, v50, v53;
	v39 =	vor.u32 s20, v32  }
0x550: {  	v36 =	vsel vm9, v54, v36;
	v43 =	vsel vm10, v55, v43;
	v50 =	vor.u32 s20, v40;
	v47 =	vld.idx.msk [tilespmem:v62+s29+$0x0], $0xffff  }
0x551: {  	vm7 =	vge.f32 v9, v3;
	v9 =	vor.u32 $0x8, v2;
	v42 =	vor.u32 $0x8, v46;
	v3 =	vld.idx.msk [tilespmem:v58+s29+$0x0], $0xffff  }
0x552: {  	v52 =	vor.u32 $0x8, v35;
	v60 =	vor.u32 $0x8, v44;
	v61 =	vor.u32 $0x8, v11;
	v34 =	vld.idx.msk [tilespmem:v59+s29+$0x0], $0xffff  }
0x553: {  	v53 =	vor.u32 $0x8, v32;
	v54 =	vor.u32 $0x8, v40;
	vm8 =	vge.f32 v24, v45;
	v51 =	vld.idx.msk [tilespmem:v51+s29+$0x0], $0xffff  }
0x554: {  	s22 =	sadd.s32 $0xFFFFFFE2, s6;
	v62 =	vor.u32 $0x8, v48;
	vm9 =	vge.f32 v25, v0;
	v39 =	vld.idx.msk [tilespmem:v39+s29+$0x0], $0xffff;
	v2 =	vsel vm8, v9, v2  }
0x555: {  	v42 =	vsel vm9, v42, v46;
	v0 =	vld.idx.msk [tilespmem:v50+s29+$0x0], $0xffff;
	v9 =	vor.u32 s22, v2;
	vm10 =	vge.f32 v28, v47  }
0x556: {  	s23 =	sadd.s32 $0xFFFFFEE2, s6;
	v35 =	vsel vm10, v52, v35;
	vm11 =	vge.f32 v29, v3;
	v3 =	vor.u32 s22, v42  }
0x557: {  	vm12 =	vge.f32 v30, v34;
	v52 =	vor.u32 s23, v35;
	v44 =	vsel vm11, v60, v44  }
0x558: {  	v55 =	vld.idx.msk [tilespmem:v41+s29+$0x0], $0xffff;
	v47 =	vsel vm12, v61, v11;
	vm13 =	vge.f32 v31, v51;
	v57 =	vor.u32 s23, v44  }
0x559: {  	v58 =	vor.u32 s23, v47;
	vm14 =	vge.f32 v26, v39;
	v45 =	vsel vm13, v62, v48  }
0x55a: {  	vm15 =	vge.f32 v27, v0;
	v60 =	vld.idx.msk [tilespmem:v9+s29+$0x0], $0xffff;
	v32 =	vsel vm14, v53, v32;
	v59 =	vor.u32 s23, v45  }
0x55b: {  	v9 =	vadd.s32 s10, v36;
	v36 =	vsel vm15, v54, v40;
	v0 =	vld.idx.msk [tilespmem:v3+s29+$0x0], $0xffff;
	v3 =	vor.u32 s22, v32  }
0x55c: {  	v38 =	vsel vm7, v49, v38;
	v11 =	vadd.s32 s7, v43;
	v43 =	vor.u32 s22, v36;
	v40 =	vld.idx.msk [tilespmem:v52+s29+$0x0], $0xffff  }
0x55d: {  	vm4 =	vge.f32 v8, v55;
	v34 =	vor.u32 $0x10, v2;
	v61 =	vor.u32 $0x10, v42;
	v8 =	vld.idx.msk [tilespmem:v57+s29+$0x0], $0xffff  }
0x55e: {  	v62 =	vor.u32 $0x10, v35;
	v56 =	vor.u32 $0x10, v32;
	v46 =	vld.idx.msk [tilespmem:v58+s29+$0x0], $0xffff;
	v58 =	vor.u32 $0x10, v44  }
0x55f: {  	v57 =	vor.u32 $0x10, v36;
	vm5 =	vge.f32 v24, v60;
	v60 =	vor.u32 $0x10, v45;
	v39 =	vld.idx.msk [tilespmem:v59+s29+$0x0], $0xffff  }
0x560: {  	s24 =	sadd.s32 $0xFFFFFFC2, s6;
	v59 =	vor.u32 $0x10, v47;
	v2 =	vsel vm5, v34, v2;
	v3 =	vld.idx.msk [tilespmem:v3+s29+$0x0], $0xffff;
	vm6 =	vge.f32 v25, v0  }
0x561: {  	v34 =	vor.u32 s24, v2;
	v0 =	vld.idx.msk [tilespmem:v43+s29+$0x0], $0xffff;
	vm7 =	vge.f32 v28, v40;
	v40 =	vsel vm6, v61, v42  }
0x562: {  	s25 =	sadd.s32 $0xFFFFFEC2, s6;
	v35 =	vsel vm7, v62, v35;
	vm8 =	vge.f32 v29, v8;
	v61 =	vor.u32 s24, v40  }
0x563: {  	v37 =	vld.idx.msk [tilespmem:v37+s29+$0x0], $0xffff;
	vm9 =	vge.f32 v30, v46;
	v62 =	vor.u32 s25, v35;
	v42 =	vsel vm8, v58, v44  }
0x564: {  	v44 =	vsel vm9, v59, v47;
	vm10 =	vge.f32 v31, v39;
	v49 =	vor.u32 s25, v42  }
0x565: {  	v52 =	vor.u32 s25, v44;
	v45 =	vsel vm10, v60, v45;
	vm11 =	vge.f32 v26, v3  }
0x566: {  	v34 =	vld.idx.msk [tilespmem:v34+s29+$0x0], $0xffff;
	v3 =	vor.u32 s25, v45;
	vm12 =	vge.f32 v27, v0;
	v32 =	vsel vm11, v56, v32  }
0x567: {  	v23 =	vsel vm4, v33, v23;
	v36 =	vsel vm12, v57, v36;
	v8 =	vld.idx.msk [tilespmem:v61+s29+$0x0], $0xffff;
	v53 =	vor.u32 s24, v32  }
0x568: {  	v23 =	vadd.s32 s7, v23;
	vm13 =	vge.f32 v7, v37;
	v54 =	vld.idx.msk [tilespmem:v62+s29+$0x0], $0xffff;
	v55 =	vor.u32 s24, v36  }
0x569: {  	v58 =	vor.u32 $0x20, v40;
	v59 =	vor.u32 $0x20, v35;
	v0 =	vadd.s32 s7, v38;
	v56 =	vld.idx.msk [tilespmem:v49+s29+$0x0], $0xffff  }
0x56a: {  	v57 =	vor.u32 $0x20, v2;
	v60 =	vor.u32 $0x20, v32;
	v48 =	vor.u32 $0x20, v36;
	v39 =	vld.idx.msk [tilespmem:v52+s29+$0x0], $0xffff  }
0x56b: {  	v61 =	vor.u32 $0x20, v42;
	v62 =	vor.u32 $0x20, v44;
	vm14 =	vge.f32 v24, v34;
	v3 =	vld.idx.msk [tilespmem:v3+s29+$0x0], $0xffff  }
0x56c: {  	s26 =	sadd.s32 $0xFFFFFF82, s6;
	v52 =	vor.u32 $0x20, v45;
	v2 =	vsel vm14, v57, v2;
	v51 =	vld.idx.msk [tilespmem:v53+s29+$0x0], $0xffff;
	vm15 =	vge.f32 v25, v8  }
0x56d: {  	v53 =	vld.idx.msk [tilespmem:v55+s29+$0x0], $0xffff;
	vm4 =	vge.f32 v28, v54;
	v54 =	vor.u32 s26, v2;
	v33 =	vsel vm15, v58, v40  }
0x56e: {  	s28 =	sadd.s32 $0xFFFFFE82, s6;
	v22 =	vld.idx.msk [tilespmem:v22+s29+$0x0], $0xffff;
	v35 =	vsel vm4, v59, v35;
	vm5 =	vge.f32 v29, v56;
	v55 =	vor.u32 s26, v33  }
0x56f: {  	v56 =	vor.u32 s28, v35;
	vm6 =	vge.f32 v30, v39;
	v41 =	vsel vm5, v61, v42  }
0x570: {  	v42 =	vsel vm6, v62, v44;
	vm7 =	vge.f32 v31, v3;
	v57 =	vor.u32 s28, v41  }
0x571: {  	v3 =	vld.idx.msk [tilespmem:v21+s29+$0x0], $0xffff;
	v58 =	vor.u32 s28, v42;
	v38 =	vsel vm7, v52, v45;
	vm8 =	vge.f32 v26, v51  }
0x572: {  	v59 =	vor.u32 s28, v38;
	v7 =	vld.idx.msk [tilespmem:v54+s29+$0x0], $0xffff;
	vm9 =	vge.f32 v27, v53;
	v32 =	vsel vm8, v60, v32  }
0x573: {  	vm10 =	vge.f32 v6, v22;
	v36 =	vsel vm9, v48, v36;
	v61 =	vld.idx.msk [tilespmem:v55+s29+$0x0], $0xffff;
	v62 =	vor.u32 s26, v32  }
0x574: {  	v19 =	vsel vm10, v20, v19;
	v52 =	vor.u32 $0x40, v2;
	v49 =	vld.idx.msk [tilespmem:v56+s29+$0x0], $0xffff;
	v50 =	vor.u32 s26, v36  }
0x575: {  	v53 =	vor.u32 $0x40, v33;
	v54 =	vor.u32 $0x40, v35;
	v60 =	vsel vm13, v12, v18;
	v51 =	vld.idx.msk [tilespmem:v57+s29+$0x0], $0xffff  }
0x576: {  	v6 =	vadd.s32 s7, v60;
	v55 =	vor.u32 $0x40, v32;
	v56 =	vor.u32 $0x40, v36;
	v21 =	vld.idx.msk [tilespmem:v58+s29+$0x0], $0xffff  }
0x577: {  	v60 =	vor.u32 $0x40, v38;
	v57 =	vor.u32 $0x40, v41;
	v34 =	vld.idx.msk [tilespmem:v59+s29+$0x0], $0xffff;
	vm11 =	vge.f32 v24, v7  }
0x578: {  	s30 =	sadd.s32 $0xFFFFFF02, s6;
	v58 =	vor.u32 $0x40, v42;
	v2 =	vsel vm11, v52, v2;
	v59 =	vld.idx.msk [tilespmem:v62+s29+$0x0], $0xffff;
	vm12 =	vge.f32 v25, v61  }
0x579: {  	v61 =	vld.idx.msk [tilespmem:v50+s29+$0x0], $0xffff;
	vm13 =	vge.f32 v28, v49;
	v62 =	vor.u32 s30, v2;
	v47 =	vsel vm12, v53, v33  }
0x57a: {  	s31 =	sadd.s32 $0xFFFFFE02, s6;
	v10 =	vld.idx.msk [tilespmem:v10+s17+$0x0], $0xffff;
	v48 =	vsel vm13, v54, v35;
	vm14 =	vge.f32 v29, v51;
	v49 =	vor.u32 s30, v47  }
0x57b: {  	v11 =	vld.idx.msk [tilespmem:v11+s17+$0x0], $0xffff;
	v35 =	vor.u32 s31, v48;
	vm15 =	vge.f32 v30, v21;
	v37 =	vsel vm14, v57, v41  }
0x57c: {  	v9 =	vld.idx.msk [tilespmem:v9+s17+$0x0], $0xffff;
	v39 =	vsel vm15, v58, v42;
	vm4 =	vge.f32 v31, v34;
	v50 =	vor.u32 s31, v37  }
0x57d: {  	v0 =	vld.idx.msk [tilespmem:v0+s17+$0x0], $0xffff;
	v51 =	vor.u32 s31, v39;
	v18 =	vsel vm4, v60, v38;
	vm5 =	vge.f32 v26, v59  }
0x57e: {  	v52 =	vor.u32 s31, v18;
	v8 =	vld.idx.msk [tilespmem:v62+s29+$0x0], $0xffff;
	vm6 =	vge.f32 v27, v61;
	v32 =	vsel vm5, v55, v32  }
0x57f: {  	vm7 =	vge.f32 v5, v3;
	v12 =	vsel vm6, v56, v36;
	v3 =	vld.idx.msk [tilespmem:v49+s29+$0x0], $0xffff;
	v53 =	vor.u32 s30, v32  }
0x580: {  	v19 =	vadd.s32 s10, v19;
	v16 =	vsel vm7, v17, v16;
	v54 =	vld.idx.msk [tilespmem:v35+s29+$0x0], $0xffff;
	v55 =	vor.u32 s30, v12  }
0x581: {  	v16 =	vadd.s32 s10, v16;
	v57 =	vor.u32 $0x80, v47;
	v58 =	vor.u32 $0x80, v48;
	v21 =	vld.idx.msk [tilespmem:v50+s29+$0x0], $0xffff  }
0x582: {  	v61 =	vor.u32 $0x80, v37;
	v62 =	vor.u32 $0x80, v39;
	v45 =	vor.u32 $0x80, v18;
	v34 =	vld.idx.msk [tilespmem:v51+s29+$0x0], $0xffff  }
0x583: {  	v56 =	vor.u32 $0x80, v2;
	v59 =	vor.u32 $0x80, v32;
	v7 =	vld.idx.msk [tilespmem:v52+s29+$0x0], $0xffff;
	vm8 =	vge.f32 v24, v8  }
0x584: {  	v60 =	vor.u32 $0x80, v12;
	v2 =	vsel vm8, v56, v2;
	v5 =	vld.idx.msk [tilespmem:v53+s29+$0x0], $0xffff;
	vm9 =	vge.f32 v25, v3  }
0x585: {  	v3 =	vld.idx.msk [tilespmem:v55+s29+$0x0], $0xffff;
	vm10 =	vge.f32 v28, v54;
	v2 =	vadd.s32 s30, v2;
	v46 =	vsel vm9, v57, v47  }
0x586: {  	v19 =	vld.idx.msk [tilespmem:v19+s17+$0x0], $0xffff;
	v48 =	vsel vm10, v58, v48;
	vm11 =	vge.f32 v29, v21;
	v17 =	vadd.s32 s30, v46  }
0x587: {  	v6 =	vld.idx.msk [tilespmem:v6+s17+$0x0], $0xffff;
	v49 =	vadd.s32 s31, v48;
	vm12 =	vge.f32 v30, v34;
	v50 =	vsel vm11, v61, v37  }
0x588: {  	v52 =	vld.idx.msk [tilespmem:v16+s17+$0x0], $0xffff;
	v51 =	vsel vm12, v62, v39;
	vm13 =	vge.f32 v31, v7;
	v22 =	vadd.s32 s31, v50  }
0x589: {  	v47 =	vld.idx.msk [tilespmem:v23+s17+$0x0], $0xffff;
	v53 =	vadd.s32 s31, v51;
	v8 =	vsel vm13, v45, v18;
	vm14 =	vge.f32 v26, v5  }
0x58a: {  	v54 =	vadd.s32 s31, v8;
	v2 =	vld.idx.msk [tilespmem:v2+s17+$0x0], $0xffff;
	vm15 =	vge.f32 v27, v3;
	v55 =	vsel vm14, v59, v32  }
0x58b: {  	v12 =	vsel vm15, v60, v12;
	v3 =	vld.idx.msk [tilespmem:v17+s17+$0x0], $0xffff;
	v8 =	vadd.s32 s30, v55  }
0x58c: {  	v56 =	vld.idx.msk [tilespmem:v49+s17+$0x0], $0xffff;
	v12 =	vadd.s32 s30, v12  }
0x58d: {  	v4 =	vadd.f32 v11, v4;
	v57 =	vld.idx.msk [tilespmem:v22+s17+$0x0], $0xffff  }
0x58e: {  	v0 =	vadd.f32 v0, v15;
	v58 =	vld.idx.msk [tilespmem:v53+s17+$0x0], $0xffff  }
0x58f: {  	v4 =	vadd.f32 v10, v4;
	v14 =	vadd.f32 v47, v14;
	v5 =	vld.idx.msk [tilespmem:v54+s17+$0x0], $0xffff  }
0x590: {  	v0 =	vadd.f32 v9, v0;
	v6 =	vadd.f32 v6, v13;
	v8 =	vld.idx.msk [tilespmem:v8+s17+$0x0], $0xffff  }
0x591: {  	v59 =	vadd.f32 v19, v14;
	v60 =	vld.idx.msk [tilespmem:v12+s17+$0x0], $0xffff;
	v4 =	vadd.f32 v56, v4  }
0x592: {  	s1 =	sadd.s32 $0x1, s1;
	v6 =	vadd.f32 v52, v6;
	v0 =	vadd.f32 v57, v0  }
0x593: {  	p0 =	sne.s32 s1, $0x8;
	v61 =	vadd.f32 v58, v59;
	v2 =	vadd.f32 v2, v4  }
.Ltmp3:
0x594: {  	v62 =	vadd.f32 v5, v6;
	v0 =	vadd.f32 v3, v0;
	(pc) =	sbr.rel @p0 .LBB2_6-.Ltmp3, $4  }
0x595: {  	[tilespmem:s2+$0x1A580] =	vst v2;
	v3 =	vadd.f32 v8, v61  }
0x596: {  	v2 =	vadd.f32 v60, v62;
	[tilespmem:s3+$0x1A580] =	vst v0  }
0x597: {  	v50 =	vld [tilespmem:$0x1FFF0];
	[tilespmem:s4+$0x1A580] =	vst v3  }
0x598: {  	[tilespmem:s5+$0x1A580] =	vst v2  }
0x599: {  	_ =	swait.ge [sflag:s18], $0x80  }
0x59a: {  	[sflag:s18] =	ssyncset.done $0x0  }
0x59b: {  	[sflag:s18] =	ssyncadd.s32 $0xFFFFFF80  }
0x59c: {  	_ =	swait.ge [sflag:s18], $0x80  }
0x59d: {  	[sflag:s18] =	ssyncset.done $0x0  }
0x59e: {  	[sflag:s18] =	ssyncadd.s32 $0xFFFFFF80  }
0x59f: {  	_ =	swait.ge [sflag:s18], $0x80  }
0x5a0: {  	[sflag:s18] =	ssyncset.done $0x0  }
0x5a1: {  	[sflag:s18] =	ssyncadd.s32 $0xFFFFFF80  }
0x5a2: {  	_ =	swait.ge [sflag:s18], $0x80  }
0x5a3: {  	[sflag:s18] =	ssyncset.done $0x0  }
0x5a4: {  	[sflag:s18] =	ssyncadd.s32 $0xFFFFFF80  }
0x5a5: {  	_ =	swait.ge [sflag:s18], $0x80  }
0x5a6: {  	[sflag:s18] =	ssyncset.done $0x0  }
0x5a7: {  	[sflag:s18] =	ssyncadd.s32 $0xFFFFFF80  }
0x5a8: {  	_ =	swait.ge [sflag:s18], $0x80  }
0x5a9: {  	[sflag:s18] =	ssyncset.done $0x0  }
0x5aa: {  	[sflag:s18] =	ssyncadd.s32 $0xFFFFFF80  }
0x5ab: {  	_ =	swait.ge [sflag:s18], $0x80  }
0x5ac: {  	[sflag:s18] =	ssyncset.done $0x0  }
0x5ad: {  	[sflag:s18] =	ssyncadd.s32 $0xFFFFFF80  }
0x5ae: {  	_ =	swait.ge [sflag:s18], $0x80  }
0x5af: {  	[sflag:s18] =	ssyncset.done $0x0  }
0x5b0: {  	[sflag:s18] =	ssyncadd.s32 $0xFFFFFF80  }
0x5b1: {  	_ =	swait.ge [sflag:s18], $0x80  }
0x5b2: {  	[sflag:s18] =	ssyncset.done $0x0  }
0x5b3: {  	[sflag:s18] =	ssyncadd.s32 $0xFFFFFF80  }
0x5b4: {  	_ =	swait.ge [sflag:s18], $0x80  }
0x5b5: {  	[sflag:s18] =	ssyncset.done $0x0  }
0x5b6: {  	[sflag:s18] =	ssyncadd.s32 $0xFFFFFF80  }
0x5b7: {  	_ =	swait.ge [sflag:s18], $0x80  }
0x5b8: {  	[sflag:s18] =	ssyncset.done $0x0  }
0x5b9: {  	[sflag:s18] =	ssyncadd.s32 $0xFFFFFF80  }
0x5ba: {  	_ =	swait.ge [sflag:s18], $0x80  }
0x5bb: {  	[sflag:s18] =	ssyncset.done $0x0  }
0x5bc: {  	[sflag:s18] =	ssyncadd.s32 $0xFFFFFF80  }
0x5bd: {  	_ =	swait.ge [sflag:s18], $0x80  }
0x5be: {  	[sflag:s18] =	ssyncset.done $0x0  }
0x5bf: {  	[sflag:s18] =	ssyncadd.s32 $0xFFFFFF80  }
0x5c0: {  	_ =	swait.ge [sflag:s18], $0x80  }
0x5c1: {  	[sflag:s18] =	ssyncset.done $0x0  }
0x5c2: {  	[sflag:s18] =	ssyncadd.s32 $0xFFFFFF80  }
0x5c3: {  	_ =	swait.ge [sflag:s18], $0x80  }
0x5c4: {  	[sflag:s18] =	ssyncset.done $0x0  }
0x5c5: {  	[sflag:s18] =	ssyncadd.s32 $0xFFFFFF80  }
0x5c6: {  	_ =	swait.ge [sflag:s18], $0x80  }
0x5c7: {  	[sflag:s18] =	ssyncset.done $0x0  }
0x5c8: {  	[sflag:s18] =	ssyncadd.s32 $0xFFFFFF80  }
0x5c9: {  	_ =	swait.ge [sflag:s18], $0x80  }
0x5ca: {  	[sflag:s18] =	ssyncset.done $0x0  }
0x5cb: {  	[sflag:s18] =	ssyncadd.s32 $0xFFFFFF80  }
0x5cc: {  	_ =	swait.ge [sflag:s18], $0x80  }
0x5cd: {  	[sflag:s18] =	ssyncset.done $0x0  }
0x5ce: {  	[sflag:s18] =	ssyncadd.s32 $0xFFFFFF80  }
0x5cf: {  	_ =	swait.ge [sflag:s18], $0x80  }
0x5d0: {  	[sflag:s18] =	ssyncset.done $0x0  }
0x5d1: {  	[sflag:s18] =	ssyncadd.s32 $0xFFFFFF80  }
0x5d2: {  	_ =	swait.ge [sflag:s18], $0x80  }
0x5d3: {  	[sflag:s18] =	ssyncset.done $0x0  }
0x5d4: {  	[sflag:s18] =	ssyncadd.s32 $0xFFFFFF80  }
0x5d5: {  	_ =	swait.ge [sflag:s18], $0x80  }
0x5d6: {  	[sflag:s18] =	ssyncset.done $0x0  }
0x5d7: {  	[sflag:s18] =	ssyncadd.s32 $0xFFFFFF80  }
0x5d8: {  	_ =	swait.ge [sflag:s18], $0x80  }
0x5d9: {  	[sflag:s18] =	ssyncset.done $0x0  }
0x5da: {  	[sflag:s18] =	ssyncadd.s32 $0xFFFFFF80  }
0x5db: {  	_ =	swait.ge [sflag:s18], $0x80  }
0x5dc: {  	[sflag:s18] =	ssyncset.done $0x0  }
0x5dd: {  	[sflag:s18] =	ssyncadd.s32 $0xFFFFFF80  }
0x5de: {  	_ =	swait.ge [sflag:s18], $0x80  }
0x5df: {  	[sflag:s18] =	ssyncset.done $0x0  }
0x5e0: {  	[sflag:s18] =	ssyncadd.s32 $0xFFFFFF80  }
0x5e1: {  	_ =	swait.ge [sflag:s18], $0x80  }
0x5e2: {  	[sflag:s18] =	ssyncset.done $0x0  }
0x5e3: {  	[sflag:s18] =	ssyncadd.s32 $0xFFFFFF80  }
0x5e4: {  	_ =	swait.ge [sflag:s18], $0x80  }
0x5e5: {  	[sflag:s18] =	ssyncset.done $0x0  }
0x5e6: {  	[sflag:s18] =	ssyncadd.s32 $0xFFFFFF80  }
0x5e7: {  	_ =	swait.ge [sflag:s18], $0x80  }
0x5e8: {  	[sflag:s18] =	ssyncset.done $0x0  }
0x5e9: {  	[sflag:s18] =	ssyncadd.s32 $0xFFFFFF80  }
0x5ea: {  	_ =	swait.ge [sflag:s18], $0x80  }
0x5eb: {  	[sflag:s18] =	ssyncset.done $0x0  }
0x5ec: {  	[sflag:s18] =	ssyncadd.s32 $0xFFFFFF80  }
0x5ed: {  	_ =	swait.ge [sflag:s18], $0x80  }
0x5ee: {  	[sflag:s18] =	ssyncset.done $0x0  }
0x5ef: {  	[sflag:s18] =	ssyncadd.s32 $0xFFFFFF80  }
0x5f0: {  	_ =	swait.ge [sflag:s18], $0x80  }
0x5f1: {  	[sflag:s18] =	ssyncset.done $0x0  }
0x5f2: {  	[sflag:s18] =	ssyncadd.s32 $0xFFFFFF80  }
0x5f3: {  	_ =	swait.ge [sflag:s18], $0x80  }
0x5f4: {  	[sflag:s18] =	ssyncset.done $0x0  }
0x5f5: {  	[sflag:s18] =	ssyncadd.s32 $0xFFFFFF80  }
0x5f6: {  	_ =	swait.ge [sflag:s18], $0x80  }
0x5f7: {  	[sflag:s18] =	ssyncset.done $0x0  }
0x5f8: {  	[sflag:s18] =	ssyncadd.s32 $0xFFFFFF80  }
0x5f9: {  	_ =	swait.ge [sflag:s18], $0x80  }
0x5fa: {  	[sflag:s18] =	ssyncset.done $0x0  }
0x5fb: {  	[sflag:s18] =	ssyncadd.s32 $0xFFFFFF80  }
0x5fc: {  	_ =	swait.ge [sflag:s18], $0x80  }
0x5fd: {  	[sflag:s18] =	ssyncset.done $0x0  }
0x5fe: {  	[sflag:s18] =	ssyncadd.s32 $0xFFFFFF80  }
0x5ff: {  	_ =	swait.ge [sflag:s18], $0x80  }
0x600: {  	[sflag:s18] =	ssyncset.done $0x0  }
0x601: {  	[sflag:s18] =	ssyncadd.s32 $0xFFFFFF80  }
0x602: {  	_ =	swait.ge [sflag:s18], $0x80  }
0x603: {  	[sflag:s18] =	ssyncset.done $0x0  }
0x604: {  	[sflag:s18] =	ssyncadd.s32 $0xFFFFFF80  }
0x605: {  	_ =	swait.ge [sflag:s18], $0x80  }
0x606: {  	[sflag:s18] =	ssyncset.done $0x0  }
0x607: {  	[sflag:s18] =	ssyncadd.s32 $0xFFFFFF80  }
0x608: {  	_ =	swait.ge [sflag:s18], $0x80  }
0x609: {  	[sflag:s18] =	ssyncset.done $0x0  }
0x60a: {  	[sflag:s18] =	ssyncadd.s32 $0xFFFFFF80  }
0x60b: {  	_ =	swait.ge [sflag:s18], $0x80  }
0x60c: {  	[sflag:s18] =	ssyncset.done $0x0  }
0x60d: {  	[sflag:s18] =	ssyncadd.s32 $0xFFFFFF80  }
0x60e: {  	_ =	swait.ge [sflag:s18], $0x80  }
0x60f: {  	[sflag:s18] =	ssyncset.done $0x0  }
0x610: {  	s0 =	simm.s32 $0x0;
	[sflag:s18] =	ssyncadd.s32 $0xFFFFFF80  }
0x611: {  	s2 =	sand.u32 $0x1F0, s0;
	v4 =	vld [tilespmem:$0x1A500]  }
0x612: {  	s1 =	simm.s32 $0x10;
	s0 =	simm.s32 $0x1A580;
	v5 =	vld [tilespmem:s2+$0x1BB80]  }
.LBB2_10:
0x613: {  	p0 =	sne.s32 s1, $0x1F0;
	v0 =	vld [tilespmem:s0+$0x0]  }
0x614: {  	s2 =	sadd.s32 $0x1BB80, s2  }
0x615: {  	v2 =	vld [tilespmem:s2+$0x200];
	_ =	sdelay $0x1  }
0x616: {  	v3 =	vld [tilespmem:s2+$0x400]  }
0x617: {  	v0 =	vadd.f32 v5, v0  }
0x618: {  	v5 =	vld [tilespmem:s2+$0x600]  }
0x619: {  	v0 =	vadd.f32 v2, v0  }
0x61a: {  	v2 =	vld [tilespmem:s2+$0x800]  }
0x61b: {  	v0 =	vadd.f32 v3, v0  }
0x61c: {  	v3 =	vld [tilespmem:s2+$0xA00]  }
0x61d: {  	v0 =	vadd.f32 v5, v0  }
0x61e: {  	v5 =	vld [tilespmem:s2+$0xC00]  }
0x61f: {  	v0 =	vadd.f32 v2, v0  }
0x620: {  	v2 =	vld [tilespmem:s2+$0xE00]  }
0x621: {  	v0 =	vadd.f32 v3, v0  }
0x622: {  	v3 =	vld [tilespmem:s2+$0x1000]  }
0x623: {  	v0 =	vadd.f32 v5, v0  }
0x624: {  	v5 =	vld [tilespmem:s2+$0x1200]  }
0x625: {  	v0 =	vadd.f32 v2, v0;
	_ =	sdelay $0x1  }
0x626: {  	v0 =	vadd.f32 v3, v0;
	_ =	sdelay $0x1  }
0x627: {  	v0 =	vadd.f32 v5, v0;
	_ =	sdelay $0x1  }
0x628: {  	v0 =	vadd.f32 v0, v4;
	_ =	sdelay $0x1  }
0x629: {  	v0 =	vsub.f32 $0.0e+00, v0;
	_ =	sdelay $0x1  }
0x62a: {  	v0 =	vmul.f32 $1.442695020e+00, v0;
	_ =	sdelay $0x1  }
0x62b: {  	(erf) = vpow2.f32 v0;
	_ =	sdelay $0x8  }
0x62c: {  	v0 =	vpop (erf)  }
0x62d: {  	v0 =	vadd.f32 $1.000000000e+00, v0;
	_ =	sdelay $0x1  }
0x62e: {  	(erf) = vrcp.f32 v0;
	_ =	sdelay $0x6  }
.Ltmp4:
0x62f: {  	(pc) =	sbr.rel @p0 .LBB2_10-.Ltmp4, $4  }
0x630: {  	_ = 	snop  }
0x631: {  	v0 =	vpop (erf)  }
0x632: {  	s2 =	sand.u32 $0x1F0, s1;
	[tilespmem:s0+$0x0] =	vst v0  }
0x633: {  	s1 =	sadd.s32 $0x10, s1;
	s0 =	sadd.s32 $0x10, s0;
	v5 =	vld [tilespmem:s2+$0x1BB80]  }
0x634: {  	v0 =	vld [tilespmem:s0+$0x0]  }
0x635: {  	s1 =	sadd.s32 $0x1BB80, s2  }
0x636: {  	v2 =	vld [tilespmem:s1+$0x200];
	_ =	sdelay $0x1  }
0x637: {  	v3 =	vld [tilespmem:s1+$0x400]  }
0x638: {  	v0 =	vadd.f32 v5, v0  }
0x639: {  	v60 =	vld [tilespmem:s1+$0x600]  }
0x63a: {  	v0 =	vadd.f32 v2, v0  }
0x63b: {  	v2 =	vld [tilespmem:s1+$0x800]  }
0x63c: {  	v0 =	vadd.f32 v3, v0  }
0x63d: {  	v3 =	vld [tilespmem:s1+$0xA00]  }
0x63e: {  	v0 =	vadd.f32 v60, v0  }
0x63f: {  	v61 =	vld [tilespmem:s1+$0xC00]  }
0x640: {  	v0 =	vadd.f32 v2, v0  }
0x641: {  	v2 =	vld [tilespmem:s1+$0xE00]  }
0x642: {  	v0 =	vadd.f32 v3, v0  }
0x643: {  	v3 =	vld [tilespmem:s1+$0x1000]  }
0x644: {  	v0 =	vadd.f32 v61, v0  }
0x645: {  	v62 =	vld [tilespmem:s1+$0x1200]  }
0x646: {  	v0 =	vadd.f32 v2, v0;
	_ =	sdelay $0x1  }
0x647: {  	v0 =	vadd.f32 v3, v0;
	_ =	sdelay $0x1  }
0x648: {  	v0 =	vadd.f32 v62, v0;
	_ =	sdelay $0x1  }
0x649: {  	v0 =	vadd.f32 v0, v4;
	_ =	sdelay $0x1  }
0x64a: {  	v0 =	vsub.f32 $0.0e+00, v0;
	_ =	sdelay $0x1  }
0x64b: {  	v0 =	vmul.f32 $1.442695020e+00, v0;
	_ =	sdelay $0x1  }
0x64c: {  	(erf) = vpow2.f32 v0;
	_ =	sdelay $0x8  }
0x64d: {  	v0 =	vpop (erf)  }
0x64e: {  	v0 =	vadd.f32 $1.000000000e+00, v0;
	_ =	sdelay $0x1  }
0x64f: {  	(erf) = vrcp.f32 v0;
	_ =	sdelay $0x7  }
0x650: {  	s25 =	sld [smem:$0x7FC]  }
0x651: {  	v0 =	vpop (erf)  }
0x652: {  	s26 =	simm.s32 $0x1A580;
	s28 =	simm.s32 $0x3;
	[tilespmem:s0+$0x0] =	vst v0  }
0x653: {  	[hbm4b:s25+s15] =	stream.linear.scatter [tilespmem:s26], [sflag:$0x3], $0x200, $0x38;
	[tilespmem:$0x1CF80] =	vst v63  }
0x654: {  	_ =	swait.ge [sflag:s28], $0x200  }
0x655: {  	s30 =	sld [smem:$0x7F3]  }
0x656: {  	s31 =	sld [smem:$0x7FD];
	_ =	sdelay $0x1  }
0x657: {  	s2 =	sadd.s32 $0x1, s30  }
0x658: {  	p0 =	sne.s32 s2, s31  }
.Ltmp5:
0x659: {  	_ = 	snop;
	(pc) =	sbr.rel @p0 .LBB2_1-.Ltmp5, $3  }
0x65a: {  	_ =	sdelay $0x1  }
0x65b: {  	[sflag:s28] =	ssyncset.done $0x0  }
0x65c: {  	v0 =	vlaneseq.u32;
	[sflag:s28] =	ssyncadd.s32 $0xFFFFFE00  }
0x65d: {  	_ =	sfence.sel $0x180000  }
0x65e: {  	[bflag:$0x0] =	sbarrier.arrive $0xFFFF  }
0x65f: {  	_ =	strace $0x90000047  }
0x660: {  	s0 =	stileid.u32;
	[bflag:$0x2] =	sbarrier.arrive $0xFFFF  }
0x661: {  	p0 =	sne.s32 s0, $0x0;
	s0 =	rddreg [dreg:$0x2]  }
0x662: {  	s0 =	sadd.s32 @!p0 $0x100000, s0  }
0x663: {  	[sflag:s0] =	ssyncadd.tile.s32 @!p0 $0x1;
	_ =	shalt  }
.Lfunc_end2:
_tile_overlayer_lowered:
.L_overlay_start_2:
0x664: {  	(tag) =	ssettag $0x2  }
0x665: {  	s0 =	rddreg [dreg:$0x0];
	s2 =	stileid.u32  }
0x666: {  	s1 =	rddreg [dreg:$0x1];
	p0 =	sne.s32 s2, $0x0  }
0x667: {  	s3 =	rddreg [dreg:$0x2];
	[bflag:$0x3] =	sbarrier.arrive $0xFFFF;
	s2 =	simm.s32 @!p0 $0x1C03  }
0x668: {  	[timem:s3], [sflag:s2] =	dma.local @!p0 [hbm:s0], s1  }
0x669: {  	s0 =	simm.s32 @!p0 $0x3  }
0x66a: {  	_ =	swait.ge @!p0 [sflag:s0], s1  }
0x66b: {  	s1 =	ssub.s32 @!p0 $0x0, s1;
	[sflag:s0] =	ssyncset.done @!p0 $0x0  }
0x66c: {  	[sflag:s0] =	ssyncadd.s32 @!p0 s1  }
0x66d: {  	[bflag:$0x3] =	sbarrier.arrive $0xFFFF  }
0x66e: {  	_ =	shalt  }

</sc_bundles>
